<compile_context>
chip_gen: v7x
topology: tpu7x:2x2x1
jax: 0.10.2.dev20260603
libtpu: 0.0.44.dev20260713+nightly
codegen_flags: <defaults>
</compile_context>

<pallas_src>
import dataclasses
import functools

import jax
import jax.numpy as jnp
from jax.experimental import pallas as pl
from jax.experimental.pallas import tpu as pltpu
from jax.experimental.pallas import tpu_sc as plsc

N = 10000
E = 320000
D = 128
H = 8
CH = 16
HID = 512

_TILES = 32
_E_PER = E // _TILES
_B = 40
_NCHUNK = _E_PER // _B
_NPAD = 10240
_ROWS = _NPAD // 16



def _project(x, Wc, bc):
    def body(x_ref, w_ref, b_ref, q_ref, k_ref, v_ref, s_ref):
        r = jnp.dot(x_ref[...], w_ref[...],
                    preferred_element_type=jnp.float32)
        r = r + b_ref[...]
        q_ref[...] = r[:, 0:128] * 0.25
        k_ref[...] = r[:, 128:256]
        v_ref[...] = r[:, 256:384]
        s_ref[...] = r[:, 384:512]

    blk = 1000
    out = pl.pallas_call(
        body,
        grid=(N // blk,),
        in_specs=[
            pl.BlockSpec((blk, D), lambda i: (i, 0)),
            pl.BlockSpec((D, 4 * D), lambda i: (0, 0)),
            pl.BlockSpec((1, 4 * D), lambda i: (0, 0)),
        ],
        out_specs=[pl.BlockSpec((blk, D), lambda i: (i, 0))] * 4,
        out_shape=[jax.ShapeDtypeStruct((N, D), jnp.float32)] * 4,
    )(x, Wc, bc.reshape(1, 4 * D))
    return out


def _sc_edge(q, k, v, src_dst):
    mesh = plsc.VectorSubcoreMesh(core_axis_name="c", subcore_axis_name="s")
    cp = pltpu.CompilerParams()
    if "needs_layout_passes" in pltpu.CompilerParams.__dataclass_fields__:
        cp = dataclasses.replace(cp, needs_layout_passes=False)
    if "use_tc_tiling_on_sc" in pltpu.CompilerParams.__dataclass_fields__:
        cp = dataclasses.replace(cp, use_tc_tiling_on_sc=False)

    @functools.partial(
        pl.kernel,
        compiler_params=cp,
        out_type=[
            jax.ShapeDtypeStruct((2, _NPAD, D), jnp.float32),
            jax.ShapeDtypeStruct((2, _NPAD, 16), jnp.float32),
        ],
        mesh=mesh,
        scratch_types=[
            pltpu.VMEM((2, _B), jnp.int32),
            pltpu.VMEM((2, _B), jnp.int32),
            pltpu.VMEM((_B,), jnp.int32),
            pltpu.VMEM((_B,), jnp.int32),
            pltpu.VMEM((_B, D), jnp.float32),
            pltpu.VMEM((_B, D), jnp.float32),
            pltpu.VMEM((_B, D), jnp.float32),
            pltpu.VMEM((_B, D), jnp.float32),
            pltpu.VMEM((_B, D), jnp.float32),
            pltpu.VMEM((_B, D), jnp.float32),
            pltpu.VMEM((_B, 16), jnp.float32),
            pltpu.VMEM((_B, D), jnp.float32),
            pltpu.VMEM((_B, 16), jnp.float32),
            pltpu.VMEM_SHARED((_NPAD, D), jnp.float32),
            pltpu.VMEM_SHARED((_NPAD, 16), jnp.float32),
            pltpu.SemaphoreType.DMA,
            pltpu.SemaphoreType.DMA,
            pltpu.SemaphoreType.DMA,
            pltpu.SemaphoreType.DMA,
            pltpu.SemaphoreType.DMA,
        ],
    )
    def edge_kernel(q_hbm, k_hbm, v_hbm, ei_hbm, num_out, den_out,
                    idxb0, idxb1, scat0, scat1,
                    Qb0, Kb0, Qb1, Kb1, Vb, Mb0, Db0, Mb1, Db1,
                    sh_num, sh_den, gsem0, gsem1, ssem0, ssem1, vsem):
        cid = jax.lax.axis_index("c")
        sid = jax.lax.axis_index("s")
        wid = sid * 2 + cid

        zero16 = jnp.zeros((16,), jnp.float32)
        lane = jax.lax.iota(jnp.int32, 16)
        base_w = wid * _E_PER
        slots = ((idxb0, scat0, Qb0, Kb0, Mb0, Db0, gsem0, ssem0),
                 (idxb1, scat1, Qb1, Kb1, Mb1, Db1, gsem1, ssem1))

        def prefetch(ci, slot):
            idxb, scat, Qb, Kb, Mb, Db, gsem, ssem = slot
            ci = jnp.minimum(ci, _NCHUNK - 1)
            off = base_w + ci * _B
            pltpu.sync_copy(ei_hbm.at[:, pl.ds(off, _B)], idxb)
            pltpu.async_copy(q_hbm.at[idxb.at[1]], Qb, gsem)
            pltpu.async_copy(k_hbm.at[idxb.at[0]], Kb, gsem)

        def wait_gathers(slot):
            idxb, scat, Qb, Kb, Mb, Db, gsem, ssem = slot
            pltpu.make_async_copy(q_hbm.at[idxb.at[1]], Qb, gsem).wait()
            pltpu.make_async_copy(k_hbm.at[idxb.at[0]], Kb, gsem).wait()

        def wait_scatters(slot):
            idxb, scat, Qb, Kb, Mb, Db, gsem, ssem = slot
            pltpu.make_async_copy(Mb, sh_num.at[scat], ssem).wait()
            pltpu.make_async_copy(Db, sh_den.at[scat], ssem).wait()

        prefetch(0, slots[0])
        prefetch(1, slots[1])
        pltpu.async_copy(v_hbm.at[idxb0.at[0]], Vb, vsem)

        @pl.loop(0, _B)
        def _zero_rows(r):
            for h in range(H):
                Mb0[r, pl.ds(h * CH, CH)] = zero16
            Db0[r, :] = zero16

        row0 = sid * _ROWS

        @pl.loop(0, _ROWS // _B)
        def _zero_shared(i):
            pltpu.sync_copy(Mb0, sh_num.at[pl.ds(row0 + i * _B, _B)])
            pltpu.sync_copy(Db0, sh_den.at[pl.ds(row0 + i * _B, _B)])

        plsc.subcore_barrier()

        def chunk_step(ci, first, slot, next_slot):
            idxb, scat, Qb, Kb, Mb, Db, gsem, ssem = slot
            wait_gathers(slot)
            if not first:
                wait_scatters(slot)
            pltpu.make_async_copy(v_hbm.at[idxb.at[0]], Vb, vsem).wait()

            @plsc.parallel_loop(0, _B, 1, unroll=2)
            def _edge(e):
                dr = zero16
                for h in range(H):
                    sl = pl.ds(h * CH, CH)
                    p = Qb[e, sl] * Kb[e, sl]
                    a = jnp.sum(p)
                    ex = jnp.exp(jax.lax.broadcast_in_dim(a, (16,), ()))
                    Mb[e, sl] = Vb[e, sl] * ex
                    dr = jnp.where(lane == h, ex, dr)
                Db[e, :] = dr

            scat[pl.ds(0, 16)] = idxb[1, pl.ds(0, 16)]
            scat[pl.ds(16, 16)] = idxb[1, pl.ds(16, 16)]
            scat[pl.ds(24, 16)] = idxb[1, pl.ds(24, 16)]
            pltpu.async_copy(Mb, sh_num.at[scat], ssem, add=True)
            pltpu.async_copy(Db, sh_den.at[scat], ssem, add=True)
            pltpu.async_copy(v_hbm.at[next_slot[0].at[0]], Vb, vsem)
            prefetch(ci + 2, slot)

        chunk_step(0, True, slots[0], slots[1])
        chunk_step(1, True, slots[1], slots[0])

        @pl.loop(2, _NCHUNK, step=2)
        def _chunk(ci):
            chunk_step(ci, False, slots[0], slots[1])
            chunk_step(ci + 1, False, slots[1], slots[0])

        wait_gathers(slots[0])
        wait_gathers(slots[1])
        pltpu.make_async_copy(v_hbm.at[idxb0.at[0]], Vb, vsem).wait()
        wait_scatters(slots[0])
        wait_scatters(slots[1])

        plsc.subcore_barrier()
        pltpu.sync_copy(sh_num.at[pl.ds(row0, _ROWS)],
                        num_out.at[cid, pl.ds(row0, _ROWS)])
        pltpu.sync_copy(sh_den.at[pl.ds(row0, _ROWS)],
                        den_out.at[cid, pl.ds(row0, _ROWS)])

    return edge_kernel(q, k, v, src_dst)


def _ln_blk(y, g, b):
    m = jnp.mean(y, axis=-1, keepdims=True)
    va = jnp.mean((y - m) ** 2, axis=-1, keepdims=True)
    return (y - m) / jnp.sqrt(va + 1e-5) * g + b


def _final(n0, n1, dfull, s, x, Wo, bo, g1, be1, W1, b1, W2, b2, g2, be2):
    def body(n0_r, n1_r, d_r, s_r, x_r, wo_r, bo_r, g1_r, be1_r,
             w1_r, b1_r, w2_r, b2_r, g2_r, be2_r, o_r):
        agg = (n0_r[...] + n1_r[...]) / (d_r[...] + 1e-16)
        conv = agg + s_r[...]
        out1 = jnp.dot(conv, wo_r[...],
                       preferred_element_type=jnp.float32) + bo_r[...]
        out2 = _ln_blk(out1 + x_r[...], g1_r[...], be1_r[...])
        hmid = jnp.maximum(
            jnp.dot(out2, w1_r[...],
                    preferred_element_type=jnp.float32) + b1_r[...], 0.0)
        out3 = jnp.dot(hmid, w2_r[...],
                       preferred_element_type=jnp.float32) + b2_r[...]
        o_r[...] = _ln_blk(out3 + out2, g2_r[...], be2_r[...])

    blk = 1000
    full = lambda shape: pl.BlockSpec(shape, lambda i: tuple(0 for _ in shape))
    rows = pl.BlockSpec((blk, D), lambda i: (i, 0))
    return pl.pallas_call(
        body,
        grid=(N // blk,),
        in_specs=[
            rows, rows, rows, rows, rows,
            full((D, D)), full((1, D)),
            full((1, D)), full((1, D)),
            full((D, HID)), full((1, HID)),
            full((HID, D)), full((1, D)),
            full((1, D)), full((1, D)),
        ],
        out_specs=rows,
        out_shape=jax.ShapeDtypeStruct((N, D), jnp.float32),
    )(n0, n1, dfull, s, x,
      Wo, bo.reshape(1, D), g1.reshape(1, D), be1.reshape(1, D),
      W1, b1.reshape(1, HID), W2, b2.reshape(1, D),
      g2.reshape(1, D), be2.reshape(1, D))


def kernel(x, edge_index, Wq, bq, Wk, bk, Wv, bv, Ws, bs, Wo, bo,
           g1, be1, g2, be2, W1, b1, W2, b2):
    Wc = jnp.concatenate([Wq, Wk, Wv, Ws], axis=1)
    bc = jnp.concatenate([bq, bk, bv, bs])
    q, k, v, s = _project(x, Wc, bc)

    num_p, den_p = _sc_edge(q, k, v, edge_index)

    num_p = num_p[:, :N]
    den = den_p[0, :N, :H] + den_p[1, :N, :H]
    den_full = jnp.repeat(den, CH, axis=1)
    return _final(num_p[0], num_p[1], den_full, s, x,
                  Wo, bo, g1, be1, W1, b1, W2, b2, g2, be2)

# --- scband reference (transcript-rebuilt; emitter-appended) ---
"""Pipeline reference for scband-graph-transformer-39848706572459 (READ-ONLY COPY).

The authoritative reference and input builder live on the scoring server;
editing this copy changes nothing except your own understanding.
"""

import jax, jax.numpy as jnp
import numpy as np

N = 10000
E = 320000
D = 128
H = 8
C = D // H
HID = 512


def _linp(k, fin, fout):
    kw, kb = jax.random.split(k)
    lim = 1.0 / np.sqrt(fin)
    W = jax.random.uniform(kw, (fin, fout), jnp.float32, -lim, lim)
    b = jax.random.uniform(kb, (fout,), jnp.float32, -lim, lim)
    return W, b


def setup_inputs(seed: int = 0):
    key = jax.random.key(seed)
    ks = jax.random.split(key, 12)
    x = jax.random.normal(ks[0], (N, D), jnp.float32)
    edge_index = jax.random.randint(ks[1], (2, E), 0, N, dtype=jnp.int32)
    Wq, bq = _linp(ks[2], D, D)
    Wk, bk = _linp(ks[3], D, D)
    Wv, bv = _linp(ks[4], D, D)
    Ws, bs = _linp(ks[5], D, D)
    Wo, bo = _linp(ks[6], D, D)
    W1, b1 = _linp(ks[7], D, HID)
    W2, b2 = _linp(ks[8], HID, D)
    g1 = jnp.ones((D,), jnp.float32)
    be1 = jnp.zeros((D,), jnp.float32)
    g2 = jnp.ones((D,), jnp.float32)
    be2 = jnp.zeros((D,), jnp.float32)
    return {"x": x, "edge_index": edge_index, "Wq": Wq, "bq": bq, "Wk": Wk, "bk": bk,
            "Wv": Wv, "bv": bv, "Ws": Ws, "bs": bs, "Wo": Wo, "bo": bo,
            "g1": g1, "be1": be1, "g2": g2, "be2": be2,
            "W1": W1, "b1": b1, "W2": W2, "b2": b2}


def _ln(x, g, b):
    m = jnp.mean(x, axis=-1, keepdims=True)
    v = jnp.mean((x - m) ** 2, axis=-1, keepdims=True)
    return (x - m) / jnp.sqrt(v + 1e-5) * g + b


def reference(x, edge_index, Wq, bq, Wk, bk, Wv, bv, Ws, bs, Wo, bo,
              g1, be1, g2, be2, W1, b1, W2, b2):
    n = x.shape[0]
    src = edge_index[0]
    dst = edge_index[1]
    # TransformerConv (PyG semantics): per-head dot-product attention over edges
    q = (x @ Wq + bq).reshape(n, H, C)
    k = (x @ Wk + bk).reshape(n, H, C)
    v = (x @ Wv + bv).reshape(n, H, C)
    alpha = jnp.sum(q[dst] * k[src], axis=-1) / np.sqrt(C)  # [E, H]
    amax = jax.ops.segment_max(alpha, dst, num_segments=n)  # [N, H]
    amax = jnp.where(jnp.isfinite(amax), amax, 0.0)
    ex = jnp.exp(alpha - jax.lax.stop_gradient(amax)[dst])
    den = jax.ops.segment_sum(ex, dst, num_segments=n)
    attn = ex / (den[dst] + 1e-16)  # softmax over incoming edges per dst
    msg = v[src] * attn[:, :, None]
    agg = jax.ops.segment_sum(msg, dst, num_segments=n).reshape(n, D)
    conv = agg + (x @ Ws + bs)  # root_weight skip inside TransformerConv
    out1 = conv @ Wo + bo       # lin_out
    out2 = _ln(out1 + x, g1, be1)
    out3 = jax.nn.relu(out2 @ W1 + b1) @ W2 + b2
    out4 = _ln(out3 + out2, g2, be2)
    return out4

if __name__ == "__main__":
    import jax
    _d = setup_inputs()
    print(jax.jit(kernel)(*tuple(_d.values())))

</pallas_src>

<mosaic_0001>
#map = affine_map<(d0, d1) -> (0, 0)>
#map1 = affine_map<(d0, d1) -> (0, 0, 0)>
module attributes {stable_mosaic.version = 14 : i64} {
  func.func @edge_kernel(%arg0: i32, %arg1: i32, %arg2: memref<10000x128xf32, #tpu.memory_space<hbm>>, %arg3: memref<10000x128xf32, #tpu.memory_space<hbm>>, %arg4: memref<10000x128xf32, #tpu.memory_space<hbm>>, %arg5: memref<2x320000xi32, #tpu.memory_space<hbm>>, %arg6: memref<2x10240x128xf32, #tpu.memory_space<hbm>>, %arg7: memref<2x10240x16xf32, #tpu.memory_space<hbm>>, %arg8: memref<2x40xi32, #tpu.memory_space<vmem>>, %arg9: memref<2x40xi32, #tpu.memory_space<vmem>>, %arg10: memref<40xi32, #tpu.memory_space<vmem>>, %arg11: memref<40xi32, #tpu.memory_space<vmem>>, %arg12: memref<40x128xf32, #tpu.memory_space<vmem>>, %arg13: memref<40x128xf32, #tpu.memory_space<vmem>>, %arg14: memref<40x128xf32, #tpu.memory_space<vmem>>, %arg15: memref<40x128xf32, #tpu.memory_space<vmem>>, %arg16: memref<40x128xf32, #tpu.memory_space<vmem>>, %arg17: memref<40x128xf32, #tpu.memory_space<vmem>>, %arg18: memref<40x16xf32, #tpu.memory_space<vmem>>, %arg19: memref<40x128xf32, #tpu.memory_space<vmem>>, %arg20: memref<40x16xf32, #tpu.memory_space<vmem>>, %arg21: memref<10240x128xf32, #tpu.memory_space<vmem_shared>>, %arg22: memref<10240x16xf32, #tpu.memory_space<vmem_shared>>, %arg23: memref<!tpu.dma_semaphore, #tpu.memory_space<semaphore_mem>>, %arg24: memref<!tpu.dma_semaphore, #tpu.memory_space<semaphore_mem>>, %arg25: memref<!tpu.dma_semaphore, #tpu.memory_space<semaphore_mem>>, %arg26: memref<!tpu.dma_semaphore, #tpu.memory_space<semaphore_mem>>, %arg27: memref<!tpu.dma_semaphore, #tpu.memory_space<semaphore_mem>>) attributes {dimension_semantics = [#tpu.dimension_semantics<core_parallel>, #tpu.dimension_semantics<subcore_parallel>], iteration_bounds = array<i64: 2, 16>, scalar_prefetch = 0 : i64, scratch_operands = 20 : i64, tpu.core_type = #tpu.core_type<sc_vector_subcore>, window_params = [{transform_indices = #map}, {transform_indices = #map}, {transform_indices = #map}, {transform_indices = #map}, {transform_indices = #map1}, {transform_indices = #map1}]} {
    %mul3A = arith.constant 2 : i32
    %mul3A_0 = arith.muli %arg1, %mul3A : i32
    %add3A = arith.addi %mul3A_0, %arg0 : i32
    %broadcast_in_dim3A = arith.constant 0.000000e+00 : f32
    %broadcast_in_dim3A_1 = vector.broadcast %broadcast_in_dim3A : f32 to vector<16xf32>
    %iota3A = tpu.iota {dimensions = array<i32: 0>} : vector<16xi32>
    %mul3A_2 = arith.constant 10000 : i32
    %mul3A_3 = arith.muli %add3A, %mul3A_2 : i32
    %min3A = arith.constant 0 : i32
    %min3A_4 = arith.constant 249 : i32
    %min3A_5 = arith.minsi %min3A, %min3A_4 : i32
    %mul3A_6 = arith.constant 40 : i32
    %mul3A_7 = arith.muli %min3A_5, %mul3A_6 : i32
    %add3A_8 = arith.addi %mul3A_3, %mul3A_7 : i32
    "tpu.region"() ({
      %run_scoped3A = tpu.sem_alloc : memref<!tpu.dma_semaphore, #tpu.memory_space<semaphore_mem>>
      %dma_start3A_259 = arith.constant 0 : i32
      %dma_start3A_260 = tpu.memref_slice %arg5[%dma_start3A_259, %add3A_8] : memref<2x320000xi32, #tpu.memory_space<hbm>> -> memref<2x40xi32, #tpu.memory_space<hbm>>
      %dma_start3A_261 = arith.constant 0 : i32
      %dma_start3A_262 = tpu.memref_slice %arg5[%dma_start3A_261, %add3A_8] : memref<2x320000xi32, #tpu.memory_space<hbm>> -> memref<2x40xi32, #tpu.memory_space<hbm>>
      tpu.enqueue_dma source(%dma_start3A_262 : memref<2x40xi32, #tpu.memory_space<hbm>>) target(%arg8 : memref<2x40xi32, #tpu.memory_space<vmem>>) target_semaphore(%run_scoped3A : memref<!tpu.dma_semaphore, #tpu.memory_space<semaphore_mem>>)
      %dma_wait3A_263 = arith.constant 0 : i32
      %dma_wait3A_264 = tpu.memref_slice %arg5[%dma_wait3A_263, %add3A_8] : memref<2x320000xi32, #tpu.memory_space<hbm>> -> memref<2x40xi32, #tpu.memory_space<hbm>>
      %dma_wait3A_265 = arith.constant 0 : i32
      %dma_wait3A_266 = tpu.memref_slice %arg5[%dma_wait3A_265, %add3A_8] : memref<2x320000xi32, #tpu.memory_space<hbm>> -> memref<2x40xi32, #tpu.memory_space<hbm>>
      tpu.wait_dma2 semaphore(%run_scoped3A : memref<!tpu.dma_semaphore, #tpu.memory_space<semaphore_mem>>) src(%dma_wait3A_266 : memref<2x40xi32, #tpu.memory_space<hbm>>) dst(%arg8 : memref<2x40xi32, #tpu.memory_space<vmem>>)
      tpu.yield
    }) : () -> ()
    %dma_start3A = arith.constant 1 : i32
    %dma_start3A_9 = arith.constant 0 : i32
    %dma_start3A_10 = tpu.memref_slice %arg8[%dma_start3A, %dma_start3A_9] : memref<2x40xi32, #tpu.memory_space<vmem>> -> memref<1x40xi32, #tpu.memory_space<vmem>>
    %dma_start3A_11 = tpu.memref_squeeze %dma_start3A_10 : memref<1x40xi32, #tpu.memory_space<vmem>> -> memref<40xi32, #tpu.memory_space<vmem>>
    %dma_start3A_12 = arith.constant 0 : i32
    %dma_start3A_13 = arith.constant 0 : i32
    %dma_start3A_14 = tpu.memref_slice %arg2[%dma_start3A_12, %dma_start3A_13] : memref<10000x128xf32, #tpu.memory_space<hbm>> -> memref<10000x128xf32, #tpu.memory_space<hbm>>
    tpu.enqueue_indirect_dma source(%dma_start3A_14 : memref<10000x128xf32, #tpu.memory_space<hbm>>) target(%arg12 : memref<40x128xf32, #tpu.memory_space<vmem>>) offsets(%dma_start3A_11 : memref<40xi32, #tpu.memory_space<vmem>>) semaphore(%arg23 : memref<!tpu.dma_semaphore, #tpu.memory_space<semaphore_mem>>)
    %dma_start3A_15 = arith.constant 0 : i32
    %dma_start3A_16 = arith.constant 0 : i32
    %dma_start3A_17 = tpu.memref_slice %arg8[%dma_start3A_15, %dma_start3A_16] : memref<2x40xi32, #tpu.memory_space<vmem>> -> memref<1x40xi32, #tpu.memory_space<vmem>>
    %dma_start3A_18 = tpu.memref_squeeze %dma_start3A_17 : memref<1x40xi32, #tpu.memory_space<vmem>> -> memref<40xi32, #tpu.memory_space<vmem>>
    %dma_start3A_19 = arith.constant 0 : i32
    %dma_start3A_20 = arith.constant 0 : i32
    %dma_start3A_21 = tpu.memref_slice %arg3[%dma_start3A_19, %dma_start3A_20] : memref<10000x128xf32, #tpu.memory_space<hbm>> -> memref<10000x128xf32, #tpu.memory_space<hbm>>
    tpu.enqueue_indirect_dma source(%dma_start3A_21 : memref<10000x128xf32, #tpu.memory_space<hbm>>) target(%arg13 : memref<40x128xf32, #tpu.memory_space<vmem>>) offsets(%dma_start3A_18 : memref<40xi32, #tpu.memory_space<vmem>>) semaphore(%arg23 : memref<!tpu.dma_semaphore, #tpu.memory_space<semaphore_mem>>)
    %min3A_22 = arith.constant 1 : i32
    %min3A_23 = arith.constant 249 : i32
    %min3A_24 = arith.minsi %min3A_22, %min3A_23 : i32
    %mul3A_25 = arith.constant 40 : i32
    %mul3A_26 = arith.muli %min3A_24, %mul3A_25 : i32
    %add3A_27 = arith.addi %mul3A_3, %mul3A_26 : i32
    "tpu.region"() ({
      %run_scoped3A = tpu.sem_alloc : memref<!tpu.dma_semaphore, #tpu.memory_space<semaphore_mem>>
      %dma_start3A_259 = arith.constant 0 : i32
      %dma_start3A_260 = tpu.memref_slice %arg5[%dma_start3A_259, %add3A_27] : memref<2x320000xi32, #tpu.memory_space<hbm>> -> memref<2x40xi32, #tpu.memory_space<hbm>>
      %dma_start3A_261 = arith.constant 0 : i32
      %dma_start3A_262 = tpu.memref_slice %arg5[%dma_start3A_261, %add3A_27] : memref<2x320000xi32, #tpu.memory_space<hbm>> -> memref<2x40xi32, #tpu.memory_space<hbm>>
      tpu.enqueue_dma source(%dma_start3A_262 : memref<2x40xi32, #tpu.memory_space<hbm>>) target(%arg9 : memref<2x40xi32, #tpu.memory_space<vmem>>) target_semaphore(%run_scoped3A : memref<!tpu.dma_semaphore, #tpu.memory_space<semaphore_mem>>)
      %dma_wait3A_263 = arith.constant 0 : i32
      %dma_wait3A_264 = tpu.memref_slice %arg5[%dma_wait3A_263, %add3A_27] : memref<2x320000xi32, #tpu.memory_space<hbm>> -> memref<2x40xi32, #tpu.memory_space<hbm>>
      %dma_wait3A_265 = arith.constant 0 : i32
      %dma_wait3A_266 = tpu.memref_slice %arg5[%dma_wait3A_265, %add3A_27] : memref<2x320000xi32, #tpu.memory_space<hbm>> -> memref<2x40xi32, #tpu.memory_space<hbm>>
      tpu.wait_dma2 semaphore(%run_scoped3A : memref<!tpu.dma_semaphore, #tpu.memory_space<semaphore_mem>>) src(%dma_wait3A_266 : memref<2x40xi32, #tpu.memory_space<hbm>>) dst(%arg9 : memref<2x40xi32, #tpu.memory_space<vmem>>)
      tpu.yield
    }) : () -> ()
    %dma_start3A_28 = arith.constant 1 : i32
    %dma_start3A_29 = arith.constant 0 : i32
    %dma_start3A_30 = tpu.memref_slice %arg9[%dma_start3A_28, %dma_start3A_29] : memref<2x40xi32, #tpu.memory_space<vmem>> -> memref<1x40xi32, #tpu.memory_space<vmem>>
    %dma_start3A_31 = tpu.memref_squeeze %dma_start3A_30 : memref<1x40xi32, #tpu.memory_space<vmem>> -> memref<40xi32, #tpu.memory_space<vmem>>
    %dma_start3A_32 = arith.constant 0 : i32
    %dma_start3A_33 = arith.constant 0 : i32
    %dma_start3A_34 = tpu.memref_slice %arg2[%dma_start3A_32, %dma_start3A_33] : memref<10000x128xf32, #tpu.memory_space<hbm>> -> memref<10000x128xf32, #tpu.memory_space<hbm>>
    tpu.enqueue_indirect_dma source(%dma_start3A_34 : memref<10000x128xf32, #tpu.memory_space<hbm>>) target(%arg14 : memref<40x128xf32, #tpu.memory_space<vmem>>) offsets(%dma_start3A_31 : memref<40xi32, #tpu.memory_space<vmem>>) semaphore(%arg24 : memref<!tpu.dma_semaphore, #tpu.memory_space<semaphore_mem>>)
    %dma_start3A_35 = arith.constant 0 : i32
    %dma_start3A_36 = arith.constant 0 : i32
    %dma_start3A_37 = tpu.memref_slice %arg9[%dma_start3A_35, %dma_start3A_36] : memref<2x40xi32, #tpu.memory_space<vmem>> -> memref<1x40xi32, #tpu.memory_space<vmem>>
    %dma_start3A_38 = tpu.memref_squeeze %dma_start3A_37 : memref<1x40xi32, #tpu.memory_space<vmem>> -> memref<40xi32, #tpu.memory_space<vmem>>
    %dma_start3A_39 = arith.constant 0 : i32
    %dma_start3A_40 = arith.constant 0 : i32
    %dma_start3A_41 = tpu.memref_slice %arg3[%dma_start3A_39, %dma_start3A_40] : memref<10000x128xf32, #tpu.memory_space<hbm>> -> memref<10000x128xf32, #tpu.memory_space<hbm>>
    tpu.enqueue_indirect_dma source(%dma_start3A_41 : memref<10000x128xf32, #tpu.memory_space<hbm>>) target(%arg15 : memref<40x128xf32, #tpu.memory_space<vmem>>) offsets(%dma_start3A_38 : memref<40xi32, #tpu.memory_space<vmem>>) semaphore(%arg24 : memref<!tpu.dma_semaphore, #tpu.memory_space<semaphore_mem>>)
    %dma_start3A_42 = arith.constant 0 : i32
    %dma_start3A_43 = arith.constant 0 : i32
    %dma_start3A_44 = tpu.memref_slice %arg8[%dma_start3A_42, %dma_start3A_43] : memref<2x40xi32, #tpu.memory_space<vmem>> -> memref<1x40xi32, #tpu.memory_space<vmem>>
    %dma_start3A_45 = tpu.memref_squeeze %dma_start3A_44 : memref<1x40xi32, #tpu.memory_space<vmem>> -> memref<40xi32, #tpu.memory_space<vmem>>
    %dma_start3A_46 = arith.constant 0 : i32
    %dma_start3A_47 = arith.constant 0 : i32
    %dma_start3A_48 = tpu.memref_slice %arg4[%dma_start3A_46, %dma_start3A_47] : memref<10000x128xf32, #tpu.memory_space<hbm>> -> memref<10000x128xf32, #tpu.memory_space<hbm>>
    tpu.enqueue_indirect_dma source(%dma_start3A_48 : memref<10000x128xf32, #tpu.memory_space<hbm>>) target(%arg16 : memref<40x128xf32, #tpu.memory_space<vmem>>) offsets(%dma_start3A_45 : memref<40xi32, #tpu.memory_space<vmem>>) semaphore(%arg27 : memref<!tpu.dma_semaphore, #tpu.memory_space<semaphore_mem>>)
    %scan3A = arith.constant 0 : i32
    %scan3A_49 = arith.constant 40 : i32
    %scan3A_50 = arith.addi %scan3A, %scan3A_49 : i32
    %scan3A_51 = arith.constant 1 : i32
    scf.for %scan3A_259 = %scan3A to %scan3A_50 step %scan3A_51  : i32 {
      %mul3A_260 = arith.constant 1 : i32
      %mul3A_261 = arith.muli %scan3A_259, %mul3A_260 : i32
      %add3A_262 = arith.constant 0 : i32
      %add3A_263 = arith.addi %add3A_262, %mul3A_261 : i32
      %swap3A_264 = arith.index_cast %add3A_263 : i32 to index
      %swap3A_265 = arith.constant 0 : index
      %swap3A_266 = tpu.vector_load %arg17[%swap3A_264, %swap3A_265] {strides = array<i32>} : memref<40x128xf32, #tpu.memory_space<vmem>>, vector<16xf32>,
      tpu.vector_store %arg17[%swap3A_264, %swap3A_265], %broadcast_in_dim3A_1 {strides = array<i32>} : memref<40x128xf32, #tpu.memory_space<vmem>>, vector<16xf32>,
      %swap3A_267 = arith.index_cast %add3A_263 : i32 to index
      %swap3A_268 = arith.constant 16 : index
      %swap3A_269 = tpu.vector_load %arg17[%swap3A_267, %swap3A_268] {strides = array<i32>} : memref<40x128xf32, #tpu.memory_space<vmem>>, vector<16xf32>,
      tpu.vector_store %arg17[%swap3A_267, %swap3A_268], %broadcast_in_dim3A_1 {strides = array<i32>} : memref<40x128xf32, #tpu.memory_space<vmem>>, vector<16xf32>,
      %swap3A_270 = arith.index_cast %add3A_263 : i32 to index
      %swap3A_271 = arith.constant 32 : index
      %swap3A_272 = tpu.vector_load %arg17[%swap3A_270, %swap3A_271] {strides = array<i32>} : memref<40x128xf32, #tpu.memory_space<vmem>>, vector<16xf32>,
      tpu.vector_store %arg17[%swap3A_270, %swap3A_271], %broadcast_in_dim3A_1 {strides = array<i32>} : memref<40x128xf32, #tpu.memory_space<vmem>>, vector<16xf32>,
      %swap3A_273 = arith.index_cast %add3A_263 : i32 to index
      %swap3A_274 = arith.constant 48 : index
      %swap3A_275 = tpu.vector_load %arg17[%swap3A_273, %swap3A_274] {strides = array<i32>} : memref<40x128xf32, #tpu.memory_space<vmem>>, vector<16xf32>,
      tpu.vector_store %arg17[%swap3A_273, %swap3A_274], %broadcast_in_dim3A_1 {strides = array<i32>} : memref<40x128xf32, #tpu.memory_space<vmem>>, vector<16xf32>,
      %swap3A_276 = arith.index_cast %add3A_263 : i32 to index
      %swap3A_277 = arith.constant 64 : index
      %swap3A_278 = tpu.vector_load %arg17[%swap3A_276, %swap3A_277] {strides = array<i32>} : memref<40x128xf32, #tpu.memory_space<vmem>>, vector<16xf32>,
      tpu.vector_store %arg17[%swap3A_276, %swap3A_277], %broadcast_in_dim3A_1 {strides = array<i32>} : memref<40x128xf32, #tpu.memory_space<vmem>>, vector<16xf32>,
      %swap3A_279 = arith.index_cast %add3A_263 : i32 to index
      %swap3A_280 = arith.constant 80 : index
      %swap3A_281 = tpu.vector_load %arg17[%swap3A_279, %swap3A_280] {strides = array<i32>} : memref<40x128xf32, #tpu.memory_space<vmem>>, vector<16xf32>,
      tpu.vector_store %arg17[%swap3A_279, %swap3A_280], %broadcast_in_dim3A_1 {strides = array<i32>} : memref<40x128xf32, #tpu.memory_space<vmem>>, vector<16xf32>,
      %swap3A_282 = arith.index_cast %add3A_263 : i32 to index
      %swap3A_283 = arith.constant 96 : index
      %swap3A_284 = tpu.vector_load %arg17[%swap3A_282, %swap3A_283] {strides = array<i32>} : memref<40x128xf32, #tpu.memory_space<vmem>>, vector<16xf32>,
      tpu.vector_store %arg17[%swap3A_282, %swap3A_283], %broadcast_in_dim3A_1 {strides = array<i32>} : memref<40x128xf32, #tpu.memory_space<vmem>>, vector<16xf32>,
      %swap3A_285 = arith.index_cast %add3A_263 : i32 to index
      %swap3A_286 = arith.constant 112 : index
      %swap3A_287 = tpu.vector_load %arg17[%swap3A_285, %swap3A_286] {strides = array<i32>} : memref<40x128xf32, #tpu.memory_space<vmem>>, vector<16xf32>,
      tpu.vector_store %arg17[%swap3A_285, %swap3A_286], %broadcast_in_dim3A_1 {strides = array<i32>} : memref<40x128xf32, #tpu.memory_space<vmem>>, vector<16xf32>,
      %swap3A_288 = arith.index_cast %add3A_263 : i32 to index
      %swap3A_289 = arith.constant 0 : index
      %swap3A_290 = tpu.vector_load %arg18[%swap3A_288, %swap3A_289] {strides = array<i32>} : memref<40x16xf32, #tpu.memory_space<vmem>>, vector<16xf32>,
      tpu.vector_store %arg18[%swap3A_288, %swap3A_289], %broadcast_in_dim3A_1 {strides = array<i32>} : memref<40x16xf32, #tpu.memory_space<vmem>>, vector<16xf32>,
    }
    %scan3A_52 = arith.constant 40 : i32
    %mul3A_53 = arith.constant 640 : i32
    %mul3A_54 = arith.muli %arg1, %mul3A_53 : i32
    %scan3A_55 = arith.constant 0 : i32
    %scan3A_56 = arith.constant 16 : i32
    %scan3A_57 = arith.addi %scan3A_55, %scan3A_56 : i32
    %scan3A_58 = arith.constant 1 : i32
    scf.for %scan3A_259 = %scan3A_55 to %scan3A_57 step %scan3A_58  : i32 {
      %mul3A_260 = arith.constant 1 : i32
      %mul3A_261 = arith.muli %scan3A_259, %mul3A_260 : i32
      %add3A_262 = arith.constant 0 : i32
      %add3A_263 = arith.addi %add3A_262, %mul3A_261 : i32
      %mul3A_264 = arith.constant 40 : i32
      %mul3A_265 = arith.muli %add3A_263, %mul3A_264 : i32
      %add3A_266 = arith.addi %mul3A_54, %mul3A_265 : i32
      "tpu.region"() ({
        %run_scoped3A = tpu.sem_alloc : memref<!tpu.dma_semaphore, #tpu.memory_space<semaphore_mem>>
        %dma_start3A_270 = arith.constant 0 : i32
        %dma_start3A_271 = tpu.memref_slice %arg21[%add3A_266, %dma_start3A_270] : memref<10240x128xf32, #tpu.memory_space<vmem_shared>> -> memref<40x128xf32, #tpu.memory_space<vmem_shared>>
        %dma_start3A_272 = arith.constant 0 : i32
        %dma_start3A_273 = tpu.memref_slice %arg21[%add3A_266, %dma_start3A_272] : memref<10240x128xf32, #tpu.memory_space<vmem_shared>> -> memref<40x128xf32, #tpu.memory_space<vmem_shared>>
        tpu.enqueue_dma source(%arg17 : memref<40x128xf32, #tpu.memory_space<vmem>>) target(%dma_start3A_273 : memref<40x128xf32, #tpu.memory_space<vmem_shared>>) target_semaphore(%run_scoped3A : memref<!tpu.dma_semaphore, #tpu.memory_space<semaphore_mem>>)
        %dma_wait3A_274 = arith.constant 0 : i32
        %dma_wait3A_275 = tpu.memref_slice %arg21[%add3A_266, %dma_wait3A_274] : memref<10240x128xf32, #tpu.memory_space<vmem_shared>> -> memref<40x128xf32, #tpu.memory_space<vmem_shared>>
        %dma_wait3A_276 = arith.constant 0 : i32
        %dma_wait3A_277 = tpu.memref_slice %arg21[%add3A_266, %dma_wait3A_276] : memref<10240x128xf32, #tpu.memory_space<vmem_shared>> -> memref<40x128xf32, #tpu.memory_space<vmem_shared>>
        tpu.wait_dma2 semaphore(%run_scoped3A : memref<!tpu.dma_semaphore, #tpu.memory_space<semaphore_mem>>) src(%arg17 : memref<40x128xf32, #tpu.memory_space<vmem>>) dst(%dma_wait3A_277 : memref<40x128xf32, #tpu.memory_space<vmem_shared>>)
        tpu.yield
      }) : () -> ()
      %mul3A_267 = arith.constant 40 : i32
      %mul3A_268 = arith.muli %add3A_263, %mul3A_267 : i32
      %add3A_269 = arith.addi %mul3A_54, %mul3A_268 : i32
      "tpu.region"() ({
        %run_scoped3A = tpu.sem_alloc : memref<!tpu.dma_semaphore, #tpu.memory_space<semaphore_mem>>
        %dma_start3A_270 = arith.constant 0 : i32
        %dma_start3A_271 = tpu.memref_slice %arg22[%add3A_269, %dma_start3A_270] : memref<10240x16xf32, #tpu.memory_space<vmem_shared>> -> memref<40x16xf32, #tpu.memory_space<vmem_shared>>
        %dma_start3A_272 = arith.constant 0 : i32
        %dma_start3A_273 = tpu.memref_slice %arg22[%add3A_269, %dma_start3A_272] : memref<10240x16xf32, #tpu.memory_space<vmem_shared>> -> memref<40x16xf32, #tpu.memory_space<vmem_shared>>
        tpu.enqueue_dma source(%arg18 : memref<40x16xf32, #tpu.memory_space<vmem>>) target(%dma_start3A_273 : memref<40x16xf32, #tpu.memory_space<vmem_shared>>) target_semaphore(%run_scoped3A : memref<!tpu.dma_semaphore, #tpu.memory_space<semaphore_mem>>)
        %dma_wait3A_274 = arith.constant 0 : i32
        %dma_wait3A_275 = tpu.memref_slice %arg22[%add3A_269, %dma_wait3A_274] : memref<10240x16xf32, #tpu.memory_space<vmem_shared>> -> memref<40x16xf32, #tpu.memory_space<vmem_shared>>
        %dma_wait3A_276 = arith.constant 0 : i32
        %dma_wait3A_277 = tpu.memref_slice %arg22[%add3A_269, %dma_wait3A_276] : memref<10240x16xf32, #tpu.memory_space<vmem_shared>> -> memref<40x16xf32, #tpu.memory_space<vmem_shared>>
        tpu.wait_dma2 semaphore(%run_scoped3A : memref<!tpu.dma_semaphore, #tpu.memory_space<semaphore_mem>>) src(%arg18 : memref<40x16xf32, #tpu.memory_space<vmem>>) dst(%dma_wait3A_277 : memref<40x16xf32, #tpu.memory_space<vmem_shared>>)
        tpu.yield
      }) : () -> ()
    }
    %scan3A_59 = arith.constant 16 : i32
    %barrier3A = arith.constant 0 : index
    tpu.barrier barrier_id(%barrier3A)
    %dma_wait3A = arith.constant 1 : i32
    %dma_wait3A_60 = arith.constant 0 : i32
    %dma_wait3A_61 = tpu.memref_slice %arg8[%dma_wait3A, %dma_wait3A_60] : memref<2x40xi32, #tpu.memory_space<vmem>> -> memref<1x40xi32, #tpu.memory_space<vmem>>
    %dma_wait3A_62 = tpu.memref_squeeze %dma_wait3A_61 : memref<1x40xi32, #tpu.memory_space<vmem>> -> memref<40xi32, #tpu.memory_space<vmem>>
    %dma_wait3A_63 = arith.constant 0 : i32
    %dma_wait3A_64 = arith.constant 0 : i32
    %dma_wait3A_65 = tpu.memref_slice %arg2[%dma_wait3A_63, %dma_wait3A_64] : memref<10000x128xf32, #tpu.memory_space<hbm>> -> memref<10000x128xf32, #tpu.memory_space<hbm>>
    tpu.wait_indirect_dma semaphore(%arg23 : memref<!tpu.dma_semaphore, #tpu.memory_space<semaphore_mem>>) src(%dma_wait3A_65 : memref<10000x128xf32, #tpu.memory_space<hbm>>) dst(%arg12 : memref<40x128xf32, #tpu.memory_space<vmem>>)
    %dma_wait3A_66 = arith.constant 0 : i32
    %dma_wait3A_67 = arith.constant 0 : i32
    %dma_wait3A_68 = tpu.memref_slice %arg8[%dma_wait3A_66, %dma_wait3A_67] : memref<2x40xi32, #tpu.memory_space<vmem>> -> memref<1x40xi32, #tpu.memory_space<vmem>>
    %dma_wait3A_69 = tpu.memref_squeeze %dma_wait3A_68 : memref<1x40xi32, #tpu.memory_space<vmem>> -> memref<40xi32, #tpu.memory_space<vmem>>
    %dma_wait3A_70 = arith.constant 0 : i32
    %dma_wait3A_71 = arith.constant 0 : i32
    %dma_wait3A_72 = tpu.memref_slice %arg3[%dma_wait3A_70, %dma_wait3A_71] : memref<10000x128xf32, #tpu.memory_space<hbm>> -> memref<10000x128xf32, #tpu.memory_space<hbm>>
    tpu.wait_indirect_dma semaphore(%arg23 : memref<!tpu.dma_semaphore, #tpu.memory_space<semaphore_mem>>) src(%dma_wait3A_72 : memref<10000x128xf32, #tpu.memory_space<hbm>>) dst(%arg13 : memref<40x128xf32, #tpu.memory_space<vmem>>)
    %dma_wait3A_73 = arith.constant 0 : i32
    %dma_wait3A_74 = arith.constant 0 : i32
    %dma_wait3A_75 = tpu.memref_slice %arg8[%dma_wait3A_73, %dma_wait3A_74] : memref<2x40xi32, #tpu.memory_space<vmem>> -> memref<1x40xi32, #tpu.memory_space<vmem>>
    %dma_wait3A_76 = tpu.memref_squeeze %dma_wait3A_75 : memref<1x40xi32, #tpu.memory_space<vmem>> -> memref<40xi32, #tpu.memory_space<vmem>>
    %dma_wait3A_77 = arith.constant 0 : i32
    %dma_wait3A_78 = arith.constant 0 : i32
    %dma_wait3A_79 = tpu.memref_slice %arg4[%dma_wait3A_77, %dma_wait3A_78] : memref<10000x128xf32, #tpu.memory_space<hbm>> -> memref<10000x128xf32, #tpu.memory_space<hbm>>
    tpu.wait_indirect_dma semaphore(%arg27 : memref<!tpu.dma_semaphore, #tpu.memory_space<semaphore_mem>>) src(%dma_wait3A_79 : memref<10000x128xf32, #tpu.memory_space<hbm>>) dst(%arg16 : memref<40x128xf32, #tpu.memory_space<vmem>>)
    %parallel_loop3A = arith.constant 0 : i32
    %parallel_loop3A_80 = arith.constant 40 : i32
    %parallel_loop3A_81 = arith.constant 1 : i32
    scf.for %parallel_loop3A_259 = %parallel_loop3A to %parallel_loop3A_80 step %parallel_loop3A_81  : i32 {
      %parallel_loop3A_260 = arith.index_cast %parallel_loop3A_259 : i32 to index
      %parallel_loop3A_261 = arith.constant 0 : index
      %parallel_loop3A_262 = tpu.vector_load %arg12[%parallel_loop3A_260, %parallel_loop3A_261] {strides = array<i32>} : memref<40x128xf32, #tpu.memory_space<vmem>>, vector<16xf32>,
      %parallel_loop3A_263 = arith.index_cast %parallel_loop3A_259 : i32 to index
      %parallel_loop3A_264 = arith.constant 0 : index
      %parallel_loop3A_265 = tpu.vector_load %arg13[%parallel_loop3A_263, %parallel_loop3A_264] {strides = array<i32>} : memref<40x128xf32, #tpu.memory_space<vmem>>, vector<16xf32>,
      %parallel_loop3A_266 = arith.mulf %parallel_loop3A_262, %parallel_loop3A_265 : vector<16xf32>
      %parallel_loop3A_267 = arith.constant true
      %parallel_loop3A_268 = vector.broadcast %parallel_loop3A_267 : i1 to vector<16xi1>
      %parallel_loop3A_269 = tpu.scan <sum>, %parallel_loop3A_266 masked %parallel_loop3A_268 : vector<16xf32>, vector<16xi1> -> vector<16xf32>
      %parallel_loop3A_270 = vector.extract %parallel_loop3A_269[15] : f32 from vector<16xf32>
      %parallel_loop3A_271 = vector.broadcast %parallel_loop3A_270 : f32 to vector<16xf32>
      %parallel_loop3A_272 = math.exp %parallel_loop3A_271 : vector<16xf32>
      %parallel_loop3A_273 = arith.index_cast %parallel_loop3A_259 : i32 to index
      %parallel_loop3A_274 = arith.constant 0 : index
      %parallel_loop3A_275 = tpu.vector_load %arg16[%parallel_loop3A_273, %parallel_loop3A_274] {strides = array<i32>} : memref<40x128xf32, #tpu.memory_space<vmem>>, vector<16xf32>,
      %parallel_loop3A_276 = arith.mulf %parallel_loop3A_275, %parallel_loop3A_272 : vector<16xf32>
      %parallel_loop3A_277 = arith.index_cast %parallel_loop3A_259 : i32 to index
      %parallel_loop3A_278 = arith.constant 0 : index
      %parallel_loop3A_279 = tpu.vector_load %arg17[%parallel_loop3A_277, %parallel_loop3A_278] {strides = array<i32>} : memref<40x128xf32, #tpu.memory_space<vmem>>, vector<16xf32>,
      tpu.vector_store %arg17[%parallel_loop3A_277, %parallel_loop3A_278], %parallel_loop3A_276 {strides = array<i32>} : memref<40x128xf32, #tpu.memory_space<vmem>>, vector<16xf32>,
      %parallel_loop3A_280 = arith.constant 0 : i32
      %parallel_loop3A_281 = vector.broadcast %parallel_loop3A_280 : i32 to vector<16xi32>
      %parallel_loop3A_282 = arith.cmpi eq, %iota3A, %parallel_loop3A_281 : vector<16xi32>
      %parallel_loop3A_283 = arith.select %parallel_loop3A_282, %parallel_loop3A_272, %broadcast_in_dim3A_1 : vector<16xi1>, vector<16xf32>
      %parallel_loop3A_284 = arith.index_cast %parallel_loop3A_259 : i32 to index
      %parallel_loop3A_285 = arith.constant 16 : index
      %parallel_loop3A_286 = tpu.vector_load %arg12[%parallel_loop3A_284, %parallel_loop3A_285] {strides = array<i32>} : memref<40x128xf32, #tpu.memory_space<vmem>>, vector<16xf32>,
      %parallel_loop3A_287 = arith.index_cast %parallel_loop3A_259 : i32 to index
      %parallel_loop3A_288 = arith.constant 16 : index
      %parallel_loop3A_289 = tpu.vector_load %arg13[%parallel_loop3A_287, %parallel_loop3A_288] {strides = array<i32>} : memref<40x128xf32, #tpu.memory_space<vmem>>, vector<16xf32>,
      %parallel_loop3A_290 = arith.mulf %parallel_loop3A_286, %parallel_loop3A_289 : vector<16xf32>
      %parallel_loop3A_291 = arith.constant true
      %parallel_loop3A_292 = vector.broadcast %parallel_loop3A_291 : i1 to vector<16xi1>
      %parallel_loop3A_293 = tpu.scan <sum>, %parallel_loop3A_290 masked %parallel_loop3A_292 : vector<16xf32>, vector<16xi1> -> vector<16xf32>
      %parallel_loop3A_294 = vector.extract %parallel_loop3A_293[15] : f32 from vector<16xf32>
      %parallel_loop3A_295 = vector.broadcast %parallel_loop3A_294 : f32 to vector<16xf32>
      %parallel_loop3A_296 = math.exp %parallel_loop3A_295 : vector<16xf32>
      %parallel_loop3A_297 = arith.index_cast %parallel_loop3A_259 : i32 to index
      %parallel_loop3A_298 = arith.constant 16 : index
      %parallel_loop3A_299 = tpu.vector_load %arg16[%parallel_loop3A_297, %parallel_loop3A_298] {strides = array<i32>} : memref<40x128xf32, #tpu.memory_space<vmem>>, vector<16xf32>,
      %parallel_loop3A_300 = arith.mulf %parallel_loop3A_299, %parallel_loop3A_296 : vector<16xf32>
      %parallel_loop3A_301 = arith.index_cast %parallel_loop3A_259 : i32 to index
      %parallel_loop3A_302 = arith.constant 16 : index
      %parallel_loop3A_303 = tpu.vector_load %arg17[%parallel_loop3A_301, %parallel_loop3A_302] {strides = array<i32>} : memref<40x128xf32, #tpu.memory_space<vmem>>, vector<16xf32>,
      tpu.vector_store %arg17[%parallel_loop3A_301, %parallel_loop3A_302], %parallel_loop3A_300 {strides = array<i32>} : memref<40x128xf32, #tpu.memory_space<vmem>>, vector<16xf32>,
      %parallel_loop3A_304 = arith.constant 1 : i32
      %parallel_loop3A_305 = vector.broadcast %parallel_loop3A_304 : i32 to vector<16xi32>
      %parallel_loop3A_306 = arith.cmpi eq, %iota3A, %parallel_loop3A_305 : vector<16xi32>
      %parallel_loop3A_307 = arith.select %parallel_loop3A_306, %parallel_loop3A_296, %parallel_loop3A_283 : vector<16xi1>, vector<16xf32>
      %parallel_loop3A_308 = arith.index_cast %parallel_loop3A_259 : i32 to index
      %parallel_loop3A_309 = arith.constant 32 : index
      %parallel_loop3A_310 = tpu.vector_load %arg12[%parallel_loop3A_308, %parallel_loop3A_309] {strides = array<i32>} : memref<40x128xf32, #tpu.memory_space<vmem>>, vector<16xf32>,
      %parallel_loop3A_311 = arith.index_cast %parallel_loop3A_259 : i32 to index
      %parallel_loop3A_312 = arith.constant 32 : index
      %parallel_loop3A_313 = tpu.vector_load %arg13[%parallel_loop3A_311, %parallel_loop3A_312] {strides = array<i32>} : memref<40x128xf32, #tpu.memory_space<vmem>>, vector<16xf32>,
      %parallel_loop3A_314 = arith.mulf %parallel_loop3A_310, %parallel_loop3A_313 : vector<16xf32>
      %parallel_loop3A_315 = arith.constant true
      %parallel_loop3A_316 = vector.broadcast %parallel_loop3A_315 : i1 to vector<16xi1>
      %parallel_loop3A_317 = tpu.scan <sum>, %parallel_loop3A_314 masked %parallel_loop3A_316 : vector<16xf32>, vector<16xi1> -> vector<16xf32>
      %parallel_loop3A_318 = vector.extract %parallel_loop3A_317[15] : f32 from vector<16xf32>
      %parallel_loop3A_319 = vector.broadcast %parallel_loop3A_318 : f32 to vector<16xf32>
      %parallel_loop3A_320 = math.exp %parallel_loop3A_319 : vector<16xf32>
      %parallel_loop3A_321 = arith.index_cast %parallel_loop3A_259 : i32 to index
      %parallel_loop3A_322 = arith.constant 32 : index
      %parallel_loop3A_323 = tpu.vector_load %arg16[%parallel_loop3A_321, %parallel_loop3A_322] {strides = array<i32>} : memref<40x128xf32, #tpu.memory_space<vmem>>, vector<16xf32>,
      %parallel_loop3A_324 = arith.mulf %parallel_loop3A_323, %parallel_loop3A_320 : vector<16xf32>
      %parallel_loop3A_325 = arith.index_cast %parallel_loop3A_259 : i32 to index
      %parallel_loop3A_326 = arith.constant 32 : index
      %parallel_loop3A_327 = tpu.vector_load %arg17[%parallel_loop3A_325, %parallel_loop3A_326] {strides = array<i32>} : memref<40x128xf32, #tpu.memory_space<vmem>>, vector<16xf32>,
      tpu.vector_store %arg17[%parallel_loop3A_325, %parallel_loop3A_326], %parallel_loop3A_324 {strides = array<i32>} : memref<40x128xf32, #tpu.memory_space<vmem>>, vector<16xf32>,
      %parallel_loop3A_328 = arith.constant 2 : i32
      %parallel_loop3A_329 = vector.broadcast %parallel_loop3A_328 : i32 to vector<16xi32>
      %parallel_loop3A_330 = arith.cmpi eq, %iota3A, %parallel_loop3A_329 : vector<16xi32>
      %parallel_loop3A_331 = arith.select %parallel_loop3A_330, %parallel_loop3A_320, %parallel_loop3A_307 : vector<16xi1>, vector<16xf32>
      %parallel_loop3A_332 = arith.index_cast %parallel_loop3A_259 : i32 to index
      %parallel_loop3A_333 = arith.constant 48 : index
      %parallel_loop3A_334 = tpu.vector_load %arg12[%parallel_loop3A_332, %parallel_loop3A_333] {strides = array<i32>} : memref<40x128xf32, #tpu.memory_space<vmem>>, vector<16xf32>,
      %parallel_loop3A_335 = arith.index_cast %parallel_loop3A_259 : i32 to index
      %parallel_loop3A_336 = arith.constant 48 : index
      %parallel_loop3A_337 = tpu.vector_load %arg13[%parallel_loop3A_335, %parallel_loop3A_336] {strides = array<i32>} : memref<40x128xf32, #tpu.memory_space<vmem>>, vector<16xf32>,
      %parallel_loop3A_338 = arith.mulf %parallel_loop3A_334, %parallel_loop3A_337 : vector<16xf32>
      %parallel_loop3A_339 = arith.constant true
      %parallel_loop3A_340 = vector.broadcast %parallel_loop3A_339 : i1 to vector<16xi1>
      %parallel_loop3A_341 = tpu.scan <sum>, %parallel_loop3A_338 masked %parallel_loop3A_340 : vector<16xf32>, vector<16xi1> -> vector<16xf32>
      %parallel_loop3A_342 = vector.extract %parallel_loop3A_341[15] : f32 from vector<16xf32>
      %parallel_loop3A_343 = vector.broadcast %parallel_loop3A_342 : f32 to vector<16xf32>
      %parallel_loop3A_344 = math.exp %parallel_loop3A_343 : vector<16xf32>
      %parallel_loop3A_345 = arith.index_cast %parallel_loop3A_259 : i32 to index
      %parallel_loop3A_346 = arith.constant 48 : index
      %parallel_loop3A_347 = tpu.vector_load %arg16[%parallel_loop3A_345, %parallel_loop3A_346] {strides = array<i32>} : memref<40x128xf32, #tpu.memory_space<vmem>>, vector<16xf32>,
      %parallel_loop3A_348 = arith.mulf %parallel_loop3A_347, %parallel_loop3A_344 : vector<16xf32>
      %parallel_loop3A_349 = arith.index_cast %parallel_loop3A_259 : i32 to index
      %parallel_loop3A_350 = arith.constant 48 : index
      %parallel_loop3A_351 = tpu.vector_load %arg17[%parallel_loop3A_349, %parallel_loop3A_350] {strides = array<i32>} : memref<40x128xf32, #tpu.memory_space<vmem>>, vector<16xf32>,
      tpu.vector_store %arg17[%parallel_loop3A_349, %parallel_loop3A_350], %parallel_loop3A_348 {strides = array<i32>} : memref<40x128xf32, #tpu.memory_space<vmem>>, vector<16xf32>,
      %parallel_loop3A_352 = arith.constant 3 : i32
      %parallel_loop3A_353 = vector.broadcast %parallel_loop3A_352 : i32 to vector<16xi32>
      %parallel_loop3A_354 = arith.cmpi eq, %iota3A, %parallel_loop3A_353 : vector<16xi32>
      %parallel_loop3A_355 = arith.select %parallel_loop3A_354, %parallel_loop3A_344, %parallel_loop3A_331 : vector<16xi1>, vector<16xf32>
      %parallel_loop3A_356 = arith.index_cast %parallel_loop3A_259 : i32 to index
      %parallel_loop3A_357 = arith.constant 64 : index
      %parallel_loop3A_358 = tpu.vector_load %arg12[%parallel_loop3A_356, %parallel_loop3A_357] {strides = array<i32>} : memref<40x128xf32, #tpu.memory_space<vmem>>, vector<16xf32>,
      %parallel_loop3A_359 = arith.index_cast %parallel_loop3A_259 : i32 to index
      %parallel_loop3A_360 = arith.constant 64 : index
      %parallel_loop3A_361 = tpu.vector_load %arg13[%parallel_loop3A_359, %parallel_loop3A_360] {strides = array<i32>} : memref<40x128xf32, #tpu.memory_space<vmem>>, vector<16xf32>,
      %parallel_loop3A_362 = arith.mulf %parallel_loop3A_358, %parallel_loop3A_361 : vector<16xf32>
      %parallel_loop3A_363 = arith.constant true
      %parallel_loop3A_364 = vector.broadcast %parallel_loop3A_363 : i1 to vector<16xi1>
      %parallel_loop3A_365 = tpu.scan <sum>, %parallel_loop3A_362 masked %parallel_loop3A_364 : vector<16xf32>, vector<16xi1> -> vector<16xf32>
      %parallel_loop3A_366 = vector.extract %parallel_loop3A_365[15] : f32 from vector<16xf32>
      %parallel_loop3A_367 = vector.broadcast %parallel_loop3A_366 : f32 to vector<16xf32>
      %parallel_loop3A_368 = math.exp %parallel_loop3A_367 : vector<16xf32>
      %parallel_loop3A_369 = arith.index_cast %parallel_loop3A_259 : i32 to index
      %parallel_loop3A_370 = arith.constant 64 : index
      %parallel_loop3A_371 = tpu.vector_load %arg16[%parallel_loop3A_369, %parallel_loop3A_370] {strides = array<i32>} : memref<40x128xf32, #tpu.memory_space<vmem>>, vector<16xf32>,
      %parallel_loop3A_372 = arith.mulf %parallel_loop3A_371, %parallel_loop3A_368 : vector<16xf32>
      %parallel_loop3A_373 = arith.index_cast %parallel_loop3A_259 : i32 to index
      %parallel_loop3A_374 = arith.constant 64 : index
      %parallel_loop3A_375 = tpu.vector_load %arg17[%parallel_loop3A_373, %parallel_loop3A_374] {strides = array<i32>} : memref<40x128xf32, #tpu.memory_space<vmem>>, vector<16xf32>,
      tpu.vector_store %arg17[%parallel_loop3A_373, %parallel_loop3A_374], %parallel_loop3A_372 {strides = array<i32>} : memref<40x128xf32, #tpu.memory_space<vmem>>, vector<16xf32>,
      %parallel_loop3A_376 = arith.constant 4 : i32
      %parallel_loop3A_377 = vector.broadcast %parallel_loop3A_376 : i32 to vector<16xi32>
      %parallel_loop3A_378 = arith.cmpi eq, %iota3A, %parallel_loop3A_377 : vector<16xi32>
      %parallel_loop3A_379 = arith.select %parallel_loop3A_378, %parallel_loop3A_368, %parallel_loop3A_355 : vector<16xi1>, vector<16xf32>
      %parallel_loop3A_380 = arith.index_cast %parallel_loop3A_259 : i32 to index
      %parallel_loop3A_381 = arith.constant 80 : index
      %parallel_loop3A_382 = tpu.vector_load %arg12[%parallel_loop3A_380, %parallel_loop3A_381] {strides = array<i32>} : memref<40x128xf32, #tpu.memory_space<vmem>>, vector<16xf32>,
      %parallel_loop3A_383 = arith.index_cast %parallel_loop3A_259 : i32 to index
      %parallel_loop3A_384 = arith.constant 80 : index
      %parallel_loop3A_385 = tpu.vector_load %arg13[%parallel_loop3A_383, %parallel_loop3A_384] {strides = array<i32>} : memref<40x128xf32, #tpu.memory_space<vmem>>, vector<16xf32>,
      %parallel_loop3A_386 = arith.mulf %parallel_loop3A_382, %parallel_loop3A_385 : vector<16xf32>
      %parallel_loop3A_387 = arith.constant true
      %parallel_loop3A_388 = vector.broadcast %parallel_loop3A_387 : i1 to vector<16xi1>
      %parallel_loop3A_389 = tpu.scan <sum>, %parallel_loop3A_386 masked %parallel_loop3A_388 : vector<16xf32>, vector<16xi1> -> vector<16xf32>
      %parallel_loop3A_390 = vector.extract %parallel_loop3A_389[15] : f32 from vector<16xf32>
      %parallel_loop3A_391 = vector.broadcast %parallel_loop3A_390 : f32 to vector<16xf32>
      %parallel_loop3A_392 = math.exp %parallel_loop3A_391 : vector<16xf32>
      %parallel_loop3A_393 = arith.index_cast %parallel_loop3A_259 : i32 to index
      %parallel_loop3A_394 = arith.constant 80 : index
      %parallel_loop3A_395 = tpu.vector_load %arg16[%parallel_loop3A_393, %parallel_loop3A_394] {strides = array<i32>} : memref<40x128xf32, #tpu.memory_space<vmem>>, vector<16xf32>,
      %parallel_loop3A_396 = arith.mulf %parallel_loop3A_395, %parallel_loop3A_392 : vector<16xf32>
      %parallel_loop3A_397 = arith.index_cast %parallel_loop3A_259 : i32 to index
      %parallel_loop3A_398 = arith.constant 80 : index
      %parallel_loop3A_399 = tpu.vector_load %arg17[%parallel_loop3A_397, %parallel_loop3A_398] {strides = array<i32>} : memref<40x128xf32, #tpu.memory_space<vmem>>, vector<16xf32>,
      tpu.vector_store %arg17[%parallel_loop3A_397, %parallel_loop3A_398], %parallel_loop3A_396 {strides = array<i32>} : memref<40x128xf32, #tpu.memory_space<vmem>>, vector<16xf32>,
      %parallel_loop3A_400 = arith.constant 5 : i32
      %parallel_loop3A_401 = vector.broadcast %parallel_loop3A_400 : i32 to vector<16xi32>
      %parallel_loop3A_402 = arith.cmpi eq, %iota3A, %parallel_loop3A_401 : vector<16xi32>
      %parallel_loop3A_403 = arith.select %parallel_loop3A_402, %parallel_loop3A_392, %parallel_loop3A_379 : vector<16xi1>, vector<16xf32>
      %parallel_loop3A_404 = arith.index_cast %parallel_loop3A_259 : i32 to index
      %parallel_loop3A_405 = arith.constant 96 : index
      %parallel_loop3A_406 = tpu.vector_load %arg12[%parallel_loop3A_404, %parallel_loop3A_405] {strides = array<i32>} : memref<40x128xf32, #tpu.memory_space<vmem>>, vector<16xf32>,
      %parallel_loop3A_407 = arith.index_cast %parallel_loop3A_259 : i32 to index
      %parallel_loop3A_408 = arith.constant 96 : index
      %parallel_loop3A_409 = tpu.vector_load %arg13[%parallel_loop3A_407, %parallel_loop3A_408] {strides = array<i32>} : memref<40x128xf32, #tpu.memory_space<vmem>>, vector<16xf32>,
      %parallel_loop3A_410 = arith.mulf %parallel_loop3A_406, %parallel_loop3A_409 : vector<16xf32>
      %parallel_loop3A_411 = arith.constant true
      %parallel_loop3A_412 = vector.broadcast %parallel_loop3A_411 : i1 to vector<16xi1>
      %parallel_loop3A_413 = tpu.scan <sum>, %parallel_loop3A_410 masked %parallel_loop3A_412 : vector<16xf32>, vector<16xi1> -> vector<16xf32>
      %parallel_loop3A_414 = vector.extract %parallel_loop3A_413[15] : f32 from vector<16xf32>
      %parallel_loop3A_415 = vector.broadcast %parallel_loop3A_414 : f32 to vector<16xf32>
      %parallel_loop3A_416 = math.exp %parallel_loop3A_415 : vector<16xf32>
      %parallel_loop3A_417 = arith.index_cast %parallel_loop3A_259 : i32 to index
      %parallel_loop3A_418 = arith.constant 96 : index
      %parallel_loop3A_419 = tpu.vector_load %arg16[%parallel_loop3A_417, %parallel_loop3A_418] {strides = array<i32>} : memref<40x128xf32, #tpu.memory_space<vmem>>, vector<16xf32>,
      %parallel_loop3A_420 = arith.mulf %parallel_loop3A_419, %parallel_loop3A_416 : vector<16xf32>
      %parallel_loop3A_421 = arith.index_cast %parallel_loop3A_259 : i32 to index
      %parallel_loop3A_422 = arith.constant 96 : index
      %parallel_loop3A_423 = tpu.vector_load %arg17[%parallel_loop3A_421, %parallel_loop3A_422] {strides = array<i32>} : memref<40x128xf32, #tpu.memory_space<vmem>>, vector<16xf32>,
      tpu.vector_store %arg17[%parallel_loop3A_421, %parallel_loop3A_422], %parallel_loop3A_420 {strides = array<i32>} : memref<40x128xf32, #tpu.memory_space<vmem>>, vector<16xf32>,
      %parallel_loop3A_424 = arith.constant 6 : i32
      %parallel_loop3A_425 = vector.broadcast %parallel_loop3A_424 : i32 to vector<16xi32>
      %parallel_loop3A_426 = arith.cmpi eq, %iota3A, %parallel_loop3A_425 : vector<16xi32>
      %parallel_loop3A_427 = arith.select %parallel_loop3A_426, %parallel_loop3A_416, %parallel_loop3A_403 : vector<16xi1>, vector<16xf32>
      %parallel_loop3A_428 = arith.index_cast %parallel_loop3A_259 : i32 to index
      %parallel_loop3A_429 = arith.constant 112 : index
      %parallel_loop3A_430 = tpu.vector_load %arg12[%parallel_loop3A_428, %parallel_loop3A_429] {strides = array<i32>} : memref<40x128xf32, #tpu.memory_space<vmem>>, vector<16xf32>,
      %parallel_loop3A_431 = arith.index_cast %parallel_loop3A_259 : i32 to index
      %parallel_loop3A_432 = arith.constant 112 : index
      %parallel_loop3A_433 = tpu.vector_load %arg13[%parallel_loop3A_431, %parallel_loop3A_432] {strides = array<i32>} : memref<40x128xf32, #tpu.memory_space<vmem>>, vector<16xf32>,
      %parallel_loop3A_434 = arith.mulf %parallel_loop3A_430, %parallel_loop3A_433 : vector<16xf32>
      %parallel_loop3A_435 = arith.constant true
      %parallel_loop3A_436 = vector.broadcast %parallel_loop3A_435 : i1 to vector<16xi1>
      %parallel_loop3A_437 = tpu.scan <sum>, %parallel_loop3A_434 masked %parallel_loop3A_436 : vector<16xf32>, vector<16xi1> -> vector<16xf32>
      %parallel_loop3A_438 = vector.extract %parallel_loop3A_437[15] : f32 from vector<16xf32>
      %parallel_loop3A_439 = vector.broadcast %parallel_loop3A_438 : f32 to vector<16xf32>
      %parallel_loop3A_440 = math.exp %parallel_loop3A_439 : vector<16xf32>
      %parallel_loop3A_441 = arith.index_cast %parallel_loop3A_259 : i32 to index
      %parallel_loop3A_442 = arith.constant 112 : index
      %parallel_loop3A_443 = tpu.vector_load %arg16[%parallel_loop3A_441, %parallel_loop3A_442] {strides = array<i32>} : memref<40x128xf32, #tpu.memory_space<vmem>>, vector<16xf32>,
      %parallel_loop3A_444 = arith.mulf %parallel_loop3A_443, %parallel_loop3A_440 : vector<16xf32>
      %parallel_loop3A_445 = arith.index_cast %parallel_loop3A_259 : i32 to index
      %parallel_loop3A_446 = arith.constant 112 : index
      %parallel_loop3A_447 = tpu.vector_load %arg17[%parallel_loop3A_445, %parallel_loop3A_446] {strides = array<i32>} : memref<40x128xf32, #tpu.memory_space<vmem>>, vector<16xf32>,
      tpu.vector_store %arg17[%parallel_loop3A_445, %parallel_loop3A_446], %parallel_loop3A_444 {strides = array<i32>} : memref<40x128xf32, #tpu.memory_space<vmem>>, vector<16xf32>,
      %parallel_loop3A_448 = arith.constant 7 : i32
      %parallel_loop3A_449 = vector.broadcast %parallel_loop3A_448 : i32 to vector<16xi32>
      %parallel_loop3A_450 = arith.cmpi eq, %iota3A, %parallel_loop3A_449 : vector<16xi32>
      %parallel_loop3A_451 = arith.select %parallel_loop3A_450, %parallel_loop3A_440, %parallel_loop3A_427 : vector<16xi1>, vector<16xf32>
      %parallel_loop3A_452 = arith.index_cast %parallel_loop3A_259 : i32 to index
      %parallel_loop3A_453 = arith.constant 0 : index
      %parallel_loop3A_454 = tpu.vector_load %arg18[%parallel_loop3A_452, %parallel_loop3A_453] {strides = array<i32>} : memref<40x16xf32, #tpu.memory_space<vmem>>, vector<16xf32>,
      tpu.vector_store %arg18[%parallel_loop3A_452, %parallel_loop3A_453], %parallel_loop3A_451 {strides = array<i32>} : memref<40x16xf32, #tpu.memory_space<vmem>>, vector<16xf32>,
    } {sc.loop_unroll_factor = 2 : i64, sc.parallel_access}
    %get3A = arith.constant 1 : i32
    %get3A_82 = arith.index_cast %get3A : i32 to index
    %get3A_83 = arith.constant 0 : index
    %get3A_84 = tpu.vector_load %arg8[%get3A_82, %get3A_83] {strides = array<i32>} : memref<2x40xi32, #tpu.memory_space<vmem>>, vector<16xi32>,
    %swap3A = arith.constant 0 : index
    %swap3A_85 = tpu.vector_load %arg10[%swap3A] {strides = array<i32>} : memref<40xi32, #tpu.memory_space<vmem>>, vector<16xi32>,
    tpu.vector_store %arg10[%swap3A], %get3A_84 {strides = array<i32>} : memref<40xi32, #tpu.memory_space<vmem>>, vector<16xi32>,
    %get3A_86 = arith.constant 1 : i32
    %get3A_87 = arith.index_cast %get3A_86 : i32 to index
    %get3A_88 = arith.constant 16 : index
    %get3A_89 = tpu.vector_load %arg8[%get3A_87, %get3A_88] {strides = array<i32>} : memref<2x40xi32, #tpu.memory_space<vmem>>, vector<16xi32>,
    %swap3A_90 = arith.constant 16 : index
    %swap3A_91 = tpu.vector_load %arg10[%swap3A_90] {strides = array<i32>} : memref<40xi32, #tpu.memory_space<vmem>>, vector<16xi32>,
    tpu.vector_store %arg10[%swap3A_90], %get3A_89 {strides = array<i32>} : memref<40xi32, #tpu.memory_space<vmem>>, vector<16xi32>,
    %get3A_92 = arith.constant 1 : i32
    %get3A_93 = arith.index_cast %get3A_92 : i32 to index
    %get3A_94 = arith.constant 24 : index
    %get3A_95 = tpu.vector_load %arg8[%get3A_93, %get3A_94] {strides = array<i32>} : memref<2x40xi32, #tpu.memory_space<vmem>>, vector<16xi32>,
    %swap3A_96 = arith.constant 24 : index
    %swap3A_97 = tpu.vector_load %arg10[%swap3A_96] {strides = array<i32>} : memref<40xi32, #tpu.memory_space<vmem>>, vector<16xi32>,
    tpu.vector_store %arg10[%swap3A_96], %get3A_95 {strides = array<i32>} : memref<40xi32, #tpu.memory_space<vmem>>, vector<16xi32>,
    %dma_start3A_98 = arith.constant 0 : i32
    %dma_start3A_99 = arith.constant 0 : i32
    %dma_start3A_100 = tpu.memref_slice %arg21[%dma_start3A_98, %dma_start3A_99] : memref<10240x128xf32, #tpu.memory_space<vmem_shared>> -> memref<10240x128xf32, #tpu.memory_space<vmem_shared>>
    tpu.enqueue_indirect_dma source(%arg17 : memref<40x128xf32, #tpu.memory_space<vmem>>) target(%dma_start3A_100 : memref<10240x128xf32, #tpu.memory_space<vmem_shared>>) offsets(%arg10 : memref<40xi32, #tpu.memory_space<vmem>>) semaphore(%arg25 : memref<!tpu.dma_semaphore, #tpu.memory_space<semaphore_mem>>) {add = true}
    %dma_start3A_101 = arith.constant 0 : i32
    %dma_start3A_102 = arith.constant 0 : i32
    %dma_start3A_103 = tpu.memref_slice %arg22[%dma_start3A_101, %dma_start3A_102] : memref<10240x16xf32, #tpu.memory_space<vmem_shared>> -> memref<10240x16xf32, #tpu.memory_space<vmem_shared>>
    tpu.enqueue_indirect_dma source(%arg18 : memref<40x16xf32, #tpu.memory_space<vmem>>) target(%dma_start3A_103 : memref<10240x16xf32, #tpu.memory_space<vmem_shared>>) offsets(%arg10 : memref<40xi32, #tpu.memory_space<vmem>>) semaphore(%arg25 : memref<!tpu.dma_semaphore, #tpu.memory_space<semaphore_mem>>) {add = true}
    %dma_start3A_104 = arith.constant 0 : i32
    %dma_start3A_105 = arith.constant 0 : i32
    %dma_start3A_106 = tpu.memref_slice %arg9[%dma_start3A_104, %dma_start3A_105] : memref<2x40xi32, #tpu.memory_space<vmem>> -> memref<1x40xi32, #tpu.memory_space<vmem>>
    %dma_start3A_107 = tpu.memref_squeeze %dma_start3A_106 : memref<1x40xi32, #tpu.memory_space<vmem>> -> memref<40xi32, #tpu.memory_space<vmem>>
    %dma_start3A_108 = arith.constant 0 : i32
    %dma_start3A_109 = arith.constant 0 : i32
    %dma_start3A_110 = tpu.memref_slice %arg4[%dma_start3A_108, %dma_start3A_109] : memref<10000x128xf32, #tpu.memory_space<hbm>> -> memref<10000x128xf32, #tpu.memory_space<hbm>>
    tpu.enqueue_indirect_dma source(%dma_start3A_110 : memref<10000x128xf32, #tpu.memory_space<hbm>>) target(%arg16 : memref<40x128xf32, #tpu.memory_space<vmem>>) offsets(%dma_start3A_107 : memref<40xi32, #tpu.memory_space<vmem>>) semaphore(%arg27 : memref<!tpu.dma_semaphore, #tpu.memory_space<semaphore_mem>>)
    %min3A_111 = arith.constant 2 : i32
    %min3A_112 = arith.constant 249 : i32
    %min3A_113 = arith.minsi %min3A_111, %min3A_112 : i32
    %mul3A_114 = arith.constant 40 : i32
    %mul3A_115 = arith.muli %min3A_113, %mul3A_114 : i32
    %add3A_116 = arith.addi %mul3A_3, %mul3A_115 : i32
    "tpu.region"() ({
      %run_scoped3A = tpu.sem_alloc : memref<!tpu.dma_semaphore, #tpu.memory_space<semaphore_mem>>
      %dma_start3A_259 = arith.constant 0 : i32
      %dma_start3A_260 = tpu.memref_slice %arg5[%dma_start3A_259, %add3A_116] : memref<2x320000xi32, #tpu.memory_space<hbm>> -> memref<2x40xi32, #tpu.memory_space<hbm>>
      %dma_start3A_261 = arith.constant 0 : i32
      %dma_start3A_262 = tpu.memref_slice %arg5[%dma_start3A_261, %add3A_116] : memref<2x320000xi32, #tpu.memory_space<hbm>> -> memref<2x40xi32, #tpu.memory_space<hbm>>
      tpu.enqueue_dma source(%dma_start3A_262 : memref<2x40xi32, #tpu.memory_space<hbm>>) target(%arg8 : memref<2x40xi32, #tpu.memory_space<vmem>>) target_semaphore(%run_scoped3A : memref<!tpu.dma_semaphore, #tpu.memory_space<semaphore_mem>>)
      %dma_wait3A_263 = arith.constant 0 : i32
      %dma_wait3A_264 = tpu.memref_slice %arg5[%dma_wait3A_263, %add3A_116] : memref<2x320000xi32, #tpu.memory_space<hbm>> -> memref<2x40xi32, #tpu.memory_space<hbm>>
      %dma_wait3A_265 = arith.constant 0 : i32
      %dma_wait3A_266 = tpu.memref_slice %arg5[%dma_wait3A_265, %add3A_116] : memref<2x320000xi32, #tpu.memory_space<hbm>> -> memref<2x40xi32, #tpu.memory_space<hbm>>
      tpu.wait_dma2 semaphore(%run_scoped3A : memref<!tpu.dma_semaphore, #tpu.memory_space<semaphore_mem>>) src(%dma_wait3A_266 : memref<2x40xi32, #tpu.memory_space<hbm>>) dst(%arg8 : memref<2x40xi32, #tpu.memory_space<vmem>>)
      tpu.yield
    }) : () -> ()
    %dma_start3A_117 = arith.constant 1 : i32
    %dma_start3A_118 = arith.constant 0 : i32
    %dma_start3A_119 = tpu.memref_slice %arg8[%dma_start3A_117, %dma_start3A_118] : memref<2x40xi32, #tpu.memory_space<vmem>> -> memref<1x40xi32, #tpu.memory_space<vmem>>
    %dma_start3A_120 = tpu.memref_squeeze %dma_start3A_119 : memref<1x40xi32, #tpu.memory_space<vmem>> -> memref<40xi32, #tpu.memory_space<vmem>>
    %dma_start3A_121 = arith.constant 0 : i32
    %dma_start3A_122 = arith.constant 0 : i32
    %dma_start3A_123 = tpu.memref_slice %arg2[%dma_start3A_121, %dma_start3A_122] : memref<10000x128xf32, #tpu.memory_space<hbm>> -> memref<10000x128xf32, #tpu.memory_space<hbm>>
    tpu.enqueue_indirect_dma source(%dma_start3A_123 : memref<10000x128xf32, #tpu.memory_space<hbm>>) target(%arg12 : memref<40x128xf32, #tpu.memory_space<vmem>>) offsets(%dma_start3A_120 : memref<40xi32, #tpu.memory_space<vmem>>) semaphore(%arg23 : memref<!tpu.dma_semaphore, #tpu.memory_space<semaphore_mem>>)
    %dma_start3A_124 = arith.constant 0 : i32
    %dma_start3A_125 = arith.constant 0 : i32
    %dma_start3A_126 = tpu.memref_slice %arg8[%dma_start3A_124, %dma_start3A_125] : memref<2x40xi32, #tpu.memory_space<vmem>> -> memref<1x40xi32, #tpu.memory_space<vmem>>
    %dma_start3A_127 = tpu.memref_squeeze %dma_start3A_126 : memref<1x40xi32, #tpu.memory_space<vmem>> -> memref<40xi32, #tpu.memory_space<vmem>>
    %dma_start3A_128 = arith.constant 0 : i32
    %dma_start3A_129 = arith.constant 0 : i32
    %dma_start3A_130 = tpu.memref_slice %arg3[%dma_start3A_128, %dma_start3A_129] : memref<10000x128xf32, #tpu.memory_space<hbm>> -> memref<10000x128xf32, #tpu.memory_space<hbm>>
    tpu.enqueue_indirect_dma source(%dma_start3A_130 : memref<10000x128xf32, #tpu.memory_space<hbm>>) target(%arg13 : memref<40x128xf32, #tpu.memory_space<vmem>>) offsets(%dma_start3A_127 : memref<40xi32, #tpu.memory_space<vmem>>) semaphore(%arg23 : memref<!tpu.dma_semaphore, #tpu.memory_space<semaphore_mem>>)
    %dma_wait3A_131 = arith.constant 1 : i32
    %dma_wait3A_132 = arith.constant 0 : i32
    %dma_wait3A_133 = tpu.memref_slice %arg9[%dma_wait3A_131, %dma_wait3A_132] : memref<2x40xi32, #tpu.memory_space<vmem>> -> memref<1x40xi32, #tpu.memory_space<vmem>>
    %dma_wait3A_134 = tpu.memref_squeeze %dma_wait3A_133 : memref<1x40xi32, #tpu.memory_space<vmem>> -> memref<40xi32, #tpu.memory_space<vmem>>
    %dma_wait3A_135 = arith.constant 0 : i32
    %dma_wait3A_136 = arith.constant 0 : i32
    %dma_wait3A_137 = tpu.memref_slice %arg2[%dma_wait3A_135, %dma_wait3A_136] : memref<10000x128xf32, #tpu.memory_space<hbm>> -> memref<10000x128xf32, #tpu.memory_space<hbm>>
    tpu.wait_indirect_dma semaphore(%arg24 : memref<!tpu.dma_semaphore, #tpu.memory_space<semaphore_mem>>) src(%dma_wait3A_137 : memref<10000x128xf32, #tpu.memory_space<hbm>>) dst(%arg14 : memref<40x128xf32, #tpu.memory_space<vmem>>)
    %dma_wait3A_138 = arith.constant 0 : i32
    %dma_wait3A_139 = arith.constant 0 : i32
    %dma_wait3A_140 = tpu.memref_slice %arg9[%dma_wait3A_138, %dma_wait3A_139] : memref<2x40xi32, #tpu.memory_space<vmem>> -> memref<1x40xi32, #tpu.memory_space<vmem>>
    %dma_wait3A_141 = tpu.memref_squeeze %dma_wait3A_140 : memref<1x40xi32, #tpu.memory_space<vmem>> -> memref<40xi32, #tpu.memory_space<vmem>>
    %dma_wait3A_142 = arith.constant 0 : i32
    %dma_wait3A_143 = arith.constant 0 : i32
    %dma_wait3A_144 = tpu.memref_slice %arg3[%dma_wait3A_142, %dma_wait3A_143] : memref<10000x128xf32, #tpu.memory_space<hbm>> -> memref<10000x128xf32, #tpu.memory_space<hbm>>
    tpu.wait_indirect_dma semaphore(%arg24 : memref<!tpu.dma_semaphore, #tpu.memory_space<semaphore_mem>>) src(%dma_wait3A_144 : memref<10000x128xf32, #tpu.memory_space<hbm>>) dst(%arg15 : memref<40x128xf32, #tpu.memory_space<vmem>>)
    %dma_wait3A_145 = arith.constant 0 : i32
    %dma_wait3A_146 = arith.constant 0 : i32
    %dma_wait3A_147 = tpu.memref_slice %arg9[%dma_wait3A_145, %dma_wait3A_146] : memref<2x40xi32, #tpu.memory_space<vmem>> -> memref<1x40xi32, #tpu.memory_space<vmem>>
    %dma_wait3A_148 = tpu.memref_squeeze %dma_wait3A_147 : memref<1x40xi32, #tpu.memory_space<vmem>> -> memref<40xi32, #tpu.memory_space<vmem>>
    %dma_wait3A_149 = arith.constant 0 : i32
    %dma_wait3A_150 = arith.constant 0 : i32
    %dma_wait3A_151 = tpu.memref_slice %arg4[%dma_wait3A_149, %dma_wait3A_150] : memref<10000x128xf32, #tpu.memory_space<hbm>> -> memref<10000x128xf32, #tpu.memory_space<hbm>>
    tpu.wait_indirect_dma semaphore(%arg27 : memref<!tpu.dma_semaphore, #tpu.memory_space<semaphore_mem>>) src(%dma_wait3A_151 : memref<10000x128xf32, #tpu.memory_space<hbm>>) dst(%arg16 : memref<40x128xf32, #tpu.memory_space<vmem>>)
    %parallel_loop3A_152 = arith.constant 0 : i32
    %parallel_loop3A_153 = arith.constant 40 : i32
    %parallel_loop3A_154 = arith.constant 1 : i32
    scf.for %parallel_loop3A_259 = %parallel_loop3A_152 to %parallel_loop3A_153 step %parallel_loop3A_154  : i32 {
      %parallel_loop3A_260 = arith.index_cast %parallel_loop3A_259 : i32 to index
      %parallel_loop3A_261 = arith.constant 0 : index
      %parallel_loop3A_262 = tpu.vector_load %arg14[%parallel_loop3A_260, %parallel_loop3A_261] {strides = array<i32>} : memref<40x128xf32, #tpu.memory_space<vmem>>, vector<16xf32>,
      %parallel_loop3A_263 = arith.index_cast %parallel_loop3A_259 : i32 to index
      %parallel_loop3A_264 = arith.constant 0 : index
      %parallel_loop3A_265 = tpu.vector_load %arg15[%parallel_loop3A_263, %parallel_loop3A_264] {strides = array<i32>} : memref<40x128xf32, #tpu.memory_space<vmem>>, vector<16xf32>,
      %parallel_loop3A_266 = arith.mulf %parallel_loop3A_262, %parallel_loop3A_265 : vector<16xf32>
      %parallel_loop3A_267 = arith.constant true
      %parallel_loop3A_268 = vector.broadcast %parallel_loop3A_267 : i1 to vector<16xi1>
      %parallel_loop3A_269 = tpu.scan <sum>, %parallel_loop3A_266 masked %parallel_loop3A_268 : vector<16xf32>, vector<16xi1> -> vector<16xf32>
      %parallel_loop3A_270 = vector.extract %parallel_loop3A_269[15] : f32 from vector<16xf32>
      %parallel_loop3A_271 = vector.broadcast %parallel_loop3A_270 : f32 to vector<16xf32>
      %parallel_loop3A_272 = math.exp %parallel_loop3A_271 : vector<16xf32>
      %parallel_loop3A_273 = arith.index_cast %parallel_loop3A_259 : i32 to index
      %parallel_loop3A_274 = arith.constant 0 : index
      %parallel_loop3A_275 = tpu.vector_load %arg16[%parallel_loop3A_273, %parallel_loop3A_274] {strides = array<i32>} : memref<40x128xf32, #tpu.memory_space<vmem>>, vector<16xf32>,
      %parallel_loop3A_276 = arith.mulf %parallel_loop3A_275, %parallel_loop3A_272 : vector<16xf32>
      %parallel_loop3A_277 = arith.index_cast %parallel_loop3A_259 : i32 to index
      %parallel_loop3A_278 = arith.constant 0 : index
      %parallel_loop3A_279 = tpu.vector_load %arg19[%parallel_loop3A_277, %parallel_loop3A_278] {strides = array<i32>} : memref<40x128xf32, #tpu.memory_space<vmem>>, vector<16xf32>,
      tpu.vector_store %arg19[%parallel_loop3A_277, %parallel_loop3A_278], %parallel_loop3A_276 {strides = array<i32>} : memref<40x128xf32, #tpu.memory_space<vmem>>, vector<16xf32>,
      %parallel_loop3A_280 = arith.constant 0 : i32
      %parallel_loop3A_281 = vector.broadcast %parallel_loop3A_280 : i32 to vector<16xi32>
      %parallel_loop3A_282 = arith.cmpi eq, %iota3A, %parallel_loop3A_281 : vector<16xi32>
      %parallel_loop3A_283 = arith.select %parallel_loop3A_282, %parallel_loop3A_272, %broadcast_in_dim3A_1 : vector<16xi1>, vector<16xf32>
      %parallel_loop3A_284 = arith.index_cast %parallel_loop3A_259 : i32 to index
      %parallel_loop3A_285 = arith.constant 16 : index
      %parallel_loop3A_286 = tpu.vector_load %arg14[%parallel_loop3A_284, %parallel_loop3A_285] {strides = array<i32>} : memref<40x128xf32, #tpu.memory_space<vmem>>, vector<16xf32>,
      %parallel_loop3A_287 = arith.index_cast %parallel_loop3A_259 : i32 to index
      %parallel_loop3A_288 = arith.constant 16 : index
      %parallel_loop3A_289 = tpu.vector_load %arg15[%parallel_loop3A_287, %parallel_loop3A_288] {strides = array<i32>} : memref<40x128xf32, #tpu.memory_space<vmem>>, vector<16xf32>,
      %parallel_loop3A_290 = arith.mulf %parallel_loop3A_286, %parallel_loop3A_289 : vector<16xf32>
      %parallel_loop3A_291 = arith.constant true
      %parallel_loop3A_292 = vector.broadcast %parallel_loop3A_291 : i1 to vector<16xi1>
      %parallel_loop3A_293 = tpu.scan <sum>, %parallel_loop3A_290 masked %parallel_loop3A_292 : vector<16xf32>, vector<16xi1> -> vector<16xf32>
      %parallel_loop3A_294 = vector.extract %parallel_loop3A_293[15] : f32 from vector<16xf32>
      %parallel_loop3A_295 = vector.broadcast %parallel_loop3A_294 : f32 to vector<16xf32>
      %parallel_loop3A_296 = math.exp %parallel_loop3A_295 : vector<16xf32>
      %parallel_loop3A_297 = arith.index_cast %parallel_loop3A_259 : i32 to index
      %parallel_loop3A_298 = arith.constant 16 : index
      %parallel_loop3A_299 = tpu.vector_load %arg16[%parallel_loop3A_297, %parallel_loop3A_298] {strides = array<i32>} : memref<40x128xf32, #tpu.memory_space<vmem>>, vector<16xf32>,
      %parallel_loop3A_300 = arith.mulf %parallel_loop3A_299, %parallel_loop3A_296 : vector<16xf32>
      %parallel_loop3A_301 = arith.index_cast %parallel_loop3A_259 : i32 to index
      %parallel_loop3A_302 = arith.constant 16 : index
      %parallel_loop3A_303 = tpu.vector_load %arg19[%parallel_loop3A_301, %parallel_loop3A_302] {strides = array<i32>} : memref<40x128xf32, #tpu.memory_space<vmem>>, vector<16xf32>,
      tpu.vector_store %arg19[%parallel_loop3A_301, %parallel_loop3A_302], %parallel_loop3A_300 {strides = array<i32>} : memref<40x128xf32, #tpu.memory_space<vmem>>, vector<16xf32>,
      %parallel_loop3A_304 = arith.constant 1 : i32
      %parallel_loop3A_305 = vector.broadcast %parallel_loop3A_304 : i32 to vector<16xi32>
      %parallel_loop3A_306 = arith.cmpi eq, %iota3A, %parallel_loop3A_305 : vector<16xi32>
      %parallel_loop3A_307 = arith.select %parallel_loop3A_306, %parallel_loop3A_296, %parallel_loop3A_283 : vector<16xi1>, vector<16xf32>
      %parallel_loop3A_308 = arith.index_cast %parallel_loop3A_259 : i32 to index
      %parallel_loop3A_309 = arith.constant 32 : index
      %parallel_loop3A_310 = tpu.vector_load %arg14[%parallel_loop3A_308, %parallel_loop3A_309] {strides = array<i32>} : memref<40x128xf32, #tpu.memory_space<vmem>>, vector<16xf32>,
      %parallel_loop3A_311 = arith.index_cast %parallel_loop3A_259 : i32 to index
      %parallel_loop3A_312 = arith.constant 32 : index
      %parallel_loop3A_313 = tpu.vector_load %arg15[%parallel_loop3A_311, %parallel_loop3A_312] {strides = array<i32>} : memref<40x128xf32, #tpu.memory_space<vmem>>, vector<16xf32>,
      %parallel_loop3A_314 = arith.mulf %parallel_loop3A_310, %parallel_loop3A_313 : vector<16xf32>
      %parallel_loop3A_315 = arith.constant true
      %parallel_loop3A_316 = vector.broadcast %parallel_loop3A_315 : i1 to vector<16xi1>
      %parallel_loop3A_317 = tpu.scan <sum>, %parallel_loop3A_314 masked %parallel_loop3A_316 : vector<16xf32>, vector<16xi1> -> vector<16xf32>
      %parallel_loop3A_318 = vector.extract %parallel_loop3A_317[15] : f32 from vector<16xf32>
      %parallel_loop3A_319 = vector.broadcast %parallel_loop3A_318 : f32 to vector<16xf32>
      %parallel_loop3A_320 = math.exp %parallel_loop3A_319 : vector<16xf32>
      %parallel_loop3A_321 = arith.index_cast %parallel_loop3A_259 : i32 to index
      %parallel_loop3A_322 = arith.constant 32 : index
      %parallel_loop3A_323 = tpu.vector_load %arg16[%parallel_loop3A_321, %parallel_loop3A_322] {strides = array<i32>} : memref<40x128xf32, #tpu.memory_space<vmem>>, vector<16xf32>,
      %parallel_loop3A_324 = arith.mulf %parallel_loop3A_323, %parallel_loop3A_320 : vector<16xf32>
      %parallel_loop3A_325 = arith.index_cast %parallel_loop3A_259 : i32 to index
      %parallel_loop3A_326 = arith.constant 32 : index
      %parallel_loop3A_327 = tpu.vector_load %arg19[%parallel_loop3A_325, %parallel_loop3A_326] {strides = array<i32>} : memref<40x128xf32, #tpu.memory_space<vmem>>, vector<16xf32>,
      tpu.vector_store %arg19[%parallel_loop3A_325, %parallel_loop3A_326], %parallel_loop3A_324 {strides = array<i32>} : memref<40x128xf32, #tpu.memory_space<vmem>>, vector<16xf32>,
      %parallel_loop3A_328 = arith.constant 2 : i32
      %parallel_loop3A_329 = vector.broadcast %parallel_loop3A_328 : i32 to vector<16xi32>
      %parallel_loop3A_330 = arith.cmpi eq, %iota3A, %parallel_loop3A_329 : vector<16xi32>
      %parallel_loop3A_331 = arith.select %parallel_loop3A_330, %parallel_loop3A_320, %parallel_loop3A_307 : vector<16xi1>, vector<16xf32>
      %parallel_loop3A_332 = arith.index_cast %parallel_loop3A_259 : i32 to index
      %parallel_loop3A_333 = arith.constant 48 : index
      %parallel_loop3A_334 = tpu.vector_load %arg14[%parallel_loop3A_332, %parallel_loop3A_333] {strides = array<i32>} : memref<40x128xf32, #tpu.memory_space<vmem>>, vector<16xf32>,
      %parallel_loop3A_335 = arith.index_cast %parallel_loop3A_259 : i32 to index
      %parallel_loop3A_336 = arith.constant 48 : index
      %parallel_loop3A_337 = tpu.vector_load %arg15[%parallel_loop3A_335, %parallel_loop3A_336] {strides = array<i32>} : memref<40x128xf32, #tpu.memory_space<vmem>>, vector<16xf32>,
      %parallel_loop3A_338 = arith.mulf %parallel_loop3A_334, %parallel_loop3A_337 : vector<16xf32>
      %parallel_loop3A_339 = arith.constant true
      %parallel_loop3A_340 = vector.broadcast %parallel_loop3A_339 : i1 to vector<16xi1>
      %parallel_loop3A_341 = tpu.scan <sum>, %parallel_loop3A_338 masked %parallel_loop3A_340 : vector<16xf32>, vector<16xi1> -> vector<16xf32>
      %parallel_loop3A_342 = vector.extract %parallel_loop3A_341[15] : f32 from vector<16xf32>
      %parallel_loop3A_343 = vector.broadcast %parallel_loop3A_342 : f32 to vector<16xf32>
      %parallel_loop3A_344 = math.exp %parallel_loop3A_343 : vector<16xf32>
      %parallel_loop3A_345 = arith.index_cast %parallel_loop3A_259 : i32 to index
      %parallel_loop3A_346 = arith.constant 48 : index
      %parallel_loop3A_347 = tpu.vector_load %arg16[%parallel_loop3A_345, %parallel_loop3A_346] {strides = array<i32>} : memref<40x128xf32, #tpu.memory_space<vmem>>, vector<16xf32>,
      %parallel_loop3A_348 = arith.mulf %parallel_loop3A_347, %parallel_loop3A_344 : vector<16xf32>
      %parallel_loop3A_349 = arith.index_cast %parallel_loop3A_259 : i32 to index
      %parallel_loop3A_350 = arith.constant 48 : index
      %parallel_loop3A_351 = tpu.vector_load %arg19[%parallel_loop3A_349, %parallel_loop3A_350] {strides = array<i32>} : memref<40x128xf32, #tpu.memory_space<vmem>>, vector<16xf32>,
      tpu.vector_store %arg19[%parallel_loop3A_349, %parallel_loop3A_350], %parallel_loop3A_348 {strides = array<i32>} : memref<40x128xf32, #tpu.memory_space<vmem>>, vector<16xf32>,
      %parallel_loop3A_352 = arith.constant 3 : i32
      %parallel_loop3A_353 = vector.broadcast %parallel_loop3A_352 : i32 to vector<16xi32>
      %parallel_loop3A_354 = arith.cmpi eq, %iota3A, %parallel_loop3A_353 : vector<16xi32>
      %parallel_loop3A_355 = arith.select %parallel_loop3A_354, %parallel_loop3A_344, %parallel_loop3A_331 : vector<16xi1>, vector<16xf32>
      %parallel_loop3A_356 = arith.index_cast %parallel_loop3A_259 : i32 to index
      %parallel_loop3A_357 = arith.constant 64 : index
      %parallel_loop3A_358 = tpu.vector_load %arg14[%parallel_loop3A_356, %parallel_loop3A_357] {strides = array<i32>} : memref<40x128xf32, #tpu.memory_space<vmem>>, vector<16xf32>,
      %parallel_loop3A_359 = arith.index_cast %parallel_loop3A_259 : i32 to index
      %parallel_loop3A_360 = arith.constant 64 : index
      %parallel_loop3A_361 = tpu.vector_load %arg15[%parallel_loop3A_359, %parallel_loop3A_360] {strides = array<i32>} : memref<40x128xf32, #tpu.memory_space<vmem>>, vector<16xf32>,
      %parallel_loop3A_362 = arith.mulf %parallel_loop3A_358, %parallel_loop3A_361 : vector<16xf32>
      %parallel_loop3A_363 = arith.constant true
      %parallel_loop3A_364 = vector.broadcast %parallel_loop3A_363 : i1 to vector<16xi1>
      %parallel_loop3A_365 = tpu.scan <sum>, %parallel_loop3A_362 masked %parallel_loop3A_364 : vector<16xf32>, vector<16xi1> -> vector<16xf32>
      %parallel_loop3A_366 = vector.extract %parallel_loop3A_365[15] : f32 from vector<16xf32>
      %parallel_loop3A_367 = vector.broadcast %parallel_loop3A_366 : f32 to vector<16xf32>
      %parallel_loop3A_368 = math.exp %parallel_loop3A_367 : vector<16xf32>
      %parallel_loop3A_369 = arith.index_cast %parallel_loop3A_259 : i32 to index
      %parallel_loop3A_370 = arith.constant 64 : index
      %parallel_loop3A_371 = tpu.vector_load %arg16[%parallel_loop3A_369, %parallel_loop3A_370] {strides = array<i32>} : memref<40x128xf32, #tpu.memory_space<vmem>>, vector<16xf32>,
      %parallel_loop3A_372 = arith.mulf %parallel_loop3A_371, %parallel_loop3A_368 : vector<16xf32>
      %parallel_loop3A_373 = arith.index_cast %parallel_loop3A_259 : i32 to index
      %parallel_loop3A_374 = arith.constant 64 : index
      %parallel_loop3A_375 = tpu.vector_load %arg19[%parallel_loop3A_373, %parallel_loop3A_374] {strides = array<i32>} : memref<40x128xf32, #tpu.memory_space<vmem>>, vector<16xf32>,
      tpu.vector_store %arg19[%parallel_loop3A_373, %parallel_loop3A_374], %parallel_loop3A_372 {strides = array<i32>} : memref<40x128xf32, #tpu.memory_space<vmem>>, vector<16xf32>,
      %parallel_loop3A_376 = arith.constant 4 : i32
      %parallel_loop3A_377 = vector.broadcast %parallel_loop3A_376 : i32 to vector<16xi32>
      %parallel_loop3A_378 = arith.cmpi eq, %iota3A, %parallel_loop3A_377 : vector<16xi32>
      %parallel_loop3A_379 = arith.select %parallel_loop3A_378, %parallel_loop3A_368, %parallel_loop3A_355 : vector<16xi1>, vector<16xf32>
      %parallel_loop3A_380 = arith.index_cast %parallel_loop3A_259 : i32 to index
      %parallel_loop3A_381 = arith.constant 80 : index
      %parallel_loop3A_382 = tpu.vector_load %arg14[%parallel_loop3A_380, %parallel_loop3A_381] {strides = array<i32>} : memref<40x128xf32, #tpu.memory_space<vmem>>, vector<16xf32>,
      %parallel_loop3A_383 = arith.index_cast %parallel_loop3A_259 : i32 to index
      %parallel_loop3A_384 = arith.constant 80 : index
      %parallel_loop3A_385 = tpu.vector_load %arg15[%parallel_loop3A_383, %parallel_loop3A_384] {strides = array<i32>} : memref<40x128xf32, #tpu.memory_space<vmem>>, vector<16xf32>,
      %parallel_loop3A_386 = arith.mulf %parallel_loop3A_382, %parallel_loop3A_385 : vector<16xf32>
      %parallel_loop3A_387 = arith.constant true
      %parallel_loop3A_388 = vector.broadcast %parallel_loop3A_387 : i1 to vector<16xi1>
      %parallel_loop3A_389 = tpu.scan <sum>, %parallel_loop3A_386 masked %parallel_loop3A_388 : vector<16xf32>, vector<16xi1> -> vector<16xf32>
      %parallel_loop3A_390 = vector.extract %parallel_loop3A_389[15] : f32 from vector<16xf32>
      %parallel_loop3A_391 = vector.broadcast %parallel_loop3A_390 : f32 to vector<16xf32>
      %parallel_loop3A_392 = math.exp %parallel_loop3A_391 : vector<16xf32>
      %parallel_loop3A_393 = arith.index_cast %parallel_loop3A_259 : i32 to index
      %parallel_loop3A_394 = arith.constant 80 : index
      %parallel_loop3A_395 = tpu.vector_load %arg16[%parallel_loop3A_393, %parallel_loop3A_394] {strides = array<i32>} : memref<40x128xf32, #tpu.memory_space<vmem>>, vector<16xf32>,
      %parallel_loop3A_396 = arith.mulf %parallel_loop3A_395, %parallel_loop3A_392 : vector<16xf32>
      %parallel_loop3A_397 = arith.index_cast %parallel_loop3A_259 : i32 to index
      %parallel_loop3A_398 = arith.constant 80 : index
      %parallel_loop3A_399 = tpu.vector_load %arg19[%parallel_loop3A_397, %parallel_loop3A_398] {strides = array<i32>} : memref<40x128xf32, #tpu.memory_space<vmem>>, vector<16xf32>,
      tpu.vector_store %arg19[%parallel_loop3A_397, %parallel_loop3A_398], %parallel_loop3A_396 {strides = array<i32>} : memref<40x128xf32, #tpu.memory_space<vmem>>, vector<16xf32>,
      %parallel_loop3A_400 = arith.constant 5 : i32
      %parallel_loop3A_401 = vector.broadcast %parallel_loop3A_400 : i32 to vector<16xi32>
      %parallel_loop3A_402 = arith.cmpi eq, %iota3A, %parallel_loop3A_401 : vector<16xi32>
      %parallel_loop3A_403 = arith.select %parallel_loop3A_402, %parallel_loop3A_392, %parallel_loop3A_379 : vector<16xi1>, vector<16xf32>
      %parallel_loop3A_404 = arith.index_cast %parallel_loop3A_259 : i32 to index
      %parallel_loop3A_405 = arith.constant 96 : index
      %parallel_loop3A_406 = tpu.vector_load %arg14[%parallel_loop3A_404, %parallel_loop3A_405] {strides = array<i32>} : memref<40x128xf32, #tpu.memory_space<vmem>>, vector<16xf32>,
      %parallel_loop3A_407 = arith.index_cast %parallel_loop3A_259 : i32 to index
      %parallel_loop3A_408 = arith.constant 96 : index
      %parallel_loop3A_409 = tpu.vector_load %arg15[%parallel_loop3A_407, %parallel_loop3A_408] {strides = array<i32>} : memref<40x128xf32, #tpu.memory_space<vmem>>, vector<16xf32>,
      %parallel_loop3A_410 = arith.mulf %parallel_loop3A_406, %parallel_loop3A_409 : vector<16xf32>
      %parallel_loop3A_411 = arith.constant true
      %parallel_loop3A_412 = vector.broadcast %parallel_loop3A_411 : i1 to vector<16xi1>
      %parallel_loop3A_413 = tpu.scan <sum>, %parallel_loop3A_410 masked %parallel_loop3A_412 : vector<16xf32>, vector<16xi1> -> vector<16xf32>
      %parallel_loop3A_414 = vector.extract %parallel_loop3A_413[15] : f32 from vector<16xf32>
      %parallel_loop3A_415 = vector.broadcast %parallel_loop3A_414 : f32 to vector<16xf32>
      %parallel_loop3A_416 = math.exp %parallel_loop3A_415 : vector<16xf32>
      %parallel_loop3A_417 = arith.index_cast %parallel_loop3A_259 : i32 to index
      %parallel_loop3A_418 = arith.constant 96 : index
      %parallel_loop3A_419 = tpu.vector_load %arg16[%parallel_loop3A_417, %parallel_loop3A_418] {strides = array<i32>} : memref<40x128xf32, #tpu.memory_space<vmem>>, vector<16xf32>,
      %parallel_loop3A_420 = arith.mulf %parallel_loop3A_419, %parallel_loop3A_416 : vector<16xf32>
      %parallel_loop3A_421 = arith.index_cast %parallel_loop3A_259 : i32 to index
      %parallel_loop3A_422 = arith.constant 96 : index
      %parallel_loop3A_423 = tpu.vector_load %arg19[%parallel_loop3A_421, %parallel_loop3A_422] {strides = array<i32>} : memref<40x128xf32, #tpu.memory_space<vmem>>, vector<16xf32>,
      tpu.vector_store %arg19[%parallel_loop3A_421, %parallel_loop3A_422], %parallel_loop3A_420 {strides = array<i32>} : memref<40x128xf32, #tpu.memory_space<vmem>>, vector<16xf32>,
      %parallel_loop3A_424 = arith.constant 6 : i32
      %parallel_loop3A_425 = vector.broadcast %parallel_loop3A_424 : i32 to vector<16xi32>
      %parallel_loop3A_426 = arith.cmpi eq, %iota3A, %parallel_loop3A_425 : vector<16xi32>
      %parallel_loop3A_427 = arith.select %parallel_loop3A_426, %parallel_loop3A_416, %parallel_loop3A_403 : vector<16xi1>, vector<16xf32>
      %parallel_loop3A_428 = arith.index_cast %parallel_loop3A_259 : i32 to index
      %parallel_loop3A_429 = arith.constant 112 : index
      %parallel_loop3A_430 = tpu.vector_load %arg14[%parallel_loop3A_428, %parallel_loop3A_429] {strides = array<i32>} : memref<40x128xf32, #tpu.memory_space<vmem>>, vector<16xf32>,
      %parallel_loop3A_431 = arith.index_cast %parallel_loop3A_259 : i32 to index
      %parallel_loop3A_432 = arith.constant 112 : index
      %parallel_loop3A_433 = tpu.vector_load %arg15[%parallel_loop3A_431, %parallel_loop3A_432] {strides = array<i32>} : memref<40x128xf32, #tpu.memory_space<vmem>>, vector<16xf32>,
      %parallel_loop3A_434 = arith.mulf %parallel_loop3A_430, %parallel_loop3A_433 : vector<16xf32>
      %parallel_loop3A_435 = arith.constant true
      %parallel_loop3A_436 = vector.broadcast %parallel_loop3A_435 : i1 to vector<16xi1>
      %parallel_loop3A_437 = tpu.scan <sum>, %parallel_loop3A_434 masked %parallel_loop3A_436 : vector<16xf32>, vector<16xi1> -> vector<16xf32>
      %parallel_loop3A_438 = vector.extract %parallel_loop3A_437[15] : f32 from vector<16xf32>
      %parallel_loop3A_439 = vector.broadcast %parallel_loop3A_438 : f32 to vector<16xf32>
      %parallel_loop3A_440 = math.exp %parallel_loop3A_439 : vector<16xf32>
      %parallel_loop3A_441 = arith.index_cast %parallel_loop3A_259 : i32 to index
      %parallel_loop3A_442 = arith.constant 112 : index
      %parallel_loop3A_443 = tpu.vector_load %arg16[%parallel_loop3A_441, %parallel_loop3A_442] {strides = array<i32>} : memref<40x128xf32, #tpu.memory_space<vmem>>, vector<16xf32>,
      %parallel_loop3A_444 = arith.mulf %parallel_loop3A_443, %parallel_loop3A_440 : vector<16xf32>
      %parallel_loop3A_445 = arith.index_cast %parallel_loop3A_259 : i32 to index
      %parallel_loop3A_446 = arith.constant 112 : index
      %parallel_loop3A_447 = tpu.vector_load %arg19[%parallel_loop3A_445, %parallel_loop3A_446] {strides = array<i32>} : memref<40x128xf32, #tpu.memory_space<vmem>>, vector<16xf32>,
      tpu.vector_store %arg19[%parallel_loop3A_445, %parallel_loop3A_446], %parallel_loop3A_444 {strides = array<i32>} : memref<40x128xf32, #tpu.memory_space<vmem>>, vector<16xf32>,
      %parallel_loop3A_448 = arith.constant 7 : i32
      %parallel_loop3A_449 = vector.broadcast %parallel_loop3A_448 : i32 to vector<16xi32>
      %parallel_loop3A_450 = arith.cmpi eq, %iota3A, %parallel_loop3A_449 : vector<16xi32>
      %parallel_loop3A_451 = arith.select %parallel_loop3A_450, %parallel_loop3A_440, %parallel_loop3A_427 : vector<16xi1>, vector<16xf32>
      %parallel_loop3A_452 = arith.index_cast %parallel_loop3A_259 : i32 to index
      %parallel_loop3A_453 = arith.constant 0 : index
      %parallel_loop3A_454 = tpu.vector_load %arg20[%parallel_loop3A_452, %parallel_loop3A_453] {strides = array<i32>} : memref<40x16xf32, #tpu.memory_space<vmem>>, vector<16xf32>,
      tpu.vector_store %arg20[%parallel_loop3A_452, %parallel_loop3A_453], %parallel_loop3A_451 {strides = array<i32>} : memref<40x16xf32, #tpu.memory_space<vmem>>, vector<16xf32>,
    } {sc.loop_unroll_factor = 2 : i64, sc.parallel_access}
    %get3A_155 = arith.constant 1 : i32
    %get3A_156 = arith.index_cast %get3A_155 : i32 to index
    %get3A_157 = arith.constant 0 : index
    %get3A_158 = tpu.vector_load %arg9[%get3A_156, %get3A_157] {strides = array<i32>} : memref<2x40xi32, #tpu.memory_space<vmem>>, vector<16xi32>,
    %swap3A_159 = arith.constant 0 : index
    %swap3A_160 = tpu.vector_load %arg11[%swap3A_159] {strides = array<i32>} : memref<40xi32, #tpu.memory_space<vmem>>, vector<16xi32>,
    tpu.vector_store %arg11[%swap3A_159], %get3A_158 {strides = array<i32>} : memref<40xi32, #tpu.memory_space<vmem>>, vector<16xi32>,
    %get3A_161 = arith.constant 1 : i32
    %get3A_162 = arith.index_cast %get3A_161 : i32 to index
    %get3A_163 = arith.constant 16 : index
    %get3A_164 = tpu.vector_load %arg9[%get3A_162, %get3A_163] {strides = array<i32>} : memref<2x40xi32, #tpu.memory_space<vmem>>, vector<16xi32>,
    %swap3A_165 = arith.constant 16 : index
    %swap3A_166 = tpu.vector_load %arg11[%swap3A_165] {strides = array<i32>} : memref<40xi32, #tpu.memory_space<vmem>>, vector<16xi32>,
    tpu.vector_store %arg11[%swap3A_165], %get3A_164 {strides = array<i32>} : memref<40xi32, #tpu.memory_space<vmem>>, vector<16xi32>,
    %get3A_167 = arith.constant 1 : i32
    %get3A_168 = arith.index_cast %get3A_167 : i32 to index
    %get3A_169 = arith.constant 24 : index
    %get3A_170 = tpu.vector_load %arg9[%get3A_168, %get3A_169] {strides = array<i32>} : memref<2x40xi32, #tpu.memory_space<vmem>>, vector<16xi32>,
    %swap3A_171 = arith.constant 24 : index
    %swap3A_172 = tpu.vector_load %arg11[%swap3A_171] {strides = array<i32>} : memref<40xi32, #tpu.memory_space<vmem>>, vector<16xi32>,
    tpu.vector_store %arg11[%swap3A_171], %get3A_170 {strides = array<i32>} : memref<40xi32, #tpu.memory_space<vmem>>, vector<16xi32>,
    %dma_start3A_173 = arith.constant 0 : i32
    %dma_start3A_174 = arith.constant 0 : i32
    %dma_start3A_175 = tpu.memref_slice %arg21[%dma_start3A_173, %dma_start3A_174] : memref<10240x128xf32, #tpu.memory_space<vmem_shared>> -> memref<10240x128xf32, #tpu.memory_space<vmem_shared>>
    tpu.enqueue_indirect_dma source(%arg19 : memref<40x128xf32, #tpu.memory_space<vmem>>) target(%dma_start3A_175 : memref<10240x128xf32, #tpu.memory_space<vmem_shared>>) offsets(%arg11 : memref<40xi32, #tpu.memory_space<vmem>>) semaphore(%arg26 : memref<!tpu.dma_semaphore, #tpu.memory_space<semaphore_mem>>) {add = true}
    %dma_start3A_176 = arith.constant 0 : i32
    %dma_start3A_177 = arith.constant 0 : i32
    %dma_start3A_178 = tpu.memref_slice %arg22[%dma_start3A_176, %dma_start3A_177] : memref<10240x16xf32, #tpu.memory_space<vmem_shared>> -> memref<10240x16xf32, #tpu.memory_space<vmem_shared>>
    tpu.enqueue_indirect_dma source(%arg20 : memref<40x16xf32, #tpu.memory_space<vmem>>) target(%dma_start3A_178 : memref<10240x16xf32, #tpu.memory_space<vmem_shared>>) offsets(%arg11 : memref<40xi32, #tpu.memory_space<vmem>>) semaphore(%arg26 : memref<!tpu.dma_semaphore, #tpu.memory_space<semaphore_mem>>) {add = true}
    %dma_start3A_179 = arith.constant 0 : i32
    %dma_start3A_180 = arith.constant 0 : i32
    %dma_start3A_181 = tpu.memref_slice %arg8[%dma_start3A_179, %dma_start3A_180] : memref<2x40xi32, #tpu.memory_space<vmem>> -> memref<1x40xi32, #tpu.memory_space<vmem>>
    %dma_start3A_182 = tpu.memref_squeeze %dma_start3A_181 : memref<1x40xi32, #tpu.memory_space<vmem>> -> memref<40xi32, #tpu.memory_space<vmem>>
    %dma_start3A_183 = arith.constant 0 : i32
    %dma_start3A_184 = arith.constant 0 : i32
    %dma_start3A_185 = tpu.memref_slice %arg4[%dma_start3A_183, %dma_start3A_184] : memref<10000x128xf32, #tpu.memory_space<hbm>> -> memref<10000x128xf32, #tpu.memory_space<hbm>>
    tpu.enqueue_indirect_dma source(%dma_start3A_185 : memref<10000x128xf32, #tpu.memory_space<hbm>>) target(%arg16 : memref<40x128xf32, #tpu.memory_space<vmem>>) offsets(%dma_start3A_182 : memref<40xi32, #tpu.memory_space<vmem>>) semaphore(%arg27 : memref<!tpu.dma_semaphore, #tpu.memory_space<semaphore_mem>>)
    %min3A_186 = arith.constant 3 : i32
    %min3A_187 = arith.constant 249 : i32
    %min3A_188 = arith.minsi %min3A_186, %min3A_187 : i32
    %mul3A_189 = arith.constant 40 : i32
    %mul3A_190 = arith.muli %min3A_188, %mul3A_189 : i32
    %add3A_191 = arith.addi %mul3A_3, %mul3A_190 : i32
    "tpu.region"() ({
      %run_scoped3A = tpu.sem_alloc : memref<!tpu.dma_semaphore, #tpu.memory_space<semaphore_mem>>
      %dma_start3A_259 = arith.constant 0 : i32
      %dma_start3A_260 = tpu.memref_slice %arg5[%dma_start3A_259, %add3A_191] : memref<2x320000xi32, #tpu.memory_space<hbm>> -> memref<2x40xi32, #tpu.memory_space<hbm>>
      %dma_start3A_261 = arith.constant 0 : i32
      %dma_start3A_262 = tpu.memref_slice %arg5[%dma_start3A_261, %add3A_191] : memref<2x320000xi32, #tpu.memory_space<hbm>> -> memref<2x40xi32, #tpu.memory_space<hbm>>
      tpu.enqueue_dma source(%dma_start3A_262 : memref<2x40xi32, #tpu.memory_space<hbm>>) target(%arg9 : memref<2x40xi32, #tpu.memory_space<vmem>>) target_semaphore(%run_scoped3A : memref<!tpu.dma_semaphore, #tpu.memory_space<semaphore_mem>>)
      %dma_wait3A_263 = arith.constant 0 : i32
      %dma_wait3A_264 = tpu.memref_slice %arg5[%dma_wait3A_263, %add3A_191] : memref<2x320000xi32, #tpu.memory_space<hbm>> -> memref<2x40xi32, #tpu.memory_space<hbm>>
      %dma_wait3A_265 = arith.constant 0 : i32
      %dma_wait3A_266 = tpu.memref_slice %arg5[%dma_wait3A_265, %add3A_191] : memref<2x320000xi32, #tpu.memory_space<hbm>> -> memref<2x40xi32, #tpu.memory_space<hbm>>
      tpu.wait_dma2 semaphore(%run_scoped3A : memref<!tpu.dma_semaphore, #tpu.memory_space<semaphore_mem>>) src(%dma_wait3A_266 : memref<2x40xi32, #tpu.memory_space<hbm>>) dst(%arg9 : memref<2x40xi32, #tpu.memory_space<vmem>>)
      tpu.yield
    }) : () -> ()
    %dma_start3A_192 = arith.constant 1 : i32
    %dma_start3A_193 = arith.constant 0 : i32
    %dma_start3A_194 = tpu.memref_slice %arg9[%dma_start3A_192, %dma_start3A_193] : memref<2x40xi32, #tpu.memory_space<vmem>> -> memref<1x40xi32, #tpu.memory_space<vmem>>
    %dma_start3A_195 = tpu.memref_squeeze %dma_start3A_194 : memref<1x40xi32, #tpu.memory_space<vmem>> -> memref<40xi32, #tpu.memory_space<vmem>>
    %dma_start3A_196 = arith.constant 0 : i32
    %dma_start3A_197 = arith.constant 0 : i32
    %dma_start3A_198 = tpu.memref_slice %arg2[%dma_start3A_196, %dma_start3A_197] : memref<10000x128xf32, #tpu.memory_space<hbm>> -> memref<10000x128xf32, #tpu.memory_space<hbm>>
    tpu.enqueue_indirect_dma source(%dma_start3A_198 : memref<10000x128xf32, #tpu.memory_space<hbm>>) target(%arg14 : memref<40x128xf32, #tpu.memory_space<vmem>>) offsets(%dma_start3A_195 : memref<40xi32, #tpu.memory_space<vmem>>) semaphore(%arg24 : memref<!tpu.dma_semaphore, #tpu.memory_space<semaphore_mem>>)
    %dma_start3A_199 = arith.constant 0 : i32
    %dma_start3A_200 = arith.constant 0 : i32
    %dma_start3A_201 = tpu.memref_slice %arg9[%dma_start3A_199, %dma_start3A_200] : memref<2x40xi32, #tpu.memory_space<vmem>> -> memref<1x40xi32, #tpu.memory_space<vmem>>
    %dma_start3A_202 = tpu.memref_squeeze %dma_start3A_201 : memref<1x40xi32, #tpu.memory_space<vmem>> -> memref<40xi32, #tpu.memory_space<vmem>>
    %dma_start3A_203 = arith.constant 0 : i32
    %dma_start3A_204 = arith.constant 0 : i32
    %dma_start3A_205 = tpu.memref_slice %arg3[%dma_start3A_203, %dma_start3A_204] : memref<10000x128xf32, #tpu.memory_space<hbm>> -> memref<10000x128xf32, #tpu.memory_space<hbm>>
    tpu.enqueue_indirect_dma source(%dma_start3A_205 : memref<10000x128xf32, #tpu.memory_space<hbm>>) target(%arg15 : memref<40x128xf32, #tpu.memory_space<vmem>>) offsets(%dma_start3A_202 : memref<40xi32, #tpu.memory_space<vmem>>) semaphore(%arg24 : memref<!tpu.dma_semaphore, #tpu.memory_space<semaphore_mem>>)
    %scan3A_206 = arith.constant 0 : i32
    %scan3A_207 = arith.constant 124 : i32
    %scan3A_208 = arith.addi %scan3A_206, %scan3A_207 : i32
    %scan3A_209 = arith.constant 1 : i32
    scf.for %scan3A_259 = %scan3A_206 to %scan3A_208 step %scan3A_209  : i32 {
      %mul3A_260 = arith.constant 2 : i32
      %mul3A_261 = arith.muli %scan3A_259, %mul3A_260 : i32
      %add3A_262 = arith.constant 2 : i32
      %add3A_263 = arith.addi %add3A_262, %mul3A_261 : i32
      %dma_wait3A_264 = arith.constant 1 : i32
      %dma_wait3A_265 = arith.constant 0 : i32
      %dma_wait3A_266 = tpu.memref_slice %arg8[%dma_wait3A_264, %dma_wait3A_265] : memref<2x40xi32, #tpu.memory_space<vmem>> -> memref<1x40xi32, #tpu.memory_space<vmem>>
      %dma_wait3A_267 = tpu.memref_squeeze %dma_wait3A_266 : memref<1x40xi32, #tpu.memory_space<vmem>> -> memref<40xi32, #tpu.memory_space<vmem>>
      %dma_wait3A_268 = arith.constant 0 : i32
      %dma_wait3A_269 = arith.constant 0 : i32
      %dma_wait3A_270 = tpu.memref_slice %arg2[%dma_wait3A_268, %dma_wait3A_269] : memref<10000x128xf32, #tpu.memory_space<hbm>> -> memref<10000x128xf32, #tpu.memory_space<hbm>>
      tpu.wait_indirect_dma semaphore(%arg23 : memref<!tpu.dma_semaphore, #tpu.memory_space<semaphore_mem>>) src(%dma_wait3A_270 : memref<10000x128xf32, #tpu.memory_space<hbm>>) dst(%arg12 : memref<40x128xf32, #tpu.memory_space<vmem>>)
      %dma_wait3A_271 = arith.constant 0 : i32
      %dma_wait3A_272 = arith.constant 0 : i32
      %dma_wait3A_273 = tpu.memref_slice %arg8[%dma_wait3A_271, %dma_wait3A_272] : memref<2x40xi32, #tpu.memory_space<vmem>> -> memref<1x40xi32, #tpu.memory_space<vmem>>
      %dma_wait3A_274 = tpu.memref_squeeze %dma_wait3A_273 : memref<1x40xi32, #tpu.memory_space<vmem>> -> memref<40xi32, #tpu.memory_space<vmem>>
      %dma_wait3A_275 = arith.constant 0 : i32
      %dma_wait3A_276 = arith.constant 0 : i32
      %dma_wait3A_277 = tpu.memref_slice %arg3[%dma_wait3A_275, %dma_wait3A_276] : memref<10000x128xf32, #tpu.memory_space<hbm>> -> memref<10000x128xf32, #tpu.memory_space<hbm>>
      tpu.wait_indirect_dma semaphore(%arg23 : memref<!tpu.dma_semaphore, #tpu.memory_space<semaphore_mem>>) src(%dma_wait3A_277 : memref<10000x128xf32, #tpu.memory_space<hbm>>) dst(%arg13 : memref<40x128xf32, #tpu.memory_space<vmem>>)
      %dma_wait3A_278 = arith.constant 0 : i32
      %dma_wait3A_279 = arith.constant 0 : i32
      %dma_wait3A_280 = tpu.memref_slice %arg21[%dma_wait3A_278, %dma_wait3A_279] : memref<10240x128xf32, #tpu.memory_space<vmem_shared>> -> memref<10240x128xf32, #tpu.memory_space<vmem_shared>>
      tpu.wait_indirect_dma semaphore(%arg25 : memref<!tpu.dma_semaphore, #tpu.memory_space<semaphore_mem>>) src(%arg17 : memref<40x128xf32, #tpu.memory_space<vmem>>) dst(%dma_wait3A_280 : memref<10240x128xf32, #tpu.memory_space<vmem_shared>>)
      %dma_wait3A_281 = arith.constant 0 : i32
      %dma_wait3A_282 = arith.constant 0 : i32
      %dma_wait3A_283 = tpu.memref_slice %arg22[%dma_wait3A_281, %dma_wait3A_282] : memref<10240x16xf32, #tpu.memory_space<vmem_shared>> -> memref<10240x16xf32, #tpu.memory_space<vmem_shared>>
      tpu.wait_indirect_dma semaphore(%arg25 : memref<!tpu.dma_semaphore, #tpu.memory_space<semaphore_mem>>) src(%arg18 : memref<40x16xf32, #tpu.memory_space<vmem>>) dst(%dma_wait3A_283 : memref<10240x16xf32, #tpu.memory_space<vmem_shared>>)
      %dma_wait3A_284 = arith.constant 0 : i32
      %dma_wait3A_285 = arith.constant 0 : i32
      %dma_wait3A_286 = tpu.memref_slice %arg8[%dma_wait3A_284, %dma_wait3A_285] : memref<2x40xi32, #tpu.memory_space<vmem>> -> memref<1x40xi32, #tpu.memory_space<vmem>>
      %dma_wait3A_287 = tpu.memref_squeeze %dma_wait3A_286 : memref<1x40xi32, #tpu.memory_space<vmem>> -> memref<40xi32, #tpu.memory_space<vmem>>
      %dma_wait3A_288 = arith.constant 0 : i32
      %dma_wait3A_289 = arith.constant 0 : i32
      %dma_wait3A_290 = tpu.memref_slice %arg4[%dma_wait3A_288, %dma_wait3A_289] : memref<10000x128xf32, #tpu.memory_space<hbm>> -> memref<10000x128xf32, #tpu.memory_space<hbm>>
      tpu.wait_indirect_dma semaphore(%arg27 : memref<!tpu.dma_semaphore, #tpu.memory_space<semaphore_mem>>) src(%dma_wait3A_290 : memref<10000x128xf32, #tpu.memory_space<hbm>>) dst(%arg16 : memref<40x128xf32, #tpu.memory_space<vmem>>)
      %parallel_loop3A_291 = arith.constant 0 : i32
      %parallel_loop3A_292 = arith.constant 40 : i32
      %parallel_loop3A_293 = arith.constant 1 : i32
      scf.for %parallel_loop3A_430 = %parallel_loop3A_291 to %parallel_loop3A_292 step %parallel_loop3A_293  : i32 {
        %parallel_loop3A_431 = arith.index_cast %parallel_loop3A_430 : i32 to index
        %parallel_loop3A_432 = arith.constant 0 : index
        %parallel_loop3A_433 = tpu.vector_load %arg12[%parallel_loop3A_431, %parallel_loop3A_432] {strides = array<i32>} : memref<40x128xf32, #tpu.memory_space<vmem>>, vector<16xf32>,
        %parallel_loop3A_434 = arith.index_cast %parallel_loop3A_430 : i32 to index
        %parallel_loop3A_435 = arith.constant 0 : index
        %parallel_loop3A_436 = tpu.vector_load %arg13[%parallel_loop3A_434, %parallel_loop3A_435] {strides = array<i32>} : memref<40x128xf32, #tpu.memory_space<vmem>>, vector<16xf32>,
        %parallel_loop3A_437 = arith.mulf %parallel_loop3A_433, %parallel_loop3A_436 : vector<16xf32>
        %parallel_loop3A_438 = arith.constant true
        %parallel_loop3A_439 = vector.broadcast %parallel_loop3A_438 : i1 to vector<16xi1>
        %parallel_loop3A_440 = tpu.scan <sum>, %parallel_loop3A_437 masked %parallel_loop3A_439 : vector<16xf32>, vector<16xi1> -> vector<16xf32>
        %parallel_loop3A_441 = vector.extract %parallel_loop3A_440[15] : f32 from vector<16xf32>
        %parallel_loop3A_442 = vector.broadcast %parallel_loop3A_441 : f32 to vector<16xf32>
        %parallel_loop3A_443 = math.exp %parallel_loop3A_442 : vector<16xf32>
        %parallel_loop3A_444 = arith.index_cast %parallel_loop3A_430 : i32 to index
        %parallel_loop3A_445 = arith.constant 0 : index
        %parallel_loop3A_446 = tpu.vector_load %arg16[%parallel_loop3A_444, %parallel_loop3A_445] {strides = array<i32>} : memref<40x128xf32, #tpu.memory_space<vmem>>, vector<16xf32>,
        %parallel_loop3A_447 = arith.mulf %parallel_loop3A_446, %parallel_loop3A_443 : vector<16xf32>
        %parallel_loop3A_448 = arith.index_cast %parallel_loop3A_430 : i32 to index
        %parallel_loop3A_449 = arith.constant 0 : index
        %parallel_loop3A_450 = tpu.vector_load %arg17[%parallel_loop3A_448, %parallel_loop3A_449] {strides = array<i32>} : memref<40x128xf32, #tpu.memory_space<vmem>>, vector<16xf32>,
        tpu.vector_store %arg17[%parallel_loop3A_448, %parallel_loop3A_449], %parallel_loop3A_447 {strides = array<i32>} : memref<40x128xf32, #tpu.memory_space<vmem>>, vector<16xf32>,
        %parallel_loop3A_451 = arith.constant 0 : i32
        %parallel_loop3A_452 = vector.broadcast %parallel_loop3A_451 : i32 to vector<16xi32>
        %parallel_loop3A_453 = arith.cmpi eq, %iota3A, %parallel_loop3A_452 : vector<16xi32>
        %parallel_loop3A_454 = arith.select %parallel_loop3A_453, %parallel_loop3A_443, %broadcast_in_dim3A_1 : vector<16xi1>, vector<16xf32>
        %parallel_loop3A_455 = arith.index_cast %parallel_loop3A_430 : i32 to index
        %parallel_loop3A_456 = arith.constant 16 : index
        %parallel_loop3A_457 = tpu.vector_load %arg12[%parallel_loop3A_455, %parallel_loop3A_456] {strides = array<i32>} : memref<40x128xf32, #tpu.memory_space<vmem>>, vector<16xf32>,
        %parallel_loop3A_458 = arith.index_cast %parallel_loop3A_430 : i32 to index
        %parallel_loop3A_459 = arith.constant 16 : index
        %parallel_loop3A_460 = tpu.vector_load %arg13[%parallel_loop3A_458, %parallel_loop3A_459] {strides = array<i32>} : memref<40x128xf32, #tpu.memory_space<vmem>>, vector<16xf32>,
        %parallel_loop3A_461 = arith.mulf %parallel_loop3A_457, %parallel_loop3A_460 : vector<16xf32>
        %parallel_loop3A_462 = arith.constant true
        %parallel_loop3A_463 = vector.broadcast %parallel_loop3A_462 : i1 to vector<16xi1>
        %parallel_loop3A_464 = tpu.scan <sum>, %parallel_loop3A_461 masked %parallel_loop3A_463 : vector<16xf32>, vector<16xi1> -> vector<16xf32>
        %parallel_loop3A_465 = vector.extract %parallel_loop3A_464[15] : f32 from vector<16xf32>
        %parallel_loop3A_466 = vector.broadcast %parallel_loop3A_465 : f32 to vector<16xf32>
        %parallel_loop3A_467 = math.exp %parallel_loop3A_466 : vector<16xf32>
        %parallel_loop3A_468 = arith.index_cast %parallel_loop3A_430 : i32 to index
        %parallel_loop3A_469 = arith.constant 16 : index
        %parallel_loop3A_470 = tpu.vector_load %arg16[%parallel_loop3A_468, %parallel_loop3A_469] {strides = array<i32>} : memref<40x128xf32, #tpu.memory_space<vmem>>, vector<16xf32>,
        %parallel_loop3A_471 = arith.mulf %parallel_loop3A_470, %parallel_loop3A_467 : vector<16xf32>
        %parallel_loop3A_472 = arith.index_cast %parallel_loop3A_430 : i32 to index
        %parallel_loop3A_473 = arith.constant 16 : index
        %parallel_loop3A_474 = tpu.vector_load %arg17[%parallel_loop3A_472, %parallel_loop3A_473] {strides = array<i32>} : memref<40x128xf32, #tpu.memory_space<vmem>>, vector<16xf32>,
        tpu.vector_store %arg17[%parallel_loop3A_472, %parallel_loop3A_473], %parallel_loop3A_471 {strides = array<i32>} : memref<40x128xf32, #tpu.memory_space<vmem>>, vector<16xf32>,
        %parallel_loop3A_475 = arith.constant 1 : i32
        %parallel_loop3A_476 = vector.broadcast %parallel_loop3A_475 : i32 to vector<16xi32>
        %parallel_loop3A_477 = arith.cmpi eq, %iota3A, %parallel_loop3A_476 : vector<16xi32>
        %parallel_loop3A_478 = arith.select %parallel_loop3A_477, %parallel_loop3A_467, %parallel_loop3A_454 : vector<16xi1>, vector<16xf32>
        %parallel_loop3A_479 = arith.index_cast %parallel_loop3A_430 : i32 to index
        %parallel_loop3A_480 = arith.constant 32 : index
        %parallel_loop3A_481 = tpu.vector_load %arg12[%parallel_loop3A_479, %parallel_loop3A_480] {strides = array<i32>} : memref<40x128xf32, #tpu.memory_space<vmem>>, vector<16xf32>,
        %parallel_loop3A_482 = arith.index_cast %parallel_loop3A_430 : i32 to index
        %parallel_loop3A_483 = arith.constant 32 : index
        %parallel_loop3A_484 = tpu.vector_load %arg13[%parallel_loop3A_482, %parallel_loop3A_483] {strides = array<i32>} : memref<40x128xf32, #tpu.memory_space<vmem>>, vector<16xf32>,
        %parallel_loop3A_485 = arith.mulf %parallel_loop3A_481, %parallel_loop3A_484 : vector<16xf32>
        %parallel_loop3A_486 = arith.constant true
        %parallel_loop3A_487 = vector.broadcast %parallel_loop3A_486 : i1 to vector<16xi1>
        %parallel_loop3A_488 = tpu.scan <sum>, %parallel_loop3A_485 masked %parallel_loop3A_487 : vector<16xf32>, vector<16xi1> -> vector<16xf32>
        %parallel_loop3A_489 = vector.extract %parallel_loop3A_488[15] : f32 from vector<16xf32>
        %parallel_loop3A_490 = vector.broadcast %parallel_loop3A_489 : f32 to vector<16xf32>
        %parallel_loop3A_491 = math.exp %parallel_loop3A_490 : vector<16xf32>
        %parallel_loop3A_492 = arith.index_cast %parallel_loop3A_430 : i32 to index
        %parallel_loop3A_493 = arith.constant 32 : index
        %parallel_loop3A_494 = tpu.vector_load %arg16[%parallel_loop3A_492, %parallel_loop3A_493] {strides = array<i32>} : memref<40x128xf32, #tpu.memory_space<vmem>>, vector<16xf32>,
        %parallel_loop3A_495 = arith.mulf %parallel_loop3A_494, %parallel_loop3A_491 : vector<16xf32>
        %parallel_loop3A_496 = arith.index_cast %parallel_loop3A_430 : i32 to index
        %parallel_loop3A_497 = arith.constant 32 : index
        %parallel_loop3A_498 = tpu.vector_load %arg17[%parallel_loop3A_496, %parallel_loop3A_497] {strides = array<i32>} : memref<40x128xf32, #tpu.memory_space<vmem>>, vector<16xf32>,
        tpu.vector_store %arg17[%parallel_loop3A_496, %parallel_loop3A_497], %parallel_loop3A_495 {strides = array<i32>} : memref<40x128xf32, #tpu.memory_space<vmem>>, vector<16xf32>,
        %parallel_loop3A_499 = arith.constant 2 : i32
        %parallel_loop3A_500 = vector.broadcast %parallel_loop3A_499 : i32 to vector<16xi32>
        %parallel_loop3A_501 = arith.cmpi eq, %iota3A, %parallel_loop3A_500 : vector<16xi32>
        %parallel_loop3A_502 = arith.select %parallel_loop3A_501, %parallel_loop3A_491, %parallel_loop3A_478 : vector<16xi1>, vector<16xf32>
        %parallel_loop3A_503 = arith.index_cast %parallel_loop3A_430 : i32 to index
        %parallel_loop3A_504 = arith.constant 48 : index
        %parallel_loop3A_505 = tpu.vector_load %arg12[%parallel_loop3A_503, %parallel_loop3A_504] {strides = array<i32>} : memref<40x128xf32, #tpu.memory_space<vmem>>, vector<16xf32>,
        %parallel_loop3A_506 = arith.index_cast %parallel_loop3A_430 : i32 to index
        %parallel_loop3A_507 = arith.constant 48 : index
        %parallel_loop3A_508 = tpu.vector_load %arg13[%parallel_loop3A_506, %parallel_loop3A_507] {strides = array<i32>} : memref<40x128xf32, #tpu.memory_space<vmem>>, vector<16xf32>,
        %parallel_loop3A_509 = arith.mulf %parallel_loop3A_505, %parallel_loop3A_508 : vector<16xf32>
        %parallel_loop3A_510 = arith.constant true
        %parallel_loop3A_511 = vector.broadcast %parallel_loop3A_510 : i1 to vector<16xi1>
        %parallel_loop3A_512 = tpu.scan <sum>, %parallel_loop3A_509 masked %parallel_loop3A_511 : vector<16xf32>, vector<16xi1> -> vector<16xf32>
        %parallel_loop3A_513 = vector.extract %parallel_loop3A_512[15] : f32 from vector<16xf32>
        %parallel_loop3A_514 = vector.broadcast %parallel_loop3A_513 : f32 to vector<16xf32>
        %parallel_loop3A_515 = math.exp %parallel_loop3A_514 : vector<16xf32>
        %parallel_loop3A_516 = arith.index_cast %parallel_loop3A_430 : i32 to index
        %parallel_loop3A_517 = arith.constant 48 : index
        %parallel_loop3A_518 = tpu.vector_load %arg16[%parallel_loop3A_516, %parallel_loop3A_517] {strides = array<i32>} : memref<40x128xf32, #tpu.memory_space<vmem>>, vector<16xf32>,
        %parallel_loop3A_519 = arith.mulf %parallel_loop3A_518, %parallel_loop3A_515 : vector<16xf32>
        %parallel_loop3A_520 = arith.index_cast %parallel_loop3A_430 : i32 to index
        %parallel_loop3A_521 = arith.constant 48 : index
        %parallel_loop3A_522 = tpu.vector_load %arg17[%parallel_loop3A_520, %parallel_loop3A_521] {strides = array<i32>} : memref<40x128xf32, #tpu.memory_space<vmem>>, vector<16xf32>,
        tpu.vector_store %arg17[%parallel_loop3A_520, %parallel_loop3A_521], %parallel_loop3A_519 {strides = array<i32>} : memref<40x128xf32, #tpu.memory_space<vmem>>, vector<16xf32>,
        %parallel_loop3A_523 = arith.constant 3 : i32
        %parallel_loop3A_524 = vector.broadcast %parallel_loop3A_523 : i32 to vector<16xi32>
        %parallel_loop3A_525 = arith.cmpi eq, %iota3A, %parallel_loop3A_524 : vector<16xi32>
        %parallel_loop3A_526 = arith.select %parallel_loop3A_525, %parallel_loop3A_515, %parallel_loop3A_502 : vector<16xi1>, vector<16xf32>
        %parallel_loop3A_527 = arith.index_cast %parallel_loop3A_430 : i32 to index
        %parallel_loop3A_528 = arith.constant 64 : index
        %parallel_loop3A_529 = tpu.vector_load %arg12[%parallel_loop3A_527, %parallel_loop3A_528] {strides = array<i32>} : memref<40x128xf32, #tpu.memory_space<vmem>>, vector<16xf32>,
        %parallel_loop3A_530 = arith.index_cast %parallel_loop3A_430 : i32 to index
        %parallel_loop3A_531 = arith.constant 64 : index
        %parallel_loop3A_532 = tpu.vector_load %arg13[%parallel_loop3A_530, %parallel_loop3A_531] {strides = array<i32>} : memref<40x128xf32, #tpu.memory_space<vmem>>, vector<16xf32>,
        %parallel_loop3A_533 = arith.mulf %parallel_loop3A_529, %parallel_loop3A_532 : vector<16xf32>
        %parallel_loop3A_534 = arith.constant true
        %parallel_loop3A_535 = vector.broadcast %parallel_loop3A_534 : i1 to vector<16xi1>
        %parallel_loop3A_536 = tpu.scan <sum>, %parallel_loop3A_533 masked %parallel_loop3A_535 : vector<16xf32>, vector<16xi1> -> vector<16xf32>
        %parallel_loop3A_537 = vector.extract %parallel_loop3A_536[15] : f32 from vector<16xf32>
        %parallel_loop3A_538 = vector.broadcast %parallel_loop3A_537 : f32 to vector<16xf32>
        %parallel_loop3A_539 = math.exp %parallel_loop3A_538 : vector<16xf32>
        %parallel_loop3A_540 = arith.index_cast %parallel_loop3A_430 : i32 to index
        %parallel_loop3A_541 = arith.constant 64 : index
        %parallel_loop3A_542 = tpu.vector_load %arg16[%parallel_loop3A_540, %parallel_loop3A_541] {strides = array<i32>} : memref<40x128xf32, #tpu.memory_space<vmem>>, vector<16xf32>,
        %parallel_loop3A_543 = arith.mulf %parallel_loop3A_542, %parallel_loop3A_539 : vector<16xf32>
        %parallel_loop3A_544 = arith.index_cast %parallel_loop3A_430 : i32 to index
        %parallel_loop3A_545 = arith.constant 64 : index
        %parallel_loop3A_546 = tpu.vector_load %arg17[%parallel_loop3A_544, %parallel_loop3A_545] {strides = array<i32>} : memref<40x128xf32, #tpu.memory_space<vmem>>, vector<16xf32>,
        tpu.vector_store %arg17[%parallel_loop3A_544, %parallel_loop3A_545], %parallel_loop3A_543 {strides = array<i32>} : memref<40x128xf32, #tpu.memory_space<vmem>>, vector<16xf32>,
        %parallel_loop3A_547 = arith.constant 4 : i32
        %parallel_loop3A_548 = vector.broadcast %parallel_loop3A_547 : i32 to vector<16xi32>
        %parallel_loop3A_549 = arith.cmpi eq, %iota3A, %parallel_loop3A_548 : vector<16xi32>
        %parallel_loop3A_550 = arith.select %parallel_loop3A_549, %parallel_loop3A_539, %parallel_loop3A_526 : vector<16xi1>, vector<16xf32>
        %parallel_loop3A_551 = arith.index_cast %parallel_loop3A_430 : i32 to index
        %parallel_loop3A_552 = arith.constant 80 : index
        %parallel_loop3A_553 = tpu.vector_load %arg12[%parallel_loop3A_551, %parallel_loop3A_552] {strides = array<i32>} : memref<40x128xf32, #tpu.memory_space<vmem>>, vector<16xf32>,
        %parallel_loop3A_554 = arith.index_cast %parallel_loop3A_430 : i32 to index
        %parallel_loop3A_555 = arith.constant 80 : index
        %parallel_loop3A_556 = tpu.vector_load %arg13[%parallel_loop3A_554, %parallel_loop3A_555] {strides = array<i32>} : memref<40x128xf32, #tpu.memory_space<vmem>>, vector<16xf32>,
        %parallel_loop3A_557 = arith.mulf %parallel_loop3A_553, %parallel_loop3A_556 : vector<16xf32>
        %parallel_loop3A_558 = arith.constant true
        %parallel_loop3A_559 = vector.broadcast %parallel_loop3A_558 : i1 to vector<16xi1>
        %parallel_loop3A_560 = tpu.scan <sum>, %parallel_loop3A_557 masked %parallel_loop3A_559 : vector<16xf32>, vector<16xi1> -> vector<16xf32>
        %parallel_loop3A_561 = vector.extract %parallel_loop3A_560[15] : f32 from vector<16xf32>
        %parallel_loop3A_562 = vector.broadcast %parallel_loop3A_561 : f32 to vector<16xf32>
        %parallel_loop3A_563 = math.exp %parallel_loop3A_562 : vector<16xf32>
        %parallel_loop3A_564 = arith.index_cast %parallel_loop3A_430 : i32 to index
        %parallel_loop3A_565 = arith.constant 80 : index
        %parallel_loop3A_566 = tpu.vector_load %arg16[%parallel_loop3A_564, %parallel_loop3A_565] {strides = array<i32>} : memref<40x128xf32, #tpu.memory_space<vmem>>, vector<16xf32>,
        %parallel_loop3A_567 = arith.mulf %parallel_loop3A_566, %parallel_loop3A_563 : vector<16xf32>
        %parallel_loop3A_568 = arith.index_cast %parallel_loop3A_430 : i32 to index
        %parallel_loop3A_569 = arith.constant 80 : index
        %parallel_loop3A_570 = tpu.vector_load %arg17[%parallel_loop3A_568, %parallel_loop3A_569] {strides = array<i32>} : memref<40x128xf32, #tpu.memory_space<vmem>>, vector<16xf32>,
        tpu.vector_store %arg17[%parallel_loop3A_568, %parallel_loop3A_569], %parallel_loop3A_567 {strides = array<i32>} : memref<40x128xf32, #tpu.memory_space<vmem>>, vector<16xf32>,
        %parallel_loop3A_571 = arith.constant 5 : i32
        %parallel_loop3A_572 = vector.broadcast %parallel_loop3A_571 : i32 to vector<16xi32>
        %parallel_loop3A_573 = arith.cmpi eq, %iota3A, %parallel_loop3A_572 : vector<16xi32>
        %parallel_loop3A_574 = arith.select %parallel_loop3A_573, %parallel_loop3A_563, %parallel_loop3A_550 : vector<16xi1>, vector<16xf32>
        %parallel_loop3A_575 = arith.index_cast %parallel_loop3A_430 : i32 to index
        %parallel_loop3A_576 = arith.constant 96 : index
        %parallel_loop3A_577 = tpu.vector_load %arg12[%parallel_loop3A_575, %parallel_loop3A_576] {strides = array<i32>} : memref<40x128xf32, #tpu.memory_space<vmem>>, vector<16xf32>,
        %parallel_loop3A_578 = arith.index_cast %parallel_loop3A_430 : i32 to index
        %parallel_loop3A_579 = arith.constant 96 : index
        %parallel_loop3A_580 = tpu.vector_load %arg13[%parallel_loop3A_578, %parallel_loop3A_579] {strides = array<i32>} : memref<40x128xf32, #tpu.memory_space<vmem>>, vector<16xf32>,
        %parallel_loop3A_581 = arith.mulf %parallel_loop3A_577, %parallel_loop3A_580 : vector<16xf32>
        %parallel_loop3A_582 = arith.constant true
        %parallel_loop3A_583 = vector.broadcast %parallel_loop3A_582 : i1 to vector<16xi1>
        %parallel_loop3A_584 = tpu.scan <sum>, %parallel_loop3A_581 masked %parallel_loop3A_583 : vector<16xf32>, vector<16xi1> -> vector<16xf32>
        %parallel_loop3A_585 = vector.extract %parallel_loop3A_584[15] : f32 from vector<16xf32>
        %parallel_loop3A_586 = vector.broadcast %parallel_loop3A_585 : f32 to vector<16xf32>
        %parallel_loop3A_587 = math.exp %parallel_loop3A_586 : vector<16xf32>
        %parallel_loop3A_588 = arith.index_cast %parallel_loop3A_430 : i32 to index
        %parallel_loop3A_589 = arith.constant 96 : index
        %parallel_loop3A_590 = tpu.vector_load %arg16[%parallel_loop3A_588, %parallel_loop3A_589] {strides = array<i32>} : memref<40x128xf32, #tpu.memory_space<vmem>>, vector<16xf32>,
        %parallel_loop3A_591 = arith.mulf %parallel_loop3A_590, %parallel_loop3A_587 : vector<16xf32>
        %parallel_loop3A_592 = arith.index_cast %parallel_loop3A_430 : i32 to index
        %parallel_loop3A_593 = arith.constant 96 : index
        %parallel_loop3A_594 = tpu.vector_load %arg17[%parallel_loop3A_592, %parallel_loop3A_593] {strides = array<i32>} : memref<40x128xf32, #tpu.memory_space<vmem>>, vector<16xf32>,
        tpu.vector_store %arg17[%parallel_loop3A_592, %parallel_loop3A_593], %parallel_loop3A_591 {strides = array<i32>} : memref<40x128xf32, #tpu.memory_space<vmem>>, vector<16xf32>,
        %parallel_loop3A_595 = arith.constant 6 : i32
        %parallel_loop3A_596 = vector.broadcast %parallel_loop3A_595 : i32 to vector<16xi32>
        %parallel_loop3A_597 = arith.cmpi eq, %iota3A, %parallel_loop3A_596 : vector<16xi32>
        %parallel_loop3A_598 = arith.select %parallel_loop3A_597, %parallel_loop3A_587, %parallel_loop3A_574 : vector<16xi1>, vector<16xf32>
        %parallel_loop3A_599 = arith.index_cast %parallel_loop3A_430 : i32 to index
        %parallel_loop3A_600 = arith.constant 112 : index
        %parallel_loop3A_601 = tpu.vector_load %arg12[%parallel_loop3A_599, %parallel_loop3A_600] {strides = array<i32>} : memref<40x128xf32, #tpu.memory_space<vmem>>, vector<16xf32>,
        %parallel_loop3A_602 = arith.index_cast %parallel_loop3A_430 : i32 to index
        %parallel_loop3A_603 = arith.constant 112 : index
        %parallel_loop3A_604 = tpu.vector_load %arg13[%parallel_loop3A_602, %parallel_loop3A_603] {strides = array<i32>} : memref<40x128xf32, #tpu.memory_space<vmem>>, vector<16xf32>,
        %parallel_loop3A_605 = arith.mulf %parallel_loop3A_601, %parallel_loop3A_604 : vector<16xf32>
        %parallel_loop3A_606 = arith.constant true
        %parallel_loop3A_607 = vector.broadcast %parallel_loop3A_606 : i1 to vector<16xi1>
        %parallel_loop3A_608 = tpu.scan <sum>, %parallel_loop3A_605 masked %parallel_loop3A_607 : vector<16xf32>, vector<16xi1> -> vector<16xf32>
        %parallel_loop3A_609 = vector.extract %parallel_loop3A_608[15] : f32 from vector<16xf32>
        %parallel_loop3A_610 = vector.broadcast %parallel_loop3A_609 : f32 to vector<16xf32>
        %parallel_loop3A_611 = math.exp %parallel_loop3A_610 : vector<16xf32>
        %parallel_loop3A_612 = arith.index_cast %parallel_loop3A_430 : i32 to index
        %parallel_loop3A_613 = arith.constant 112 : index
        %parallel_loop3A_614 = tpu.vector_load %arg16[%parallel_loop3A_612, %parallel_loop3A_613] {strides = array<i32>} : memref<40x128xf32, #tpu.memory_space<vmem>>, vector<16xf32>,
        %parallel_loop3A_615 = arith.mulf %parallel_loop3A_614, %parallel_loop3A_611 : vector<16xf32>
        %parallel_loop3A_616 = arith.index_cast %parallel_loop3A_430 : i32 to index
        %parallel_loop3A_617 = arith.constant 112 : index
        %parallel_loop3A_618 = tpu.vector_load %arg17[%parallel_loop3A_616, %parallel_loop3A_617] {strides = array<i32>} : memref<40x128xf32, #tpu.memory_space<vmem>>, vector<16xf32>,
        tpu.vector_store %arg17[%parallel_loop3A_616, %parallel_loop3A_617], %parallel_loop3A_615 {strides = array<i32>} : memref<40x128xf32, #tpu.memory_space<vmem>>, vector<16xf32>,
        %parallel_loop3A_619 = arith.constant 7 : i32
        %parallel_loop3A_620 = vector.broadcast %parallel_loop3A_619 : i32 to vector<16xi32>
        %parallel_loop3A_621 = arith.cmpi eq, %iota3A, %parallel_loop3A_620 : vector<16xi32>
        %parallel_loop3A_622 = arith.select %parallel_loop3A_621, %parallel_loop3A_611, %parallel_loop3A_598 : vector<16xi1>, vector<16xf32>
        %parallel_loop3A_623 = arith.index_cast %parallel_loop3A_430 : i32 to index
        %parallel_loop3A_624 = arith.constant 0 : index
        %parallel_loop3A_625 = tpu.vector_load %arg18[%parallel_loop3A_623, %parallel_loop3A_624] {strides = array<i32>} : memref<40x16xf32, #tpu.memory_space<vmem>>, vector<16xf32>,
        tpu.vector_store %arg18[%parallel_loop3A_623, %parallel_loop3A_624], %parallel_loop3A_622 {strides = array<i32>} : memref<40x16xf32, #tpu.memory_space<vmem>>, vector<16xf32>,
      } {sc.loop_unroll_factor = 2 : i64, sc.parallel_access}
      %get3A_294 = arith.constant 1 : i32
      %get3A_295 = arith.index_cast %get3A_294 : i32 to index
      %get3A_296 = arith.constant 0 : index
      %get3A_297 = tpu.vector_load %arg8[%get3A_295, %get3A_296] {strides = array<i32>} : memref<2x40xi32, #tpu.memory_space<vmem>>, vector<16xi32>,
      %swap3A_298 = arith.constant 0 : index
      %swap3A_299 = tpu.vector_load %arg10[%swap3A_298] {strides = array<i32>} : memref<40xi32, #tpu.memory_space<vmem>>, vector<16xi32>,
      tpu.vector_store %arg10[%swap3A_298], %get3A_297 {strides = array<i32>} : memref<40xi32, #tpu.memory_space<vmem>>, vector<16xi32>,
      %get3A_300 = arith.constant 1 : i32
      %get3A_301 = arith.index_cast %get3A_300 : i32 to index
      %get3A_302 = arith.constant 16 : index
      %get3A_303 = tpu.vector_load %arg8[%get3A_301, %get3A_302] {strides = array<i32>} : memref<2x40xi32, #tpu.memory_space<vmem>>, vector<16xi32>,
      %swap3A_304 = arith.constant 16 : index
      %swap3A_305 = tpu.vector_load %arg10[%swap3A_304] {strides = array<i32>} : memref<40xi32, #tpu.memory_space<vmem>>, vector<16xi32>,
      tpu.vector_store %arg10[%swap3A_304], %get3A_303 {strides = array<i32>} : memref<40xi32, #tpu.memory_space<vmem>>, vector<16xi32>,
      %get3A_306 = arith.constant 1 : i32
      %get3A_307 = arith.index_cast %get3A_306 : i32 to index
      %get3A_308 = arith.constant 24 : index
      %get3A_309 = tpu.vector_load %arg8[%get3A_307, %get3A_308] {strides = array<i32>} : memref<2x40xi32, #tpu.memory_space<vmem>>, vector<16xi32>,
      %swap3A_310 = arith.constant 24 : index
      %swap3A_311 = tpu.vector_load %arg10[%swap3A_310] {strides = array<i32>} : memref<40xi32, #tpu.memory_space<vmem>>, vector<16xi32>,
      tpu.vector_store %arg10[%swap3A_310], %get3A_309 {strides = array<i32>} : memref<40xi32, #tpu.memory_space<vmem>>, vector<16xi32>,
      %dma_start3A_312 = arith.constant 0 : i32
      %dma_start3A_313 = arith.constant 0 : i32
      %dma_start3A_314 = tpu.memref_slice %arg21[%dma_start3A_312, %dma_start3A_313] : memref<10240x128xf32, #tpu.memory_space<vmem_shared>> -> memref<10240x128xf32, #tpu.memory_space<vmem_shared>>
      tpu.enqueue_indirect_dma source(%arg17 : memref<40x128xf32, #tpu.memory_space<vmem>>) target(%dma_start3A_314 : memref<10240x128xf32, #tpu.memory_space<vmem_shared>>) offsets(%arg10 : memref<40xi32, #tpu.memory_space<vmem>>) semaphore(%arg25 : memref<!tpu.dma_semaphore, #tpu.memory_space<semaphore_mem>>) {add = true}
      %dma_start3A_315 = arith.constant 0 : i32
      %dma_start3A_316 = arith.constant 0 : i32
      %dma_start3A_317 = tpu.memref_slice %arg22[%dma_start3A_315, %dma_start3A_316] : memref<10240x16xf32, #tpu.memory_space<vmem_shared>> -> memref<10240x16xf32, #tpu.memory_space<vmem_shared>>
      tpu.enqueue_indirect_dma source(%arg18 : memref<40x16xf32, #tpu.memory_space<vmem>>) target(%dma_start3A_317 : memref<10240x16xf32, #tpu.memory_space<vmem_shared>>) offsets(%arg10 : memref<40xi32, #tpu.memory_space<vmem>>) semaphore(%arg25 : memref<!tpu.dma_semaphore, #tpu.memory_space<semaphore_mem>>) {add = true}
      %dma_start3A_318 = arith.constant 0 : i32
      %dma_start3A_319 = arith.constant 0 : i32
      %dma_start3A_320 = tpu.memref_slice %arg9[%dma_start3A_318, %dma_start3A_319] : memref<2x40xi32, #tpu.memory_space<vmem>> -> memref<1x40xi32, #tpu.memory_space<vmem>>
      %dma_start3A_321 = tpu.memref_squeeze %dma_start3A_320 : memref<1x40xi32, #tpu.memory_space<vmem>> -> memref<40xi32, #tpu.memory_space<vmem>>
      %dma_start3A_322 = arith.constant 0 : i32
      %dma_start3A_323 = arith.constant 0 : i32
      %dma_start3A_324 = tpu.memref_slice %arg4[%dma_start3A_322, %dma_start3A_323] : memref<10000x128xf32, #tpu.memory_space<hbm>> -> memref<10000x128xf32, #tpu.memory_space<hbm>>
      tpu.enqueue_indirect_dma source(%dma_start3A_324 : memref<10000x128xf32, #tpu.memory_space<hbm>>) target(%arg16 : memref<40x128xf32, #tpu.memory_space<vmem>>) offsets(%dma_start3A_321 : memref<40xi32, #tpu.memory_space<vmem>>) semaphore(%arg27 : memref<!tpu.dma_semaphore, #tpu.memory_space<semaphore_mem>>)
      %add3A_325 = arith.constant 2 : i32
      %add3A_326 = arith.addi %add3A_263, %add3A_325 : i32
      %min3A_327 = arith.constant 249 : i32
      %min3A_328 = arith.minsi %add3A_326, %min3A_327 : i32
      %mul3A_329 = arith.constant 40 : i32
      %mul3A_330 = arith.muli %min3A_328, %mul3A_329 : i32
      %add3A_331 = arith.addi %mul3A_3, %mul3A_330 : i32
      "tpu.region"() ({
        %run_scoped3A = tpu.sem_alloc : memref<!tpu.dma_semaphore, #tpu.memory_space<semaphore_mem>>
        %dma_start3A_430 = arith.constant 0 : i32
        %dma_start3A_431 = tpu.memref_slice %arg5[%dma_start3A_430, %add3A_331] : memref<2x320000xi32, #tpu.memory_space<hbm>> -> memref<2x40xi32, #tpu.memory_space<hbm>>
        %dma_start3A_432 = arith.constant 0 : i32
        %dma_start3A_433 = tpu.memref_slice %arg5[%dma_start3A_432, %add3A_331] : memref<2x320000xi32, #tpu.memory_space<hbm>> -> memref<2x40xi32, #tpu.memory_space<hbm>>
        tpu.enqueue_dma source(%dma_start3A_433 : memref<2x40xi32, #tpu.memory_space<hbm>>) target(%arg8 : memref<2x40xi32, #tpu.memory_space<vmem>>) target_semaphore(%run_scoped3A : memref<!tpu.dma_semaphore, #tpu.memory_space<semaphore_mem>>)
        %dma_wait3A_434 = arith.constant 0 : i32
        %dma_wait3A_435 = tpu.memref_slice %arg5[%dma_wait3A_434, %add3A_331] : memref<2x320000xi32, #tpu.memory_space<hbm>> -> memref<2x40xi32, #tpu.memory_space<hbm>>
        %dma_wait3A_436 = arith.constant 0 : i32
        %dma_wait3A_437 = tpu.memref_slice %arg5[%dma_wait3A_436, %add3A_331] : memref<2x320000xi32, #tpu.memory_space<hbm>> -> memref<2x40xi32, #tpu.memory_space<hbm>>
        tpu.wait_dma2 semaphore(%run_scoped3A : memref<!tpu.dma_semaphore, #tpu.memory_space<semaphore_mem>>) src(%dma_wait3A_437 : memref<2x40xi32, #tpu.memory_space<hbm>>) dst(%arg8 : memref<2x40xi32, #tpu.memory_space<vmem>>)
        tpu.yield
      }) : () -> ()
      %dma_start3A_332 = arith.constant 1 : i32
      %dma_start3A_333 = arith.constant 0 : i32
      %dma_start3A_334 = tpu.memref_slice %arg8[%dma_start3A_332, %dma_start3A_333] : memref<2x40xi32, #tpu.memory_space<vmem>> -> memref<1x40xi32, #tpu.memory_space<vmem>>
      %dma_start3A_335 = tpu.memref_squeeze %dma_start3A_334 : memref<1x40xi32, #tpu.memory_space<vmem>> -> memref<40xi32, #tpu.memory_space<vmem>>
      %dma_start3A_336 = arith.constant 0 : i32
      %dma_start3A_337 = arith.constant 0 : i32
      %dma_start3A_338 = tpu.memref_slice %arg2[%dma_start3A_336, %dma_start3A_337] : memref<10000x128xf32, #tpu.memory_space<hbm>> -> memref<10000x128xf32, #tpu.memory_space<hbm>>
      tpu.enqueue_indirect_dma source(%dma_start3A_338 : memref<10000x128xf32, #tpu.memory_space<hbm>>) target(%arg12 : memref<40x128xf32, #tpu.memory_space<vmem>>) offsets(%dma_start3A_335 : memref<40xi32, #tpu.memory_space<vmem>>) semaphore(%arg23 : memref<!tpu.dma_semaphore, #tpu.memory_space<semaphore_mem>>)
      %dma_start3A_339 = arith.constant 0 : i32
      %dma_start3A_340 = arith.constant 0 : i32
      %dma_start3A_341 = tpu.memref_slice %arg8[%dma_start3A_339, %dma_start3A_340] : memref<2x40xi32, #tpu.memory_space<vmem>> -> memref<1x40xi32, #tpu.memory_space<vmem>>
      %dma_start3A_342 = tpu.memref_squeeze %dma_start3A_341 : memref<1x40xi32, #tpu.memory_space<vmem>> -> memref<40xi32, #tpu.memory_space<vmem>>
      %dma_start3A_343 = arith.constant 0 : i32
      %dma_start3A_344 = arith.constant 0 : i32
      %dma_start3A_345 = tpu.memref_slice %arg3[%dma_start3A_343, %dma_start3A_344] : memref<10000x128xf32, #tpu.memory_space<hbm>> -> memref<10000x128xf32, #tpu.memory_space<hbm>>
      tpu.enqueue_indirect_dma source(%dma_start3A_345 : memref<10000x128xf32, #tpu.memory_space<hbm>>) target(%arg13 : memref<40x128xf32, #tpu.memory_space<vmem>>) offsets(%dma_start3A_342 : memref<40xi32, #tpu.memory_space<vmem>>) semaphore(%arg23 : memref<!tpu.dma_semaphore, #tpu.memory_space<semaphore_mem>>)
      %add3A_346 = arith.constant 1 : i32
      %add3A_347 = arith.addi %add3A_263, %add3A_346 : i32
      %dma_wait3A_348 = arith.constant 1 : i32
      %dma_wait3A_349 = arith.constant 0 : i32
      %dma_wait3A_350 = tpu.memref_slice %arg9[%dma_wait3A_348, %dma_wait3A_349] : memref<2x40xi32, #tpu.memory_space<vmem>> -> memref<1x40xi32, #tpu.memory_space<vmem>>
      %dma_wait3A_351 = tpu.memref_squeeze %dma_wait3A_350 : memref<1x40xi32, #tpu.memory_space<vmem>> -> memref<40xi32, #tpu.memory_space<vmem>>
      %dma_wait3A_352 = arith.constant 0 : i32
      %dma_wait3A_353 = arith.constant 0 : i32
      %dma_wait3A_354 = tpu.memref_slice %arg2[%dma_wait3A_352, %dma_wait3A_353] : memref<10000x128xf32, #tpu.memory_space<hbm>> -> memref<10000x128xf32, #tpu.memory_space<hbm>>
      tpu.wait_indirect_dma semaphore(%arg24 : memref<!tpu.dma_semaphore, #tpu.memory_space<semaphore_mem>>) src(%dma_wait3A_354 : memref<10000x128xf32, #tpu.memory_space<hbm>>) dst(%arg14 : memref<40x128xf32, #tpu.memory_space<vmem>>)
      %dma_wait3A_355 = arith.constant 0 : i32
      %dma_wait3A_356 = arith.constant 0 : i32
      %dma_wait3A_357 = tpu.memref_slice %arg9[%dma_wait3A_355, %dma_wait3A_356] : memref<2x40xi32, #tpu.memory_space<vmem>> -> memref<1x40xi32, #tpu.memory_space<vmem>>
      %dma_wait3A_358 = tpu.memref_squeeze %dma_wait3A_357 : memref<1x40xi32, #tpu.memory_space<vmem>> -> memref<40xi32, #tpu.memory_space<vmem>>
      %dma_wait3A_359 = arith.constant 0 : i32
      %dma_wait3A_360 = arith.constant 0 : i32
      %dma_wait3A_361 = tpu.memref_slice %arg3[%dma_wait3A_359, %dma_wait3A_360] : memref<10000x128xf32, #tpu.memory_space<hbm>> -> memref<10000x128xf32, #tpu.memory_space<hbm>>
      tpu.wait_indirect_dma semaphore(%arg24 : memref<!tpu.dma_semaphore, #tpu.memory_space<semaphore_mem>>) src(%dma_wait3A_361 : memref<10000x128xf32, #tpu.memory_space<hbm>>) dst(%arg15 : memref<40x128xf32, #tpu.memory_space<vmem>>)
      %dma_wait3A_362 = arith.constant 0 : i32
      %dma_wait3A_363 = arith.constant 0 : i32
      %dma_wait3A_364 = tpu.memref_slice %arg21[%dma_wait3A_362, %dma_wait3A_363] : memref<10240x128xf32, #tpu.memory_space<vmem_shared>> -> memref<10240x128xf32, #tpu.memory_space<vmem_shared>>
      tpu.wait_indirect_dma semaphore(%arg26 : memref<!tpu.dma_semaphore, #tpu.memory_space<semaphore_mem>>) src(%arg19 : memref<40x128xf32, #tpu.memory_space<vmem>>) dst(%dma_wait3A_364 : memref<10240x128xf32, #tpu.memory_space<vmem_shared>>)
      %dma_wait3A_365 = arith.constant 0 : i32
      %dma_wait3A_366 = arith.constant 0 : i32
      %dma_wait3A_367 = tpu.memref_slice %arg22[%dma_wait3A_365, %dma_wait3A_366] : memref<10240x16xf32, #tpu.memory_space<vmem_shared>> -> memref<10240x16xf32, #tpu.memory_space<vmem_shared>>
      tpu.wait_indirect_dma semaphore(%arg26 : memref<!tpu.dma_semaphore, #tpu.memory_space<semaphore_mem>>) src(%arg20 : memref<40x16xf32, #tpu.memory_space<vmem>>) dst(%dma_wait3A_367 : memref<10240x16xf32, #tpu.memory_space<vmem_shared>>)
      %dma_wait3A_368 = arith.constant 0 : i32
      %dma_wait3A_369 = arith.constant 0 : i32
      %dma_wait3A_370 = tpu.memref_slice %arg9[%dma_wait3A_368, %dma_wait3A_369] : memref<2x40xi32, #tpu.memory_space<vmem>> -> memref<1x40xi32, #tpu.memory_space<vmem>>
      %dma_wait3A_371 = tpu.memref_squeeze %dma_wait3A_370 : memref<1x40xi32, #tpu.memory_space<vmem>> -> memref<40xi32, #tpu.memory_space<vmem>>
      %dma_wait3A_372 = arith.constant 0 : i32
      %dma_wait3A_373 = arith.constant 0 : i32
      %dma_wait3A_374 = tpu.memref_slice %arg4[%dma_wait3A_372, %dma_wait3A_373] : memref<10000x128xf32, #tpu.memory_space<hbm>> -> memref<10000x128xf32, #tpu.memory_space<hbm>>
      tpu.wait_indirect_dma semaphore(%arg27 : memref<!tpu.dma_semaphore, #tpu.memory_space<semaphore_mem>>) src(%dma_wait3A_374 : memref<10000x128xf32, #tpu.memory_space<hbm>>) dst(%arg16 : memref<40x128xf32, #tpu.memory_space<vmem>>)
      %parallel_loop3A_375 = arith.constant 0 : i32
      %parallel_loop3A_376 = arith.constant 40 : i32
      %parallel_loop3A_377 = arith.constant 1 : i32
      scf.for %parallel_loop3A_430 = %parallel_loop3A_375 to %parallel_loop3A_376 step %parallel_loop3A_377  : i32 {
        %parallel_loop3A_431 = arith.index_cast %parallel_loop3A_430 : i32 to index
        %parallel_loop3A_432 = arith.constant 0 : index
        %parallel_loop3A_433 = tpu.vector_load %arg14[%parallel_loop3A_431, %parallel_loop3A_432] {strides = array<i32>} : memref<40x128xf32, #tpu.memory_space<vmem>>, vector<16xf32>,
        %parallel_loop3A_434 = arith.index_cast %parallel_loop3A_430 : i32 to index
        %parallel_loop3A_435 = arith.constant 0 : index
        %parallel_loop3A_436 = tpu.vector_load %arg15[%parallel_loop3A_434, %parallel_loop3A_435] {strides = array<i32>} : memref<40x128xf32, #tpu.memory_space<vmem>>, vector<16xf32>,
        %parallel_loop3A_437 = arith.mulf %parallel_loop3A_433, %parallel_loop3A_436 : vector<16xf32>
        %parallel_loop3A_438 = arith.constant true
        %parallel_loop3A_439 = vector.broadcast %parallel_loop3A_438 : i1 to vector<16xi1>
        %parallel_loop3A_440 = tpu.scan <sum>, %parallel_loop3A_437 masked %parallel_loop3A_439 : vector<16xf32>, vector<16xi1> -> vector<16xf32>
        %parallel_loop3A_441 = vector.extract %parallel_loop3A_440[15] : f32 from vector<16xf32>
        %parallel_loop3A_442 = vector.broadcast %parallel_loop3A_441 : f32 to vector<16xf32>
        %parallel_loop3A_443 = math.exp %parallel_loop3A_442 : vector<16xf32>
        %parallel_loop3A_444 = arith.index_cast %parallel_loop3A_430 : i32 to index
        %parallel_loop3A_445 = arith.constant 0 : index
        %parallel_loop3A_446 = tpu.vector_load %arg16[%parallel_loop3A_444, %parallel_loop3A_445] {strides = array<i32>} : memref<40x128xf32, #tpu.memory_space<vmem>>, vector<16xf32>,
        %parallel_loop3A_447 = arith.mulf %parallel_loop3A_446, %parallel_loop3A_443 : vector<16xf32>
        %parallel_loop3A_448 = arith.index_cast %parallel_loop3A_430 : i32 to index
        %parallel_loop3A_449 = arith.constant 0 : index
        %parallel_loop3A_450 = tpu.vector_load %arg19[%parallel_loop3A_448, %parallel_loop3A_449] {strides = array<i32>} : memref<40x128xf32, #tpu.memory_space<vmem>>, vector<16xf32>,
        tpu.vector_store %arg19[%parallel_loop3A_448, %parallel_loop3A_449], %parallel_loop3A_447 {strides = array<i32>} : memref<40x128xf32, #tpu.memory_space<vmem>>, vector<16xf32>,
        %parallel_loop3A_451 = arith.constant 0 : i32
        %parallel_loop3A_452 = vector.broadcast %parallel_loop3A_451 : i32 to vector<16xi32>
        %parallel_loop3A_453 = arith.cmpi eq, %iota3A, %parallel_loop3A_452 : vector<16xi32>
        %parallel_loop3A_454 = arith.select %parallel_loop3A_453, %parallel_loop3A_443, %broadcast_in_dim3A_1 : vector<16xi1>, vector<16xf32>
        %parallel_loop3A_455 = arith.index_cast %parallel_loop3A_430 : i32 to index
        %parallel_loop3A_456 = arith.constant 16 : index
        %parallel_loop3A_457 = tpu.vector_load %arg14[%parallel_loop3A_455, %parallel_loop3A_456] {strides = array<i32>} : memref<40x128xf32, #tpu.memory_space<vmem>>, vector<16xf32>,
        %parallel_loop3A_458 = arith.index_cast %parallel_loop3A_430 : i32 to index
        %parallel_loop3A_459 = arith.constant 16 : index
        %parallel_loop3A_460 = tpu.vector_load %arg15[%parallel_loop3A_458, %parallel_loop3A_459] {strides = array<i32>} : memref<40x128xf32, #tpu.memory_space<vmem>>, vector<16xf32>,
        %parallel_loop3A_461 = arith.mulf %parallel_loop3A_457, %parallel_loop3A_460 : vector<16xf32>
        %parallel_loop3A_462 = arith.constant true
        %parallel_loop3A_463 = vector.broadcast %parallel_loop3A_462 : i1 to vector<16xi1>
        %parallel_loop3A_464 = tpu.scan <sum>, %parallel_loop3A_461 masked %parallel_loop3A_463 : vector<16xf32>, vector<16xi1> -> vector<16xf32>
        %parallel_loop3A_465 = vector.extract %parallel_loop3A_464[15] : f32 from vector<16xf32>
        %parallel_loop3A_466 = vector.broadcast %parallel_loop3A_465 : f32 to vector<16xf32>
        %parallel_loop3A_467 = math.exp %parallel_loop3A_466 : vector<16xf32>
        %parallel_loop3A_468 = arith.index_cast %parallel_loop3A_430 : i32 to index
        %parallel_loop3A_469 = arith.constant 16 : index
        %parallel_loop3A_470 = tpu.vector_load %arg16[%parallel_loop3A_468, %parallel_loop3A_469] {strides = array<i32>} : memref<40x128xf32, #tpu.memory_space<vmem>>, vector<16xf32>,
        %parallel_loop3A_471 = arith.mulf %parallel_loop3A_470, %parallel_loop3A_467 : vector<16xf32>
        %parallel_loop3A_472 = arith.index_cast %parallel_loop3A_430 : i32 to index
        %parallel_loop3A_473 = arith.constant 16 : index
        %parallel_loop3A_474 = tpu.vector_load %arg19[%parallel_loop3A_472, %parallel_loop3A_473] {strides = array<i32>} : memref<40x128xf32, #tpu.memory_space<vmem>>, vector<16xf32>,
        tpu.vector_store %arg19[%parallel_loop3A_472, %parallel_loop3A_473], %parallel_loop3A_471 {strides = array<i32>} : memref<40x128xf32, #tpu.memory_space<vmem>>, vector<16xf32>,
        %parallel_loop3A_475 = arith.constant 1 : i32
        %parallel_loop3A_476 = vector.broadcast %parallel_loop3A_475 : i32 to vector<16xi32>
        %parallel_loop3A_477 = arith.cmpi eq, %iota3A, %parallel_loop3A_476 : vector<16xi32>
        %parallel_loop3A_478 = arith.select %parallel_loop3A_477, %parallel_loop3A_467, %parallel_loop3A_454 : vector<16xi1>, vector<16xf32>
        %parallel_loop3A_479 = arith.index_cast %parallel_loop3A_430 : i32 to index
        %parallel_loop3A_480 = arith.constant 32 : index
        %parallel_loop3A_481 = tpu.vector_load %arg14[%parallel_loop3A_479, %parallel_loop3A_480] {strides = array<i32>} : memref<40x128xf32, #tpu.memory_space<vmem>>, vector<16xf32>,
        %parallel_loop3A_482 = arith.index_cast %parallel_loop3A_430 : i32 to index
        %parallel_loop3A_483 = arith.constant 32 : index
        %parallel_loop3A_484 = tpu.vector_load %arg15[%parallel_loop3A_482, %parallel_loop3A_483] {strides = array<i32>} : memref<40x128xf32, #tpu.memory_space<vmem>>, vector<16xf32>,
        %parallel_loop3A_485 = arith.mulf %parallel_loop3A_481, %parallel_loop3A_484 : vector<16xf32>
        %parallel_loop3A_486 = arith.constant true
        %parallel_loop3A_487 = vector.broadcast %parallel_loop3A_486 : i1 to vector<16xi1>
        %parallel_loop3A_488 = tpu.scan <sum>, %parallel_loop3A_485 masked %parallel_loop3A_487 : vector<16xf32>, vector<16xi1> -> vector<16xf32>
        %parallel_loop3A_489 = vector.extract %parallel_loop3A_488[15] : f32 from vector<16xf32>
        %parallel_loop3A_490 = vector.broadcast %parallel_loop3A_489 : f32 to vector<16xf32>
        %parallel_loop3A_491 = math.exp %parallel_loop3A_490 : vector<16xf32>
        %parallel_loop3A_492 = arith.index_cast %parallel_loop3A_430 : i32 to index
        %parallel_loop3A_493 = arith.constant 32 : index
        %parallel_loop3A_494 = tpu.vector_load %arg16[%parallel_loop3A_492, %parallel_loop3A_493] {strides = array<i32>} : memref<40x128xf32, #tpu.memory_space<vmem>>, vector<16xf32>,
        %parallel_loop3A_495 = arith.mulf %parallel_loop3A_494, %parallel_loop3A_491 : vector<16xf32>
        %parallel_loop3A_496 = arith.index_cast %parallel_loop3A_430 : i32 to index
        %parallel_loop3A_497 = arith.constant 32 : index
        %parallel_loop3A_498 = tpu.vector_load %arg19[%parallel_loop3A_496, %parallel_loop3A_497] {strides = array<i32>} : memref<40x128xf32, #tpu.memory_space<vmem>>, vector<16xf32>,
        tpu.vector_store %arg19[%parallel_loop3A_496, %parallel_loop3A_497], %parallel_loop3A_495 {strides = array<i32>} : memref<40x128xf32, #tpu.memory_space<vmem>>, vector<16xf32>,
        %parallel_loop3A_499 = arith.constant 2 : i32
        %parallel_loop3A_500 = vector.broadcast %parallel_loop3A_499 : i32 to vector<16xi32>
        %parallel_loop3A_501 = arith.cmpi eq, %iota3A, %parallel_loop3A_500 : vector<16xi32>
        %parallel_loop3A_502 = arith.select %parallel_loop3A_501, %parallel_loop3A_491, %parallel_loop3A_478 : vector<16xi1>, vector<16xf32>
        %parallel_loop3A_503 = arith.index_cast %parallel_loop3A_430 : i32 to index
        %parallel_loop3A_504 = arith.constant 48 : index
        %parallel_loop3A_505 = tpu.vector_load %arg14[%parallel_loop3A_503, %parallel_loop3A_504] {strides = array<i32>} : memref<40x128xf32, #tpu.memory_space<vmem>>, vector<16xf32>,
        %parallel_loop3A_506 = arith.index_cast %parallel_loop3A_430 : i32 to index
        %parallel_loop3A_507 = arith.constant 48 : index
        %parallel_loop3A_508 = tpu.vector_load %arg15[%parallel_loop3A_506, %parallel_loop3A_507] {strides = array<i32>} : memref<40x128xf32, #tpu.memory_space<vmem>>, vector<16xf32>,
        %parallel_loop3A_509 = arith.mulf %parallel_loop3A_505, %parallel_loop3A_508 : vector<16xf32>
        %parallel_loop3A_510 = arith.constant true
        %parallel_loop3A_511 = vector.broadcast %parallel_loop3A_510 : i1 to vector<16xi1>
        %parallel_loop3A_512 = tpu.scan <sum>, %parallel_loop3A_509 masked %parallel_loop3A_511 : vector<16xf32>, vector<16xi1> -> vector<16xf32>
        %parallel_loop3A_513 = vector.extract %parallel_loop3A_512[15] : f32 from vector<16xf32>
        %parallel_loop3A_514 = vector.broadcast %parallel_loop3A_513 : f32 to vector<16xf32>
        %parallel_loop3A_515 = math.exp %parallel_loop3A_514 : vector<16xf32>
        %parallel_loop3A_516 = arith.index_cast %parallel_loop3A_430 : i32 to index
        %parallel_loop3A_517 = arith.constant 48 : index
        %parallel_loop3A_518 = tpu.vector_load %arg16[%parallel_loop3A_516, %parallel_loop3A_517] {strides = array<i32>} : memref<40x128xf32, #tpu.memory_space<vmem>>, vector<16xf32>,
        %parallel_loop3A_519 = arith.mulf %parallel_loop3A_518, %parallel_loop3A_515 : vector<16xf32>
        %parallel_loop3A_520 = arith.index_cast %parallel_loop3A_430 : i32 to index
        %parallel_loop3A_521 = arith.constant 48 : index
        %parallel_loop3A_522 = tpu.vector_load %arg19[%parallel_loop3A_520, %parallel_loop3A_521] {strides = array<i32>} : memref<40x128xf32, #tpu.memory_space<vmem>>, vector<16xf32>,
        tpu.vector_store %arg19[%parallel_loop3A_520, %parallel_loop3A_521], %parallel_loop3A_519 {strides = array<i32>} : memref<40x128xf32, #tpu.memory_space<vmem>>, vector<16xf32>,
        %parallel_loop3A_523 = arith.constant 3 : i32
        %parallel_loop3A_524 = vector.broadcast %parallel_loop3A_523 : i32 to vector<16xi32>
        %parallel_loop3A_525 = arith.cmpi eq, %iota3A, %parallel_loop3A_524 : vector<16xi32>
        %parallel_loop3A_526 = arith.select %parallel_loop3A_525, %parallel_loop3A_515, %parallel_loop3A_502 : vector<16xi1>, vector<16xf32>
        %parallel_loop3A_527 = arith.index_cast %parallel_loop3A_430 : i32 to index
        %parallel_loop3A_528 = arith.constant 64 : index
        %parallel_loop3A_529 = tpu.vector_load %arg14[%parallel_loop3A_527, %parallel_loop3A_528] {strides = array<i32>} : memref<40x128xf32, #tpu.memory_space<vmem>>, vector<16xf32>,
        %parallel_loop3A_530 = arith.index_cast %parallel_loop3A_430 : i32 to index
        %parallel_loop3A_531 = arith.constant 64 : index
        %parallel_loop3A_532 = tpu.vector_load %arg15[%parallel_loop3A_530, %parallel_loop3A_531] {strides = array<i32>} : memref<40x128xf32, #tpu.memory_space<vmem>>, vector<16xf32>,
        %parallel_loop3A_533 = arith.mulf %parallel_loop3A_529, %parallel_loop3A_532 : vector<16xf32>
        %parallel_loop3A_534 = arith.constant true
        %parallel_loop3A_535 = vector.broadcast %parallel_loop3A_534 : i1 to vector<16xi1>
        %parallel_loop3A_536 = tpu.scan <sum>, %parallel_loop3A_533 masked %parallel_loop3A_535 : vector<16xf32>, vector<16xi1> -> vector<16xf32>
        %parallel_loop3A_537 = vector.extract %parallel_loop3A_536[15] : f32 from vector<16xf32>
        %parallel_loop3A_538 = vector.broadcast %parallel_loop3A_537 : f32 to vector<16xf32>
        %parallel_loop3A_539 = math.exp %parallel_loop3A_538 : vector<16xf32>
        %parallel_loop3A_540 = arith.index_cast %parallel_loop3A_430 : i32 to index
        %parallel_loop3A_541 = arith.constant 64 : index
        %parallel_loop3A_542 = tpu.vector_load %arg16[%parallel_loop3A_540, %parallel_loop3A_541] {strides = array<i32>} : memref<40x128xf32, #tpu.memory_space<vmem>>, vector<16xf32>,
        %parallel_loop3A_543 = arith.mulf %parallel_loop3A_542, %parallel_loop3A_539 : vector<16xf32>
        %parallel_loop3A_544 = arith.index_cast %parallel_loop3A_430 : i32 to index
        %parallel_loop3A_545 = arith.constant 64 : index
        %parallel_loop3A_546 = tpu.vector_load %arg19[%parallel_loop3A_544, %parallel_loop3A_545] {strides = array<i32>} : memref<40x128xf32, #tpu.memory_space<vmem>>, vector<16xf32>,
        tpu.vector_store %arg19[%parallel_loop3A_544, %parallel_loop3A_545], %parallel_loop3A_543 {strides = array<i32>} : memref<40x128xf32, #tpu.memory_space<vmem>>, vector<16xf32>,
        %parallel_loop3A_547 = arith.constant 4 : i32
        %parallel_loop3A_548 = vector.broadcast %parallel_loop3A_547 : i32 to vector<16xi32>
        %parallel_loop3A_549 = arith.cmpi eq, %iota3A, %parallel_loop3A_548 : vector<16xi32>
        %parallel_loop3A_550 = arith.select %parallel_loop3A_549, %parallel_loop3A_539, %parallel_loop3A_526 : vector<16xi1>, vector<16xf32>
        %parallel_loop3A_551 = arith.index_cast %parallel_loop3A_430 : i32 to index
        %parallel_loop3A_552 = arith.constant 80 : index
        %parallel_loop3A_553 = tpu.vector_load %arg14[%parallel_loop3A_551, %parallel_loop3A_552] {strides = array<i32>} : memref<40x128xf32, #tpu.memory_space<vmem>>, vector<16xf32>,
        %parallel_loop3A_554 = arith.index_cast %parallel_loop3A_430 : i32 to index
        %parallel_loop3A_555 = arith.constant 80 : index
        %parallel_loop3A_556 = tpu.vector_load %arg15[%parallel_loop3A_554, %parallel_loop3A_555] {strides = array<i32>} : memref<40x128xf32, #tpu.memory_space<vmem>>, vector<16xf32>,
        %parallel_loop3A_557 = arith.mulf %parallel_loop3A_553, %parallel_loop3A_556 : vector<16xf32>
        %parallel_loop3A_558 = arith.constant true
        %parallel_loop3A_559 = vector.broadcast %parallel_loop3A_558 : i1 to vector<16xi1>
        %parallel_loop3A_560 = tpu.scan <sum>, %parallel_loop3A_557 masked %parallel_loop3A_559 : vector<16xf32>, vector<16xi1> -> vector<16xf32>
        %parallel_loop3A_561 = vector.extract %parallel_loop3A_560[15] : f32 from vector<16xf32>
        %parallel_loop3A_562 = vector.broadcast %parallel_loop3A_561 : f32 to vector<16xf32>
        %parallel_loop3A_563 = math.exp %parallel_loop3A_562 : vector<16xf32>
        %parallel_loop3A_564 = arith.index_cast %parallel_loop3A_430 : i32 to index
        %parallel_loop3A_565 = arith.constant 80 : index
        %parallel_loop3A_566 = tpu.vector_load %arg16[%parallel_loop3A_564, %parallel_loop3A_565] {strides = array<i32>} : memref<40x128xf32, #tpu.memory_space<vmem>>, vector<16xf32>,
        %parallel_loop3A_567 = arith.mulf %parallel_loop3A_566, %parallel_loop3A_563 : vector<16xf32>
        %parallel_loop3A_568 = arith.index_cast %parallel_loop3A_430 : i32 to index
        %parallel_loop3A_569 = arith.constant 80 : index
        %parallel_loop3A_570 = tpu.vector_load %arg19[%parallel_loop3A_568, %parallel_loop3A_569] {strides = array<i32>} : memref<40x128xf32, #tpu.memory_space<vmem>>, vector<16xf32>,
        tpu.vector_store %arg19[%parallel_loop3A_568, %parallel_loop3A_569], %parallel_loop3A_567 {strides = array<i32>} : memref<40x128xf32, #tpu.memory_space<vmem>>, vector<16xf32>,
        %parallel_loop3A_571 = arith.constant 5 : i32
        %parallel_loop3A_572 = vector.broadcast %parallel_loop3A_571 : i32 to vector<16xi32>
        %parallel_loop3A_573 = arith.cmpi eq, %iota3A, %parallel_loop3A_572 : vector<16xi32>
        %parallel_loop3A_574 = arith.select %parallel_loop3A_573, %parallel_loop3A_563, %parallel_loop3A_550 : vector<16xi1>, vector<16xf32>
        %parallel_loop3A_575 = arith.index_cast %parallel_loop3A_430 : i32 to index
        %parallel_loop3A_576 = arith.constant 96 : index
        %parallel_loop3A_577 = tpu.vector_load %arg14[%parallel_loop3A_575, %parallel_loop3A_576] {strides = array<i32>} : memref<40x128xf32, #tpu.memory_space<vmem>>, vector<16xf32>,
        %parallel_loop3A_578 = arith.index_cast %parallel_loop3A_430 : i32 to index
        %parallel_loop3A_579 = arith.constant 96 : index
        %parallel_loop3A_580 = tpu.vector_load %arg15[%parallel_loop3A_578, %parallel_loop3A_579] {strides = array<i32>} : memref<40x128xf32, #tpu.memory_space<vmem>>, vector<16xf32>,
        %parallel_loop3A_581 = arith.mulf %parallel_loop3A_577, %parallel_loop3A_580 : vector<16xf32>
        %parallel_loop3A_582 = arith.constant true
        %parallel_loop3A_583 = vector.broadcast %parallel_loop3A_582 : i1 to vector<16xi1>
        %parallel_loop3A_584 = tpu.scan <sum>, %parallel_loop3A_581 masked %parallel_loop3A_583 : vector<16xf32>, vector<16xi1> -> vector<16xf32>
        %parallel_loop3A_585 = vector.extract %parallel_loop3A_584[15] : f32 from vector<16xf32>
        %parallel_loop3A_586 = vector.broadcast %parallel_loop3A_585 : f32 to vector<16xf32>
        %parallel_loop3A_587 = math.exp %parallel_loop3A_586 : vector<16xf32>
        %parallel_loop3A_588 = arith.index_cast %parallel_loop3A_430 : i32 to index
        %parallel_loop3A_589 = arith.constant 96 : index
        %parallel_loop3A_590 = tpu.vector_load %arg16[%parallel_loop3A_588, %parallel_loop3A_589] {strides = array<i32>} : memref<40x128xf32, #tpu.memory_space<vmem>>, vector<16xf32>,
        %parallel_loop3A_591 = arith.mulf %parallel_loop3A_590, %parallel_loop3A_587 : vector<16xf32>
        %parallel_loop3A_592 = arith.index_cast %parallel_loop3A_430 : i32 to index
        %parallel_loop3A_593 = arith.constant 96 : index
        %parallel_loop3A_594 = tpu.vector_load %arg19[%parallel_loop3A_592, %parallel_loop3A_593] {strides = array<i32>} : memref<40x128xf32, #tpu.memory_space<vmem>>, vector<16xf32>,
        tpu.vector_store %arg19[%parallel_loop3A_592, %parallel_loop3A_593], %parallel_loop3A_591 {strides = array<i32>} : memref<40x128xf32, #tpu.memory_space<vmem>>, vector<16xf32>,
        %parallel_loop3A_595 = arith.constant 6 : i32
        %parallel_loop3A_596 = vector.broadcast %parallel_loop3A_595 : i32 to vector<16xi32>
        %parallel_loop3A_597 = arith.cmpi eq, %iota3A, %parallel_loop3A_596 : vector<16xi32>
        %parallel_loop3A_598 = arith.select %parallel_loop3A_597, %parallel_loop3A_587, %parallel_loop3A_574 : vector<16xi1>, vector<16xf32>
        %parallel_loop3A_599 = arith.index_cast %parallel_loop3A_430 : i32 to index
        %parallel_loop3A_600 = arith.constant 112 : index
        %parallel_loop3A_601 = tpu.vector_load %arg14[%parallel_loop3A_599, %parallel_loop3A_600] {strides = array<i32>} : memref<40x128xf32, #tpu.memory_space<vmem>>, vector<16xf32>,
        %parallel_loop3A_602 = arith.index_cast %parallel_loop3A_430 : i32 to index
        %parallel_loop3A_603 = arith.constant 112 : index
        %parallel_loop3A_604 = tpu.vector_load %arg15[%parallel_loop3A_602, %parallel_loop3A_603] {strides = array<i32>} : memref<40x128xf32, #tpu.memory_space<vmem>>, vector<16xf32>,
        %parallel_loop3A_605 = arith.mulf %parallel_loop3A_601, %parallel_loop3A_604 : vector<16xf32>
        %parallel_loop3A_606 = arith.constant true
        %parallel_loop3A_607 = vector.broadcast %parallel_loop3A_606 : i1 to vector<16xi1>
        %parallel_loop3A_608 = tpu.scan <sum>, %parallel_loop3A_605 masked %parallel_loop3A_607 : vector<16xf32>, vector<16xi1> -> vector<16xf32>
        %parallel_loop3A_609 = vector.extract %parallel_loop3A_608[15] : f32 from vector<16xf32>
        %parallel_loop3A_610 = vector.broadcast %parallel_loop3A_609 : f32 to vector<16xf32>
        %parallel_loop3A_611 = math.exp %parallel_loop3A_610 : vector<16xf32>
        %parallel_loop3A_612 = arith.index_cast %parallel_loop3A_430 : i32 to index
        %parallel_loop3A_613 = arith.constant 112 : index
        %parallel_loop3A_614 = tpu.vector_load %arg16[%parallel_loop3A_612, %parallel_loop3A_613] {strides = array<i32>} : memref<40x128xf32, #tpu.memory_space<vmem>>, vector<16xf32>,
        %parallel_loop3A_615 = arith.mulf %parallel_loop3A_614, %parallel_loop3A_611 : vector<16xf32>
        %parallel_loop3A_616 = arith.index_cast %parallel_loop3A_430 : i32 to index
        %parallel_loop3A_617 = arith.constant 112 : index
        %parallel_loop3A_618 = tpu.vector_load %arg19[%parallel_loop3A_616, %parallel_loop3A_617] {strides = array<i32>} : memref<40x128xf32, #tpu.memory_space<vmem>>, vector<16xf32>,
        tpu.vector_store %arg19[%parallel_loop3A_616, %parallel_loop3A_617], %parallel_loop3A_615 {strides = array<i32>} : memref<40x128xf32, #tpu.memory_space<vmem>>, vector<16xf32>,
        %parallel_loop3A_619 = arith.constant 7 : i32
        %parallel_loop3A_620 = vector.broadcast %parallel_loop3A_619 : i32 to vector<16xi32>
        %parallel_loop3A_621 = arith.cmpi eq, %iota3A, %parallel_loop3A_620 : vector<16xi32>
        %parallel_loop3A_622 = arith.select %parallel_loop3A_621, %parallel_loop3A_611, %parallel_loop3A_598 : vector<16xi1>, vector<16xf32>
        %parallel_loop3A_623 = arith.index_cast %parallel_loop3A_430 : i32 to index
        %parallel_loop3A_624 = arith.constant 0 : index
        %parallel_loop3A_625 = tpu.vector_load %arg20[%parallel_loop3A_623, %parallel_loop3A_624] {strides = array<i32>} : memref<40x16xf32, #tpu.memory_space<vmem>>, vector<16xf32>,
        tpu.vector_store %arg20[%parallel_loop3A_623, %parallel_loop3A_624], %parallel_loop3A_622 {strides = array<i32>} : memref<40x16xf32, #tpu.memory_space<vmem>>, vector<16xf32>,
      } {sc.loop_unroll_factor = 2 : i64, sc.parallel_access}
      %get3A_378 = arith.constant 1 : i32
      %get3A_379 = arith.index_cast %get3A_378 : i32 to index
      %get3A_380 = arith.constant 0 : index
      %get3A_381 = tpu.vector_load %arg9[%get3A_379, %get3A_380] {strides = array<i32>} : memref<2x40xi32, #tpu.memory_space<vmem>>, vector<16xi32>,
      %swap3A_382 = arith.constant 0 : index
      %swap3A_383 = tpu.vector_load %arg11[%swap3A_382] {strides = array<i32>} : memref<40xi32, #tpu.memory_space<vmem>>, vector<16xi32>,
      tpu.vector_store %arg11[%swap3A_382], %get3A_381 {strides = array<i32>} : memref<40xi32, #tpu.memory_space<vmem>>, vector<16xi32>,
      %get3A_384 = arith.constant 1 : i32
      %get3A_385 = arith.index_cast %get3A_384 : i32 to index
      %get3A_386 = arith.constant 16 : index
      %get3A_387 = tpu.vector_load %arg9[%get3A_385, %get3A_386] {strides = array<i32>} : memref<2x40xi32, #tpu.memory_space<vmem>>, vector<16xi32>,
      %swap3A_388 = arith.constant 16 : index
      %swap3A_389 = tpu.vector_load %arg11[%swap3A_388] {strides = array<i32>} : memref<40xi32, #tpu.memory_space<vmem>>, vector<16xi32>,
      tpu.vector_store %arg11[%swap3A_388], %get3A_387 {strides = array<i32>} : memref<40xi32, #tpu.memory_space<vmem>>, vector<16xi32>,
      %get3A_390 = arith.constant 1 : i32
      %get3A_391 = arith.index_cast %get3A_390 : i32 to index
      %get3A_392 = arith.constant 24 : index
      %get3A_393 = tpu.vector_load %arg9[%get3A_391, %get3A_392] {strides = array<i32>} : memref<2x40xi32, #tpu.memory_space<vmem>>, vector<16xi32>,
      %swap3A_394 = arith.constant 24 : index
      %swap3A_395 = tpu.vector_load %arg11[%swap3A_394] {strides = array<i32>} : memref<40xi32, #tpu.memory_space<vmem>>, vector<16xi32>,
      tpu.vector_store %arg11[%swap3A_394], %get3A_393 {strides = array<i32>} : memref<40xi32, #tpu.memory_space<vmem>>, vector<16xi32>,
      %dma_start3A_396 = arith.constant 0 : i32
      %dma_start3A_397 = arith.constant 0 : i32
      %dma_start3A_398 = tpu.memref_slice %arg21[%dma_start3A_396, %dma_start3A_397] : memref<10240x128xf32, #tpu.memory_space<vmem_shared>> -> memref<10240x128xf32, #tpu.memory_space<vmem_shared>>
      tpu.enqueue_indirect_dma source(%arg19 : memref<40x128xf32, #tpu.memory_space<vmem>>) target(%dma_start3A_398 : memref<10240x128xf32, #tpu.memory_space<vmem_shared>>) offsets(%arg11 : memref<40xi32, #tpu.memory_space<vmem>>) semaphore(%arg26 : memref<!tpu.dma_semaphore, #tpu.memory_space<semaphore_mem>>) {add = true}
      %dma_start3A_399 = arith.constant 0 : i32
      %dma_start3A_400 = arith.constant 0 : i32
      %dma_start3A_401 = tpu.memref_slice %arg22[%dma_start3A_399, %dma_start3A_400] : memref<10240x16xf32, #tpu.memory_space<vmem_shared>> -> memref<10240x16xf32, #tpu.memory_space<vmem_shared>>
      tpu.enqueue_indirect_dma source(%arg20 : memref<40x16xf32, #tpu.memory_space<vmem>>) target(%dma_start3A_401 : memref<10240x16xf32, #tpu.memory_space<vmem_shared>>) offsets(%arg11 : memref<40xi32, #tpu.memory_space<vmem>>) semaphore(%arg26 : memref<!tpu.dma_semaphore, #tpu.memory_space<semaphore_mem>>) {add = true}
      %dma_start3A_402 = arith.constant 0 : i32
      %dma_start3A_403 = arith.constant 0 : i32
      %dma_start3A_404 = tpu.memref_slice %arg8[%dma_start3A_402, %dma_start3A_403] : memref<2x40xi32, #tpu.memory_space<vmem>> -> memref<1x40xi32, #tpu.memory_space<vmem>>
      %dma_start3A_405 = tpu.memref_squeeze %dma_start3A_404 : memref<1x40xi32, #tpu.memory_space<vmem>> -> memref<40xi32, #tpu.memory_space<vmem>>
      %dma_start3A_406 = arith.constant 0 : i32
      %dma_start3A_407 = arith.constant 0 : i32
      %dma_start3A_408 = tpu.memref_slice %arg4[%dma_start3A_406, %dma_start3A_407] : memref<10000x128xf32, #tpu.memory_space<hbm>> -> memref<10000x128xf32, #tpu.memory_space<hbm>>
      tpu.enqueue_indirect_dma source(%dma_start3A_408 : memref<10000x128xf32, #tpu.memory_space<hbm>>) target(%arg16 : memref<40x128xf32, #tpu.memory_space<vmem>>) offsets(%dma_start3A_405 : memref<40xi32, #tpu.memory_space<vmem>>) semaphore(%arg27 : memref<!tpu.dma_semaphore, #tpu.memory_space<semaphore_mem>>)
      %add3A_409 = arith.constant 2 : i32
      %add3A_410 = arith.addi %add3A_347, %add3A_409 : i32
      %min3A_411 = arith.constant 249 : i32
      %min3A_412 = arith.minsi %add3A_410, %min3A_411 : i32
      %mul3A_413 = arith.constant 40 : i32
      %mul3A_414 = arith.muli %min3A_412, %mul3A_413 : i32
      %add3A_415 = arith.addi %mul3A_3, %mul3A_414 : i32
      "tpu.region"() ({
        %run_scoped3A = tpu.sem_alloc : memref<!tpu.dma_semaphore, #tpu.memory_space<semaphore_mem>>
        %dma_start3A_430 = arith.constant 0 : i32
        %dma_start3A_431 = tpu.memref_slice %arg5[%dma_start3A_430, %add3A_415] : memref<2x320000xi32, #tpu.memory_space<hbm>> -> memref<2x40xi32, #tpu.memory_space<hbm>>
        %dma_start3A_432 = arith.constant 0 : i32
        %dma_start3A_433 = tpu.memref_slice %arg5[%dma_start3A_432, %add3A_415] : memref<2x320000xi32, #tpu.memory_space<hbm>> -> memref<2x40xi32, #tpu.memory_space<hbm>>
        tpu.enqueue_dma source(%dma_start3A_433 : memref<2x40xi32, #tpu.memory_space<hbm>>) target(%arg9 : memref<2x40xi32, #tpu.memory_space<vmem>>) target_semaphore(%run_scoped3A : memref<!tpu.dma_semaphore, #tpu.memory_space<semaphore_mem>>)
        %dma_wait3A_434 = arith.constant 0 : i32
        %dma_wait3A_435 = tpu.memref_slice %arg5[%dma_wait3A_434, %add3A_415] : memref<2x320000xi32, #tpu.memory_space<hbm>> -> memref<2x40xi32, #tpu.memory_space<hbm>>
        %dma_wait3A_436 = arith.constant 0 : i32
        %dma_wait3A_437 = tpu.memref_slice %arg5[%dma_wait3A_436, %add3A_415] : memref<2x320000xi32, #tpu.memory_space<hbm>> -> memref<2x40xi32, #tpu.memory_space<hbm>>
        tpu.wait_dma2 semaphore(%run_scoped3A : memref<!tpu.dma_semaphore, #tpu.memory_space<semaphore_mem>>) src(%dma_wait3A_437 : memref<2x40xi32, #tpu.memory_space<hbm>>) dst(%arg9 : memref<2x40xi32, #tpu.memory_space<vmem>>)
        tpu.yield
      }) : () -> ()
      %dma_start3A_416 = arith.constant 1 : i32
      %dma_start3A_417 = arith.constant 0 : i32
      %dma_start3A_418 = tpu.memref_slice %arg9[%dma_start3A_416, %dma_start3A_417] : memref<2x40xi32, #tpu.memory_space<vmem>> -> memref<1x40xi32, #tpu.memory_space<vmem>>
      %dma_start3A_419 = tpu.memref_squeeze %dma_start3A_418 : memref<1x40xi32, #tpu.memory_space<vmem>> -> memref<40xi32, #tpu.memory_space<vmem>>
      %dma_start3A_420 = arith.constant 0 : i32
      %dma_start3A_421 = arith.constant 0 : i32
      %dma_start3A_422 = tpu.memref_slice %arg2[%dma_start3A_420, %dma_start3A_421] : memref<10000x128xf32, #tpu.memory_space<hbm>> -> memref<10000x128xf32, #tpu.memory_space<hbm>>
      tpu.enqueue_indirect_dma source(%dma_start3A_422 : memref<10000x128xf32, #tpu.memory_space<hbm>>) target(%arg14 : memref<40x128xf32, #tpu.memory_space<vmem>>) offsets(%dma_start3A_419 : memref<40xi32, #tpu.memory_space<vmem>>) semaphore(%arg24 : memref<!tpu.dma_semaphore, #tpu.memory_space<semaphore_mem>>)
      %dma_start3A_423 = arith.constant 0 : i32
      %dma_start3A_424 = arith.constant 0 : i32
      %dma_start3A_425 = tpu.memref_slice %arg9[%dma_start3A_423, %dma_start3A_424] : memref<2x40xi32, #tpu.memory_space<vmem>> -> memref<1x40xi32, #tpu.memory_space<vmem>>
      %dma_start3A_426 = tpu.memref_squeeze %dma_start3A_425 : memref<1x40xi32, #tpu.memory_space<vmem>> -> memref<40xi32, #tpu.memory_space<vmem>>
      %dma_start3A_427 = arith.constant 0 : i32
      %dma_start3A_428 = arith.constant 0 : i32
      %dma_start3A_429 = tpu.memref_slice %arg3[%dma_start3A_427, %dma_start3A_428] : memref<10000x128xf32, #tpu.memory_space<hbm>> -> memref<10000x128xf32, #tpu.memory_space<hbm>>
      tpu.enqueue_indirect_dma source(%dma_start3A_429 : memref<10000x128xf32, #tpu.memory_space<hbm>>) target(%arg15 : memref<40x128xf32, #tpu.memory_space<vmem>>) offsets(%dma_start3A_426 : memref<40xi32, #tpu.memory_space<vmem>>) semaphore(%arg24 : memref<!tpu.dma_semaphore, #tpu.memory_space<semaphore_mem>>)
    }
    %scan3A_210 = arith.constant 124 : i32
    %dma_wait3A_211 = arith.constant 1 : i32
    %dma_wait3A_212 = arith.constant 0 : i32
    %dma_wait3A_213 = tpu.memref_slice %arg8[%dma_wait3A_211, %dma_wait3A_212] : memref<2x40xi32, #tpu.memory_space<vmem>> -> memref<1x40xi32, #tpu.memory_space<vmem>>
    %dma_wait3A_214 = tpu.memref_squeeze %dma_wait3A_213 : memref<1x40xi32, #tpu.memory_space<vmem>> -> memref<40xi32, #tpu.memory_space<vmem>>
    %dma_wait3A_215 = arith.constant 0 : i32
    %dma_wait3A_216 = arith.constant 0 : i32
    %dma_wait3A_217 = tpu.memref_slice %arg2[%dma_wait3A_215, %dma_wait3A_216] : memref<10000x128xf32, #tpu.memory_space<hbm>> -> memref<10000x128xf32, #tpu.memory_space<hbm>>
    tpu.wait_indirect_dma semaphore(%arg23 : memref<!tpu.dma_semaphore, #tpu.memory_space<semaphore_mem>>) src(%dma_wait3A_217 : memref<10000x128xf32, #tpu.memory_space<hbm>>) dst(%arg12 : memref<40x128xf32, #tpu.memory_space<vmem>>)
    %dma_wait3A_218 = arith.constant 0 : i32
    %dma_wait3A_219 = arith.constant 0 : i32
    %dma_wait3A_220 = tpu.memref_slice %arg8[%dma_wait3A_218, %dma_wait3A_219] : memref<2x40xi32, #tpu.memory_space<vmem>> -> memref<1x40xi32, #tpu.memory_space<vmem>>
    %dma_wait3A_221 = tpu.memref_squeeze %dma_wait3A_220 : memref<1x40xi32, #tpu.memory_space<vmem>> -> memref<40xi32, #tpu.memory_space<vmem>>
    %dma_wait3A_222 = arith.constant 0 : i32
    %dma_wait3A_223 = arith.constant 0 : i32
    %dma_wait3A_224 = tpu.memref_slice %arg3[%dma_wait3A_222, %dma_wait3A_223] : memref<10000x128xf32, #tpu.memory_space<hbm>> -> memref<10000x128xf32, #tpu.memory_space<hbm>>
    tpu.wait_indirect_dma semaphore(%arg23 : memref<!tpu.dma_semaphore, #tpu.memory_space<semaphore_mem>>) src(%dma_wait3A_224 : memref<10000x128xf32, #tpu.memory_space<hbm>>) dst(%arg13 : memref<40x128xf32, #tpu.memory_space<vmem>>)
    %dma_wait3A_225 = arith.constant 1 : i32
    %dma_wait3A_226 = arith.constant 0 : i32
    %dma_wait3A_227 = tpu.memref_slice %arg9[%dma_wait3A_225, %dma_wait3A_226] : memref<2x40xi32, #tpu.memory_space<vmem>> -> memref<1x40xi32, #tpu.memory_space<vmem>>
    %dma_wait3A_228 = tpu.memref_squeeze %dma_wait3A_227 : memref<1x40xi32, #tpu.memory_space<vmem>> -> memref<40xi32, #tpu.memory_space<vmem>>
    %dma_wait3A_229 = arith.constant 0 : i32
    %dma_wait3A_230 = arith.constant 0 : i32
    %dma_wait3A_231 = tpu.memref_slice %arg2[%dma_wait3A_229, %dma_wait3A_230] : memref<10000x128xf32, #tpu.memory_space<hbm>> -> memref<10000x128xf32, #tpu.memory_space<hbm>>
    tpu.wait_indirect_dma semaphore(%arg24 : memref<!tpu.dma_semaphore, #tpu.memory_space<semaphore_mem>>) src(%dma_wait3A_231 : memref<10000x128xf32, #tpu.memory_space<hbm>>) dst(%arg14 : memref<40x128xf32, #tpu.memory_space<vmem>>)
    %dma_wait3A_232 = arith.constant 0 : i32
    %dma_wait3A_233 = arith.constant 0 : i32
    %dma_wait3A_234 = tpu.memref_slice %arg9[%dma_wait3A_232, %dma_wait3A_233] : memref<2x40xi32, #tpu.memory_space<vmem>> -> memref<1x40xi32, #tpu.memory_space<vmem>>
    %dma_wait3A_235 = tpu.memref_squeeze %dma_wait3A_234 : memref<1x40xi32, #tpu.memory_space<vmem>> -> memref<40xi32, #tpu.memory_space<vmem>>
    %dma_wait3A_236 = arith.constant 0 : i32
    %dma_wait3A_237 = arith.constant 0 : i32
    %dma_wait3A_238 = tpu.memref_slice %arg3[%dma_wait3A_236, %dma_wait3A_237] : memref<10000x128xf32, #tpu.memory_space<hbm>> -> memref<10000x128xf32, #tpu.memory_space<hbm>>
    tpu.wait_indirect_dma semaphore(%arg24 : memref<!tpu.dma_semaphore, #tpu.memory_space<semaphore_mem>>) src(%dma_wait3A_238 : memref<10000x128xf32, #tpu.memory_space<hbm>>) dst(%arg15 : memref<40x128xf32, #tpu.memory_space<vmem>>)
    %dma_wait3A_239 = arith.constant 0 : i32
    %dma_wait3A_240 = arith.constant 0 : i32
    %dma_wait3A_241 = tpu.memref_slice %arg8[%dma_wait3A_239, %dma_wait3A_240] : memref<2x40xi32, #tpu.memory_space<vmem>> -> memref<1x40xi32, #tpu.memory_space<vmem>>
    %dma_wait3A_242 = tpu.memref_squeeze %dma_wait3A_241 : memref<1x40xi32, #tpu.memory_space<vmem>> -> memref<40xi32, #tpu.memory_space<vmem>>
    %dma_wait3A_243 = arith.constant 0 : i32
    %dma_wait3A_244 = arith.constant 0 : i32
    %dma_wait3A_245 = tpu.memref_slice %arg4[%dma_wait3A_243, %dma_wait3A_244] : memref<10000x128xf32, #tpu.memory_space<hbm>> -> memref<10000x128xf32, #tpu.memory_space<hbm>>
    tpu.wait_indirect_dma semaphore(%arg27 : memref<!tpu.dma_semaphore, #tpu.memory_space<semaphore_mem>>) src(%dma_wait3A_245 : memref<10000x128xf32, #tpu.memory_space<hbm>>) dst(%arg16 : memref<40x128xf32, #tpu.memory_space<vmem>>)
    %dma_wait3A_246 = arith.constant 0 : i32
    %dma_wait3A_247 = arith.constant 0 : i32
    %dma_wait3A_248 = tpu.memref_slice %arg21[%dma_wait3A_246, %dma_wait3A_247] : memref<10240x128xf32, #tpu.memory_space<vmem_shared>> -> memref<10240x128xf32, #tpu.memory_space<vmem_shared>>
    tpu.wait_indirect_dma semaphore(%arg25 : memref<!tpu.dma_semaphore, #tpu.memory_space<semaphore_mem>>) src(%arg17 : memref<40x128xf32, #tpu.memory_space<vmem>>) dst(%dma_wait3A_248 : memref<10240x128xf32, #tpu.memory_space<vmem_shared>>)
    %dma_wait3A_249 = arith.constant 0 : i32
    %dma_wait3A_250 = arith.constant 0 : i32
    %dma_wait3A_251 = tpu.memref_slice %arg22[%dma_wait3A_249, %dma_wait3A_250] : memref<10240x16xf32, #tpu.memory_space<vmem_shared>> -> memref<10240x16xf32, #tpu.memory_space<vmem_shared>>
    tpu.wait_indirect_dma semaphore(%arg25 : memref<!tpu.dma_semaphore, #tpu.memory_space<semaphore_mem>>) src(%arg18 : memref<40x16xf32, #tpu.memory_space<vmem>>) dst(%dma_wait3A_251 : memref<10240x16xf32, #tpu.memory_space<vmem_shared>>)
    %dma_wait3A_252 = arith.constant 0 : i32
    %dma_wait3A_253 = arith.constant 0 : i32
    %dma_wait3A_254 = tpu.memref_slice %arg21[%dma_wait3A_252, %dma_wait3A_253] : memref<10240x128xf32, #tpu.memory_space<vmem_shared>> -> memref<10240x128xf32, #tpu.memory_space<vmem_shared>>
    tpu.wait_indirect_dma semaphore(%arg26 : memref<!tpu.dma_semaphore, #tpu.memory_space<semaphore_mem>>) src(%arg19 : memref<40x128xf32, #tpu.memory_space<vmem>>) dst(%dma_wait3A_254 : memref<10240x128xf32, #tpu.memory_space<vmem_shared>>)
    %dma_wait3A_255 = arith.constant 0 : i32
    %dma_wait3A_256 = arith.constant 0 : i32
    %dma_wait3A_257 = tpu.memref_slice %arg22[%dma_wait3A_255, %dma_wait3A_256] : memref<10240x16xf32, #tpu.memory_space<vmem_shared>> -> memref<10240x16xf32, #tpu.memory_space<vmem_shared>>
    tpu.wait_indirect_dma semaphore(%arg26 : memref<!tpu.dma_semaphore, #tpu.memory_space<semaphore_mem>>) src(%arg20 : memref<40x16xf32, #tpu.memory_space<vmem>>) dst(%dma_wait3A_257 : memref<10240x16xf32, #tpu.memory_space<vmem_shared>>)
    %barrier3A_258 = arith.constant 0 : index
    tpu.barrier barrier_id(%barrier3A_258)
    "tpu.region"() ({
      %run_scoped3A = tpu.sem_alloc : memref<!tpu.dma_semaphore, #tpu.memory_space<semaphore_mem>>
      %dma_start3A_259 = arith.constant 0 : i32
      %dma_start3A_260 = tpu.memref_slice %arg6[%arg0, %mul3A_54, %dma_start3A_259] : memref<2x10240x128xf32, #tpu.memory_space<hbm>> -> memref<1x640x128xf32, #tpu.memory_space<hbm>>
      %dma_start3A_261 = tpu.memref_squeeze %dma_start3A_260 : memref<1x640x128xf32, #tpu.memory_space<hbm>> -> memref<640x128xf32, #tpu.memory_space<hbm>>
      %dma_start3A_262 = arith.constant 0 : i32
      %dma_start3A_263 = tpu.memref_slice %arg21[%mul3A_54, %dma_start3A_262] : memref<10240x128xf32, #tpu.memory_space<vmem_shared>> -> memref<640x128xf32, #tpu.memory_space<vmem_shared>>
      tpu.enqueue_dma source(%dma_start3A_263 : memref<640x128xf32, #tpu.memory_space<vmem_shared>>) target(%dma_start3A_261 : memref<640x128xf32, #tpu.memory_space<hbm>>) target_semaphore(%run_scoped3A : memref<!tpu.dma_semaphore, #tpu.memory_space<semaphore_mem>>)
      %dma_wait3A_264 = arith.constant 0 : i32
      %dma_wait3A_265 = tpu.memref_slice %arg6[%arg0, %mul3A_54, %dma_wait3A_264] : memref<2x10240x128xf32, #tpu.memory_space<hbm>> -> memref<1x640x128xf32, #tpu.memory_space<hbm>>
      %dma_wait3A_266 = tpu.memref_squeeze %dma_wait3A_265 : memref<1x640x128xf32, #tpu.memory_space<hbm>> -> memref<640x128xf32, #tpu.memory_space<hbm>>
      %dma_wait3A_267 = arith.constant 0 : i32
      %dma_wait3A_268 = tpu.memref_slice %arg21[%mul3A_54, %dma_wait3A_267] : memref<10240x128xf32, #tpu.memory_space<vmem_shared>> -> memref<640x128xf32, #tpu.memory_space<vmem_shared>>
      tpu.wait_dma2 semaphore(%run_scoped3A : memref<!tpu.dma_semaphore, #tpu.memory_space<semaphore_mem>>) src(%dma_wait3A_268 : memref<640x128xf32, #tpu.memory_space<vmem_shared>>) dst(%dma_wait3A_266 : memref<640x128xf32, #tpu.memory_space<hbm>>)
      tpu.yield
    }) : () -> ()
    "tpu.region"() ({
      %run_scoped3A = tpu.sem_alloc : memref<!tpu.dma_semaphore, #tpu.memory_space<semaphore_mem>>
      %dma_start3A_259 = arith.constant 0 : i32
      %dma_start3A_260 = tpu.memref_slice %arg7[%arg0, %mul3A_54, %dma_start3A_259] : memref<2x10240x16xf32, #tpu.memory_space<hbm>> -> memref<1x640x16xf32, #tpu.memory_space<hbm>>
      %dma_start3A_261 = tpu.memref_squeeze %dma_start3A_260 : memref<1x640x16xf32, #tpu.memory_space<hbm>> -> memref<640x16xf32, #tpu.memory_space<hbm>>
      %dma_start3A_262 = arith.constant 0 : i32
      %dma_start3A_263 = tpu.memref_slice %arg22[%mul3A_54, %dma_start3A_262] : memref<10240x16xf32, #tpu.memory_space<vmem_shared>> -> memref<640x16xf32, #tpu.memory_space<vmem_shared>>
      tpu.enqueue_dma source(%dma_start3A_263 : memref<640x16xf32, #tpu.memory_space<vmem_shared>>) target(%dma_start3A_261 : memref<640x16xf32, #tpu.memory_space<hbm>>) target_semaphore(%run_scoped3A : memref<!tpu.dma_semaphore, #tpu.memory_space<semaphore_mem>>)
      %dma_wait3A_264 = arith.constant 0 : i32
      %dma_wait3A_265 = tpu.memref_slice %arg7[%arg0, %mul3A_54, %dma_wait3A_264] : memref<2x10240x16xf32, #tpu.memory_space<hbm>> -> memref<1x640x16xf32, #tpu.memory_space<hbm>>
      %dma_wait3A_266 = tpu.memref_squeeze %dma_wait3A_265 : memref<1x640x16xf32, #tpu.memory_space<hbm>> -> memref<640x16xf32, #tpu.memory_space<hbm>>
      %dma_wait3A_267 = arith.constant 0 : i32
      %dma_wait3A_268 = tpu.memref_slice %arg22[%mul3A_54, %dma_wait3A_267] : memref<10240x16xf32, #tpu.memory_space<vmem_shared>> -> memref<640x16xf32, #tpu.memory_space<vmem_shared>>
      tpu.wait_dma2 semaphore(%run_scoped3A : memref<!tpu.dma_semaphore, #tpu.memory_space<semaphore_mem>>) src(%dma_wait3A_268 : memref<640x16xf32, #tpu.memory_space<vmem_shared>>) dst(%dma_wait3A_266 : memref<640x16xf32, #tpu.memory_space<hbm>>)
      tpu.yield
    }) : () -> ()
    return
  }
}

module attributes {stable_mosaic.version = 14 : i64} {
  func.func @body(%arg0: i32, %arg1: memref<1000x128xf32, #tpu.memory_space<vmem>>, %arg2: memref<128x512xf32, #tpu.memory_space<vmem>>, %arg3: memref<1x512xf32, #tpu.memory_space<vmem>>, %arg4: memref<1000x128xf32, #tpu.memory_space<vmem>>, %arg5: memref<1000x128xf32, #tpu.memory_space<vmem>>, %arg6: memref<1000x128xf32, #tpu.memory_space<vmem>>, %arg7: memref<1000x128xf32, #tpu.memory_space<vmem>>) attributes {dimension_semantics = [#tpu.dimension_semantics<arbitrary>], iteration_bounds = array<i64: 10>, scalar_prefetch = 0 : i64, scratch_operands = 0 : i64, tpu.core_type = #tpu.core_type<tc>, window_params = [{transform_indices = @transform_0, window_bounds = array<i64: 1000, 128>}, {pipeline_mode = #tpu.pipeline_mode<synchronous>, transform_indices = @transform_1, window_bounds = array<i64: 128, 512>}, {pipeline_mode = #tpu.pipeline_mode<synchronous>, transform_indices = @transform_2, window_bounds = array<i64: 1, 512>}, {transform_indices = @transform_3, window_bounds = array<i64: 1000, 128>}, {transform_indices = @transform_4, window_bounds = array<i64: 1000, 128>}, {transform_indices = @transform_5, window_bounds = array<i64: 1000, 128>}, {transform_indices = @transform_6, window_bounds = array<i64: 1000, 128>}]} {
    %get3A = arith.constant 0 : index
    %get3A_0 = arith.constant 0 : index
    %get3A_1 = vector.load %arg1[%get3A, %get3A_0] : memref<1000x128xf32, #tpu.memory_space<vmem>>, vector<1000x128xf32>
    %get3A_2 = arith.constant 0 : index
    %get3A_3 = arith.constant 0 : index
    %get3A_4 = vector.load %arg2[%get3A_2, %get3A_3] : memref<128x512xf32, #tpu.memory_space<vmem>>, vector<128x512xf32>
    %dot_general3A = arith.constant dense<0.000000e+00> : vector<1000x512xf32>
    %dot_general3A_5 = tpu.matmul %get3A_1, %get3A_4, %dot_general3A {dimension_numbers = #tpu.dot_dimension_numbers<[1], [0], [0], [1], [0, 0, 1, 1], [], []>, transpose_lhs_hint = false} : vector<1000x128xf32>, vector<128x512xf32>, vector<1000x512xf32> -> vector<1000x512xf32>
    %get3A_6 = arith.constant 0 : index
    %get3A_7 = arith.constant 0 : index
    %get3A_8 = vector.load %arg3[%get3A_6, %get3A_7] : memref<1x512xf32, #tpu.memory_space<vmem>>, vector<1x512xf32>
    %add3A = vector.broadcast %get3A_8 : vector<1x512xf32> to vector<1000x512xf32>
    %add3A_9 = arith.addf %dot_general3A_5, %add3A : vector<1000x512xf32>
    %slice3A = vector.extract_strided_slice %add3A_9 {offsets = [0, 0], sizes = [1000, 128], strides = [1, 1]} : vector<1000x512xf32> to vector<1000x128xf32>
    %mul3A = arith.constant 2.500000e-01 : f32
    %mul3A_10 = vector.broadcast %mul3A : f32 to vector<1000x128xf32>
    %mul3A_11 = arith.mulf %slice3A, %mul3A_10 : vector<1000x128xf32>
    %swap3A = arith.constant 0 : index
    %swap3A_12 = arith.constant 0 : index
    %swap3A_13 = vector.load %arg4[%swap3A, %swap3A_12] : memref<1000x128xf32, #tpu.memory_space<vmem>>, vector<1000x128xf32>
    tpu.vector_store %arg4[%swap3A, %swap3A_12], %mul3A_11 {strides = array<i32>} : memref<1000x128xf32, #tpu.memory_space<vmem>>, vector<1000x128xf32>,
    %slice3A_14 = vector.extract_strided_slice %add3A_9 {offsets = [0, 128], sizes = [1000, 128], strides = [1, 1]} : vector<1000x512xf32> to vector<1000x128xf32>
    %swap3A_15 = arith.constant 0 : index
    %swap3A_16 = arith.constant 0 : index
    %swap3A_17 = vector.load %arg5[%swap3A_15, %swap3A_16] : memref<1000x128xf32, #tpu.memory_space<vmem>>, vector<1000x128xf32>
    tpu.vector_store %arg5[%swap3A_15, %swap3A_16], %slice3A_14 {strides = array<i32>} : memref<1000x128xf32, #tpu.memory_space<vmem>>, vector<1000x128xf32>,
    %slice3A_18 = vector.extract_strided_slice %add3A_9 {offsets = [0, 256], sizes = [1000, 128], strides = [1, 1]} : vector<1000x512xf32> to vector<1000x128xf32>
    %swap3A_19 = arith.constant 0 : index
    %swap3A_20 = arith.constant 0 : index
    %swap3A_21 = vector.load %arg6[%swap3A_19, %swap3A_20] : memref<1000x128xf32, #tpu.memory_space<vmem>>, vector<1000x128xf32>
    tpu.vector_store %arg6[%swap3A_19, %swap3A_20], %slice3A_18 {strides = array<i32>} : memref<1000x128xf32, #tpu.memory_space<vmem>>, vector<1000x128xf32>,
    %slice3A_22 = vector.extract_strided_slice %add3A_9 {offsets = [0, 384], sizes = [1000, 128], strides = [1, 1]} : vector<1000x512xf32> to vector<1000x128xf32>
    %swap3A_23 = arith.constant 0 : index
    %swap3A_24 = arith.constant 0 : index
    %swap3A_25 = vector.load %arg7[%swap3A_23, %swap3A_24] : memref<1000x128xf32, #tpu.memory_space<vmem>>, vector<1000x128xf32>
    tpu.vector_store %arg7[%swap3A_23, %swap3A_24], %slice3A_22 {strides = array<i32>} : memref<1000x128xf32, #tpu.memory_space<vmem>>, vector<1000x128xf32>,
    return
  }
  func.func @transform_0(%arg0: i32) -> (i32, i32) {
    %c0_i32 = arith.constant 0 : i32
    %c0_i32_0 = arith.constant 0 : i32
    return %arg0, %c0_i32 : i32, i32
  }
  func.func @transform_1(%arg0: i32) -> (i32, i32) {
    %c0_i32 = arith.constant 0 : i32
    %c0_i32_0 = arith.constant 0 : i32
    %c0_i32_1 = arith.constant 0 : i32
    return %c0_i32, %c0_i32_0 : i32, i32
  }
  func.func @transform_2(%arg0: i32) -> (i32, i32) {
    %c0_i32 = arith.constant 0 : i32
    %c0_i32_0 = arith.constant 0 : i32
    %c0_i32_1 = arith.constant 0 : i32
    return %c0_i32, %c0_i32_0 : i32, i32
  }
  func.func @transform_3(%arg0: i32) -> (i32, i32) {
    %c0_i32 = arith.constant 0 : i32
    %c0_i32_0 = arith.constant 0 : i32
    return %arg0, %c0_i32 : i32, i32
  }
  func.func @transform_4(%arg0: i32) -> (i32, i32) {
    %c0_i32 = arith.constant 0 : i32
    %c0_i32_0 = arith.constant 0 : i32
    return %arg0, %c0_i32 : i32, i32
  }
  func.func @transform_5(%arg0: i32) -> (i32, i32) {
    %c0_i32 = arith.constant 0 : i32
    %c0_i32_0 = arith.constant 0 : i32
    return %arg0, %c0_i32 : i32, i32
  }
  func.func @transform_6(%arg0: i32) -> (i32, i32) {
    %c0_i32 = arith.constant 0 : i32
    %c0_i32_0 = arith.constant 0 : i32
    return %arg0, %c0_i32 : i32, i32
  }
}

module attributes {stable_mosaic.version = 14 : i64} {
  func.func @body(%arg0: i32, %arg1: memref<1000x128xf32, #tpu.memory_space<vmem>>, %arg2: memref<1000x128xf32, #tpu.memory_space<vmem>>, %arg3: memref<1000x128xf32, #tpu.memory_space<vmem>>, %arg4: memref<1000x128xf32, #tpu.memory_space<vmem>>, %arg5: memref<1000x128xf32, #tpu.memory_space<vmem>>, %arg6: memref<128x128xf32, #tpu.memory_space<vmem>>, %arg7: memref<1x128xf32, #tpu.memory_space<vmem>>, %arg8: memref<1x128xf32, #tpu.memory_space<vmem>>, %arg9: memref<1x128xf32, #tpu.memory_space<vmem>>, %arg10: memref<128x512xf32, #tpu.memory_space<vmem>>, %arg11: memref<1x512xf32, #tpu.memory_space<vmem>>, %arg12: memref<512x128xf32, #tpu.memory_space<vmem>>, %arg13: memref<1x128xf32, #tpu.memory_space<vmem>>, %arg14: memref<1x128xf32, #tpu.memory_space<vmem>>, %arg15: memref<1x128xf32, #tpu.memory_space<vmem>>, %arg16: memref<1000x128xf32, #tpu.memory_space<vmem>>) attributes {dimension_semantics = [#tpu.dimension_semantics<arbitrary>], iteration_bounds = array<i64: 10>, scalar_prefetch = 0 : i64, scratch_operands = 0 : i64, tpu.core_type = #tpu.core_type<tc>, window_params = [{transform_indices = @transform_0, window_bounds = array<i64: 1000, 128>}, {transform_indices = @transform_1, window_bounds = array<i64: 1000, 128>}, {transform_indices = @transform_2, window_bounds = array<i64: 1000, 128>}, {transform_indices = @transform_3, window_bounds = array<i64: 1000, 128>}, {transform_indices = @transform_4, window_bounds = array<i64: 1000, 128>}, {pipeline_mode = #tpu.pipeline_mode<synchronous>, transform_indices = @transform_5, window_bounds = array<i64: 128, 128>}, {pipeline_mode = #tpu.pipeline_mode<synchronous>, transform_indices = @transform_6, window_bounds = array<i64: 1, 128>}, {pipeline_mode = #tpu.pipeline_mode<synchronous>, transform_indices = @transform_7, window_bounds = array<i64: 1, 128>}, {pipeline_mode = #tpu.pipeline_mode<synchronous>, transform_indices = @transform_8, window_bounds = array<i64: 1, 128>}, {pipeline_mode = #tpu.pipeline_mode<synchronous>, transform_indices = @transform_9, window_bounds = array<i64: 128, 512>}, {pipeline_mode = #tpu.pipeline_mode<synchronous>, transform_indices = @transform_10, window_bounds = array<i64: 1, 512>}, {pipeline_mode = #tpu.pipeline_mode<synchronous>, transform_indices = @transform_11, window_bounds = array<i64: 512, 128>}, {pipeline_mode = #tpu.pipeline_mode<synchronous>, transform_indices = @transform_12, window_bounds = array<i64: 1, 128>}, {pipeline_mode = #tpu.pipeline_mode<synchronous>, transform_indices = @transform_13, window_bounds = array<i64: 1, 128>}, {pipeline_mode = #tpu.pipeline_mode<synchronous>, transform_indices = @transform_14, window_bounds = array<i64: 1, 128>}, {transform_indices = @transform_15, window_bounds = array<i64: 1000, 128>}]} {
    %get3A = arith.constant 0 : index
    %get3A_0 = arith.constant 0 : index
    %get3A_1 = vector.load %arg1[%get3A, %get3A_0] : memref<1000x128xf32, #tpu.memory_space<vmem>>, vector<1000x128xf32>
    %get3A_2 = arith.constant 0 : index
    %get3A_3 = arith.constant 0 : index
    %get3A_4 = vector.load %arg2[%get3A_2, %get3A_3] : memref<1000x128xf32, #tpu.memory_space<vmem>>, vector<1000x128xf32>
    %add3A = arith.addf %get3A_1, %get3A_4 : vector<1000x128xf32>
    %get3A_5 = arith.constant 0 : index
    %get3A_6 = arith.constant 0 : index
    %get3A_7 = vector.load %arg3[%get3A_5, %get3A_6] : memref<1000x128xf32, #tpu.memory_space<vmem>>, vector<1000x128xf32>
    %add3A_8 = arith.constant 1.000000e-16 : f32
    %add3A_9 = vector.broadcast %add3A_8 : f32 to vector<1000x128xf32>
    %add3A_10 = arith.addf %get3A_7, %add3A_9 : vector<1000x128xf32>
    %div3A = arith.divf %add3A, %add3A_10 : vector<1000x128xf32>
    %get3A_11 = arith.constant 0 : index
    %get3A_12 = arith.constant 0 : index
    %get3A_13 = vector.load %arg4[%get3A_11, %get3A_12] : memref<1000x128xf32, #tpu.memory_space<vmem>>, vector<1000x128xf32>
    %add3A_14 = arith.addf %div3A, %get3A_13 : vector<1000x128xf32>
    %get3A_15 = arith.constant 0 : index
    %get3A_16 = arith.constant 0 : index
    %get3A_17 = vector.load %arg6[%get3A_15, %get3A_16] : memref<128x128xf32, #tpu.memory_space<vmem>>, vector<128x128xf32>
    %dot_general3A = arith.constant dense<0.000000e+00> : vector<1000x128xf32>
    %dot_general3A_18 = tpu.matmul %add3A_14, %get3A_17, %dot_general3A {dimension_numbers = #tpu.dot_dimension_numbers<[1], [0], [0], [1], [0, 0, 1, 1], [], []>, transpose_lhs_hint = false} : vector<1000x128xf32>, vector<128x128xf32>, vector<1000x128xf32> -> vector<1000x128xf32>
    %get3A_19 = arith.constant 0 : index
    %get3A_20 = arith.constant 0 : index
    %get3A_21 = vector.load %arg7[%get3A_19, %get3A_20] : memref<1x128xf32, #tpu.memory_space<vmem>>, vector<1x128xf32>
    %add3A_22 = vector.broadcast %get3A_21 : vector<1x128xf32> to vector<1000x128xf32>
    %add3A_23 = arith.addf %dot_general3A_18, %add3A_22 : vector<1000x128xf32>
    %get3A_24 = arith.constant 0 : index
    %get3A_25 = arith.constant 0 : index
    %get3A_26 = vector.load %arg5[%get3A_24, %get3A_25] : memref<1000x128xf32, #tpu.memory_space<vmem>>, vector<1000x128xf32>
    %add3A_27 = arith.addf %add3A_23, %get3A_26 : vector<1000x128xf32>
    %get3A_28 = arith.constant 0 : index
    %get3A_29 = arith.constant 0 : index
    %get3A_30 = vector.load %arg8[%get3A_28, %get3A_29] : memref<1x128xf32, #tpu.memory_space<vmem>>, vector<1x128xf32>
    %get3A_31 = arith.constant 0 : index
    %get3A_32 = arith.constant 0 : index
    %get3A_33 = vector.load %arg9[%get3A_31, %get3A_32] : memref<1x128xf32, #tpu.memory_space<vmem>>, vector<1x128xf32>
    %reduce_sum3A = arith.constant dense<0.000000e+00> : vector<1000xf32>
    %reduce_sum3A_34 = vector.multi_reduction <add>, %add3A_27, %reduce_sum3A [1] : vector<1000x128xf32> to vector<1000xf32>
    %broadcast_in_dim3A = vector.shape_cast %reduce_sum3A_34 : vector<1000xf32> to vector<1000x1xf32>
    %div3A_35 = arith.constant 1.280000e+02 : f32
    %div3A_36 = vector.broadcast %div3A_35 : f32 to vector<1000x1xf32>
    %div3A_37 = arith.divf %broadcast_in_dim3A, %div3A_36 : vector<1000x1xf32>
    %sub3A = vector.broadcast %div3A_37 : vector<1000x1xf32> to vector<1000x128xf32>
    %sub3A_38 = arith.subf %add3A_27, %sub3A : vector<1000x128xf32>
    %integer_pow3A = arith.mulf %sub3A_38, %sub3A_38 : vector<1000x128xf32>
    %reduce_sum3A_39 = arith.constant dense<0.000000e+00> : vector<1000xf32>
    %reduce_sum3A_40 = vector.multi_reduction <add>, %integer_pow3A, %reduce_sum3A_39 [1] : vector<1000x128xf32> to vector<1000xf32>
    %broadcast_in_dim3A_41 = vector.shape_cast %reduce_sum3A_40 : vector<1000xf32> to vector<1000x1xf32>
    %div3A_42 = arith.constant 1.280000e+02 : f32
    %div3A_43 = vector.broadcast %div3A_42 : f32 to vector<1000x1xf32>
    %div3A_44 = arith.divf %broadcast_in_dim3A_41, %div3A_43 : vector<1000x1xf32>
    %sub3A_45 = vector.broadcast %div3A_37 : vector<1000x1xf32> to vector<1000x128xf32>
    %sub3A_46 = arith.subf %add3A_27, %sub3A_45 : vector<1000x128xf32>
    %add3A_47 = arith.constant 9.99999974E-6 : f32
    %add3A_48 = vector.broadcast %add3A_47 : f32 to vector<1000x1xf32>
    %add3A_49 = arith.addf %div3A_44, %add3A_48 : vector<1000x1xf32>
    %sqrt3A = math.sqrt %add3A_49 : vector<1000x1xf32>
    %div3A_50 = vector.broadcast %sqrt3A : vector<1000x1xf32> to vector<1000x128xf32>
    %div3A_51 = arith.divf %sub3A_46, %div3A_50 : vector<1000x128xf32>
    %mul3A = vector.broadcast %get3A_30 : vector<1x128xf32> to vector<1000x128xf32>
    %mul3A_52 = arith.mulf %div3A_51, %mul3A : vector<1000x128xf32>
    %add3A_53 = vector.broadcast %get3A_33 : vector<1x128xf32> to vector<1000x128xf32>
    %add3A_54 = arith.addf %mul3A_52, %add3A_53 : vector<1000x128xf32>
    %get3A_55 = arith.constant 0 : index
    %get3A_56 = arith.constant 0 : index
    %get3A_57 = vector.load %arg10[%get3A_55, %get3A_56] : memref<128x512xf32, #tpu.memory_space<vmem>>, vector<128x512xf32>
    %dot_general3A_58 = arith.constant dense<0.000000e+00> : vector<1000x512xf32>
    %dot_general3A_59 = tpu.matmul %add3A_54, %get3A_57, %dot_general3A_58 {dimension_numbers = #tpu.dot_dimension_numbers<[1], [0], [0], [1], [0, 0, 1, 1], [], []>, transpose_lhs_hint = false} : vector<1000x128xf32>, vector<128x512xf32>, vector<1000x512xf32> -> vector<1000x512xf32>
    %get3A_60 = arith.constant 0 : index
    %get3A_61 = arith.constant 0 : index
    %get3A_62 = vector.load %arg11[%get3A_60, %get3A_61] : memref<1x512xf32, #tpu.memory_space<vmem>>, vector<1x512xf32>
    %add3A_63 = vector.broadcast %get3A_62 : vector<1x512xf32> to vector<1000x512xf32>
    %add3A_64 = arith.addf %dot_general3A_59, %add3A_63 : vector<1000x512xf32>
    %max3A = arith.constant 0.000000e+00 : f32
    %max3A_65 = vector.broadcast %max3A : f32 to vector<1000x512xf32>
    %max3A_66 = arith.maximumf %add3A_64, %max3A_65 : vector<1000x512xf32>
    %get3A_67 = arith.constant 0 : index
    %get3A_68 = arith.constant 0 : index
    %get3A_69 = vector.load %arg12[%get3A_67, %get3A_68] : memref<512x128xf32, #tpu.memory_space<vmem>>, vector<512x128xf32>
    %dot_general3A_70 = arith.constant dense<0.000000e+00> : vector<1000x128xf32>
    %dot_general3A_71 = tpu.matmul %max3A_66, %get3A_69, %dot_general3A_70 {dimension_numbers = #tpu.dot_dimension_numbers<[1], [0], [0], [1], [0, 0, 1, 1], [], []>, transpose_lhs_hint = false} : vector<1000x512xf32>, vector<512x128xf32>, vector<1000x128xf32> -> vector<1000x128xf32>
    %get3A_72 = arith.constant 0 : index
    %get3A_73 = arith.constant 0 : index
    %get3A_74 = vector.load %arg13[%get3A_72, %get3A_73] : memref<1x128xf32, #tpu.memory_space<vmem>>, vector<1x128xf32>
    %add3A_75 = vector.broadcast %get3A_74 : vector<1x128xf32> to vector<1000x128xf32>
    %add3A_76 = arith.addf %dot_general3A_71, %add3A_75 : vector<1000x128xf32>
    %add3A_77 = arith.addf %add3A_76, %add3A_54 : vector<1000x128xf32>
    %get3A_78 = arith.constant 0 : index
    %get3A_79 = arith.constant 0 : index
    %get3A_80 = vector.load %arg14[%get3A_78, %get3A_79] : memref<1x128xf32, #tpu.memory_space<vmem>>, vector<1x128xf32>
    %get3A_81 = arith.constant 0 : index
    %get3A_82 = arith.constant 0 : index
    %get3A_83 = vector.load %arg15[%get3A_81, %get3A_82] : memref<1x128xf32, #tpu.memory_space<vmem>>, vector<1x128xf32>
    %reduce_sum3A_84 = arith.constant dense<0.000000e+00> : vector<1000xf32>
    %reduce_sum3A_85 = vector.multi_reduction <add>, %add3A_77, %reduce_sum3A_84 [1] : vector<1000x128xf32> to vector<1000xf32>
    %broadcast_in_dim3A_86 = vector.shape_cast %reduce_sum3A_85 : vector<1000xf32> to vector<1000x1xf32>
    %div3A_87 = arith.constant 1.280000e+02 : f32
    %div3A_88 = vector.broadcast %div3A_87 : f32 to vector<1000x1xf32>
    %div3A_89 = arith.divf %broadcast_in_dim3A_86, %div3A_88 : vector<1000x1xf32>
    %sub3A_90 = vector.broadcast %div3A_89 : vector<1000x1xf32> to vector<1000x128xf32>
    %sub3A_91 = arith.subf %add3A_77, %sub3A_90 : vector<1000x128xf32>
    %integer_pow3A_92 = arith.mulf %sub3A_91, %sub3A_91 : vector<1000x128xf32>
    %reduce_sum3A_93 = arith.constant dense<0.000000e+00> : vector<1000xf32>
    %reduce_sum3A_94 = vector.multi_reduction <add>, %integer_pow3A_92, %reduce_sum3A_93 [1] : vector<1000x128xf32> to vector<1000xf32>
    %broadcast_in_dim3A_95 = vector.shape_cast %reduce_sum3A_94 : vector<1000xf32> to vector<1000x1xf32>
    %div3A_96 = arith.constant 1.280000e+02 : f32
    %div3A_97 = vector.broadcast %div3A_96 : f32 to vector<1000x1xf32>
    %div3A_98 = arith.divf %broadcast_in_dim3A_95, %div3A_97 : vector<1000x1xf32>
    %sub3A_99 = vector.broadcast %div3A_89 : vector<1000x1xf32> to vector<1000x128xf32>
    %sub3A_100 = arith.subf %add3A_77, %sub3A_99 : vector<1000x128xf32>
    %add3A_101 = arith.constant 9.99999974E-6 : f32
    %add3A_102 = vector.broadcast %add3A_101 : f32 to vector<1000x1xf32>
    %add3A_103 = arith.addf %div3A_98, %add3A_102 : vector<1000x1xf32>
    %sqrt3A_104 = math.sqrt %add3A_103 : vector<1000x1xf32>
    %div3A_105 = vector.broadcast %sqrt3A_104 : vector<1000x1xf32> to vector<1000x128xf32>
    %div3A_106 = arith.divf %sub3A_100, %div3A_105 : vector<1000x128xf32>
    %mul3A_107 = vector.broadcast %get3A_80 : vector<1x128xf32> to vector<1000x128xf32>
    %mul3A_108 = arith.mulf %div3A_106, %mul3A_107 : vector<1000x128xf32>
    %add3A_109 = vector.broadcast %get3A_83 : vector<1x128xf32> to vector<1000x128xf32>
    %add3A_110 = arith.addf %mul3A_108, %add3A_109 : vector<1000x128xf32>
    %swap3A = arith.constant 0 : index
    %swap3A_111 = arith.constant 0 : index
    %swap3A_112 = vector.load %arg16[%swap3A, %swap3A_111] : memref<1000x128xf32, #tpu.memory_space<vmem>>, vector<1000x128xf32>
    tpu.vector_store %arg16[%swap3A, %swap3A_111], %add3A_110 {strides = array<i32>} : memref<1000x128xf32, #tpu.memory_space<vmem>>, vector<1000x128xf32>,
    return
  }
  func.func @transform_0(%arg0: i32) -> (i32, i32) {
    %c0_i32 = arith.constant 0 : i32
    %c0_i32_0 = arith.constant 0 : i32
    return %arg0, %c0_i32 : i32, i32
  }
  func.func @transform_1(%arg0: i32) -> (i32, i32) {
    %c0_i32 = arith.constant 0 : i32
    %c0_i32_0 = arith.constant 0 : i32
    return %arg0, %c0_i32 : i32, i32
  }
  func.func @transform_2(%arg0: i32) -> (i32, i32) {
    %c0_i32 = arith.constant 0 : i32
    %c0_i32_0 = arith.constant 0 : i32
    return %arg0, %c0_i32 : i32, i32
  }
  func.func @transform_3(%arg0: i32) -> (i32, i32) {
    %c0_i32 = arith.constant 0 : i32
    %c0_i32_0 = arith.constant 0 : i32
    return %arg0, %c0_i32 : i32, i32
  }
  func.func @transform_4(%arg0: i32) -> (i32, i32) {
    %c0_i32 = arith.constant 0 : i32
    %c0_i32_0 = arith.constant 0 : i32
    return %arg0, %c0_i32 : i32, i32
  }
  func.func @transform_5(%arg0: i32) -> (i32, i32) {
    %c0_i32 = arith.constant 0 : i32
    %c0_i32_0 = arith.constant 0 : i32
    %c0_i32_1 = arith.constant 0 : i32
    return %c0_i32, %c0_i32_0 : i32, i32
  }
  func.func @transform_6(%arg0: i32) -> (i32, i32) {
    %c0_i32 = arith.constant 0 : i32
    %c0_i32_0 = arith.constant 0 : i32
    %c0_i32_1 = arith.constant 0 : i32
    return %c0_i32, %c0_i32_0 : i32, i32
  }
  func.func @transform_7(%arg0: i32) -> (i32, i32) {
    %c0_i32 = arith.constant 0 : i32
    %c0_i32_0 = arith.constant 0 : i32
    %c0_i32_1 = arith.constant 0 : i32
    return %c0_i32, %c0_i32_0 : i32, i32
  }
  func.func @transform_8(%arg0: i32) -> (i32, i32) {
    %c0_i32 = arith.constant 0 : i32
    %c0_i32_0 = arith.constant 0 : i32
    %c0_i32_1 = arith.constant 0 : i32
    return %c0_i32, %c0_i32_0 : i32, i32
  }
  func.func @transform_9(%arg0: i32) -> (i32, i32) {
    %c0_i32 = arith.constant 0 : i32
    %c0_i32_0 = arith.constant 0 : i32
    %c0_i32_1 = arith.constant 0 : i32
    return %c0_i32, %c0_i32_0 : i32, i32
  }
  func.func @transform_10(%arg0: i32) -> (i32, i32) {
    %c0_i32 = arith.constant 0 : i32
    %c0_i32_0 = arith.constant 0 : i32
    %c0_i32_1 = arith.constant 0 : i32
    return %c0_i32, %c0_i32_0 : i32, i32
  }
  func.func @transform_11(%arg0: i32) -> (i32, i32) {
    %c0_i32 = arith.constant 0 : i32
    %c0_i32_0 = arith.constant 0 : i32
    %c0_i32_1 = arith.constant 0 : i32
    return %c0_i32, %c0_i32_0 : i32, i32
  }
  func.func @transform_12(%arg0: i32) -> (i32, i32) {
    %c0_i32 = arith.constant 0 : i32
    %c0_i32_0 = arith.constant 0 : i32
    %c0_i32_1 = arith.constant 0 : i32
    return %c0_i32, %c0_i32_0 : i32, i32
  }
  func.func @transform_13(%arg0: i32) -> (i32, i32) {
    %c0_i32 = arith.constant 0 : i32
    %c0_i32_0 = arith.constant 0 : i32
    %c0_i32_1 = arith.constant 0 : i32
    return %c0_i32, %c0_i32_0 : i32, i32
  }
  func.func @transform_14(%arg0: i32) -> (i32, i32) {
    %c0_i32 = arith.constant 0 : i32
    %c0_i32_0 = arith.constant 0 : i32
    %c0_i32_1 = arith.constant 0 : i32
    return %c0_i32, %c0_i32_0 : i32, i32
  }
  func.func @transform_15(%arg0: i32) -> (i32, i32) {
    %c0_i32 = arith.constant 0 : i32
    %c0_i32_0 = arith.constant 0 : i32
    return %arg0, %c0_i32 : i32, i32
  }
}

</mosaic_0001>

<sc_bundles>
// kernel: kernel.5.cloned.1.call-start
scs
__scs_entry_jumppad:
0x0: {  	(pc) =	sbr.rel $0x88, $3  }
0x1: {  	(tag) =	ssettag $0x0;
	lr =	simm.s32 $0x1  }
0x2: {  	[smem:$0x3F8D] =	sst lr;
	_ =	strace $0xD0000000  }
0x3: {  	_ = 	snop  }
0x4: {  	_ = 	snop  }
0x5: {  	_ = 	snop  }
0x6: {  	_ = 	snop  }
0x7: {  	_ = 	snop  }
__scs_overlays_trampoline_lowered:
0x8: {  	[smem:$0x3F9C] =	sst s0  }
0x9: {  	[smem:$0x3F9D] =	sst s1  }
0xa: {  	[smem:$0x3F9E] =	sst s2  }
0xb: {  	[smem:$0x3F9F] =	sst s3  }
0xc: {  	[smem:$0x3FA0] =	sst s4  }
0xd: {  	[smem:$0x3FA1] =	sst s5  }
0xe: {  	[smem:$0x3FA2] =	sst s6  }
0xf: {  	[smem:$0x3FA3] =	sst s7  }
0x10: {  	[smem:$0x3FA4] =	sst s8  }
0x11: {  	[smem:$0x3FA5] =	sst s9;
	s0 =	simm.s32 @!p0 $0x0  }
0x12: {  	s1 =	sld [smem:$0x3F8B];
	s0 =	simm.s32 @p0 $0x1  }
0x13: {  	[smem:$0x3FA6] =	sst s0;
	s0 =	simm.s32 @!p1 $0x0  }
0x14: {  	s2 =	sld [smem:$0x3F8A];
	s0 =	simm.s32 @p1 $0x1  }
0x15: {  	[smem:$0x3FA7] =	sst s0;
	s0 =	simm.s32 @!p2 $0x0  }
0x16: {  	s3 =	sld [smem:$0x3FDB];
	s0 =	simm.s32 @p2 $0x1  }
0x17: {  	s4 =	simm.s32 $0x1BF5;
	[smem:$0x3FA9] =	sst s0  }
0x18: {  	s0 =	sld [smem:$0x3F8C];
	_ =	swait.ge [sflag:s4], $0x0  }
0x19: {  	s7 =	sld [smem:$0x3F8D]  }
0x1a: {  	s8 =	sadd.s32 $0xFFFFE003, lr  }
0x1b: {  	s9 =	sadd.s32 $0xFFFFFEF7, lr;
	s5 =	simm.s32 $0xFFFFFFFF;
	p2 =	slt.u32 s8, $0xFFFFF086  }
0x1c: {  	p1 =	slt.u32 s9, $0xF7A;
	s5 =	simm.s32 @!p2 $0x0  }
0x1d: {  	s5 =	simm.s32 @p1 $0x1;
	p0 =	seq.s32 s7, s2  }
0x1e: {  	s7 =	smul.u32 @!p0 $0xF7A, s2;
	p2 =	seq.s32 @!p0 s5, $0x0  }
0x1f: {  	s9 =	smul.u32 $0xF7A, s1;
	s8 =	simm.s32 @!p0 $0x1BF5;
	p2 =	por !p2, p0  }
0x20: {  	[sflag:s8] =	ssyncset.s32 @!p0 $0xFFFFF086;
	s6 =	sadd.s32 @!p0 s3, s7;
	s7 =	simm.s32 @!p0 $0x108  }
0x21: {  	s3 =	sadd.s32 s3, s9;
	s6 =	sadd.s32 @!p0 $0x88, s6;
	s7 =	simm.s32 @p2 $0x1082  }
0x22: {  	[simem:s7], [sflag:s8] =	dma.local @!p0 [hbm:s6], $0xF7A  }
0x23: {  	s9 =	sor.u32 $0xD0000000, s2;
	s6 =	simm.s32 $0x108;
	_ =	swait.ge @!p0 [sflag:s8], $0x0  }
0x24: {  	s3 =	sadd.s32 $0x88, s3;
	s6 =	simm.s32 @!p1 $0x1082;
	[sflag:s4] =	ssyncset.s32 $0xFFFFF086  }
0x25: {  	[simem:s6], [sflag:s4] =	dma.local [hbm:s3], $0xF7A  }
0x26: {  	[smem:$0x3F8D] =	sst s1;
	(tag) =	ssettag s2;
	_ =	strace s9  }
0x27: {  	s1 =	sld [smem:$0x3F9D]  }
0x28: {  	s2 =	sld [smem:$0x3F9E]  }
0x29: {  	s4 =	sld [smem:$0x3FA0]  }
0x2a: {  	p0 =	seq.s32 s5, $0x0;
	s5 =	sld [smem:$0x3FA1]  }
0x2b: {  	s6 =	sld [smem:$0x3FA2]  }
0x2c: {  	s7 =	sld [smem:$0x3FA3]  }
0x2d: {  	s3 =	simm.s32 $0x108;
	s8 =	sld [smem:$0x3FA4]  }
0x2e: {  	s3 =	simm.s32 @!p0 $0x1082;
	s9 =	sld [smem:$0x3FA5]  }
0x2f: {  	lr =	sadd.s32 s0, s3;
	s0 =	sld [smem:$0x3F9C]  }
0x30: {  	s3 =	sld [smem:$0x3F9F]  }
0x31: {  	[smem:$0x3FA8] =	sst s10  }
0x32: {  	s10 =	sld [smem:$0x3FA6];
	_ =	sdelay $0x3  }
0x33: {  	p0 =	seq.s32 s10, $0x1;
	s10 =	sld [smem:$0x3FA8];
	_ =	sdelay $0x3  }
0x34: {  	[smem:$0x3FA8] =	sst s10  }
0x35: {  	s10 =	sld [smem:$0x3FA7];
	_ =	sdelay $0x3  }
0x36: {  	p1 =	seq.s32 s10, $0x1;
	s10 =	sld [smem:$0x3FA8];
	_ =	sdelay $0x3  }
0x37: {  	[smem:$0x3FA8] =	sst s10  }
0x38: {  	s10 =	sld [smem:$0x3FA9]  }
0x39: {  	_ = 	snop;
	(pc) =	sbr.ind lr, $3  }
0x3a: {  	_ = 	snop  }
0x3b: {  	_ = 	snop  }
0x3c: {  	p2 =	seq.s32 s10, $0x1;
	s10 =	sld [smem:$0x3FA8]  }
0x3d: {  	_ =	shalt  }
0x3e: {  	_ =	shalt  }
0x3f: {  	_ =	shalt  }
0x40: {  	_ =	shalt  }
0x41: {  	_ =	shalt  }
0x42: {  	_ =	shalt  }
0x43: {  	_ =	shalt  }
0x44: {  	_ =	shalt  }
0x45: {  	_ =	shalt  }
0x46: {  	_ =	shalt  }
0x47: {  	_ =	shalt  }
0x48: {  	_ =	shalt  }
0x49: {  	_ =	shalt  }
0x4a: {  	_ =	shalt  }
0x4b: {  	_ =	shalt  }
0x4c: {  	_ =	shalt  }
0x4d: {  	_ =	shalt  }
0x4e: {  	_ =	shalt  }
0x4f: {  	_ =	shalt  }
0x50: {  	_ =	shalt  }
0x51: {  	_ =	shalt  }
0x52: {  	_ =	shalt  }
0x53: {  	_ =	shalt  }
0x54: {  	_ =	shalt  }
0x55: {  	_ =	shalt  }
0x56: {  	_ =	shalt  }
0x57: {  	_ =	shalt  }
0x58: {  	_ =	shalt  }
0x59: {  	_ =	shalt  }
0x5a: {  	_ =	shalt  }
0x5b: {  	_ =	shalt  }
0x5c: {  	_ =	shalt  }
0x5d: {  	_ =	shalt  }
0x5e: {  	_ =	shalt  }
0x5f: {  	_ =	shalt  }
0x60: {  	_ =	shalt  }
0x61: {  	_ =	shalt  }
0x62: {  	_ =	shalt  }
0x63: {  	_ =	shalt  }
0x64: {  	_ =	shalt  }
0x65: {  	_ =	shalt  }
0x66: {  	_ =	shalt  }
0x67: {  	_ =	shalt  }
0x68: {  	_ =	shalt  }
0x69: {  	_ =	shalt  }
0x6a: {  	_ =	shalt  }
0x6b: {  	_ =	shalt  }
0x6c: {  	_ =	shalt  }
0x6d: {  	_ =	shalt  }
0x6e: {  	_ =	shalt  }
0x6f: {  	_ =	shalt  }
0x70: {  	_ =	shalt  }
0x71: {  	_ =	shalt  }
0x72: {  	_ =	shalt  }
0x73: {  	_ =	shalt  }
0x74: {  	_ =	shalt  }
0x75: {  	_ =	shalt  }
0x76: {  	_ =	shalt  }
0x77: {  	_ =	shalt  }
0x78: {  	_ =	shalt  }
0x79: {  	_ =	shalt  }
0x7a: {  	_ =	shalt  }
0x7b: {  	_ =	shalt  }
0x7c: {  	_ =	shalt  }
0x7d: {  	_ =	shalt  }
0x7e: {  	_ =	shalt  }
0x7f: {  	_ =	shalt  }
0x80: {  	_ =	shalt  }
0x81: {  	_ =	shalt  }
0x82: {  	_ =	shalt  }
0x83: {  	_ =	shalt  }
0x84: {  	_ =	shalt  }
0x85: {  	_ =	shalt  }
0x86: {  	_ =	shalt  }
0x87: {  	_ =	shalt  }
.Lfunc_end0:
.L_simem_size_0:
called_computation_lowered:
.L_overlay_start_0:
0x88: {  	s2 =	sld [smem:$0x3FD9]  }
0x89: {  	s3 =	sld [smem:$0x3FFE];
	_ =	sdelay $0x1  }
0x8a: {  	s1 =	srdreg.scid  }
0x8b: {  	s0 =	sand.u32 $0x1, s1  }
0x8c: {  	s17 =	sshll.u32 s0, $0xA;
	s2 =	sadd.s32 s3, s2  }
0x8d: {  	s2 =	sadd.s32 s2, s17  }
0x8e: {  	[smem:$0x3FB4] =	sst s2  }
0x8f: {  	_ = 	snop  }
0x90: {  	s2 =	sld [smem:$0x3FD0];
	(tm) =	ssettm $0x1  }
0x91: {  	s18 =	sld [smem:$0x3FFB];
	_ =	sdelay $0x3  }
0x92: {  	_ =	strace s18  }
0x93: {  	s3 =	sld [smem:$0x3FFC];
	_ =	sdelay $0x3  }
0x94: {  	_ =	strace s3  }
0x95: {  	s3 =	sld [smem:$0x3FFD];
	_ =	sdelay $0x3  }
0x96: {  	_ =	strace s3  }
0x97: {  	_ =	strace $0x8FFFFFFF  }
0x98: {  	s19 =	sld [smem:$0x3FDB];
	_ =	sdelay $0x1  }
0x99: {  	s4 =	simm.s32 $_scs_section_size  }
0x9a: {  	s5 =	simm.s32 $_size__tile_overlayer_lowered;
	s6 =	simm.s32 $_tile_overlayer_lowered  }
0x9b: {  	s22 =	simm.s32 $0x1BFF;
	s21 =	sshll.u32 s6, $0x1;
	s3 =	sadd.s32 s4, s19  }
0x9c: {  	s7 =	simm.s32 $0x0;
	s20 =	sshll.u32 s5, $0x1;
	s5 =	sadd.s32 s21, s3  }
0x9d: {  	[timem:s7], [sflag:s22] =	dma.local [hbm:s5], s20  }
0x9e: {  	_ =	swait.ge [sflag:s22], s20  }
0x9f: {  	s4 =	ssub.s32 $0x0, s20;
	[sflag:s22] =	ssyncset.done $0x0  }
0xa0: {  	[sflag:s22] =	ssyncadd.s32 s4;
	_ =	sdelay $0x1  }
0xa1: {  	s23 =	simm.s32 $0x1B8B  }
0xa2: {  	_ =	swait.ge [sflag:s23], $0x1  }
0xa3: {  	[sflag:s23] =	ssyncset.done $0x0  }
0xa4: {  	s25 =	simm.s32 $0x1B8E;
	s24 =	sld [smem:$0x3FFE];
	[sflag:s23] =	ssyncadd.s32 $0xFFFFFFFF  }
0xa5: {  	s26 =	simm.s32 $execute0_lowered;
	[smem:$0x3FD2] =	sst s25  }
0xa6: {  	s5 =	sshll.u32 s26, $0x1;
	_ =	strace $0x80000046;
	[dreg:$0x1] =	wrdreg $0xFFFFFFFF  }
0xa7: {  	s28 =	simm.s32 $_size_execute0_lowered;
	s3 =	sadd.s32 s3, s5;
	[dreg:$0x0] =	wrdreg $0x0  }
0xa8: {  	s5 =	sshll.u32 s28, $0x1;
	[dreg:$0x2] =	wrdreg s3  }
0xa9: {  	[dreg:$0x3] =	wrdreg s5  }
0xaa: {  	[dreg:$0x4] =	wrdreg $0xC0  }
0xab: {  	_ =	task [dreg:s7], $0x5FFFF  }
0xac: {  	[dreg:$0x1] =	wrdreg $0xFFFFFFFF  }
0xad: {  	[dreg:$0x0] =	wrdreg $0x60  }
0xae: {  	[dreg:$0x2] =	wrdreg s2  }
0xaf: {  	[dreg:$0x3] =	wrdreg s24  }
0xb0: {  	[dreg:$0x4] =	wrdreg $0x91F00  }
0xb1: {  	[dreg:$0x5] =	wrdreg $0x1D1F00  }
0xb2: {  	[dreg:$0x6] =	wrdreg $0x9  }
0xb3: {  	_ =	task.clear_ibuf [dreg:s7], $0x7FFFF;
	_ =	strace $0x90000046  }
0xb4: {  	s29 =	simm.s32 $0x9;
	_ =	strace $0x80000048  }
0xb5: {  	_ =	swait.ge [sflag:s29], $0x1  }
0xb6: {  	[sflag:s29] =	ssyncadd.s32 $0xFFFFFFFF  }
0xb7: {  	_ =	strace $0x90000048  }
0xb8: {  	_ =	sfence  }
0xb9: {  	s30 =	sld [smem:$0x0];
	_ =	sdelay $0x2  }
0xba: {  	s31 =	sshll.u32 s1, $0xD;
	s1 =	sshrl.u32 s1, $0x2  }
0xbb: {  	s3 =	sand.u32 $0x4000, s31;
	s1 =	sadd.s32 s1, s30  }
0xbc: {  	s0 =	sor.u32 s3, s0;
	s1 =	sshll.u32 s1, $0x11  }
0xbd: {  	s0 =	sor.u32 s1, s0  }
0xbe: {  	s0 =	sadd.s32 $0x8F2B, s0  }
0xbf: {  	[sflag:s0] =	ssyncadd.remote.s32 $0x1  }
0xc0: {  	_ =	sfence.sel $0xFFFF  }
0xc1: {  	[dreg:$0x0] =	wrdreg $0xFFFFFFFF;
	(pc) =	sbr.abs _section_cstart, $3  }
0xc2: {  	[dreg:$0x1] =	wrdreg $0xFFFFFFFF  }
0xc3: {  	_ =	task.clear_ibuf [dreg:s7], $0x2FFFF;
	_ =	strace $0x9FFFFFFF  }
0xc4: {  	(tm) =	ssettm $0x7FFFFFFF  }
0xc5: {  	_ =	shalt  }
tec
execute0_lowered:
.L_overlay_start_1:
0x0: {  	(tag) =	ssettag $0x1  }
0x1: {  	s0 =	rddreg [dreg:$0x1]  }
0x2: {  	s9 =	rddreg [dreg:$0x2];
	s11 =	stileid.u32  }
0x3: {  	s10 =	rddreg [dreg:$0x3];
	s3 =	smul.u32 $0x14000, s11  }
0x4: {  	s2 =	simm.s32 $0x0;
	s1 =	srdreg.scid;
	s5 =	smul.u32 $0x2800, s11  }
0x5: {  	[smem:$0x7FF] =	sst s2;
	s1 =	sand.u32 $0x1, s1;
	s22 =	smul.u32 $0xA000, s11  }
0x6: {  	s4 =	sadd.s32 $0x17200, s0;
	s16 =	sadd.s32 $0x3E400, s0;
	s24 =	smul.u32 $0x50000, s11  }
0x7: {  	s6 =	sshll.u32 s11, $0x1;
	s12 =	sadd.s32 $0x3800, s0;
	s17 =	smul.u32 $0x140000, s1  }
0x8: {  	_ =	strace $0x80000047;
	[dreg:$0x5] =	wrdreg s4;
	s18 =	smul.u32 $0x28000, s1  }
0x9: {  	s6 =	sor.u32 s1, s6;
	s1 =	ssub.s32 $0x2, s1;
	[dreg:$0x6] =	wrdreg s12  }
0xa: {  	s6 =	smul.u32 $0x2710, s6;
	s7 =	sshrl.u32 s1, $0x1;
	s25 =	sadd.s32 s3, s9  }
0xb: {  	s26 =	sadd.s32 s5, s10;
	s29 =	sshrl.u32 s24, $0x2;
	s2 =	sadd.s32 s3, s17  }
0xc: {  	s4 =	sadd.s32 s5, s18;
	s1 =	ssub.s32 s1, s7;
	s30 =	sadd.s32 s29, s9  }
0xd: {  	s31 =	sshrl.u32 s25, $0x3;
	s2 =	sshrl.u32 s2, $0x3;
	s4 =	sshrl.u32 s4, $0x3  }
0xe: {  	s19 =	sadd.s32 $0x28, s6;
	s20 =	sshrl.u32 s6, $0x3;
	[dreg:$0x10] =	wrdreg s30  }
0xf: {  	s8 =	sadd.s32 $0x78, s6;
	s23 =	sadd.s32 $0xA0, s6;
	[dreg:$0x11] =	wrdreg s31  }
0x10: {  	s6 =	sadd.s32 $0xC8, s6;
	s1 =	smax.u32 s1, $0x1;
	[dreg:$0xb] =	wrdreg s23  }
0x11: {  	s2 =	sadd.s32 s2, s0;
	s0 =	sadd.s32 s4, s0;
	[dreg:$0xc] =	wrdreg s6  }
0x12: {  	s4 =	sshrl.u32 s19, $0x3;
	s7 =	sadd.s32 s12, s20;
	[dreg:$0xf] =	wrdreg s1  }
0x13: {  	s28 =	sshrl.u32 s22, $0x2;
	s4 =	sadd.s32 s12, s4;
	[dreg:$0x7] =	wrdreg s7  }
0x14: {  	s22 =	simm.s32 $0x6;
	s7 =	sadd.s32 $0xA, s7;
	[dreg:$0x8] =	wrdreg s4  }
0x15: {  	s18 =	sadd.s32 s28, s10;
	s2 =	sadd.s32 $0x65600, s2;
	[dreg:$0x9] =	wrdreg s7  }
0x16: {  	s21 =	sshrl.u32 s8, $0x3;
	s0 =	sadd.s32 $0xB5600, s0;
	[dreg:$0xd] =	wrdreg s2  }
0x17: {  	v0 =	vimm.f32 $0.0e+00;
	vm0 =	vmmov $0x1;
	vm1 =	vcmask $0x320;
	s10 =	simm.s32 $0x78F0;
	s4 =	sadd.s32 s12, s21;
	[dreg:$0xe] =	wrdreg s0  }
0x18: {  	vm2 =	vcmask $0x720;
	vm3 =	vcmask $0xB20;
	vm4 =	vcmask $0xF20;
	s20 =	simm.s32 $0x50F0;
	s0 =	sshrl.u32 s26, $0x3;
	[dreg:$0xa] =	wrdreg s4  }
0x19: {  	vm5 =	vcmask $0x1320;
	vm6 =	vcmask $0x1720;
	vm7 =	vcmask $0x1B20;
	s1 =	simm.s32 $0x0;
	[dreg:$0x12] =	wrdreg s0;
	s4 =	simm.s32 $0x64F0  }
.LBB2_1:
0x1a: {  	[dreg:$0x13] =	wrdreg s1;
	s24 =	simm.s32 $0x0  }
0x1b: {  	s0 =	rddreg [dreg:$0x7];
	s5 =	simm.s32 $0x4E200;
	s7 =	simm.s32 $0x28  }
0x1c: {  	[tilespmem:s24], [sflag:$0x6] =	stream.strided.gather [hbm4b:s0+s7], $0x50, s5, s7, $0x38;
	[tilespmem:$0x1F9F0] =	vst v63  }
0x1d: {  	_ =	swait.ge [sflag:s22], $0x50  }
0x1e: {  	[sflag:s22] =	ssyncset.done $0x0  }
0x1f: {  	[sflag:s22] =	ssyncadd.s32 $0xFFFFFFB0  }
0x20: {  	s2 =	simm.s32 $0xF0;
	s25 =	rddreg [dreg:$0x0]  }
0x21: {  	[tilespmem:s2], [sflag:$0x1] =	stream.indirect.gather [hbm4b:s25+s7], $0x80, s7, s7, $0xb8;
	[tilespmem:$0x1F9F0] =	vst v63  }
0x22: {  	s3 =	simm.s32 $0x14F0;
	s26 =	rddreg [dreg:$0x5]  }
0x23: {  	[tilespmem:s3], [sflag:$0x1] =	stream.indirect.gather [hbm4b:s26+s7], $0x80, s24, s7, $0xb8;
	[tilespmem:$0x1F9F0] =	vst v63  }
0x24: {  	s6 =	simm.s32 $0x50;
	s28 =	rddreg [dreg:$0x8]  }
0x25: {  	[tilespmem:s6], [sflag:$0x6] =	stream.strided.gather [hbm4b:s28+s7], $0x50, s5, s7, $0x38;
	[tilespmem:$0x1F9F0] =	vst v63  }
0x26: {  	_ =	swait.ge [sflag:s22], $0x50  }
0x27: {  	[sflag:s22] =	ssyncset.done $0x0  }
0x28: {  	s29 =	simm.s32 $0x78;
	s30 =	simm.s32 $0x28F0;
	[sflag:s22] =	ssyncadd.s32 $0xFFFFFFB0  }
0x29: {  	[tilespmem:s30], [sflag:$0x2] =	stream.indirect.gather [hbm4b:s25+s7], $0x80, s29, s7, $0xb8;
	[tilespmem:$0x1F9F0] =	vst v63  }
0x2a: {  	s31 =	simm.s32 $0x3CF0  }
0x2b: {  	[tilespmem:s31], [sflag:$0x2] =	stream.indirect.gather [hbm4b:s26+s7], $0x80, s6, s7, $0xb8;
	[tilespmem:$0x1F9F0] =	vst v63  }
0x2c: {  	s0 =	simm.s32 $0x6530  }
0x2d: {  	[tilespmem:s20], [sflag:$0x5] =	stream.indirect.gather [hbm4b:s16+s7], $0x80, s24, s7, $0xb8;
	[tilespmem:$0x1F9F0] =	vst v63  }
0x2e: {  	[tilespmem:s0+$0xFFFFFFD0] =	vst v0  }
0x2f: {  	[tilespmem:s0+$0xFFFFFFE0] =	vst v0  }
0x30: {  	[tilespmem:s0+$0xFFFFFFF0] =	vst v0  }
0x31: {  	[tilespmem:s0+$0x0] =	vst v0  }
0x32: {  	[tilespmem:s0+$0x10] =	vst v0  }
0x33: {  	[tilespmem:s0+$0x20] =	vst v0  }
0x34: {  	[tilespmem:s0+$0x30] =	vst v0  }
0x35: {  	s11 =	simm.s32 $0x50;
	s1 =	simm.s32 $0x40;
	s2 =	simm.s32 $0x0;
	[tilespmem:s0+$0xFFFFFFC0] =	vst v0  }
.LBB2_2:
0x36: {  	p0 =	sne.s32 s1, $0x9C0;
	[tilespmem:s2+$0x78F0] =	vst v0;
	s0 =	sadd.s32 $0x80, s0  }
0x37: {  	[tilespmem:s0+$0xFFFFFFD0] =	vst v0  }
0x38: {  	[tilespmem:s0+$0xFFFFFFE0] =	vst v0  }
0x39: {  	[tilespmem:s0+$0xFFFFFFF0] =	vst v0  }
.Ltmp0:
0x3a: {  	[tilespmem:s0+$0x0] =	vst v0;
	(pc) =	sbr.rel @p0 .LBB2_2-.Ltmp0, $4  }
0x3b: {  	[tilespmem:s0+$0x10] =	vst v0  }
0x3c: {  	[tilespmem:s0+$0x20] =	vst v0  }
0x3d: {  	[tilespmem:s0+$0x30] =	vst v0  }
0x3e: {  	s2 =	sshra.s32 s1, $0x2;
	s1 =	sadd.s32 $0x40, s1;
	[tilespmem:s0+$0xFFFFFFC0] =	vst v0  }
0x3f: {  	[tilespmem:s2+$0x78F0] =	vst v0;
	s1 =	rddreg [dreg:$0x10]  }
0x40: {  	[spmem:s1] =	stream.linear.scatter [tilespmem:s4], [sflag:$0x6], $0x1400, $0x38;
	[tilespmem:$0x1F9F0] =	vst v63  }
0x41: {  	_ =	swait.ge [sflag:s22], $0x1400  }
0x42: {  	[sflag:s22] =	ssyncset.done $0x0  }
0x43: {  	s0 =	sadd.s32 $0x0, s18;
	[sflag:s22] =	ssyncadd.s32 $0xFFFFEC00  }
0x44: {  	[spmem:s0] =	stream.linear.scatter [tilespmem:s10], [sflag:$0x6], $0x280, $0x38;
	[tilespmem:$0x1F9F0] =	vst v63  }
0x45: {  	_ =	swait.ge [sflag:s22], $0x280  }
0x46: {  	s0 =	simm.s32 $0xA00;
	[sflag:s22] =	ssyncset.done $0x0  }
.LBB2_4:
0x47: {  	p0 =	sne.s32 s0, $0x9600;
	[sflag:s22] =	ssyncadd.s32 $0xFFFFFD80;
	s1 =	sadd.s32 $0x1400, s1  }
0x48: {  	[spmem:s1] =	stream.linear.scatter [tilespmem:s4], [sflag:$0x6], $0x1400, $0x38;
	[tilespmem:$0x1F9F0] =	vst v63  }
0x49: {  	s2 =	smov.u32 s0;
	s0 =	sadd.s32 $0xA00, s0;
	_ =	swait.ge [sflag:s22], $0x1400  }
.Ltmp1:
0x4a: {  	s2 =	sshra.s32 s2, $0x2;
	[sflag:s22] =	ssyncset.done $0x0;
	(pc) =	sbr.rel @p0 .LBB2_4-.Ltmp1, $4  }
0x4b: {  	s2 =	sadd.s32 s2, s18;
	[sflag:s22] =	ssyncadd.s32 $0xFFFFEC00  }
0x4c: {  	[spmem:s2] =	stream.linear.scatter [tilespmem:s10], [sflag:$0x6], $0x280, $0x38;
	[tilespmem:$0x1F9F0] =	vst v63  }
0x4d: {  	_ =	swait.ge [sflag:s22], $0x280  }
0x4e: {  	[sflag:s22] =	ssyncset.done $0x0  }
0x4f: {  	[sflag:s22] =	ssyncadd.s32 $0xFFFFFD80  }
0x50: {  	s0 =	simm.s32 $0x1;
	[bflag:$0x0] =	sbarrier.arrive $0xFFFF  }
0x51: {  	_ =	swait.ge [sflag:s0], $0x1400  }
0x52: {  	[sflag:s0] =	ssyncset.done $0x0  }
0x53: {  	[sflag:s0] =	ssyncadd.s32 $0xFFFFEC00  }
0x54: {  	_ =	swait.ge [sflag:s0], $0x1400  }
0x55: {  	[sflag:s0] =	ssyncset.done $0x0  }
0x56: {  	s28 =	simm.s32 $0x5;
	[sflag:s0] =	ssyncadd.s32 $0xFFFFEC00  }
0x57: {  	_ =	swait.ge [sflag:s28], $0x1400  }
0x58: {  	[sflag:s28] =	ssyncset.done $0x0  }
0x59: {  	s5 =	simm.s32 $0x170;
	[sflag:s28] =	ssyncadd.s32 $0xFFFFEC00  }
0x5a: {  	s1 =	simm.s32 $0x1570;
	v1 =	vld [tilespmem:s5+$0x0]  }
0x5b: {  	v2 =	vld [tilespmem:s1+$0x0];
	_ =	sdelay $0x4  }
0x5c: {  	v1 =	vmul.f32 v2, v1;
	_ =	sdelay $0x1  }
0x5d: {  	(xrf2) =	vadd.scan.msk.f32 $0xffff, v1;
	_ =	sdelay $0x7  }
0x5e: {  	v2 =	vld [tilespmem:s5+$0xFFFFFF80]  }
0x5f: {  	v1 =	vld [tilespmem:s1+$0xFFFFFF80]  }
0x60: {  	v3, _, _ =	vpop (xrf2)  }
0x61: {  	v3 =	vmul.f32 $1.442695020e+00, v3;
	_ =	sdelay $0x1  }
0x62: {  	v3 =	vbroadcast v3, $0xF  }
0x63: {  	v1 =	vmul.f32 v1, v2  }
0x64: {  	(erf) = vpow2.f32 v3  }
0x65: {  	(xrf2) =	vadd.scan.msk.f32 $0xffff, v1;
	_ =	sdelay $0x2  }
0x66: {  	s7 =	simm.s32 $0x5170  }
0x67: {  	v1 =	vld [tilespmem:s7+$0x0];
	_ =	sdelay $0x3  }
0x68: {  	v16 =	vpop (erf)  }
0x69: {  	v1 =	vmul.f32 v16, v1  }
0x6a: {  	s8 =	simm.s32 $0x6570;
	v2, _, _ =	vpop (xrf2)  }
0x6b: {  	[tilespmem:s8+$0x0] =	vst v1;
	v1 =	vmul.f32 $1.442695020e+00, v2  }
0x6c: {  	v2 =	vld [tilespmem:s5+$0x10]  }
0x6d: {  	v3 =	vld [tilespmem:s1+$0x10];
	v1 =	vbroadcast v1, $0xF;
	_ =	sdelay $0x1  }
0x6e: {  	(erf) = vpow2.f32 v1;
	_ =	sdelay $0x2  }
0x6f: {  	v1 =	vmul.f32 v3, v2;
	_ =	sdelay $0x1  }
0x70: {  	(xrf2) =	vadd.scan.msk.f32 $0xffff, v1;
	v1 =	vld [tilespmem:s7+$0xFFFFFF80];
	_ =	sdelay $0x3  }
0x71: {  	v12 =	vpop (erf)  }
0x72: {  	v1 =	vmul.f32 v12, v1;
	_ =	sdelay $0x1  }
0x73: {  	[tilespmem:s8+$0xFFFFFF80] =	vst v1  }
0x74: {  	v1 =	vld [tilespmem:s5+$0xFFFFFF90]  }
0x75: {  	v2 =	vld [tilespmem:s1+$0xFFFFFF90]  }
0x76: {  	v3, _, _ =	vpop (xrf2)  }
0x77: {  	v3 =	vmul.f32 $1.442695020e+00, v3  }
0x78: {  	s9 =	simm.s32 $0x270  }
0x79: {  	s6 =	simm.s32 $0x1670;
	v4 =	vld [tilespmem:s9+$0x0];
	v3 =	vbroadcast v3, $0xF  }
0x7a: {  	v5 =	vld [tilespmem:s6+$0x0];
	v1 =	vmul.f32 v2, v1  }
0x7b: {  	(erf) = vpow2.f32 v3  }
0x7c: {  	(xrf2) =	vadd.scan.msk.f32 $0xffff, v1;
	_ =	sdelay $0x2  }
0x7d: {  	v2 =	vld [tilespmem:s7+$0x10];
	v1 =	vmul.f32 v5, v4  }
0x7e: {  	v3 =	vld [tilespmem:s6+$0xFFFFFF80]  }
0x7f: {  	(xrf2) =	vadd.scan.msk.f32 $0xffff, v1;
	v1 =	vld [tilespmem:s9+$0xFFFFFF80];
	_ =	sdelay $0x2  }
0x80: {  	v17 =	vpop (erf)  }
0x81: {  	v2 =	vmul.f32 v17, v2  }
0x82: {  	v1 =	vmul.f32 v3, v1;
	v4, _, _ =	vpop (xrf2)  }
0x83: {  	[tilespmem:s8+$0x10] =	vst v2;
	v2 =	vmul.f32 $1.442695020e+00, v4  }
0x84: {  	(xrf2) =	vadd.scan.msk.f32 $0xffff, v1;
	v3 =	vld [tilespmem:s5+$0x20]  }
0x85: {  	v1 =	vld [tilespmem:s1+$0x20];
	v2 =	vbroadcast v2, $0xF;
	_ =	sdelay $0x1  }
0x86: {  	v4, _, _ =	vpop (xrf2);
	(erf) = vpow2.f32 v2  }
0x87: {  	v2 =	vmul.f32 $1.442695020e+00, v4;
	_ =	sdelay $0x1  }
0x88: {  	v2 =	vbroadcast v2, $0xF;
	v1 =	vmul.f32 v1, v3;
	_ =	sdelay $0x1  }
0x89: {  	(erf) = vpow2.f32 v2;
	(xrf2) =	vadd.scan.msk.f32 $0xffff, v1;
	v1 =	vld [tilespmem:s7+$0xFFFFFF90];
	_ =	sdelay $0x1  }
0x8a: {  	v2, _, _ =	vpop (xrf2)  }
0x8b: {  	v2 =	vmul.f32 $1.442695020e+00, v2  }
0x8c: {  	s23 =	simm.s32 $0x5270;
	v20 =	vpop (erf)  }
0x8d: {  	v3 =	vld [tilespmem:s23+$0x0];
	v2 =	vbroadcast v2, $0xF;
	v1 =	vmul.f32 v20, v1;
	_ =	sdelay $0x1  }
0x8e: {  	(erf) = vpow2.f32 v2;
	[tilespmem:s8+$0xFFFFFF90] =	vst v1  }
0x8f: {  	v1 =	vld [tilespmem:s5+$0xFFFFFFA0]  }
0x90: {  	v15 =	vpop (erf);
	v2 =	vld [tilespmem:s1+$0xFFFFFFA0]  }
0x91: {  	v3 =	vmul.f32 v15, v3;
	v4, _, _ =	vpop (xrf2)  }
0x92: {  	s24 =	simm.s32 $0x6670;
	v4 =	vmul.f32 $1.442695020e+00, v4  }
0x93: {  	v5 =	vld [tilespmem:s23+$0xFFFFFF80];
	[tilespmem:s24+$0x0] =	vst v3  }
0x94: {  	v3 =	vld [tilespmem:s9+$0x10];
	v4 =	vbroadcast v4, $0xF  }
0x95: {  	v6 =	vld [tilespmem:s6+$0x10];
	v1 =	vmul.f32 v2, v1  }
0x96: {  	(erf) = vpow2.f32 v4  }
0x97: {  	(xrf2) =	vadd.scan.msk.f32 $0xffff, v1;
	v22 =	vpop (erf)  }
0x98: {  	v1 =	vmul.f32 v22, v5;
	_ =	sdelay $0x1  }
0x99: {  	v2 =	vmul.f32 v6, v3;
	[tilespmem:s24+$0xFFFFFF80] =	vst v1;
	v1 =	vld [tilespmem:s7+$0x20]  }
0x9a: {  	v3 =	vld [tilespmem:s9+$0xFFFFFF90]  }
0x9b: {  	(xrf2) =	vadd.scan.msk.f32 $0xffff, v2;
	v2 =	vld [tilespmem:s6+$0xFFFFFF90];
	_ =	sdelay $0x2  }
0x9c: {  	v19 =	vpop (erf)  }
0x9d: {  	v1 =	vmul.f32 v19, v1  }
0x9e: {  	v2 =	vmul.f32 v2, v3;
	v4, _, _ =	vpop (xrf2)  }
0x9f: {  	[tilespmem:s8+$0x20] =	vst v1;
	v1 =	vmul.f32 $1.442695020e+00, v4  }
0xa0: {  	(xrf2) =	vadd.scan.msk.f32 $0xffff, v2;
	v3 =	vld [tilespmem:s5+$0x30]  }
0xa1: {  	v2 =	vld [tilespmem:s1+$0x30];
	v1 =	vbroadcast v1, $0xF;
	_ =	sdelay $0x1  }
0xa2: {  	v4, _, _ =	vpop (xrf2);
	(erf) = vpow2.f32 v1  }
0xa3: {  	s2 =	simm.s32 $0x370;
	v1 =	vmul.f32 $1.442695020e+00, v4  }
0xa4: {  	s14 =	simm.s32 $0x1770;
	v4 =	vld [tilespmem:s2+$0x0]  }
0xa5: {  	v1 =	vbroadcast v1, $0xF;
	v2 =	vmul.f32 v2, v3;
	v3 =	vld [tilespmem:s14+$0x0];
	_ =	sdelay $0x1  }
0xa6: {  	(erf) = vpow2.f32 v1;
	(xrf2) =	vadd.scan.msk.f32 $0xffff, v2;
	v1 =	vld [tilespmem:s7+$0xFFFFFFA0];
	_ =	sdelay $0x1  }
0xa7: {  	v2, _, _ =	vpop (xrf2)  }
0xa8: {  	v5 =	vld [tilespmem:s14+$0xFFFFFF80];
	v2 =	vmul.f32 $1.442695020e+00, v2;
	v3 =	vmul.f32 v3, v4  }
0xa9: {  	v6 =	vld [tilespmem:s2+$0xFFFFFF80];
	v24 =	vpop (erf)  }
0xaa: {  	v4 =	vld [tilespmem:s23+$0x10];
	v2 =	vbroadcast v2, $0xF;
	(xrf2) =	vadd.scan.msk.f32 $0xffff, v3;
	v1 =	vmul.f32 v24, v1;
	_ =	sdelay $0x1  }
0xab: {  	(erf) = vpow2.f32 v2;
	[tilespmem:s8+$0xFFFFFFA0] =	vst v1  }
0xac: {  	v1 =	vld [tilespmem:s5+$0xFFFFFFB0]  }
0xad: {  	v3 =	vmul.f32 v5, v6;
	v18 =	vpop (erf);
	v2 =	vld [tilespmem:s1+$0xFFFFFFB0]  }
0xae: {  	v4 =	vmul.f32 v18, v4;
	v5, _, _ =	vpop (xrf2)  }
0xaf: {  	(xrf2) =	vadd.scan.msk.f32 $0xffff, v3;
	v5 =	vmul.f32 $1.442695020e+00, v5  }
0xb0: {  	v6 =	vld [tilespmem:s23+$0xFFFFFF90];
	[tilespmem:s24+$0x10] =	vst v4  }
0xb1: {  	v3 =	vld [tilespmem:s9+$0x20];
	v4 =	vbroadcast v5, $0xF  }
0xb2: {  	v5 =	vld [tilespmem:s6+$0x20];
	v1 =	vmul.f32 v2, v1  }
0xb3: {  	(erf) = vpow2.f32 v4;
	v2, _, _ =	vpop (xrf2)  }
0xb4: {  	v25 =	vpop (erf);
	(xrf2) =	vadd.scan.msk.f32 $0xffff, v1;
	v1 =	vmul.f32 $1.442695020e+00, v2  }
0xb5: {  	v2 =	vmul.f32 v25, v6  }
0xb6: {  	v1 =	vbroadcast v1, $0xF  }
0xb7: {  	v4 =	vld [tilespmem:s7+$0x30];
	v3 =	vmul.f32 v5, v3;
	[tilespmem:s24+$0xFFFFFF90] =	vst v2  }
0xb8: {  	(erf) = vpow2.f32 v1;
	v1 =	vld [tilespmem:s9+$0xFFFFFFA0]  }
0xb9: {  	(xrf2) =	vadd.scan.msk.f32 $0xffff, v3;
	v3 =	vld [tilespmem:s6+$0xFFFFFFA0];
	v2, _, _ =	vpop (xrf2)  }
0xba: {  	v2 =	vmul.f32 $1.442695020e+00, v2;
	_ =	sdelay $0x1  }
0xbb: {  	v23 =	vpop (erf);
	v2 =	vbroadcast v2, $0xF  }
0xbc: {  	s26 =	simm.s32 $0x5370;
	v4 =	vmul.f32 v23, v4  }
0xbd: {  	v5 =	vld [tilespmem:s26+$0x0];
	v1 =	vmul.f32 v3, v1;
	(erf) = vpow2.f32 v2  }
0xbe: {  	v6, _, _ =	vpop (xrf2);
	[tilespmem:s8+$0x30] =	vst v4  }
0xbf: {  	v2 =	vmul.f32 $1.442695020e+00, v6;
	v3 =	vld [tilespmem:s5+$0x40]  }
0xc0: {  	v4 =	vld [tilespmem:s1+$0x40]  }
0xc1: {  	(xrf2) =	vadd.scan.msk.f32 $0xffff, v1;
	v2 =	vbroadcast v2, $0xF;
	v1 =	vpop (erf)  }
0xc2: {  	v7 =	vld [tilespmem:s26+$0xFFFFFF80];
	v5 =	vmul.f32 v1, v5;
	v6, _, _ =	vpop (xrf2)  }
0xc3: {  	(erf) = vpow2.f32 v2;
	v2 =	vmul.f32 $1.442695020e+00, v6  }
0xc4: {  	s25 =	simm.s32 $0x6770  }
0xc5: {  	[tilespmem:s25+$0x0] =	vst v5;
	v2 =	vbroadcast v2, $0xF;
	v3 =	vmul.f32 v4, v3  }
0xc6: {  	v5 =	vld [tilespmem:s2+$0x10];
	v28 =	vpop (erf)  }
0xc7: {  	v4 =	vld [tilespmem:s14+$0x10];
	(erf) = vpow2.f32 v2;
	(xrf2) =	vadd.scan.msk.f32 $0xffff, v3;
	v3 =	vmul.f32 v28, v7  }
0xc8: {  	v2 =	vld [tilespmem:s7+$0xFFFFFFB0];
	_ =	sdelay $0x2  }
0xc9: {  	[tilespmem:s25+$0xFFFFFF80] =	vst v3;
	v3, _, _ =	vpop (xrf2)  }
0xca: {  	v4 =	vmul.f32 v4, v5;
	v5 =	vld [tilespmem:s23+$0x20];
	v29 =	vpop (erf)  }
0xcb: {  	v6 =	vld [tilespmem:s2+$0xFFFFFF90];
	v3 =	vmul.f32 $1.442695020e+00, v3;
	v2 =	vmul.f32 v29, v2  }
0xcc: {  	v7 =	vld [tilespmem:s14+$0xFFFFFF90];
	(xrf2) =	vadd.scan.msk.f32 $0xffff, v4  }
0xcd: {  	v3 =	vbroadcast v3, $0xF;
	[tilespmem:s8+$0xFFFFFFB0] =	vst v2  }
0xce: {  	v2 =	vld [tilespmem:s5+$0xFFFFFFC0];
	v21 =	vpop (erf)  }
0xcf: {  	(erf) = vpow2.f32 v3;
	v3 =	vld [tilespmem:s1+$0xFFFFFFC0];
	v4 =	vmul.f32 v21, v5;
	v5, _, _ =	vpop (xrf2)  }
0xd0: {  	v5 =	vmul.f32 $1.442695020e+00, v5  }
0xd1: {  	v6 =	vmul.f32 v7, v6;
	[tilespmem:s24+$0x20] =	vst v4  }
0xd2: {  	v4 =	vld [tilespmem:s9+$0x30];
	v5 =	vbroadcast v5, $0xF  }
0xd3: {  	(xrf2) =	vadd.scan.msk.f32 $0xffff, v6;
	v6 =	vld [tilespmem:s6+$0x30]  }
0xd4: {  	v2 =	vmul.f32 v3, v2;
	v3 =	vld [tilespmem:s23+$0xFFFFFFA0]  }
0xd5: {  	s31 =	simm.s32 $0x1870;
	(erf) = vpow2.f32 v5  }
0xd6: {  	s13 =	simm.s32 $0x470;
	v7 =	vld [tilespmem:s31+$0x0];
	v5, _, _ =	vpop (xrf2);
	(xrf2) =	vadd.scan.msk.f32 $0xffff, v2  }
0xd7: {  	v2 =	vmul.f32 $1.442695020e+00, v5;
	v5 =	vld [tilespmem:s13+$0x0]  }
0xd8: {  	v4 =	vmul.f32 v6, v4;
	v30 =	vpop (erf)  }
0xd9: {  	v2 =	vbroadcast v2, $0xF;
	v3 =	vmul.f32 v30, v3  }
0xda: {  	v6 =	vld [tilespmem:s7+$0x40]  }
0xdb: {  	(xrf2) =	vadd.scan.msk.f32 $0xffff, v4;
	v4 =	vld [tilespmem:s13+$0xFFFFFF80];
	(erf) = vpow2.f32 v2  }
0xdc: {  	v2 =	vld [tilespmem:s31+$0xFFFFFF80];
	v5 =	vmul.f32 v7, v5  }
0xdd: {  	[tilespmem:s24+$0xFFFFFFA0] =	vst v3;
	v3, _, _ =	vpop (xrf2)  }
0xde: {  	v8 =	vld [tilespmem:s9+$0xFFFFFFB0];
	v27 =	vpop (erf);
	v3 =	vmul.f32 $1.442695020e+00, v3  }
0xdf: {  	v7 =	vld [tilespmem:s6+$0xFFFFFFB0];
	v6 =	vmul.f32 v27, v6  }
0xe0: {  	v9 =	vld [tilespmem:s26+$0x10];
	(xrf2) =	vadd.scan.msk.f32 $0xffff, v5;
	v3 =	vbroadcast v3, $0xF;
	v5, _, _ =	vpop (xrf2)  }
0xe1: {  	[tilespmem:s8+$0x40] =	vst v6;
	v4 =	vmul.f32 v2, v4;
	v5 =	vmul.f32 $1.442695020e+00, v5  }
0xe2: {  	v6 =	vld [tilespmem:s5+$0x50];
	(erf) = vpow2.f32 v3  }
0xe3: {  	v10 =	vld [tilespmem:s1+$0x50];
	(xrf2) =	vadd.scan.msk.f32 $0xffff, v4;
	v3 =	vbroadcast v5, $0xF  }
0xe4: {  	v4 =	vmul.f32 v7, v8;
	v2 =	vpop (erf)  }
0xe5: {  	v7, _, _ =	vpop (xrf2);
	v5 =	vmul.f32 v2, v9;
	(erf) = vpow2.f32 v3  }
0xe6: {  	(xrf2) =	vadd.scan.msk.f32 $0xffff, v4;
	v3 =	vmul.f32 $1.442695020e+00, v7  }
0xe7: {  	v7 =	vld [tilespmem:s26+$0xFFFFFF90];
	[tilespmem:s25+$0x10] =	vst v5  }
0xe8: {  	v3 =	vbroadcast v3, $0xF;
	v5 =	vmul.f32 v10, v6;
	v4 =	vld [tilespmem:s2+$0x20]  }
0xe9: {  	v6 =	vld [tilespmem:s14+$0x20]  }
0xea: {  	v8, _, _ =	vpop (xrf2);
	(erf) = vpow2.f32 v3;
	(xrf2) =	vadd.scan.msk.f32 $0xffff, v5;
	v3 =	vld [tilespmem:s7+$0xFFFFFFC0]  }
0xeb: {  	v5 =	vmul.f32 $1.442695020e+00, v8;
	v32 =	vpop (erf)  }
0xec: {  	v7 =	vmul.f32 v32, v7  }
0xed: {  	v5 =	vbroadcast v5, $0xF;
	v8, _, _ =	vpop (xrf2)  }
0xee: {  	v4 =	vmul.f32 v6, v4;
	v6 =	vmul.f32 $1.442695020e+00, v8;
	v31 =	vpop (erf)  }
0xef: {  	(erf) = vpow2.f32 v5;
	v5 =	vld [tilespmem:s23+$0x30];
	[tilespmem:s25+$0xFFFFFF90] =	vst v7;
	v3 =	vmul.f32 v31, v3  }
0xf0: {  	(xrf2) =	vadd.scan.msk.f32 $0xffff, v4;
	v4 =	vld [tilespmem:s2+$0xFFFFFFA0];
	v6 =	vbroadcast v6, $0xF;
	v7, _, _ =	vpop (xrf2)  }
0xf1: {  	v8 =	vld [tilespmem:s14+$0xFFFFFFA0];
	[tilespmem:s8+$0xFFFFFFC0] =	vst v3;
	v3 =	vmul.f32 $1.442695020e+00, v7;
	_ =	sdelay $0x1  }
0xf2: {  	(erf) = vpow2.f32 v6;
	v26 =	vpop (erf);
	v3 =	vbroadcast v3, $0xF  }
0xf3: {  	v7 =	vld [tilespmem:s5+$0xFFFFFFD0];
	v6, _, _ =	vpop (xrf2);
	v5 =	vmul.f32 v26, v5  }
0xf4: {  	s30 =	simm.s32 $0x5470;
	v10 =	vld [tilespmem:s1+$0xFFFFFFD0];
	v6 =	vmul.f32 $1.442695020e+00, v6;
	(erf) = vpow2.f32 v3  }
0xf5: {  	v9 =	vld [tilespmem:s30+$0x0];
	v4 =	vmul.f32 v8, v4;
	[tilespmem:s24+$0x30] =	vst v5  }
0xf6: {  	v5 =	vbroadcast v6, $0xF;
	v6 =	vld [tilespmem:s9+$0x40]  }
0xf7: {  	(xrf2) =	vadd.scan.msk.f32 $0xffff, v4;
	v4 =	vld [tilespmem:s30+$0xFFFFFF80]  }
0xf8: {  	v8 =	vld [tilespmem:s6+$0x40]  }
0xf9: {  	v3 =	vpop (erf);
	v7 =	vmul.f32 v10, v7;
	v10 =	vld [tilespmem:s23+$0xFFFFFFB0]  }
0xfa: {  	(erf) = vpow2.f32 v5;
	v5 =	vmul.f32 v3, v9;
	v9, _, _ =	vpop (xrf2)  }
0xfb: {  	s29 =	simm.s32 $0x6870;
	v35 =	vpop (erf)  }
0xfc: {  	v9 =	vmul.f32 $1.442695020e+00, v9;
	[tilespmem:s29+$0x0] =	vst v5;
	v4 =	vmul.f32 v35, v4  }
0xfd: {  	v5 =	vld [tilespmem:s13+$0x10];
	v6 =	vmul.f32 v8, v6;
	v36 =	vpop (erf)  }
0xfe: {  	(xrf2) =	vadd.scan.msk.f32 $0xffff, v7;
	v8 =	vld [tilespmem:s7+$0x50];
	v7 =	vbroadcast v9, $0xF;
	[tilespmem:s29+$0xFFFFFF80] =	vst v4;
	v4 =	vmul.f32 v36, v10  }
0xff: {  	v9 =	vld [tilespmem:s31+$0x10]  }
0x100: {  	(xrf2) =	vadd.scan.msk.f32 $0xffff, v6;
	(erf) = vpow2.f32 v7;
	_ =	sdelay $0x1  }
0x101: {  	v6 =	vld [tilespmem:s13+$0xFFFFFF90];
	[tilespmem:s24+$0xFFFFFFB0] =	vst v4;
	v4, _, _ =	vpop (xrf2)  }
0x102: {  	v7 =	vld [tilespmem:s31+$0xFFFFFF90];
	v34 =	vpop (erf);
	v4 =	vmul.f32 $1.442695020e+00, v4  }
0x103: {  	v10 =	vld [tilespmem:s26+$0x20];
	v5 =	vmul.f32 v9, v5;
	v8 =	vmul.f32 v34, v8  }
0x104: {  	v9 =	vld [tilespmem:s9+$0xFFFFFFC0];
	v4 =	vbroadcast v4, $0xF  }
0x105: {  	(xrf2) =	vadd.scan.msk.f32 $0xffff, v5;
	v5 =	vld [tilespmem:s6+$0xFFFFFFC0];
	_ =	sdelay $0x1  }
0x106: {  	[tilespmem:s8+$0x50] =	vst v8;
	v8, _, _ =	vpop (xrf2)  }
0x107: {  	v6 =	vmul.f32 v7, v6;
	v11 =	vld [tilespmem:s5+$0x60];
	(erf) = vpow2.f32 v4;
	v4 =	vpop (erf)  }
0x108: {  	v13 =	vld [tilespmem:s1+$0x60];
	v8 =	vmul.f32 $1.442695020e+00, v8;
	v7 =	vmul.f32 v4, v10;
	v10, _, _ =	vpop (xrf2)  }
0x109: {  	(xrf2) =	vadd.scan.msk.f32 $0xffff, v6;
	v5 =	vmul.f32 v5, v9;
	v6 =	vmul.f32 $1.442695020e+00, v10;
	_ =	sdelay $0x1  }
0x10a: {  	v8 =	vbroadcast v8, $0xF;
	(xrf2) =	vadd.scan.msk.f32 $0xffff, v5;
	v5 =	vbroadcast v6, $0xF  }
0x10b: {  	[tilespmem:s25+$0x20] =	vst v7  }
0x10c: {  	(erf) = vpow2.f32 v8;
	v6 =	vmul.f32 v13, v11;
	v7 =	vld [tilespmem:s2+$0x30]  }
0x10d: {  	v8 =	vld [tilespmem:s14+$0x30]  }
0x10e: {  	s17 =	simm.s32 $0x570;
	(erf) = vpow2.f32 v5;
	(xrf2) =	vadd.scan.msk.f32 $0xffff, v6;
	v5, _, _ =	vpop (xrf2)  }
0x10f: {  	s0 =	simm.s32 $0x1970;
	v9 =	vld [tilespmem:s17+$0x0];
	v5 =	vmul.f32 $1.442695020e+00, v5  }
0x110: {  	v10 =	vld [tilespmem:s0+$0x0]  }
0x111: {  	v6 =	vld [tilespmem:s26+$0xFFFFFFA0];
	v5 =	vbroadcast v5, $0xF  }
0x112: {  	v7 =	vmul.f32 v8, v7  }
0x113: {  	v37 =	vpop (erf);
	(erf) = vpow2.f32 v5;
	v5 =	vld [tilespmem:s23+$0x40]  }
0x114: {  	v8, _, _ =	vpop (xrf2);
	(xrf2) =	vadd.scan.msk.f32 $0xffff, v7  }
0x115: {  	v11 =	vld [tilespmem:s0+$0xFFFFFF80];
	v9 =	vmul.f32 v10, v9;
	v38 =	vpop (erf)  }
0x116: {  	v8 =	vmul.f32 $1.442695020e+00, v8;
	v6 =	vmul.f32 v37, v6;
	v7 =	vld [tilespmem:s17+$0xFFFFFF80];
	v13, _, _ =	vpop (xrf2)  }
0x117: {  	v14 =	vld [tilespmem:s7+$0xFFFFFFD0];
	v13 =	vmul.f32 $1.442695020e+00, v13;
	v33 =	vpop (erf)  }
0x118: {  	v39 =	vld [tilespmem:s30+$0x10];
	(xrf2) =	vadd.scan.msk.f32 $0xffff, v9;
	[tilespmem:s25+$0xFFFFFFA0] =	vst v6;
	v6 =	vbroadcast v8, $0xF;
	v10, _, _ =	vpop (xrf2);
	v5 =	vmul.f32 v33, v5  }
0x119: {  	v8 =	vld [tilespmem:s2+$0xFFFFFFB0];
	v10 =	vmul.f32 $1.442695020e+00, v10  }
0x11a: {  	v40 =	vld [tilespmem:s14+$0xFFFFFFB0];
	(erf) = vpow2.f32 v6;
	v6 =	vbroadcast v13, $0xF  }
0x11b: {  	v7 =	vmul.f32 v11, v7;
	v9 =	vbroadcast v10, $0xF;
	[tilespmem:s24+$0x40] =	vst v5  }
0x11c: {  	(erf) = vpow2.f32 v6;
	v10 =	vmul.f32 v38, v14;
	v11 =	vld [tilespmem:s9+$0x50];
	v5 =	vpop (erf)  }
0x11d: {  	(xrf2) =	vadd.scan.msk.f32 $0xffff, v7;
	v6 =	vld [tilespmem:s6+$0x50];
	(erf) = vpow2.f32 v9;
	v9 =	vmul.f32 v5, v39  }
0x11e: {  	v7 =	vld [tilespmem:s30+$0xFFFFFF90];
	[tilespmem:s8+$0xFFFFFFD0] =	vst v10;
	v13, _, _ =	vpop (xrf2)  }
0x11f: {  	v8 =	vmul.f32 v40, v8;
	v10 =	vld [tilespmem:s5+$0xFFFFFFE0];
	[tilespmem:s29+$0x10] =	vst v9;
	v9 =	vmul.f32 $1.442695020e+00, v13  }
0x120: {  	v14 =	vld [tilespmem:s1+$0xFFFFFFE0]  }
0x121: {  	(xrf2) =	vadd.scan.msk.f32 $0xffff, v8;
	v13 =	vld [tilespmem:s13+$0x20];
	v9 =	vbroadcast v9, $0xF  }
0x122: {  	v53, _, _ =	vpop (xrf2);
	v8 =	vld [tilespmem:s31+$0x20];
	v6 =	vmul.f32 v6, v11  }
0x123: {  	v40 =	vpop (erf);
	v11 =	vld [tilespmem:s7+$0x60];
	(erf) = vpow2.f32 v9;
	v9 =	vmul.f32 $1.442695020e+00, v53;
	_ =	sdelay $0x1  }
0x124: {  	v7 =	vmul.f32 v40, v7;
	v41 =	vpop (erf);
	(xrf2) =	vadd.scan.msk.f32 $0xffff, v6;
	v6 =	vld [tilespmem:s23+$0xFFFFFFC0]  }
0x125: {  	v10 =	vmul.f32 v14, v10;
	v39 =	vpop (erf)  }
0x126: {  	[tilespmem:s29+$0xFFFFFF90] =	vst v7;
	v7 =	vbroadcast v9, $0xF;
	v8 =	vmul.f32 v8, v13;
	v9, _, _ =	vpop (xrf2)  }
0x127: {  	v14 =	vld [tilespmem:s31+$0xFFFFFFA0];
	(xrf2) =	vadd.scan.msk.f32 $0xffff, v10;
	v11 =	vmul.f32 v39, v11;
	v9 =	vmul.f32 $1.442695020e+00, v9  }
0x128: {  	v10 =	vld [tilespmem:s26+$0x30];
	(erf) = vpow2.f32 v7  }
0x129: {  	v13 =	vld [tilespmem:s13+$0xFFFFFFA0];
	v6 =	vmul.f32 v41, v6;
	[tilespmem:s8+$0x60] =	vst v11;
	v7 =	vbroadcast v9, $0xF  }
0x12a: {  	(xrf2) =	vadd.scan.msk.f32 $0xffff, v8;
	v8, _, _ =	vpop (xrf2);
	v9 =	vld [tilespmem:s5+$0x70]  }
0x12b: {  	[tilespmem:s24+$0xFFFFFFC0] =	vst v6;
	v6 =	vmul.f32 $1.442695020e+00, v8;
	v8 =	vld [tilespmem:s1+$0x70]  }
0x12c: {  	s15 =	simm.s32 $0x5570;
	(erf) = vpow2.f32 v7  }
0x12d: {  	v43 =	vld [tilespmem:s15+$0x0];
	v6 =	vbroadcast v6, $0xF;
	v7 =	vpop (erf)  }
0x12e: {  	v11 =	vld [tilespmem:s9+$0xFFFFFFD0];
	v13 =	vmul.f32 v14, v13;
	v42, _, _ =	vpop (xrf2);
	v10 =	vmul.f32 v7, v10  }
0x12f: {  	v14 =	vld [tilespmem:s6+$0xFFFFFFD0];
	v42 =	vmul.f32 $1.442695020e+00, v42;
	(erf) = vpow2.f32 v6  }
0x130: {  	v44 =	vld [tilespmem:s15+$0xFFFFFF80];
	v8 =	vmul.f32 v8, v9;
	[tilespmem:s25+$0x30] =	vst v10  }
0x131: {  	(xrf2) =	vadd.scan.msk.f32 $0xffff, v13;
	v54, _, _ =	vpop (xrf2);
	v10 =	vbroadcast v42, $0xF;
	v9 =	vld [tilespmem:s2+$0x40]  }
0x132: {  	v6 =	vpop (erf);
	(xrf2) =	vadd.scan.msk.f32 $0xffff, v8;
	v13 =	vld [tilespmem:s14+$0x40]  }
0x133: {  	v8 =	vmul.f32 v6, v43;
	(erf) = vpow2.f32 v10  }
0x134: {  	s3 =	simm.s32 $0x6970;
	v45 =	vld [tilespmem:s26+$0xFFFFFFB0];
	v10 =	vmul.f32 v14, v11;
	v11 =	vmul.f32 $1.442695020e+00, v54;
	v14, _, _ =	vpop (xrf2)  }
0x135: {  	[tilespmem:s3+$0x0] =	vst v8;
	v14 =	vmul.f32 $1.442695020e+00, v14;
	v42 =	vpop (erf)  }
0x136: {  	v55 =	vld [tilespmem:s0+$0x10];
	v8 =	vbroadcast v11, $0xF;
	(xrf2) =	vadd.scan.msk.f32 $0xffff, v10;
	v10 =	vmul.f32 v42, v44  }
0x137: {  	v11 =	vld [tilespmem:s17+$0x10];
	v14 =	vbroadcast v14, $0xF;
	v9 =	vmul.f32 v13, v9  }
0x138: {  	(erf) = vpow2.f32 v8;
	v43 =	vpop (erf)  }
0x139: {  	v8 =	vld [tilespmem:s23+$0x50];
	[tilespmem:s3+$0xFFFFFF80] =	vst v10;
	(xrf2) =	vadd.scan.msk.f32 $0xffff, v9;
	v9 =	vmul.f32 v43, v45  }
0x13a: {  	v10 =	vld [tilespmem:s17+$0xFFFFFF90]  }
0x13b: {  	(erf) = vpow2.f32 v14;
	v13 =	vld [tilespmem:s0+$0xFFFFFF90];
	v14, _, _ =	vpop (xrf2)  }
0x13c: {  	v11 =	vmul.f32 v55, v11;
	v57, _, _ =	vpop (xrf2)  }
0x13d: {  	v56 =	vld [tilespmem:s7+$0xFFFFFFE0];
	[tilespmem:s25+$0xFFFFFFB0] =	vst v9;
	v14 =	vmul.f32 $1.442695020e+00, v14;
	v44 =	vmul.f32 $1.442695020e+00, v57;
	v9 =	vpop (erf)  }
0x13e: {  	v46 =	vld [tilespmem:s2+$0xFFFFFFC0];
	v8 =	vmul.f32 v9, v8  }
0x13f: {  	(xrf2) =	vadd.scan.msk.f32 $0xffff, v11;
	v11 =	vbroadcast v14, $0xF;
	v14 =	vld [tilespmem:s14+$0xFFFFFFC0]  }
0x140: {  	v47 =	vld [tilespmem:s30+$0x20];
	v10 =	vmul.f32 v13, v10  }
0x141: {  	v13 =	vbroadcast v44, $0xF;
	[tilespmem:s24+$0x50] =	vst v8;
	v44 =	vpop (erf)  }
0x142: {  	(erf) = vpow2.f32 v11;
	(xrf2) =	vadd.scan.msk.f32 $0xffff, v10;
	v48 =	vld [tilespmem:s9+$0x60];
	v8, _, _ =	vpop (xrf2)  }
0x143: {  	v10 =	vld [tilespmem:s6+$0x60];
	v45 =	vmul.f32 v44, v56;
	v11 =	vmul.f32 $1.442695020e+00, v8  }
0x144: {  	(erf) = vpow2.f32 v13;
	v14 =	vmul.f32 v14, v46;
	v8 =	vpop (erf)  }
0x145: {  	v58, _, _ =	vpop (xrf2);
	[tilespmem:s8+$0xFFFFFFE0] =	vst v45;
	v13 =	vmul.f32 v8, v47;
	v11 =	vbroadcast v11, $0xF  }
0x146: {  	v59 =	vmul.f32 $1.442695020e+00, v58;
	v60 =	vld [tilespmem:s5+$0xFFFFFFF0]  }
0x147: {  	(xrf2) =	vadd.scan.msk.f32 $0xffff, v14;
	[tilespmem:s29+$0x20] =	vst v13;
	(erf) = vpow2.f32 v11;
	v11 =	vld [tilespmem:s1+$0xFFFFFFF0]  }
0x148: {  	v13 =	vbroadcast v59, $0xF;
	v10 =	vmul.f32 v10, v48;
	v14 =	vld [tilespmem:s13+$0x30]  }
0x149: {  	v62, _, _ =	vpop (xrf2);
	v61 =	vld [tilespmem:s31+$0x30]  }
0x14a: {  	s19 =	simm.s32 $0x1A70;
	(erf) = vpow2.f32 v13;
	(xrf2) =	vadd.scan.msk.f32 $0xffff, v10;
	v10 =	vmul.f32 $1.442695020e+00, v62  }
0x14b: {  	v49 =	vld [tilespmem:s19+$0x0]  }
0x14c: {  	v13 =	vld [tilespmem:s30+$0xFFFFFFA0];
	v10 =	vbroadcast v10, $0xF;
	v55, _, _ =	vpop (xrf2)  }
0x14d: {  	v51 =	vld [tilespmem:s23+$0xFFFFFFD0];
	s1 =	simm.s32 $0x670;
	v50 =	vmul.f32 $1.442695020e+00, v55;
	v11 =	vmul.f32 v11, v60  }
0x14e: {  	v63 =	vld [tilespmem:s1+$0x0];
	v14 =	vmul.f32 v61, v14  }
0x14f: {  	v47 =	vpop (erf);
	(erf) = vpow2.f32 v10;
	v10 =	vld [tilespmem:s26+$0x40];
	(xrf2) =	vadd.scan.msk.f32 $0xffff, v11;
	v11 =	vbroadcast v50, $0xF  }
0x150: {  	v45 =	vpop (erf);
	(xrf2) =	vadd.scan.msk.f32 $0xffff, v14  }
0x151: {  	v52 =	vld [tilespmem:s19+$0xFFFFFF80];
	v13 =	vmul.f32 v47, v13;
	v56, _, _ =	vpop (xrf2)  }
0x152: {  	v14 =	vld [tilespmem:s1+$0xFFFFFF80];
	v46 =	vpop (erf);
	(erf) = vpow2.f32 v11  }
0x153: {  	v58 =	vld [tilespmem:s15+$0x10];
	v48 =	vmul.f32 v49, v63;
	[tilespmem:s29+$0xFFFFFFA0] =	vst v13;
	v57 =	vmul.f32 $1.442695020e+00, v56;
	v11 =	vpop (erf)  }
0x154: {  	v54 =	vld [tilespmem:s13+$0xFFFFFFB0];
	v13 =	vmul.f32 v46, v51;
	v59, _, _ =	vpop (xrf2);
	v10 =	vmul.f32 v11, v10  }
0x155: {  	v61 =	vld [tilespmem:s31+$0xFFFFFFB0];
	v60 =	vmul.f32 $1.442695020e+00, v59  }
0x156: {  	(xrf2) =	vadd.scan.msk.f32 $0xffff, v48;
	[tilespmem:s24+$0xFFFFFFD0] =	vst v13;
	v13 =	vbroadcast v57, $0xF  }
0x157: {  	v53 =	vld [tilespmem:s15+$0xFFFFFF90];
	v14 =	vmul.f32 v52, v14;
	v48 =	vbroadcast v60, $0xF  }
0x158: {  	v49 =	vld [tilespmem:s9+$0xFFFFFFE0];
	[tilespmem:s25+$0x40] =	vst v10;
	(erf) = vpow2.f32 v13;
	v10 =	vpop (erf)  }
0x159: {  	v62 =	vld [tilespmem:s2+$0x50];
	(xrf2) =	vadd.scan.msk.f32 $0xffff, v14;
	(erf) = vpow2.f32 v48;
	v14 =	vmul.f32 v10, v58;
	v58, _, _ =	vpop (xrf2)  }
0x15a: {  	v51 =	vmul.f32 v61, v54;
	v13 =	vld [tilespmem:s14+$0x50];
	v55, _, _ =	vpop (xrf2)  }
0x15b: {  	v63 =	vld [tilespmem:s6+$0xFFFFFFE0];
	v59 =	vmul.f32 $1.442695020e+00, v58;
	v48 =	vpop (erf)  }
0x15c: {  	v61 =	vld [tilespmem:s23+$0x60];
	(xrf2) =	vadd.scan.msk.f32 $0xffff, v51;
	[tilespmem:s3+$0x10] =	vst v14;
	v14 =	vmul.f32 $1.442695020e+00, v55;
	v53 =	vmul.f32 v48, v53  }
0x15d: {  	v55 =	vld [tilespmem:s17+$0x20];
	v54 =	vbroadcast v59, $0xF  }
0x15e: {  	v60 =	vld [tilespmem:s0+$0x20];
	v14 =	vbroadcast v14, $0xF;
	[tilespmem:s3+$0xFFFFFF90] =	vst v53  }
0x15f: {  	v13 =	vmul.f32 v13, v62;
	(erf) = vpow2.f32 v54;
	v53 =	vld [tilespmem:s17+$0xFFFFFFA0]  }
0x160: {  	v50 =	vmul.f32 v63, v49;
	v62, _, _ =	vpop (xrf2);
	v63 =	vld [tilespmem:s0+$0xFFFFFFA0];
	(erf) = vpow2.f32 v14  }
0x161: {  	(xrf2) =	vadd.scan.msk.f32 $0xffff, v13;
	v13 =	vmul.f32 $1.442695020e+00, v62;
	v49 =	vpop (erf)  }
0x162: {  	v56 =	vld [tilespmem:s26+$0xFFFFFFC0];
	(xrf2) =	vadd.scan.msk.f32 $0xffff, v50;
	v14 =	vpop (erf)  }
0x163: {  	v13 =	vbroadcast v13, $0xF;
	v52 =	vmul.f32 v14, v61  }
0x164: {  	v51 =	vmul.f32 v60, v55  }
0x165: {  	v59, _, _ =	vpop (xrf2);
	v60 =	vld [tilespmem:s30+$0x30];
	(erf) = vpow2.f32 v13;
	v13 =	vmul.f32 v63, v53;
	[tilespmem:s24+$0x60] =	vst v52  }
0x166: {  	v50 =	vmul.f32 $1.442695020e+00, v59;
	v61, _, _ =	vpop (xrf2);
	v52 =	vld [tilespmem:s9+$0x70]  }
0x167: {  	v56 =	vmul.f32 v49, v56;
	v53 =	vmul.f32 $1.442695020e+00, v61;
	v54 =	vld [tilespmem:s6+$0x70]  }
0x168: {  	(xrf2) =	vadd.scan.msk.f32 $0xffff, v51;
	v50 =	vbroadcast v50, $0xF;
	v57 =	vpop (erf)  }
0x169: {  	[tilespmem:s25+$0xFFFFFFC0] =	vst v56;
	(xrf2) =	vadd.scan.msk.f32 $0xffff, v13;
	v53 =	vbroadcast v53, $0xF;
	v13 =	vpop (erf)  }
0x16a: {  	s5 =	simm.s32 $0x5670;
	v56 =	vld [tilespmem:s2+$0xFFFFFFD0];
	(erf) = vpow2.f32 v50;
	v51 =	vmul.f32 v13, v60  }
0x16b: {  	v12 =	vnsel vm0, $0x0, v12;
	v59, _, _ =	vpop (xrf2);
	(erf) = vpow2.f32 v53;
	v60 =	vld [tilespmem:s5+$0x0]  }
0x16c: {  	v12 =	vsel vm1, v12, v20;
	v50 =	vld [tilespmem:s14+$0xFFFFFFD0];
	v59 =	vmul.f32 $1.442695020e+00, v59;
	v62, _, _ =	vpop (xrf2);
	[tilespmem:s29+$0x30] =	vst v51;
	v51 =	vmul.f32 v54, v52  }
0x16d: {  	v16 =	vnsel vm0, $0x0, v16;
	v52 =	vmul.f32 $1.442695020e+00, v62;
	v61 =	vld [tilespmem:s13+$0x40]  }
0x16e: {  	v22 =	vnsel vm0, $0x0, v22;
	v24 =	vsel vm2, v12, v24;
	v63 =	vbroadcast v59, $0xF;
	v62 =	vld [tilespmem:s31+$0x40];
	(xrf2) =	vadd.scan.msk.f32 $0xffff, v51  }
0x16f: {  	v22 =	vsel vm1, v22, v25;
	v25 =	vnsel vm0, $0x0, v28;
	v20 =	vld [tilespmem:s5+$0xFFFFFF80];
	v12 =	vpop (erf);
	v52 =	vbroadcast v52, $0xF  }
0x170: {  	v24 =	vsel vm3, v24, v29;
	v28 =	vld [tilespmem:s7+$0xFFFFFFF0];
	(erf) = vpow2.f32 v63;
	v29 =	vmul.f32 v12, v60  }
0x171: {  	s21 =	simm.s32 $0x6A70;
	v16 =	vsel vm1, v16, v17;
	v58 =	vld [tilespmem:s30+$0xFFFFFFB0]  }
0x172: {  	v16 =	vsel vm2, v16, v19;
	v55 =	vld [tilespmem:s7+$0x70];
	v50 =	vmul.f32 v50, v56;
	v63, _, _ =	vpop (xrf2);
	(erf) = vpow2.f32 v52;
	[tilespmem:s21+$0x0] =	vst v29  }
0x173: {  	v24 =	vsel vm4, v24, v31;
	v51 =	vmul.f32 $1.442695020e+00, v63;
	v52 =	vpop (erf);
	v31 =	vmul.f32 v62, v61;
	v60 =	vld [tilespmem:s1+$0x10]  }
0x174: {  	v22 =	vsel vm2, v22, v30;
	v30 =	vsel vm1, v25, v32;
	(xrf2) =	vadd.scan.msk.f32 $0xffff, v50;
	v59, _, _ =	vpop (xrf2);
	v61 =	vld [tilespmem:s19+$0x10];
	v20 =	vmul.f32 v52, v20  }
0x175: {  	v30 =	vsel vm2, v30, v37;
	v50 =	vmul.f32 $1.442695020e+00, v59;
	v29 =	vbroadcast v51, $0xF;
	v37 =	vpop (erf);
	(xrf2) =	vadd.scan.msk.f32 $0xffff, v31;
	v31 =	vld [tilespmem:s26+$0x50]  }
0x176: {  	v16 =	vsel vm3, v16, v23;
	v23 =	vld [tilespmem:s15+$0x20];
	v17 =	vmul.f32 v37, v58;
	[tilespmem:s21+$0xFFFFFF80] =	vst v20;
	v20 =	vnsel vm0, $0x0, v35  }
0x177: {  	v53 =	vld [tilespmem:s23+$0xFFFFFFE0];
	(erf) = vpow2.f32 v29;
	v29 =	vbroadcast v50, $0xF  }
0x178: {  	v16 =	vsel vm4, v16, v27;
	v22 =	vsel vm3, v22, v36;
	v50 =	vmul.f32 v45, v55;
	v62 =	vld [tilespmem:s1+$0xFFFFFF90];
	v19, _, _ =	vpop (xrf2)  }
0x179: {  	v35 =	vsel vm1, v20, v40;
	v63 =	vld [tilespmem:s19+$0xFFFFFF90];
	[tilespmem:s29+$0xFFFFFFB0] =	vst v17;
	(erf) = vpow2.f32 v29;
	v17 =	vmul.f32 v61, v60;
	v20 =	vpop (erf)  }
0x17a: {  	v16 =	vsel vm5, v16, v34;
	v32 =	vld [tilespmem:s15+$0xFFFFFFA0];
	v19 =	vmul.f32 $1.442695020e+00, v19;
	v31 =	vmul.f32 v20, v31  }
0x17b: {  	v24 =	vsel vm5, v24, v38;
	v16 =	vsel vm6, v16, v39;
	v30 =	vsel vm3, v30, v43;
	v25 =	vld [tilespmem:s26+$0xFFFFFFD0]  }
0x17c: {  	v16 =	vsel vm7, v16, v45;
	s7 =	simm.s32 $0x7900;
	v36 =	vld [tilespmem:s13+$0xFFFFFFC0];
	[tilespmem:s8+$0x70] =	vst v50;
	(xrf2) =	vadd.scan.msk.f32 $0xffff, v17;
	v54 =	vpop (erf);
	v17 =	vbroadcast v19, $0xF  }
0x17d: {  	v22 =	vsel vm4, v22, v41;
	v51 =	vld [tilespmem:s31+$0xFFFFFFC0];
	[tilespmem:s7+$0x0] =	vst v16;
	v16 =	vsel vm4, v30, v49;
	v55 =	vmul.f32 v54, v53  }
0x17e: {  	v29 =	vld [tilespmem:s5+$0xFFFFFF90];
	[tilespmem:s25+$0x50] =	vst v31;
	v30 =	vmul.f32 v63, v62;
	v31, _, _ =	vpop (xrf2);
	(erf) = vpow2.f32 v17;
	v17 =	vnsel vm0, $0x0, v42  }
0x17f: {  	v58 =	vld [tilespmem:s2+$0x60];
	v31 =	vmul.f32 $1.442695020e+00, v31;
	v60 =	vsel vm1, v17, v48;
	v17 =	vmul.f32 v57, v28  }
0x180: {  	v24 =	vsel vm6, v24, v44;
	[tilespmem:s24+$0xFFFFFFE0] =	vst v55;
	v59 =	vld [tilespmem:s14+$0x60];
	(xrf2) =	vadd.scan.msk.f32 $0xffff, v30  }
0x181: {  	v24 =	vsel vm7, v24, v57;
	v56 =	vsel vm5, v22, v46;
	v27 =	vld [tilespmem:s30+$0xFFFFFFC0];
	v22 =	vpop (erf);
	v31 =	vbroadcast v31, $0xF;
	[tilespmem:s8+$0xFFFFFFF0] =	vst v17  }
0x182: {  	v15 =	vnsel vm0, $0x0, v15;
	v61 =	vld [tilespmem:s9+$0xFFFFFFF0];
	v28, _, _ =	vpop (xrf2);
	v23 =	vmul.f32 v22, v23;
	[tilespmem:s7+$0xFFFFFFF0] =	vst v24;
	v24 =	vmul.f32 v51, v36  }
0x183: {  	v15 =	vsel vm1, v15, v18;
	v63 =	vld [tilespmem:s6+$0xFFFFFFF0];
	v28 =	vmul.f32 $1.442695020e+00, v28;
	v62 =	vpop (erf);
	(erf) = vpow2.f32 v31  }
0x184: {  	v21 =	vsel vm2, v15, v21;
	[tilespmem:s3+$0x20] =	vst v23;
	v32 =	vmul.f32 v62, v32;
	v23 =	vld [tilespmem:s23+$0x70];
	(xrf2) =	vadd.scan.msk.f32 $0xffff, v24  }
0x185: {  	v19 =	vsel vm2, v35, v47;
	v28 =	vbroadcast v28, $0xF;
	v35 =	vld [tilespmem:s17+$0x30];
	v31 =	vmul.f32 v59, v58  }
0x186: {  	v21 =	vsel vm3, v21, v26;
	v36 =	vld [tilespmem:s0+$0x30];
	[tilespmem:s3+$0xFFFFFFA0] =	vst v32  }
0x187: {  	v26 =	vsel vm4, v21, v33;
	(erf) = vpow2.f32 v28;
	v30 =	vld [tilespmem:s17+$0xFFFFFFB0];
	v24, _, _ =	vpop (xrf2);
	(xrf2) =	vadd.scan.msk.f32 $0xffff, v31  }
0x188: {  	v17 =	vsel vm3, v19, v37;
	v38 =	vmul.f32 v63, v61;
	v32 =	vld [tilespmem:s0+$0xFFFFFFB0];
	v37 =	vmul.f32 $1.442695020e+00, v24  }
0x189: {  	v18 =	vnsel vm0, $0x0, v52;
	s9 =	simm.s32 $0x770;
	s6 =	simm.s32 $0x1A70;
	v19 =	vsel vm6, v56, v54;
	s8 =	simm.s32 $0xA;
	v15 =	vsel vm2, v60, v62;
	v34 =	vld [tilespmem:s15+$0xFFFFFFB0];
	v24 =	vpop (erf)  }
.LBB2_6:
0x18a: {  	v28 =	vld [tilespmem:s9+$0x0];
	v37 =	vbroadcast v37, $0xF;
	s19 =	sadd.s32 $0x100, s19;
	v21, _, _ =	vpop (xrf2);
	v0 =	vsel vm5, v26, v9;
	v23 =	vmul.f32 v24, v23;
	(xrf2) =	vadd.scan.msk.f32 $0xffff, v38  }
0x18b: {  	v9 =	vmovc v20;
	v26 =	vld [tilespmem:s19+$0x0];
	v33 =	vmul.f32 $1.442695020e+00, v21;
	v35 =	vmul.f32 v36, v35;
	v14 =	vsel vm6, v0, v14;
	v21 =	vmovc v8  }
0x18c: {  	s7 =	sadd.s32 $0x20, s7;
	v8 =	vmov v22;
	(erf) = vpow2.f32 v37;
	v20 =	vld [tilespmem:s30+$0x40];
	v31 =	vpop (erf);
	[tilespmem:s24+$0x70] =	vst v23;
	v14 =	vsel vm7, v14, v24  }
0x18d: {  	v23 =	vld [tilespmem:s19+$0xFFFFFF80];
	v24 =	vbroadcast v33, $0xF;
	v30 =	vmul.f32 v32, v30;
	(xrf2) =	vadd.scan.msk.f32 $0xffff, v35;
	[tilespmem:s7+$0x0] =	vst v14  }
0x18e: {  	v25 =	vmul.f32 v31, v25;
	v22 =	vsel vm5, v16, v31;
	v14 =	vld [tilespmem:s9+$0xFFFFFF80];
	v32, _, _ =	vpop (xrf2)  }
0x18f: {  	(erf) = vpow2.f32 v24;
	v16 =	vmul.f32 $1.442695020e+00, v32;
	v31 =	vld [tilespmem:s23+$0xFFFFFFF0];
	s23 =	smov.u32 s26;
	s26 =	smov.u32 s30;
	s30 =	smov.u32 s15  }
0x190: {  	s15 =	smov.u32 s5;
	v24 =	vmul.f32 v26, v28;
	v28 =	vpop (erf);
	[tilespmem:s25+$0xFFFFFFD0] =	vst v25  }
0x191: {  	v25 =	vld [tilespmem:s5+$0x10];
	v16 =	vbroadcast v16, $0xF;
	v20 =	vmul.f32 v28, v20;
	v26, _, _ =	vpop (xrf2)  }
0x192: {  	(xrf2) =	vadd.scan.msk.f32 $0xffff, v24;
	v32 =	vld [tilespmem:s2+$0xFFFFFFE0];
	v0 =	vmul.f32 $1.442695020e+00, v26  }
0x193: {  	v14 =	vmul.f32 v23, v14;
	[tilespmem:s29+$0x40] =	vst v20;
	v20 =	vld [tilespmem:s14+$0xFFFFFFE0]  }
0x194: {  	v33 =	vld [tilespmem:s13+$0x50];
	(erf) = vpow2.f32 v16;
	v0 =	vbroadcast v0, $0xF;
	v23, _, _ =	vpop (xrf2)  }
0x195: {  	v24 =	vpop (erf);
	v35 =	vld [tilespmem:s31+$0x50];
	v23 =	vmul.f32 $1.442695020e+00, v23  }
0x196: {  	(xrf2) =	vadd.scan.msk.f32 $0xffff, v14;
	v36 =	vmul.f32 v24, v25;
	v26 =	vld [tilespmem:s23+$0xFFFFFFE0];
	(erf) = vpow2.f32 v0  }
0x197: {  	v16, _, _ =	vpop (xrf2);
	v25 =	vbroadcast v23, $0xF  }
0x198: {  	s8 =	sadd.s32 $0x2, s8;
	[tilespmem:s21+$0x10] =	vst v36;
	v14 =	vpop (erf);
	v16 =	vmul.f32 $1.442695020e+00, v16;
	v20 =	vmul.f32 v20, v32  }
0x199: {  	p0 =	slt.u32 s8, $0x26;
	v29 =	vmul.f32 v14, v29;
	v23 =	vsel vm1, v18, v14;
	v18 =	vld [tilespmem:s1+$0x20];
	(xrf2) =	vadd.scan.msk.f32 $0xffff, v30;
	(erf) = vpow2.f32 v25  }
0x19a: {  	v25 =	vld [tilespmem:s6+$0x20];
	v14 =	vbroadcast v16, $0xF;
	v0 =	vmul.f32 v35, v33  }
0x19b: {  	[tilespmem:s21+$0xFFFFFF90] =	vst v29;
	v29 =	vld [tilespmem:s23+$0x60]  }
0x19c: {  	v30, _, _ =	vpop (xrf2);
	v32 =	vld [tilespmem:s1+$0xFFFFFFA0];
	(erf) = vpow2.f32 v14;
	(xrf2) =	vadd.scan.msk.f32 $0xffff, v0  }
0x19d: {  	v0 =	vmul.f32 $1.442695020e+00, v30;
	v33 =	vld [tilespmem:s6+$0xFFFFFFA0];
	v16 =	vpop (erf)  }
0x19e: {  	v30 =	vld [tilespmem:s5+$0xFFFFFFA0];
	v27 =	vmul.f32 v16, v27;
	v16 =	vsel vm4, v17, v16  }
0x19f: {  	v17 =	vbroadcast v0, $0xF;
	(xrf2) =	vadd.scan.msk.f32 $0xffff, v20;
	v14 =	vpop (erf)  }
0x1a0: {  	v18 =	vmul.f32 v25, v18;
	v20, _, _ =	vpop (xrf2);
	[tilespmem:s29+$0xFFFFFFC0] =	vst v27;
	v0 =	vmul.f32 v14, v29  }
0x1a1: {  	v20 =	vmul.f32 $1.442695020e+00, v20;
	v27 =	vld [tilespmem:s13+$0xFFFFFFD0]  }
0x1a2: {  	(erf) = vpow2.f32 v17;
	v17 =	vmul.f32 v33, v32;
	(xrf2) =	vadd.scan.msk.f32 $0xffff, v18;
	v18 =	vld [tilespmem:s30+$0x30];
	[tilespmem:s25+$0x60] =	vst v0;
	v25 =	vpop (erf)  }
0x1a3: {  	v20 =	vbroadcast v20, $0xF;
	v29, _, _ =	vpop (xrf2);
	v32 =	vld [tilespmem:s2+$0x70];
	v0 =	vmul.f32 v25, v31;
	v19 =	vsel vm7, v19, v25  }
0x1a4: {  	v25 =	vmul.f32 $1.442695020e+00, v29;
	v29 =	vld [tilespmem:s14+$0x70]  }
0x1a5: {  	(erf) = vpow2.f32 v20;
	(xrf2) =	vadd.scan.msk.f32 $0xffff, v17;
	v31 =	vpop (erf);
	v17 =	vld [tilespmem:s31+$0xFFFFFFD0];
	[tilespmem:s24+$0xFFFFFFF0] =	vst v0;
	s24 =	smov.u32 s25;
	s25 =	smov.u32 s29;
	s29 =	smov.u32 s3  }
0x1a6: {  	s5 =	sadd.s32 $0x100, s5;
	s3 =	smov.u32 s21;
	v20 =	vbroadcast v25, $0xF;
	v25 =	vld [tilespmem:s26+$0xFFFFFFD0];
	v33, _, _ =	vpop (xrf2);
	[tilespmem:s7+$0xFFFFFFF0] =	vst v19  }
0x1a7: {  	v19 =	vld [tilespmem:s5+$0x0];
	v18 =	vmul.f32 v31, v18;
	v33 =	vmul.f32 $1.442695020e+00, v33  }
0x1a8: {  	v35 =	vld [tilespmem:s5+$0xFFFFFF80];
	(erf) = vpow2.f32 v20  }
0x1a9: {  	[tilespmem:s29+$0x30] =	vst v18;
	v18 =	vbroadcast v33, $0xF;
	v20 =	vmul.f32 v29, v32;
	v29, _, _ =	vpop (xrf2)  }
0x1aa: {  	v32 =	vld [tilespmem:s17+$0x40];
	v17 =	vmul.f32 v17, v27;
	v27 =	vmul.f32 $1.442695020e+00, v29  }
0x1ab: {  	v33 =	vpop (erf);
	v29 =	vld [tilespmem:s0+$0x40];
	(erf) = vpow2.f32 v18;
	(xrf2) =	vadd.scan.msk.f32 $0xffff, v20  }
0x1ac: {  	v0 =	vmul.f32 v33, v19;
	v19, _, _ =	vpop (xrf2);
	v36 =	vbroadcast v27, $0xF  }
0x1ad: {  	s21 =	sadd.s32 $0x100, s21;
	v19 =	vmul.f32 $1.442695020e+00, v19  }
0x1ae: {  	[tilespmem:s21+$0x0] =	vst v0;
	v18 =	vpop (erf);
	(xrf2) =	vadd.scan.msk.f32 $0xffff, v17;
	(erf) = vpow2.f32 v36  }
0x1af: {  	v0 =	vmul.f32 v18, v35;
	v18 =	vnsel vm0, $0x0, v18;
	v27 =	vld [tilespmem:s9+$0x10];
	v19 =	vbroadcast v19, $0xF;
	v20, _, _ =	vpop (xrf2)  }
0x1b0: {  	v35 =	vld [tilespmem:s19+$0x10];
	v20 =	vmul.f32 $1.442695020e+00, v20;
	v29 =	vmul.f32 v29, v32  }
0x1b1: {  	[tilespmem:s21+$0xFFFFFF80] =	vst v0;
	(erf) = vpow2.f32 v19;
	v17 =	vpop (erf);
	v19 =	vld [tilespmem:s26+$0x50]  }
0x1b2: {  	v32 =	vld [tilespmem:s9+$0xFFFFFF90];
	v0 =	vbroadcast v20, $0xF;
	v34 =	vmul.f32 v17, v34;
	v17 =	vsel vm3, v15, v17;
	(xrf2) =	vadd.scan.msk.f32 $0xffff, v29  }
0x1b3: {  	v15 =	vld [tilespmem:s19+$0xFFFFFF90]  }
0x1b4: {  	v29 =	vld [tilespmem:s5+$0xFFFFFF90];
	(erf) = vpow2.f32 v0;
	[tilespmem:s29+$0xFFFFFFB0] =	vst v34;
	v20 =	vpop (erf)  }
0x1b5: {  	v27 =	vmul.f32 v35, v27;
	v34 =	vld [tilespmem:s17+$0xFFFFFFC0];
	v35, _, _ =	vpop (xrf2)  }
0x1b6: {  	v36 =	vld [tilespmem:s15+$0x20];
	v19 =	vmul.f32 v20, v19;
	v35 =	vmul.f32 $1.442695020e+00, v35  }
0x1b7: {  	(xrf2) =	vadd.scan.msk.f32 $0xffff, v27;
	v37 =	vld [tilespmem:s0+$0xFFFFFFC0];
	v38 =	vpop (erf)  }
0x1b8: {  	v15 =	vmul.f32 v15, v32;
	v27 =	vld [tilespmem:s30+$0xFFFFFFC0];
	[tilespmem:s25+$0x50] =	vst v19;
	v32, _, _ =	vpop (xrf2);
	v19 =	vsel vm6, v22, v38;
	v35 =	vbroadcast v35, $0xF  }
0x1b9: {  	v26 =	vmul.f32 v38, v26;
	v32 =	vmul.f32 $1.442695020e+00, v32;
	v39 =	vld [tilespmem:s13+$0x60]  }
0x1ba: {  	(xrf2) =	vadd.scan.msk.f32 $0xffff, v15;
	v22 =	vpop (erf);
	v38 =	vld [tilespmem:s31+$0x60];
	(erf) = vpow2.f32 v35  }
0x1bb: {  	v0 =	vmul.f32 v22, v36;
	v32 =	vbroadcast v32, $0xF;
	[tilespmem:s24+$0xFFFFFFE0] =	vst v26  }
0x1bc: {  	v26 =	vmul.f32 v37, v34;
	v34, _, _ =	vpop (xrf2);
	v40 =	vld [tilespmem:s2+$0xFFFFFFF0];
	s2 =	smov.u32 s13;
	s13 =	smov.u32 s17;
	s17 =	smov.u32 s1  }
0x1bd: {  	[tilespmem:s3+$0x20] =	vst v0;
	v15 =	vpop (erf);
	v34 =	vmul.f32 $1.442695020e+00, v34;
	(erf) = vpow2.f32 v32;
	v41 =	vld [tilespmem:s14+$0xFFFFFFF0];
	s14 =	smov.u32 s31;
	s31 =	smov.u32 s0;
	s0 =	smov.u32 s6  }
0x1be: {  	s1 =	smov.u32 s9;
	s6 =	smov.u32 s19;
	v30 =	vmul.f32 v15, v30;
	v15 =	vsel vm2, v23, v15;
	v35 =	vld [tilespmem:s17+$0x30];
	(xrf2) =	vadd.scan.msk.f32 $0xffff, v26  }
.Ltmp2:
0x1bf: {  	v26 =	vbroadcast v34, $0xF;
	v32 =	vmul.f32 v38, v39;
	v34 =	vnsel vm0, $0x0, v1;
	v23 =	vld [tilespmem:s23+$0x70];
	v1 =	vmovc v3;
	v3 =	vmovc v6;
	(pc) =	sbr.rel @p0 .LBB2_6-.Ltmp2, $4  }
0x1c0: {  	v6 =	vmovc v12;
	[tilespmem:s3+$0xFFFFFFA0] =	vst v30;
	v36 =	vld [tilespmem:s0+$0x30];
	v34 =	vsel vm1, v34, v2;
	v2 =	vmovc v5;
	v5 =	vmov v10;
	v10 =	vmov v24  }
0x1c1: {  	v12 =	vmov v33;
	v24, _, _ =	vpop (xrf2);
	v30 =	vld [tilespmem:s17+$0xFFFFFFB0];
	(erf) = vpow2.f32 v26;
	(xrf2) =	vadd.scan.msk.f32 $0xffff, v32;
	v39 =	vsel vm2, v34, v4  }
0x1c2: {  	v37 =	vmul.f32 $1.442695020e+00, v24;
	v32 =	vld [tilespmem:s0+$0xFFFFFFB0];
	v38 =	vmul.f32 v41, v40;
	v0 =	vsel vm3, v39, v7;
	v7 =	vmovc v13;
	v13 =	vmovc v31  }
0x1c3: {  	s9 =	sadd.s32 $0x100, s9;
	v4 =	vmov v21;
	v34 =	vld [tilespmem:s15+$0xFFFFFFB0];
	v26 =	vsel vm4, v0, v11;
	v24 =	vpop (erf);
	v11 =	vmov v28  }
0x1c4: {  	_ = 	snop  }
0x1c5: {  	v21 =	vmul.f32 v36, v35  }
0x1c6: {  	(xrf2) =	vadd.scan.msk.f32 $0xffff, v38  }
0x1c7: {  	(xrf2) =	vadd.scan.msk.f32 $0xffff, v21;
	v21 =	vbroadcast v37, $0xF;
	_ =	sdelay $0x1  }
0x1c8: {  	v28, _, _ =	vpop (xrf2)  }
0x1c9: {  	v31 =	vmul.f32 $1.442695020e+00, v28;
	v28 =	vpop (erf)  }
0x1ca: {  	(erf) = vpow2.f32 v21;
	v21, _, _ =	vpop (xrf2)  }
0x1cb: {  	v31 =	vbroadcast v31, $0xF;
	v49 =	vmul.f32 v28, v25;
	v33, _, _ =	vpop (xrf2)  }
0x1cc: {  	v21 =	vmul.f32 $1.442695020e+00, v21;
	v25 =	vmul.f32 $1.442695020e+00, v33;
	_ =	sdelay $0x1  }
0x1cd: {  	(erf) = vpow2.f32 v31;
	v21 =	vbroadcast v21, $0xF  }
0x1ce: {  	v48 =	vld [tilespmem:s30+$0x40];
	v31, _, _ =	vpop (xrf2);
	v33 =	vbroadcast v25, $0xF  }
0x1cf: {  	v50 =	vld [tilespmem:s5+$0x10];
	v31 =	vmul.f32 $1.442695020e+00, v31;
	(erf) = vpow2.f32 v21;
	v25, _, _ =	vpop (xrf2)  }
0x1d0: {  	v21 =	vmul.f32 $1.442695020e+00, v25  }
0x1d1: {  	v31 =	vbroadcast v31, $0xF  }
0x1d2: {  	v25 =	vpop (erf);
	(erf) = vpow2.f32 v33;
	v52 =	vbroadcast v21, $0xF  }
0x1d3: {  	v55 =	vld [tilespmem:s26+$0x60];
	v51 =	vmul.f32 v25, v48;
	(erf) = vpow2.f32 v31;
	v0 =	vpop (erf)  }
0x1d4: {  	v40 =	vld [tilespmem:s15+$0x30];
	[tilespmem:s25+$0xFFFFFFD0] =	vst v49;
	v31 =	vmul.f32 v0, v50;
	(erf) = vpow2.f32 v52  }
0x1d5: {  	v36 =	vld [tilespmem:s2+$0xFFFFFFE0]  }
0x1d6: {  	v32 =	vmul.f32 v32, v30;
	v53 =	vld [tilespmem:s14+$0xFFFFFFE0];
	v30 =	vpop (erf);
	[tilespmem:s29+$0x40] =	vst v51  }
0x1d7: {  	v29 =	vmul.f32 v30, v29;
	v54 =	vld [tilespmem:s13+$0x50]  }
0x1d8: {  	(xrf2) =	vadd.scan.msk.f32 $0xffff, v32;
	v56 =	vld [tilespmem:s31+$0x50];
	[tilespmem:s21+$0x10] =	vst v31;
	v31 =	vpop (erf)  }
0x1d9: {  	v39 =	vld [tilespmem:s1+$0x20];
	v27 =	vmul.f32 v31, v27  }
0x1da: {  	v41 =	vld [tilespmem:s6+$0x20];
	[tilespmem:s21+$0xFFFFFF90] =	vst v29  }
0x1db: {  	v42 =	vld [tilespmem:s1+$0xFFFFFFA0];
	v29 =	vpop (erf)  }
0x1dc: {  	v43 =	vld [tilespmem:s6+$0xFFFFFFA0];
	v37 =	vmul.f32 v29, v55;
	[tilespmem:s29+$0xFFFFFFC0] =	vst v27;
	v32 =	vpop (erf)  }
0x1dd: {  	v35 =	vmul.f32 v56, v54;
	v57 =	vld [tilespmem:s13+$0xFFFFFFD0];
	v27 =	vpop (erf)  }
0x1de: {  	v33 =	vmul.f32 v53, v36;
	v60 =	vld [tilespmem:s31+$0xFFFFFFD0];
	[tilespmem:s25+$0x60] =	vst v37;
	v40 =	vmul.f32 v27, v40  }
0x1df: {  	v59 =	vmul.f32 v41, v39;
	(xrf2) =	vadd.scan.msk.f32 $0xffff, v35;
	v37 =	vld [tilespmem:s2+$0x70]  }
0x1e0: {  	(xrf2) =	vadd.scan.msk.f32 $0xffff, v33;
	v58 =	vld [tilespmem:s14+$0x70];
	[tilespmem:s3+$0x30] =	vst v40  }
0x1e1: {  	(xrf2) =	vadd.scan.msk.f32 $0xffff, v59;
	v61 =	vld [tilespmem:s17+$0x40]  }
0x1e2: {  	v62, _, _ =	vpop (xrf2);
	v63 =	vmul.f32 v43, v42;
	v40 =	vld [tilespmem:s0+$0x40]  }
0x1e3: {  	v36 =	vmul.f32 $1.442695020e+00, v62  }
0x1e4: {  	(xrf2) =	vadd.scan.msk.f32 $0xffff, v63  }
0x1e5: {  	v36 =	vbroadcast v36, $0xF;
	v35 =	vmul.f32 v58, v37  }
0x1e6: {  	v42 =	vmul.f32 v60, v57  }
0x1e7: {  	(erf) = vpow2.f32 v36;
	(xrf2) =	vadd.scan.msk.f32 $0xffff, v35;
	v33 =	vmul.f32 v40, v61  }
0x1e8: {  	(xrf2) =	vadd.scan.msk.f32 $0xffff, v42  }
0x1e9: {  	v43, _, _ =	vpop (xrf2);
	(xrf2) =	vadd.scan.msk.f32 $0xffff, v33  }
0x1ea: {  	v44 =	vmul.f32 $1.442695020e+00, v43;
	v45, _, _ =	vpop (xrf2)  }
0x1eb: {  	v35 =	vmul.f32 $1.442695020e+00, v45;
	v46, _, _ =	vpop (xrf2)  }
0x1ec: {  	v33 =	vbroadcast v44, $0xF;
	v36 =	vmul.f32 $1.442695020e+00, v46;
	_ =	sdelay $0x1  }
0x1ed: {  	v49, _, _ =	vpop (xrf2);
	v47 =	vbroadcast v35, $0xF;
	(erf) = vpow2.f32 v33  }
0x1ee: {  	v50 =	vmul.f32 $1.442695020e+00, v49  }
0x1ef: {  	v48 =	vbroadcast v36, $0xF;
	(erf) = vpow2.f32 v47;
	v36 =	vpop (erf)  }
0x1f0: {  	v33 =	vbroadcast v50, $0xF;
	v51, _, _ =	vpop (xrf2)  }
0x1f1: {  	(erf) = vpow2.f32 v48;
	v35 =	vmul.f32 $1.442695020e+00, v51;
	v37, _, _ =	vpop (xrf2)  }
0x1f2: {  	v52 =	vld [tilespmem:s30+$0x50];
	v53 =	vmul.f32 v36, v34;
	v54 =	vmul.f32 $1.442695020e+00, v37;
	v55, _, _ =	vpop (xrf2)  }
0x1f3: {  	v35 =	vbroadcast v35, $0xF;
	v37 =	vmul.f32 $1.442695020e+00, v55  }
0x1f4: {  	v57 =	vld [tilespmem:s26+$0xFFFFFFE0];
	(erf) = vpow2.f32 v33;
	v56 =	vbroadcast v54, $0xF  }
0x1f5: {  	v59 =	vld [tilespmem:s5+$0xFFFFFFA0];
	(erf) = vpow2.f32 v35;
	v58 =	vbroadcast v37, $0xF  }
0x1f6: {  	v60 =	vld [tilespmem:s5+$0x20];
	v34 =	vpop (erf);
	(erf) = vpow2.f32 v56  }
0x1f7: {  	v45 =	vld [tilespmem:s15+$0x40];
	[tilespmem:s3+$0xFFFFFFB0] =	vst v53;
	v61 =	vmul.f32 v34, v52;
	(erf) = vpow2.f32 v58  }
0x1f8: {  	v62 =	vld [tilespmem:s17+$0xFFFFFFC0];
	v37 =	vpop (erf)  }
0x1f9: {  	v63 =	vld [tilespmem:s0+$0xFFFFFFC0];
	[tilespmem:s29+$0x50] =	vst v61;
	v53 =	vmul.f32 v37, v57  }
0x1fa: {  	v52 =	vld [tilespmem:s13+$0x60];
	v33 =	vpop (erf)  }
0x1fb: {  	v44 =	vld [tilespmem:s31+$0x60];
	v39 =	vmul.f32 v33, v60;
	[tilespmem:s25+$0xFFFFFFE0] =	vst v53  }
0x1fc: {  	v46 =	vld [tilespmem:s2+$0xFFFFFFF0]  }
0x1fd: {  	v40 =	vpop (erf);
	[tilespmem:s21+$0x20] =	vst v39;
	v47 =	vld [tilespmem:s14+$0xFFFFFFF0]  }
0x1fe: {  	v38 =	vpop (erf);
	v48 =	vld [tilespmem:s1+$0x30]  }
0x1ff: {  	v42 =	vmul.f32 v63, v62;
	v41 =	vmul.f32 v40, v59;
	v49 =	vld [tilespmem:s6+$0x30];
	v39 =	vpop (erf)  }
0x200: {  	v35 =	vpop (erf)  }
0x201: {  	(xrf2) =	vadd.scan.msk.f32 $0xffff, v42;
	[tilespmem:s21+$0xFFFFFFA0] =	vst v41;
	v54 =	vmul.f32 v35, v45  }
0x202: {  	v43 =	vmul.f32 v44, v52;
	v55 =	vld [tilespmem:s1+$0xFFFFFFB0]  }
0x203: {  	v56 =	vld [tilespmem:s6+$0xFFFFFFB0];
	v57 =	vmul.f32 v47, v46;
	[tilespmem:s3+$0x40] =	vst v54  }
0x204: {  	(xrf2) =	vadd.scan.msk.f32 $0xffff, v43;
	v59 =	vmul.f32 v49, v48;
	v58 =	vld [tilespmem:s17+$0x50]  }
0x205: {  	(xrf2) =	vadd.scan.msk.f32 $0xffff, v57;
	v60 =	vld [tilespmem:s0+$0x50]  }
0x206: {  	(xrf2) =	vadd.scan.msk.f32 $0xffff, v59;
	_ =	sdelay $0x1  }
0x207: {  	v61 =	vmul.f32 v56, v55;
	_ =	sdelay $0x1  }
0x208: {  	(xrf2) =	vadd.scan.msk.f32 $0xffff, v61;
	v62 =	vmul.f32 v60, v58  }
0x209: {  	v63, _, _ =	vpop (xrf2)  }
0x20a: {  	v44 =	vmul.f32 $1.442695020e+00, v63;
	(xrf2) =	vadd.scan.msk.f32 $0xffff, v62;
	_ =	sdelay $0x1  }
0x20b: {  	v41 =	vbroadcast v44, $0xF;
	v45, _, _ =	vpop (xrf2)  }
0x20c: {  	v42 =	vmul.f32 $1.442695020e+00, v45;
	v46, _, _ =	vpop (xrf2)  }
0x20d: {  	(erf) = vpow2.f32 v41;
	v47 =	vmul.f32 $1.442695020e+00, v46;
	v48, _, _ =	vpop (xrf2)  }
0x20e: {  	v51 =	vld [tilespmem:s30+$0xFFFFFFD0];
	v42 =	vbroadcast v42, $0xF;
	v43 =	vmul.f32 $1.442695020e+00, v48  }
0x20f: {  	v41 =	vbroadcast v47, $0xF  }
0x210: {  	(erf) = vpow2.f32 v42;
	v49 =	vbroadcast v43, $0xF  }
0x211: {  	v50, _, _ =	vpop (xrf2);
	(erf) = vpow2.f32 v41  }
0x212: {  	v52 =	vmul.f32 $1.442695020e+00, v50;
	(erf) = vpow2.f32 v49  }
0x213: {  	v57 =	vmul.f32 v39, v51;
	v54 =	vld [tilespmem:s15+$0xFFFFFFC0];
	v53, _, _ =	vpop (xrf2)  }
0x214: {  	v41 =	vbroadcast v52, $0xF;
	v42 =	vmul.f32 $1.442695020e+00, v53  }
0x215: {  	v55 =	vld [tilespmem:s30+$0x60]  }
0x216: {  	[tilespmem:s29+$0xFFFFFFD0] =	vst v57;
	v61 =	vld [tilespmem:s5+$0x30];
	(erf) = vpow2.f32 v41;
	v56 =	vbroadcast v42, $0xF  }
0x217: {  	v63 =	vld [tilespmem:s31+$0xFFFFFFE0];
	v45 =	vpop (erf)  }
0x218: {  	v58 =	vld [tilespmem:s5+$0xFFFFFFB0];
	v60 =	vmul.f32 v45, v54;
	(erf) = vpow2.f32 v56  }
0x219: {  	v62 =	vld [tilespmem:s13+$0xFFFFFFE0];
	v43 =	vpop (erf)  }
0x21a: {  	v50 =	vld [tilespmem:s15+$0x50];
	[tilespmem:s3+$0xFFFFFFC0] =	vst v60;
	v59 =	vmul.f32 v43, v55;
	v46 =	vpop (erf)  }
0x21b: {  	v49 =	vld [tilespmem:s17+$0xFFFFFFD0];
	v41 =	vpop (erf)  }
0x21c: {  	v54 =	vld [tilespmem:s0+$0xFFFFFFD0];
	[tilespmem:s29+$0x60] =	vst v59;
	v52 =	vmul.f32 v41, v61  }
0x21d: {  	v51 =	vld [tilespmem:s13+$0x70]  }
0x21e: {  	v53 =	vld [tilespmem:s31+$0x70];
	[tilespmem:s21+$0x30] =	vst v52  }
0x21f: {  	v42 =	vpop (erf);
	v55 =	vld [tilespmem:s1+$0x40]  }
0x220: {  	v60 =	vmul.f32 v42, v58;
	v56 =	vld [tilespmem:s6+$0x40]  }
0x221: {  	v44 =	vpop (erf)  }
0x222: {  	v47 =	vmul.f32 v63, v62;
	[tilespmem:s21+$0xFFFFFFB0] =	vst v60;
	v50 =	vmul.f32 v44, v50  }
0x223: {  	v62 =	vmul.f32 v53, v51;
	v52 =	vld [tilespmem:s1+$0xFFFFFFC0]  }
0x224: {  	(xrf2) =	vadd.scan.msk.f32 $0xffff, v47;
	v53 =	vmul.f32 v54, v49;
	v61 =	vld [tilespmem:s6+$0xFFFFFFC0];
	[tilespmem:s3+$0x50] =	vst v50  }
0x225: {  	(xrf2) =	vadd.scan.msk.f32 $0xffff, v62;
	v57 =	vmul.f32 v56, v55;
	v63 =	vld [tilespmem:s17+$0x60]  }
0x226: {  	(xrf2) =	vadd.scan.msk.f32 $0xffff, v53;
	v54 =	vld [tilespmem:s0+$0x60]  }
0x227: {  	(xrf2) =	vadd.scan.msk.f32 $0xffff, v57;
	_ =	sdelay $0x2  }
0x228: {  	v58 =	vmul.f32 v61, v52  }
0x229: {  	v59 =	vmul.f32 v54, v63  }
0x22a: {  	(xrf2) =	vadd.scan.msk.f32 $0xffff, v58  }
0x22b: {  	(xrf2) =	vadd.scan.msk.f32 $0xffff, v59  }
0x22c: {  	v60, _, _ =	vpop (xrf2)  }
0x22d: {  	v47 =	vmul.f32 $1.442695020e+00, v60;
	v61, _, _ =	vpop (xrf2)  }
0x22e: {  	v48 =	vmul.f32 $1.442695020e+00, v61;
	v62, _, _ =	vpop (xrf2)  }
0x22f: {  	v47 =	vbroadcast v47, $0xF;
	v49 =	vmul.f32 $1.442695020e+00, v62;
	v50, _, _ =	vpop (xrf2)  }
0x230: {  	v48 =	vbroadcast v48, $0xF;
	v50 =	vmul.f32 $1.442695020e+00, v50  }
0x231: {  	(erf) = vpow2.f32 v47;
	v63 =	vbroadcast v49, $0xF  }
0x232: {  	(erf) = vpow2.f32 v48;
	v52 =	vbroadcast v50, $0xF  }
0x233: {  	(erf) = vpow2.f32 v63  }
0x234: {  	v53, _, _ =	vpop (xrf2);
	(erf) = vpow2.f32 v52  }
0x235: {  	v54 =	vmul.f32 $1.442695020e+00, v53;
	v55, _, _ =	vpop (xrf2)  }
0x236: {  	v56 =	vmul.f32 $1.442695020e+00, v55  }
0x237: {  	v47 =	vbroadcast v54, $0xF  }
0x238: {  	v57 =	vld [tilespmem:s30+$0xFFFFFFE0];
	v48 =	vbroadcast v56, $0xF  }
0x239: {  	v59 =	vld [tilespmem:s5+$0x40];
	(erf) = vpow2.f32 v47  }
0x23a: {  	v58 =	vld [tilespmem:s15+$0xFFFFFFD0];
	v52 =	vpop (erf);
	(erf) = vpow2.f32 v48  }
0x23b: {  	v50 =	vpop (erf)  }
0x23c: {  	v49 =	vpop (erf)  }
0x23d: {  	v62 =	vmul.f32 v52, v57;
	v47 =	vpop (erf)  }
0x23e: {  	v63 =	vld [tilespmem:s5+$0xFFFFFFC0];
	v48 =	vmul.f32 v47, v59  }
0x23f: {  	v61 =	vld [tilespmem:s15+$0x60];
	[tilespmem:s29+$0xFFFFFFE0] =	vst v62;
	v60 =	vmul.f32 v49, v58  }
0x240: {  	v55 =	vld [tilespmem:s13+$0xFFFFFFF0]  }
0x241: {  	v56 =	vld [tilespmem:s31+$0xFFFFFFF0];
	[tilespmem:s3+$0xFFFFFFD0] =	vst v60  }
0x242: {  	v57 =	vld [tilespmem:s17+$0xFFFFFFE0];
	[tilespmem:s21+$0x40] =	vst v48;
	v48 =	vpop (erf)  }
0x243: {  	v58 =	vld [tilespmem:s1+$0x50];
	v53 =	vmul.f32 v48, v63;
	v51 =	vpop (erf)  }
0x244: {  	v59 =	vld [tilespmem:s6+$0x50];
	v54 =	vmul.f32 v51, v61  }
0x245: {  	v60 =	vld [tilespmem:s0+$0xFFFFFFE0];
	[tilespmem:s21+$0xFFFFFFC0] =	vst v53  }
0x246: {  	v53 =	vld [tilespmem:s1+$0xFFFFFFD0];
	[tilespmem:s3+$0x60] =	vst v54  }
0x247: {  	v54 =	vld [tilespmem:s17+$0x70]  }
0x248: {  	v55 =	vmul.f32 v56, v55;
	v62 =	vld [tilespmem:s0+$0x70]  }
0x249: {  	v58 =	vmul.f32 v59, v58;
	v63 =	vld [tilespmem:s6+$0xFFFFFFD0]  }
0x24a: {  	(xrf2) =	vadd.scan.msk.f32 $0xffff, v55  }
0x24b: {  	(xrf2) =	vadd.scan.msk.f32 $0xffff, v58  }
0x24c: {  	v58 =	vmul.f32 v60, v57  }
0x24d: {  	v54 =	vmul.f32 v62, v54  }
0x24e: {  	(xrf2) =	vadd.scan.msk.f32 $0xffff, v58;
	v53 =	vmul.f32 v63, v53  }
0x24f: {  	(xrf2) =	vadd.scan.msk.f32 $0xffff, v54  }
0x250: {  	(xrf2) =	vadd.scan.msk.f32 $0xffff, v53;
	_ =	sdelay $0x3  }
0x251: {  	v60, _, _ =	vpop (xrf2)  }
0x252: {  	v53 =	vmul.f32 $1.442695020e+00, v60;
	v61, _, _ =	vpop (xrf2)  }
0x253: {  	v54 =	vmul.f32 $1.442695020e+00, v61  }
0x254: {  	v53 =	vbroadcast v53, $0xF  }
0x255: {  	v55, _, _ =	vpop (xrf2);
	v54 =	vbroadcast v54, $0xF  }
0x256: {  	(erf) = vpow2.f32 v53;
	v62 =	vmul.f32 $1.442695020e+00, v55;
	v63, _, _ =	vpop (xrf2)  }
0x257: {  	(erf) = vpow2.f32 v54;
	v57 =	vmul.f32 $1.442695020e+00, v63;
	v58, _, _ =	vpop (xrf2)  }
0x258: {  	v53 =	vbroadcast v62, $0xF;
	v55 =	vmul.f32 $1.442695020e+00, v58  }
0x259: {  	v54 =	vbroadcast v57, $0xF  }
0x25a: {  	(erf) = vpow2.f32 v53;
	v59 =	vbroadcast v55, $0xF  }
0x25b: {  	(erf) = vpow2.f32 v54  }
0x25c: {  	v60 =	vld [tilespmem:s5+$0x50];
	(erf) = vpow2.f32 v59;
	_ =	sdelay $0x2  }
0x25d: {  	v61 =	vld [tilespmem:s15+$0xFFFFFFE0];
	v57 =	vpop (erf)  }
0x25e: {  	v53 =	vpop (erf)  }
0x25f: {  	v58 =	vld [tilespmem:s5+$0xFFFFFFD0];
	v54 =	vmul.f32 v53, v60;
	_ =	sdelay $0x1  }
0x260: {  	v55 =	vpop (erf)  }
0x261: {  	[tilespmem:s21+$0x50] =	vst v54;
	v56 =	vmul.f32 v55, v61;
	v59 =	vpop (erf)  }
0x262: {  	v60 =	vld [tilespmem:s1+$0x60];
	v54 =	vpop (erf)  }
0x263: {  	v61 =	vld [tilespmem:s6+$0x60];
	[tilespmem:s3+$0xFFFFFFE0] =	vst v56;
	v56 =	vmul.f32 v54, v58  }
0x264: {  	v62 =	vld [tilespmem:s0+$0xFFFFFFF0]  }
0x265: {  	v58 =	vld [tilespmem:s17+$0xFFFFFFF0];
	[tilespmem:s21+$0xFFFFFFD0] =	vst v56  }
0x266: {  	v56 =	vld [tilespmem:s1+$0xFFFFFFE0]  }
0x267: {  	v63 =	vld [tilespmem:s6+$0xFFFFFFE0];
	_ =	sdelay $0x2  }
0x268: {  	v60 =	vmul.f32 v61, v60  }
0x269: {  	v58 =	vmul.f32 v62, v58  }
0x26a: {  	(xrf2) =	vadd.scan.msk.f32 $0xffff, v60;
	v56 =	vmul.f32 v63, v56  }
0x26b: {  	(xrf2) =	vadd.scan.msk.f32 $0xffff, v58  }
0x26c: {  	(xrf2) =	vadd.scan.msk.f32 $0xffff, v56;
	_ =	sdelay $0x7  }
0x26d: {  	v62, _, _ =	vpop (xrf2)  }
0x26e: {  	v56 =	vmul.f32 $1.442695020e+00, v62;
	v58, _, _ =	vpop (xrf2)  }
0x26f: {  	v58 =	vmul.f32 $1.442695020e+00, v58;
	v60, _, _ =	vpop (xrf2)  }
0x270: {  	v56 =	vbroadcast v56, $0xF;
	v60 =	vmul.f32 $1.442695020e+00, v60  }
0x271: {  	v58 =	vbroadcast v58, $0xF  }
0x272: {  	(erf) = vpow2.f32 v56;
	v63 =	vbroadcast v60, $0xF  }
0x273: {  	(erf) = vpow2.f32 v58  }
0x274: {  	(erf) = vpow2.f32 v63;
	_ =	sdelay $0x2  }
0x275: {  	v56 =	vld [tilespmem:s5+$0x60];
	_ =	sdelay $0x1  }
0x276: {  	v58 =	vld [tilespmem:s5+$0xFFFFFFE0];
	_ =	sdelay $0x1  }
0x277: {  	v60 =	vpop (erf)  }
0x278: {  	v56 =	vmul.f32 v60, v56;
	v61 =	vpop (erf)  }
0x279: {  	v62 =	vpop (erf)  }
0x27a: {  	[tilespmem:s21+$0x60] =	vst v56;
	v56 =	vmul.f32 v62, v58  }
0x27b: {  	v63 =	vld [tilespmem:s6+$0x70]  }
0x27c: {  	v58 =	vld [tilespmem:s1+$0x70];
	[tilespmem:s21+$0xFFFFFFE0] =	vst v56  }
0x27d: {  	v56 =	vld [tilespmem:s1+$0xFFFFFFF0]  }
0x27e: {  	v21 =	vld [tilespmem:s6+$0xFFFFFFF0];
	_ =	sdelay $0x2  }
0x27f: {  	v58 =	vmul.f32 v63, v58;
	_ =	sdelay $0x1  }
0x280: {  	(xrf2) =	vadd.scan.msk.f32 $0xffff, v58;
	v21 =	vmul.f32 v21, v56;
	_ =	sdelay $0x1  }
0x281: {  	(xrf2) =	vadd.scan.msk.f32 $0xffff, v21  }
0x282: {  	v1 =	vnsel vm0, $0x0, v1  }
0x283: {  	v9 =	vsel vm5, v26, v9;
	v1 =	vsel vm1, v1, v2  }
0x284: {  	v9 =	vsel vm6, v9, v14;
	v1 =	vsel vm2, v1, v4;
	v14 =	vld [tilespmem:s26+$0x70]  }
0x285: {  	v23 =	vmul.f32 v24, v23;
	v1 =	vsel vm3, v1, v7;
	v21 =	vld [tilespmem:s23+$0xFFFFFFF0]  }
0x286: {  	v3 =	vnsel vm0, $0x0, v3;
	v16 =	vsel vm5, v16, v28;
	v1 =	vsel vm4, v1, v11;
	v11 =	vld [tilespmem:s26+$0xFFFFFFF0]  }
0x287: {  	s12 =	sadd.s32 $0x20, s7;
	v3 =	vsel vm1, v3, v5;
	v9 =	vsel vm7, v9, v24;
	[tilespmem:s24+$0x70] =	vst v23;
	v17 =	vsel vm4, v17, v31  }
0x288: {  	v3 =	vsel vm2, v3, v8;
	[tilespmem:s12+$0x0] =	vst v9;
	v9 =	vsel vm5, v17, v39;
	v17 =	vld [tilespmem:s30+$0x70]  }
0x289: {  	v3 =	vsel vm3, v3, v13;
	v7 =	vsel vm3, v15, v36;
	v15 =	vsel vm6, v16, v37;
	v16, _, _ =	vpop (xrf2)  }
0x28a: {  	v1 =	vsel vm5, v1, v20;
	v4 =	vmul.f32 v32, v21;
	v16 =	vmul.f32 $1.442695020e+00, v16  }
0x28b: {  	v3 =	vsel vm4, v3, v25;
	v14 =	vmul.f32 v38, v14;
	v8 =	vmul.f32 v46, v11;
	v5, _, _ =	vpop (xrf2)  }
0x28c: {  	v1 =	vsel vm6, v1, v29;
	v11 =	vld [tilespmem:s30+$0xFFFFFFF0];
	[tilespmem:s24+$0xFFFFFFF0] =	vst v4;
	v4 =	vbroadcast v16, $0xF;
	v5 =	vmul.f32 $1.442695020e+00, v5  }
0x28d: {  	v3 =	vsel vm5, v3, v34;
	v1 =	vsel vm7, v1, v38;
	[tilespmem:s25+$0xFFFFFFF0] =	vst v8;
	v8 =	vmul.f32 v50, v17  }
0x28e: {  	[tilespmem:s25+$0x70] =	vst v14;
	(erf) = vpow2.f32 v4;
	v4 =	vbroadcast v5, $0xF;
	v5 =	vnsel vm0, $0x0, v6  }
0x28f: {  	v7 =	vsel vm4, v7, v45;
	v3 =	vsel vm6, v3, v43;
	[tilespmem:s29+$0x70] =	vst v8;
	s0 =	sadd.s32 $0x20, s12;
	v6 =	vld [tilespmem:s15+$0x70];
	v5 =	vsel vm1, v5, v10  }
0x290: {  	[tilespmem:s0+$0x0] =	vst v1;
	v1 =	vsel vm7, v15, v46;
	(erf) = vpow2.f32 v4;
	v4 =	vsel vm2, v5, v22  }
0x291: {  	v3 =	vsel vm7, v3, v50;
	v8 =	vmul.f32 v57, v11;
	[tilespmem:s0+$0xFFFFFFF0] =	vst v1;
	s0 =	sadd.s32 $0x20, s0;
	v4 =	vsel vm3, v4, v27  }
0x292: {  	v1 =	vsel vm6, v9, v52;
	[tilespmem:s0+$0x0] =	vst v3;
	v5 =	vld [tilespmem:s15+$0xFFFFFFF0];
	v3 =	vsel vm4, v4, v35;
	v4 =	vnsel vm0, $0x0, v12  }
0x293: {  	[tilespmem:s29+$0xFFFFFFF0] =	vst v8;
	v1 =	vsel vm7, v1, v57;
	v3 =	vsel vm5, v3, v44;
	v4 =	vsel vm1, v4, v0  }
0x294: {  	[tilespmem:s0+$0xFFFFFFF0] =	vst v1;
	v9 =	vld [tilespmem:s5+$0x70];
	v6 =	vmul.f32 v59, v6;
	v1 =	vsel vm6, v3, v51;
	v3 =	vsel vm2, v4, v33  }
0x295: {  	v7 =	vsel vm5, v7, v49;
	v3 =	vsel vm3, v3, v41  }
0x296: {  	v2 =	vsel vm1, v18, v30;
	v18 =	vsel vm7, v19, v32;
	v4 =	vld [tilespmem:s5+$0xFFFFFFF0];
	[tilespmem:s3+$0x70] =	vst v6;
	v6 =	vsel vm6, v7, v55  }
0x297: {  	s0 =	sadd.s32 $0x20, s0;
	[tilespmem:s12+$0xFFFFFFF0] =	vst v18;
	v1 =	vsel vm7, v1, v59;
	v5 =	vmul.f32 v61, v5;
	v6 =	vsel vm7, v6, v61  }
0x298: {  	v2 =	vsel vm2, v2, v40;
	[tilespmem:s0+$0x0] =	vst v1;
	v1 =	vsel vm4, v3, v47;
	v3 =	vpop (erf)  }
0x299: {  	v2 =	vsel vm3, v2, v42;
	[tilespmem:s3+$0xFFFFFFF0] =	vst v5;
	v1 =	vsel vm5, v1, v53;
	v5 =	vmul.f32 v3, v9  }
0x29a: {  	v2 =	vsel vm4, v2, v48;
	[tilespmem:s0+$0xFFFFFFF0] =	vst v6;
	v1 =	vsel vm6, v1, v60;
	v6 =	vpop (erf)  }
0x29b: {  	v2 =	vsel vm5, v2, v54;
	s0 =	sadd.s32 $0x20, s0;
	v1 =	vsel vm7, v1, v3;
	v3 =	vmul.f32 v6, v4;
	[tilespmem:s21+$0x70] =	vst v5  }
0x29c: {  	v2 =	vsel vm6, v2, v62;
	[tilespmem:s0+$0x0] =	vst v1  }
0x29d: {  	v1 =	vsel vm7, v2, v6;
	[tilespmem:s21+$0xFFFFFFF0] =	vst v3  }
0x29e: {  	[tilespmem:s0+$0xFFFFFFF0] =	vst v1  }
0x29f: {  	v1 =	vld [tilespmem:$0x28]  }
0x2a0: {  	v2 =	vld [tilespmem:$0x38]  }
0x2a1: {  	v3 =	vld [tilespmem:$0x40];
	_ =	sdelay $0x2  }
0x2a2: {  	[tilespmem:$0xA0] =	vst v1  }
0x2a3: {  	[tilespmem:$0xB0] =	vst v2  }
0x2a4: {  	s14 =	simm.s32 $0x28;
	s13 =	rddreg [dreg:$0x2];
	s15 =	simm.s32 $0xA0;
	[tilespmem:$0xB8] =	vst v3  }
0x2a5: {  	[spmem:s13] =	stream.indirect.scatter.add.f32 [tilespmem:s4], [sflag:$0x3], $0x80, s15, s14, $0xb8;
	[tilespmem:$0x1F9F0] =	vst v63  }
0x2a6: {  	s17 =	rddreg [dreg:$0x3]  }
0x2a7: {  	[spmem:s17] =	stream.indirect.scatter.add.f32 [tilespmem:s10], [sflag:$0x3], $0x10, s15, s14, $0xb8;
	[tilespmem:$0x1F9F0] =	vst v63  }
0x2a8: {  	_ = 	snop  }
0x2a9: {  	[tilespmem:s20], [sflag:$0x5] =	stream.indirect.gather [hbm4b:s16+s14], $0x80, s11, s14, $0xb8;
	[tilespmem:$0x1F9F0] =	vst v63  }
0x2aa: {  	s19 =	simm.s32 $0x0;
	s23 =	simm.s32 $0x4E200;
	s21 =	rddreg [dreg:$0x9]  }
0x2ab: {  	[tilespmem:s19], [sflag:$0x6] =	stream.strided.gather [hbm4b:s21+s14], $0x50, s23, s14, $0x38;
	[tilespmem:$0x1F9F0] =	vst v63  }
0x2ac: {  	_ =	swait.ge [sflag:s22], $0x50  }
0x2ad: {  	[sflag:s22] =	ssyncset.done $0x0  }
0x2ae: {  	[sflag:s22] =	ssyncadd.s32 $0xFFFFFFB0  }
0x2af: {  	s25 =	simm.s32 $0xF0;
	s24 =	rddreg [dreg:$0x0]  }
0x2b0: {  	[tilespmem:s25], [sflag:$0x1] =	stream.indirect.gather [hbm4b:s24+s14], $0x80, s14, s14, $0xb8;
	[tilespmem:$0x1F9F0] =	vst v63  }
0x2b1: {  	s28 =	simm.s32 $0x14F0;
	s5 =	simm.s32 $0x2;
	s26 =	rddreg [dreg:$0x5]  }
0x2b2: {  	[tilespmem:s28], [sflag:$0x1] =	stream.indirect.gather [hbm4b:s26+s14], $0x80, s19, s14, $0xb8;
	[tilespmem:$0x1F9F0] =	vst v63  }
0x2b3: {  	_ =	swait.ge [sflag:s5], $0x1400  }
0x2b4: {  	[sflag:s5] =	ssyncset.done $0x0  }
0x2b5: {  	[sflag:s5] =	ssyncadd.s32 $0xFFFFEC00  }
0x2b6: {  	_ =	swait.ge [sflag:s5], $0x1400  }
0x2b7: {  	[sflag:s5] =	ssyncset.done $0x0  }
0x2b8: {  	s6 =	simm.s32 $0x5;
	[sflag:s5] =	ssyncadd.s32 $0xFFFFEC00  }
0x2b9: {  	_ =	swait.ge [sflag:s6], $0x1400  }
0x2ba: {  	[sflag:s6] =	ssyncset.done $0x0  }
0x2bb: {  	s12 =	simm.s32 $0x2970;
	[sflag:s6] =	ssyncadd.s32 $0xFFFFEC00  }
0x2bc: {  	s7 =	simm.s32 $0x3D70;
	v1 =	vld [tilespmem:s12+$0x0]  }
0x2bd: {  	v2 =	vld [tilespmem:s7+$0x0];
	_ =	sdelay $0x4  }
0x2be: {  	v1 =	vmul.f32 v2, v1;
	_ =	sdelay $0x1  }
0x2bf: {  	(xrf2) =	vadd.scan.msk.f32 $0xffff, v1;
	_ =	sdelay $0x7  }
0x2c0: {  	v2 =	vld [tilespmem:s12+$0xFFFFFF80]  }
0x2c1: {  	v1 =	vld [tilespmem:s7+$0xFFFFFF80]  }
0x2c2: {  	v3, _, _ =	vpop (xrf2)  }
0x2c3: {  	v3 =	vmul.f32 $1.442695020e+00, v3;
	_ =	sdelay $0x1  }
0x2c4: {  	v3 =	vbroadcast v3, $0xF  }
0x2c5: {  	v1 =	vmul.f32 v1, v2  }
0x2c6: {  	(erf) = vpow2.f32 v3  }
0x2c7: {  	(xrf2) =	vadd.scan.msk.f32 $0xffff, v1;
	_ =	sdelay $0x2  }
0x2c8: {  	s8 =	simm.s32 $0x5170  }
0x2c9: {  	v1 =	vld [tilespmem:s8+$0x0];
	_ =	sdelay $0x3  }
0x2ca: {  	v16 =	vpop (erf)  }
0x2cb: {  	v1 =	vmul.f32 v16, v1  }
0x2cc: {  	s11 =	simm.s32 $0x7BF0;
	v2, _, _ =	vpop (xrf2)  }
0x2cd: {  	[tilespmem:s11+$0x0] =	vst v1;
	v1 =	vmul.f32 $1.442695020e+00, v2  }
0x2ce: {  	v2 =	vld [tilespmem:s12+$0x10]  }
0x2cf: {  	v3 =	vld [tilespmem:s7+$0x10];
	v1 =	vbroadcast v1, $0xF;
	_ =	sdelay $0x1  }
0x2d0: {  	(erf) = vpow2.f32 v1;
	_ =	sdelay $0x2  }
0x2d1: {  	v1 =	vmul.f32 v3, v2;
	_ =	sdelay $0x1  }
0x2d2: {  	(xrf2) =	vadd.scan.msk.f32 $0xffff, v1;
	v1 =	vld [tilespmem:s8+$0xFFFFFF80];
	_ =	sdelay $0x3  }
0x2d3: {  	v13 =	vpop (erf)  }
0x2d4: {  	v1 =	vmul.f32 v13, v1;
	_ =	sdelay $0x1  }
0x2d5: {  	[tilespmem:s11+$0xFFFFFF80] =	vst v1  }
0x2d6: {  	v1 =	vld [tilespmem:s12+$0xFFFFFF90]  }
0x2d7: {  	v2 =	vld [tilespmem:s7+$0xFFFFFF90]  }
0x2d8: {  	v3, _, _ =	vpop (xrf2)  }
0x2d9: {  	v3 =	vmul.f32 $1.442695020e+00, v3  }
0x2da: {  	s9 =	simm.s32 $0x2A70  }
0x2db: {  	s28 =	simm.s32 $0x3E70;
	v4 =	vld [tilespmem:s9+$0x0];
	v3 =	vbroadcast v3, $0xF  }
0x2dc: {  	v5 =	vld [tilespmem:s28+$0x0];
	v1 =	vmul.f32 v2, v1  }
0x2dd: {  	(erf) = vpow2.f32 v3  }
0x2de: {  	(xrf2) =	vadd.scan.msk.f32 $0xffff, v1;
	_ =	sdelay $0x2  }
0x2df: {  	v2 =	vld [tilespmem:s8+$0x10];
	v1 =	vmul.f32 v5, v4  }
0x2e0: {  	v3 =	vld [tilespmem:s28+$0xFFFFFF80]  }
0x2e1: {  	(xrf2) =	vadd.scan.msk.f32 $0xffff, v1;
	v1 =	vld [tilespmem:s9+$0xFFFFFF80];
	_ =	sdelay $0x2  }
0x2e2: {  	v17 =	vpop (erf)  }
0x2e3: {  	v2 =	vmul.f32 v17, v2  }
0x2e4: {  	v1 =	vmul.f32 v3, v1;
	v4, _, _ =	vpop (xrf2)  }
0x2e5: {  	[tilespmem:s11+$0x10] =	vst v2;
	v2 =	vmul.f32 $1.442695020e+00, v4  }
0x2e6: {  	(xrf2) =	vadd.scan.msk.f32 $0xffff, v1;
	v3 =	vld [tilespmem:s12+$0x20]  }
0x2e7: {  	v1 =	vld [tilespmem:s7+$0x20];
	v2 =	vbroadcast v2, $0xF;
	_ =	sdelay $0x1  }
0x2e8: {  	v4, _, _ =	vpop (xrf2);
	(erf) = vpow2.f32 v2  }
0x2e9: {  	v2 =	vmul.f32 $1.442695020e+00, v4;
	_ =	sdelay $0x1  }
0x2ea: {  	v2 =	vbroadcast v2, $0xF;
	v1 =	vmul.f32 v1, v3;
	_ =	sdelay $0x1  }
0x2eb: {  	(erf) = vpow2.f32 v2;
	(xrf2) =	vadd.scan.msk.f32 $0xffff, v1;
	v1 =	vld [tilespmem:s8+$0xFFFFFF90];
	_ =	sdelay $0x1  }
0x2ec: {  	v2, _, _ =	vpop (xrf2)  }
0x2ed: {  	v2 =	vmul.f32 $1.442695020e+00, v2  }
0x2ee: {  	s23 =	simm.s32 $0x5270;
	v20 =	vpop (erf)  }
0x2ef: {  	v3 =	vld [tilespmem:s23+$0x0];
	v2 =	vbroadcast v2, $0xF;
	v1 =	vmul.f32 v20, v1;
	_ =	sdelay $0x1  }
0x2f0: {  	(erf) = vpow2.f32 v2;
	[tilespmem:s11+$0xFFFFFF90] =	vst v1  }
0x2f1: {  	v1 =	vld [tilespmem:s12+$0xFFFFFFA0]  }
0x2f2: {  	v15 =	vpop (erf);
	v2 =	vld [tilespmem:s7+$0xFFFFFFA0]  }
0x2f3: {  	v3 =	vmul.f32 v15, v3;
	v4, _, _ =	vpop (xrf2)  }
0x2f4: {  	s24 =	simm.s32 $0x7CF0;
	v4 =	vmul.f32 $1.442695020e+00, v4  }
0x2f5: {  	v5 =	vld [tilespmem:s23+$0xFFFFFF80];
	[tilespmem:s24+$0x0] =	vst v3  }
0x2f6: {  	v3 =	vld [tilespmem:s9+$0x10];
	v4 =	vbroadcast v4, $0xF  }
0x2f7: {  	v6 =	vld [tilespmem:s28+$0x10];
	v1 =	vmul.f32 v2, v1  }
0x2f8: {  	(erf) = vpow2.f32 v4  }
0x2f9: {  	(xrf2) =	vadd.scan.msk.f32 $0xffff, v1;
	v21 =	vpop (erf)  }
0x2fa: {  	v1 =	vmul.f32 v21, v5;
	_ =	sdelay $0x1  }
0x2fb: {  	v2 =	vmul.f32 v6, v3;
	[tilespmem:s24+$0xFFFFFF80] =	vst v1;
	v1 =	vld [tilespmem:s8+$0x20]  }
0x2fc: {  	v3 =	vld [tilespmem:s9+$0xFFFFFF90]  }
0x2fd: {  	(xrf2) =	vadd.scan.msk.f32 $0xffff, v2;
	v2 =	vld [tilespmem:s28+$0xFFFFFF90];
	_ =	sdelay $0x2  }
0x2fe: {  	v19 =	vpop (erf)  }
0x2ff: {  	v1 =	vmul.f32 v19, v1  }
0x300: {  	v2 =	vmul.f32 v2, v3;
	v4, _, _ =	vpop (xrf2)  }
0x301: {  	[tilespmem:s11+$0x20] =	vst v1;
	v1 =	vmul.f32 $1.442695020e+00, v4  }
0x302: {  	(xrf2) =	vadd.scan.msk.f32 $0xffff, v2;
	v3 =	vld [tilespmem:s12+$0x30]  }
0x303: {  	v2 =	vld [tilespmem:s7+$0x30];
	v1 =	vbroadcast v1, $0xF;
	_ =	sdelay $0x1  }
0x304: {  	v4, _, _ =	vpop (xrf2);
	(erf) = vpow2.f32 v1  }
0x305: {  	s3 =	simm.s32 $0x2B70;
	v1 =	vmul.f32 $1.442695020e+00, v4  }
0x306: {  	s2 =	simm.s32 $0x3F70;
	v4 =	vld [tilespmem:s3+$0x0]  }
0x307: {  	v1 =	vbroadcast v1, $0xF;
	v2 =	vmul.f32 v2, v3;
	v3 =	vld [tilespmem:s2+$0x0];
	_ =	sdelay $0x1  }
0x308: {  	(erf) = vpow2.f32 v1;
	(xrf2) =	vadd.scan.msk.f32 $0xffff, v2;
	v1 =	vld [tilespmem:s8+$0xFFFFFFA0];
	_ =	sdelay $0x1  }
0x309: {  	v2, _, _ =	vpop (xrf2)  }
0x30a: {  	v5 =	vld [tilespmem:s2+$0xFFFFFF80];
	v2 =	vmul.f32 $1.442695020e+00, v2;
	v3 =	vmul.f32 v3, v4  }
0x30b: {  	v6 =	vld [tilespmem:s3+$0xFFFFFF80];
	v24 =	vpop (erf)  }
0x30c: {  	v4 =	vld [tilespmem:s23+$0x10];
	v2 =	vbroadcast v2, $0xF;
	(xrf2) =	vadd.scan.msk.f32 $0xffff, v3;
	v1 =	vmul.f32 v24, v1;
	_ =	sdelay $0x1  }
0x30d: {  	(erf) = vpow2.f32 v2;
	[tilespmem:s11+$0xFFFFFFA0] =	vst v1  }
0x30e: {  	v1 =	vld [tilespmem:s12+$0xFFFFFFB0]  }
0x30f: {  	v3 =	vmul.f32 v5, v6;
	v18 =	vpop (erf);
	v2 =	vld [tilespmem:s7+$0xFFFFFFB0]  }
0x310: {  	v4 =	vmul.f32 v18, v4;
	v5, _, _ =	vpop (xrf2)  }
0x311: {  	(xrf2) =	vadd.scan.msk.f32 $0xffff, v3;
	v5 =	vmul.f32 $1.442695020e+00, v5  }
0x312: {  	v6 =	vld [tilespmem:s23+$0xFFFFFF90];
	[tilespmem:s24+$0x10] =	vst v4  }
0x313: {  	v3 =	vld [tilespmem:s9+$0x20];
	v4 =	vbroadcast v5, $0xF  }
0x314: {  	v5 =	vld [tilespmem:s28+$0x20];
	v1 =	vmul.f32 v2, v1  }
0x315: {  	(erf) = vpow2.f32 v4;
	v2, _, _ =	vpop (xrf2)  }
0x316: {  	v25 =	vpop (erf);
	(xrf2) =	vadd.scan.msk.f32 $0xffff, v1;
	v1 =	vmul.f32 $1.442695020e+00, v2  }
0x317: {  	v2 =	vmul.f32 v25, v6  }
0x318: {  	v1 =	vbroadcast v1, $0xF  }
0x319: {  	v4 =	vld [tilespmem:s8+$0x30];
	v3 =	vmul.f32 v5, v3;
	[tilespmem:s24+$0xFFFFFF90] =	vst v2  }
0x31a: {  	(erf) = vpow2.f32 v1;
	v1 =	vld [tilespmem:s9+$0xFFFFFFA0]  }
0x31b: {  	(xrf2) =	vadd.scan.msk.f32 $0xffff, v3;
	v3 =	vld [tilespmem:s28+$0xFFFFFFA0];
	v2, _, _ =	vpop (xrf2)  }
0x31c: {  	v2 =	vmul.f32 $1.442695020e+00, v2;
	_ =	sdelay $0x1  }
0x31d: {  	v23 =	vpop (erf);
	v2 =	vbroadcast v2, $0xF  }
0x31e: {  	s26 =	simm.s32 $0x5370;
	v4 =	vmul.f32 v23, v4  }
0x31f: {  	v5 =	vld [tilespmem:s26+$0x0];
	v1 =	vmul.f32 v3, v1;
	(erf) = vpow2.f32 v2  }
0x320: {  	v6, _, _ =	vpop (xrf2);
	[tilespmem:s11+$0x30] =	vst v4  }
0x321: {  	v2 =	vmul.f32 $1.442695020e+00, v6;
	v3 =	vld [tilespmem:s12+$0x40]  }
0x322: {  	v4 =	vld [tilespmem:s7+$0x40]  }
0x323: {  	(xrf2) =	vadd.scan.msk.f32 $0xffff, v1;
	v2 =	vbroadcast v2, $0xF;
	v1 =	vpop (erf)  }
0x324: {  	v7 =	vld [tilespmem:s26+$0xFFFFFF80];
	v5 =	vmul.f32 v1, v5;
	v6, _, _ =	vpop (xrf2)  }
0x325: {  	(erf) = vpow2.f32 v2;
	v2 =	vmul.f32 $1.442695020e+00, v6  }
0x326: {  	s25 =	simm.s32 $0x7DF0  }
0x327: {  	[tilespmem:s25+$0x0] =	vst v5;
	v2 =	vbroadcast v2, $0xF;
	v3 =	vmul.f32 v4, v3  }
0x328: {  	v5 =	vld [tilespmem:s3+$0x10];
	v28 =	vpop (erf)  }
0x329: {  	v4 =	vld [tilespmem:s2+$0x10];
	(erf) = vpow2.f32 v2;
	(xrf2) =	vadd.scan.msk.f32 $0xffff, v3;
	v3 =	vmul.f32 v28, v7  }
0x32a: {  	v2 =	vld [tilespmem:s8+$0xFFFFFFB0];
	_ =	sdelay $0x2  }
0x32b: {  	[tilespmem:s25+$0xFFFFFF80] =	vst v3;
	v3, _, _ =	vpop (xrf2)  }
0x32c: {  	v4 =	vmul.f32 v4, v5;
	v5 =	vld [tilespmem:s23+$0x20];
	v29 =	vpop (erf)  }
0x32d: {  	v6 =	vld [tilespmem:s3+$0xFFFFFF90];
	v3 =	vmul.f32 $1.442695020e+00, v3;
	v2 =	vmul.f32 v29, v2  }
0x32e: {  	v7 =	vld [tilespmem:s2+$0xFFFFFF90];
	(xrf2) =	vadd.scan.msk.f32 $0xffff, v4  }
0x32f: {  	v3 =	vbroadcast v3, $0xF;
	[tilespmem:s11+$0xFFFFFFB0] =	vst v2  }
0x330: {  	v2 =	vld [tilespmem:s12+$0xFFFFFFC0];
	v22 =	vpop (erf)  }
0x331: {  	(erf) = vpow2.f32 v3;
	v3 =	vld [tilespmem:s7+$0xFFFFFFC0];
	v4 =	vmul.f32 v22, v5;
	v5, _, _ =	vpop (xrf2)  }
0x332: {  	v5 =	vmul.f32 $1.442695020e+00, v5  }
0x333: {  	v6 =	vmul.f32 v7, v6;
	[tilespmem:s24+$0x20] =	vst v4  }
0x334: {  	v4 =	vld [tilespmem:s9+$0x30];
	v5 =	vbroadcast v5, $0xF  }
0x335: {  	(xrf2) =	vadd.scan.msk.f32 $0xffff, v6;
	v6 =	vld [tilespmem:s28+$0x30]  }
0x336: {  	v2 =	vmul.f32 v3, v2;
	v3 =	vld [tilespmem:s23+$0xFFFFFFA0]  }
0x337: {  	s31 =	simm.s32 $0x4070;
	(erf) = vpow2.f32 v5  }
0x338: {  	s13 =	simm.s32 $0x2C70;
	v7 =	vld [tilespmem:s31+$0x0];
	v5, _, _ =	vpop (xrf2);
	(xrf2) =	vadd.scan.msk.f32 $0xffff, v2  }
0x339: {  	v2 =	vmul.f32 $1.442695020e+00, v5;
	v5 =	vld [tilespmem:s13+$0x0]  }
0x33a: {  	v4 =	vmul.f32 v6, v4;
	v30 =	vpop (erf)  }
0x33b: {  	v2 =	vbroadcast v2, $0xF;
	v3 =	vmul.f32 v30, v3  }
0x33c: {  	v6 =	vld [tilespmem:s8+$0x40]  }
0x33d: {  	(xrf2) =	vadd.scan.msk.f32 $0xffff, v4;
	v4 =	vld [tilespmem:s13+$0xFFFFFF80];
	(erf) = vpow2.f32 v2  }
0x33e: {  	v2 =	vld [tilespmem:s31+$0xFFFFFF80];
	v5 =	vmul.f32 v7, v5  }
0x33f: {  	[tilespmem:s24+$0xFFFFFFA0] =	vst v3;
	v3, _, _ =	vpop (xrf2)  }
0x340: {  	v8 =	vld [tilespmem:s9+$0xFFFFFFB0];
	v27 =	vpop (erf);
	v3 =	vmul.f32 $1.442695020e+00, v3  }
0x341: {  	v7 =	vld [tilespmem:s28+$0xFFFFFFB0];
	v6 =	vmul.f32 v27, v6  }
0x342: {  	v9 =	vld [tilespmem:s26+$0x10];
	(xrf2) =	vadd.scan.msk.f32 $0xffff, v5;
	v3 =	vbroadcast v3, $0xF;
	v5, _, _ =	vpop (xrf2)  }
0x343: {  	[tilespmem:s11+$0x40] =	vst v6;
	v4 =	vmul.f32 v2, v4;
	v5 =	vmul.f32 $1.442695020e+00, v5  }
0x344: {  	v6 =	vld [tilespmem:s12+$0x50];
	(erf) = vpow2.f32 v3  }
0x345: {  	v10 =	vld [tilespmem:s7+$0x50];
	(xrf2) =	vadd.scan.msk.f32 $0xffff, v4;
	v3 =	vbroadcast v5, $0xF  }
0x346: {  	v4 =	vmul.f32 v7, v8;
	v2 =	vpop (erf)  }
0x347: {  	v7, _, _ =	vpop (xrf2);
	v5 =	vmul.f32 v2, v9;
	(erf) = vpow2.f32 v3  }
0x348: {  	(xrf2) =	vadd.scan.msk.f32 $0xffff, v4;
	v3 =	vmul.f32 $1.442695020e+00, v7  }
0x349: {  	v7 =	vld [tilespmem:s26+$0xFFFFFF90];
	[tilespmem:s25+$0x10] =	vst v5  }
0x34a: {  	v3 =	vbroadcast v3, $0xF;
	v5 =	vmul.f32 v10, v6;
	v4 =	vld [tilespmem:s3+$0x20]  }
0x34b: {  	v6 =	vld [tilespmem:s2+$0x20]  }
0x34c: {  	v8, _, _ =	vpop (xrf2);
	(erf) = vpow2.f32 v3;
	(xrf2) =	vadd.scan.msk.f32 $0xffff, v5;
	v3 =	vld [tilespmem:s8+$0xFFFFFFC0]  }
0x34d: {  	v5 =	vmul.f32 $1.442695020e+00, v8;
	v32 =	vpop (erf)  }
0x34e: {  	v7 =	vmul.f32 v32, v7  }
0x34f: {  	v5 =	vbroadcast v5, $0xF;
	v8, _, _ =	vpop (xrf2)  }
0x350: {  	v4 =	vmul.f32 v6, v4;
	v6 =	vmul.f32 $1.442695020e+00, v8;
	v31 =	vpop (erf)  }
0x351: {  	(erf) = vpow2.f32 v5;
	v5 =	vld [tilespmem:s23+$0x30];
	[tilespmem:s25+$0xFFFFFF90] =	vst v7;
	v3 =	vmul.f32 v31, v3  }
0x352: {  	(xrf2) =	vadd.scan.msk.f32 $0xffff, v4;
	v4 =	vld [tilespmem:s3+$0xFFFFFFA0];
	v6 =	vbroadcast v6, $0xF;
	v7, _, _ =	vpop (xrf2)  }
0x353: {  	v8 =	vld [tilespmem:s2+$0xFFFFFFA0];
	[tilespmem:s11+$0xFFFFFFC0] =	vst v3;
	v3 =	vmul.f32 $1.442695020e+00, v7;
	_ =	sdelay $0x1  }
0x354: {  	(erf) = vpow2.f32 v6;
	v26 =	vpop (erf);
	v3 =	vbroadcast v3, $0xF  }
0x355: {  	v7 =	vld [tilespmem:s12+$0xFFFFFFD0];
	v6, _, _ =	vpop (xrf2);
	v5 =	vmul.f32 v26, v5  }
0x356: {  	s30 =	simm.s32 $0x5470;
	v10 =	vld [tilespmem:s7+$0xFFFFFFD0];
	v6 =	vmul.f32 $1.442695020e+00, v6;
	(erf) = vpow2.f32 v3  }
0x357: {  	v9 =	vld [tilespmem:s30+$0x0];
	v4 =	vmul.f32 v8, v4;
	[tilespmem:s24+$0x30] =	vst v5  }
0x358: {  	v5 =	vbroadcast v6, $0xF;
	v6 =	vld [tilespmem:s9+$0x40]  }
0x359: {  	(xrf2) =	vadd.scan.msk.f32 $0xffff, v4;
	v4 =	vld [tilespmem:s30+$0xFFFFFF80]  }
0x35a: {  	v8 =	vld [tilespmem:s28+$0x40]  }
0x35b: {  	v3 =	vpop (erf);
	v7 =	vmul.f32 v10, v7;
	v10 =	vld [tilespmem:s23+$0xFFFFFFB0]  }
0x35c: {  	(erf) = vpow2.f32 v5;
	v5 =	vmul.f32 v3, v9;
	v9, _, _ =	vpop (xrf2)  }
0x35d: {  	s29 =	simm.s32 $0x7EF0;
	v35 =	vpop (erf)  }
0x35e: {  	v9 =	vmul.f32 $1.442695020e+00, v9;
	[tilespmem:s29+$0x0] =	vst v5;
	v4 =	vmul.f32 v35, v4  }
0x35f: {  	v5 =	vld [tilespmem:s13+$0x10];
	v6 =	vmul.f32 v8, v6;
	v36 =	vpop (erf)  }
0x360: {  	(xrf2) =	vadd.scan.msk.f32 $0xffff, v7;
	v8 =	vld [tilespmem:s8+$0x50];
	v7 =	vbroadcast v9, $0xF;
	[tilespmem:s29+$0xFFFFFF80] =	vst v4;
	v4 =	vmul.f32 v36, v10  }
0x361: {  	v9 =	vld [tilespmem:s31+$0x10]  }
0x362: {  	(xrf2) =	vadd.scan.msk.f32 $0xffff, v6;
	(erf) = vpow2.f32 v7;
	_ =	sdelay $0x1  }
0x363: {  	v6 =	vld [tilespmem:s13+$0xFFFFFF90];
	[tilespmem:s24+$0xFFFFFFB0] =	vst v4;
	v4, _, _ =	vpop (xrf2)  }
0x364: {  	v7 =	vld [tilespmem:s31+$0xFFFFFF90];
	v34 =	vpop (erf);
	v4 =	vmul.f32 $1.442695020e+00, v4  }
0x365: {  	v10 =	vld [tilespmem:s26+$0x20];
	v5 =	vmul.f32 v9, v5;
	v8 =	vmul.f32 v34, v8  }
0x366: {  	v9 =	vld [tilespmem:s9+$0xFFFFFFC0];
	v4 =	vbroadcast v4, $0xF  }
0x367: {  	(xrf2) =	vadd.scan.msk.f32 $0xffff, v5;
	v5 =	vld [tilespmem:s28+$0xFFFFFFC0];
	_ =	sdelay $0x1  }
0x368: {  	[tilespmem:s11+$0x50] =	vst v8;
	v8, _, _ =	vpop (xrf2)  }
0x369: {  	v6 =	vmul.f32 v7, v6;
	v11 =	vld [tilespmem:s12+$0x60];
	(erf) = vpow2.f32 v4;
	v4 =	vpop (erf)  }
0x36a: {  	v12 =	vld [tilespmem:s7+$0x60];
	v8 =	vmul.f32 $1.442695020e+00, v8;
	v7 =	vmul.f32 v4, v10;
	v10, _, _ =	vpop (xrf2)  }
0x36b: {  	(xrf2) =	vadd.scan.msk.f32 $0xffff, v6;
	v5 =	vmul.f32 v5, v9;
	v6 =	vmul.f32 $1.442695020e+00, v10;
	_ =	sdelay $0x1  }
0x36c: {  	v8 =	vbroadcast v8, $0xF;
	(xrf2) =	vadd.scan.msk.f32 $0xffff, v5;
	v5 =	vbroadcast v6, $0xF  }
0x36d: {  	[tilespmem:s25+$0x20] =	vst v7  }
0x36e: {  	(erf) = vpow2.f32 v8;
	v6 =	vmul.f32 v12, v11;
	v7 =	vld [tilespmem:s3+$0x30]  }
0x36f: {  	v8 =	vld [tilespmem:s2+$0x30]  }
0x370: {  	s0 =	simm.s32 $0x2D70;
	(erf) = vpow2.f32 v5;
	(xrf2) =	vadd.scan.msk.f32 $0xffff, v6;
	v5, _, _ =	vpop (xrf2)  }
0x371: {  	s1 =	simm.s32 $0x4170;
	v9 =	vld [tilespmem:s0+$0x0];
	v5 =	vmul.f32 $1.442695020e+00, v5  }
0x372: {  	v10 =	vld [tilespmem:s1+$0x0]  }
0x373: {  	v6 =	vld [tilespmem:s26+$0xFFFFFFA0];
	v5 =	vbroadcast v5, $0xF  }
0x374: {  	v7 =	vmul.f32 v8, v7  }
0x375: {  	v37 =	vpop (erf);
	(erf) = vpow2.f32 v5;
	v5 =	vld [tilespmem:s23+$0x40]  }
0x376: {  	v8, _, _ =	vpop (xrf2);
	(xrf2) =	vadd.scan.msk.f32 $0xffff, v7  }
0x377: {  	v11 =	vld [tilespmem:s1+$0xFFFFFF80];
	v9 =	vmul.f32 v10, v9;
	v38 =	vpop (erf)  }
0x378: {  	v8 =	vmul.f32 $1.442695020e+00, v8;
	v12, _, _ =	vpop (xrf2);
	v6 =	vmul.f32 v37, v6;
	v7 =	vld [tilespmem:s0+$0xFFFFFF80]  }
0x379: {  	v14 =	vld [tilespmem:s8+$0xFFFFFFD0];
	v12 =	vmul.f32 $1.442695020e+00, v12;
	v33 =	vpop (erf)  }
0x37a: {  	v50 =	vld [tilespmem:s30+$0x10];
	(xrf2) =	vadd.scan.msk.f32 $0xffff, v9;
	[tilespmem:s25+$0xFFFFFFA0] =	vst v6;
	v6 =	vbroadcast v8, $0xF;
	v10, _, _ =	vpop (xrf2);
	v5 =	vmul.f32 v33, v5  }
0x37b: {  	v8 =	vld [tilespmem:s3+$0xFFFFFFB0];
	v10 =	vmul.f32 $1.442695020e+00, v10  }
0x37c: {  	v51 =	vld [tilespmem:s2+$0xFFFFFFB0];
	(erf) = vpow2.f32 v6;
	v6 =	vbroadcast v12, $0xF  }
0x37d: {  	v7 =	vmul.f32 v11, v7;
	v9 =	vbroadcast v10, $0xF;
	[tilespmem:s24+$0x40] =	vst v5  }
0x37e: {  	(erf) = vpow2.f32 v6;
	v10 =	vmul.f32 v38, v14;
	v11 =	vld [tilespmem:s9+$0x50];
	v5 =	vpop (erf)  }
0x37f: {  	(xrf2) =	vadd.scan.msk.f32 $0xffff, v7;
	v6 =	vld [tilespmem:s28+$0x50];
	(erf) = vpow2.f32 v9;
	v9 =	vmul.f32 v5, v50  }
0x380: {  	v7 =	vld [tilespmem:s30+$0xFFFFFF90];
	[tilespmem:s11+$0xFFFFFFD0] =	vst v10;
	v12, _, _ =	vpop (xrf2)  }
0x381: {  	v8 =	vmul.f32 v51, v8;
	v10 =	vld [tilespmem:s12+$0xFFFFFFE0];
	[tilespmem:s29+$0x10] =	vst v9;
	v9 =	vmul.f32 $1.442695020e+00, v12  }
0x382: {  	v14 =	vld [tilespmem:s7+$0xFFFFFFE0]  }
0x383: {  	(xrf2) =	vadd.scan.msk.f32 $0xffff, v8;
	v12 =	vld [tilespmem:s13+$0x20];
	v9 =	vbroadcast v9, $0xF  }
0x384: {  	v52, _, _ =	vpop (xrf2);
	v8 =	vld [tilespmem:s31+$0x20];
	v6 =	vmul.f32 v6, v11  }
0x385: {  	v40 =	vpop (erf);
	v11 =	vld [tilespmem:s8+$0x60];
	(erf) = vpow2.f32 v9;
	v9 =	vmul.f32 $1.442695020e+00, v52;
	_ =	sdelay $0x1  }
0x386: {  	v7 =	vmul.f32 v40, v7;
	v41 =	vpop (erf);
	(xrf2) =	vadd.scan.msk.f32 $0xffff, v6;
	v6 =	vld [tilespmem:s23+$0xFFFFFFC0]  }
0x387: {  	v10 =	vmul.f32 v14, v10;
	v39 =	vpop (erf)  }
0x388: {  	[tilespmem:s29+$0xFFFFFF90] =	vst v7;
	v7 =	vbroadcast v9, $0xF;
	v8 =	vmul.f32 v8, v12;
	v9, _, _ =	vpop (xrf2)  }
0x389: {  	v14 =	vld [tilespmem:s31+$0xFFFFFFA0];
	(xrf2) =	vadd.scan.msk.f32 $0xffff, v10;
	v11 =	vmul.f32 v39, v11;
	v9 =	vmul.f32 $1.442695020e+00, v9  }
0x38a: {  	v10 =	vld [tilespmem:s26+$0x30];
	(erf) = vpow2.f32 v7  }
0x38b: {  	v12 =	vld [tilespmem:s13+$0xFFFFFFA0];
	v6 =	vmul.f32 v41, v6;
	[tilespmem:s11+$0x60] =	vst v11;
	v7 =	vbroadcast v9, $0xF  }
0x38c: {  	(xrf2) =	vadd.scan.msk.f32 $0xffff, v8;
	v8, _, _ =	vpop (xrf2);
	v9 =	vld [tilespmem:s12+$0x70]  }
0x38d: {  	[tilespmem:s24+$0xFFFFFFC0] =	vst v6;
	v6 =	vmul.f32 $1.442695020e+00, v8;
	v8 =	vld [tilespmem:s7+$0x70]  }
0x38e: {  	s15 =	simm.s32 $0x5570;
	(erf) = vpow2.f32 v7  }
0x38f: {  	v54 =	vld [tilespmem:s15+$0x0];
	v6 =	vbroadcast v6, $0xF;
	v7 =	vpop (erf)  }
0x390: {  	v11 =	vld [tilespmem:s9+$0xFFFFFFD0];
	v12 =	vmul.f32 v14, v12;
	v53, _, _ =	vpop (xrf2);
	v10 =	vmul.f32 v7, v10  }
0x391: {  	v14 =	vld [tilespmem:s28+$0xFFFFFFD0];
	v42 =	vmul.f32 $1.442695020e+00, v53;
	(erf) = vpow2.f32 v6  }
0x392: {  	v55 =	vld [tilespmem:s15+$0xFFFFFF80];
	v8 =	vmul.f32 v8, v9;
	[tilespmem:s25+$0x30] =	vst v10  }
0x393: {  	(xrf2) =	vadd.scan.msk.f32 $0xffff, v12;
	v56, _, _ =	vpop (xrf2);
	v10 =	vbroadcast v42, $0xF;
	v9 =	vld [tilespmem:s3+$0x40]  }
0x394: {  	v6 =	vpop (erf);
	(xrf2) =	vadd.scan.msk.f32 $0xffff, v8;
	v12 =	vld [tilespmem:s2+$0x40]  }
0x395: {  	v8 =	vmul.f32 v6, v54;
	(erf) = vpow2.f32 v10  }
0x396: {  	s14 =	simm.s32 $0x7FF0;
	v57 =	vld [tilespmem:s26+$0xFFFFFFB0];
	v10 =	vmul.f32 v14, v11;
	v11 =	vmul.f32 $1.442695020e+00, v56;
	v14, _, _ =	vpop (xrf2)  }
0x397: {  	[tilespmem:s14+$0x0] =	vst v8;
	v14 =	vmul.f32 $1.442695020e+00, v14;
	v42 =	vpop (erf)  }
0x398: {  	v58 =	vld [tilespmem:s1+$0x10];
	v8 =	vbroadcast v11, $0xF;
	(xrf2) =	vadd.scan.msk.f32 $0xffff, v10;
	v10 =	vmul.f32 v42, v55  }
0x399: {  	v11 =	vld [tilespmem:s0+$0x10];
	v14 =	vbroadcast v14, $0xF;
	v9 =	vmul.f32 v12, v9  }
0x39a: {  	(erf) = vpow2.f32 v8;
	v43 =	vpop (erf)  }
0x39b: {  	v8 =	vld [tilespmem:s23+$0x50];
	[tilespmem:s14+$0xFFFFFF80] =	vst v10;
	(xrf2) =	vadd.scan.msk.f32 $0xffff, v9;
	v9 =	vmul.f32 v43, v57  }
0x39c: {  	v10 =	vld [tilespmem:s0+$0xFFFFFF90]  }
0x39d: {  	(erf) = vpow2.f32 v14;
	v12 =	vld [tilespmem:s1+$0xFFFFFF90];
	v14, _, _ =	vpop (xrf2)  }
0x39e: {  	v11 =	vmul.f32 v58, v11;
	v61, _, _ =	vpop (xrf2)  }
0x39f: {  	v59 =	vld [tilespmem:s8+$0xFFFFFFE0];
	[tilespmem:s25+$0xFFFFFFB0] =	vst v9;
	v14 =	vmul.f32 $1.442695020e+00, v14;
	v44 =	vmul.f32 $1.442695020e+00, v61;
	v9 =	vpop (erf)  }
0x3a0: {  	v60 =	vld [tilespmem:s3+$0xFFFFFFC0];
	v8 =	vmul.f32 v9, v8  }
0x3a1: {  	(xrf2) =	vadd.scan.msk.f32 $0xffff, v11;
	v11 =	vbroadcast v14, $0xF;
	v14 =	vld [tilespmem:s2+$0xFFFFFFC0]  }
0x3a2: {  	v62 =	vld [tilespmem:s30+$0x20];
	v10 =	vmul.f32 v12, v10  }
0x3a3: {  	v12 =	vbroadcast v44, $0xF;
	[tilespmem:s24+$0x50] =	vst v8;
	v44 =	vpop (erf)  }
0x3a4: {  	(erf) = vpow2.f32 v11;
	(xrf2) =	vadd.scan.msk.f32 $0xffff, v10;
	v63 =	vld [tilespmem:s9+$0x60];
	v8, _, _ =	vpop (xrf2)  }
0x3a5: {  	v10 =	vld [tilespmem:s28+$0x60];
	v45 =	vmul.f32 v44, v59;
	v11 =	vmul.f32 $1.442695020e+00, v8  }
0x3a6: {  	(erf) = vpow2.f32 v12;
	v14 =	vmul.f32 v14, v60;
	v8 =	vpop (erf)  }
0x3a7: {  	v52, _, _ =	vpop (xrf2);
	[tilespmem:s11+$0xFFFFFFE0] =	vst v45;
	v12 =	vmul.f32 v8, v62;
	v11 =	vbroadcast v11, $0xF  }
0x3a8: {  	v53 =	vmul.f32 $1.442695020e+00, v52;
	v54 =	vld [tilespmem:s12+$0xFFFFFFF0]  }
0x3a9: {  	(xrf2) =	vadd.scan.msk.f32 $0xffff, v14;
	[tilespmem:s29+$0x20] =	vst v12;
	(erf) = vpow2.f32 v11;
	v11 =	vld [tilespmem:s7+$0xFFFFFFF0]  }
0x3aa: {  	v12 =	vbroadcast v53, $0xF;
	v10 =	vmul.f32 v10, v63;
	v14 =	vld [tilespmem:s13+$0x30]  }
0x3ab: {  	v56, _, _ =	vpop (xrf2);
	v55 =	vld [tilespmem:s31+$0x30]  }
0x3ac: {  	s17 =	simm.s32 $0x2E70;
	(erf) = vpow2.f32 v12;
	(xrf2) =	vadd.scan.msk.f32 $0xffff, v10;
	v10 =	vmul.f32 $1.442695020e+00, v56  }
0x3ad: {  	v57 =	vld [tilespmem:s17+$0x0]  }
0x3ae: {  	v61 =	vld [tilespmem:s23+$0xFFFFFFD0];
	v10 =	vbroadcast v10, $0xF;
	v58, _, _ =	vpop (xrf2)  }
0x3af: {  	s19 =	simm.s32 $0x4270;
	v12 =	vld [tilespmem:s30+$0xFFFFFFA0];
	v60 =	vmul.f32 $1.442695020e+00, v58;
	v11 =	vmul.f32 v11, v54  }
0x3b0: {  	v59 =	vld [tilespmem:s19+$0x0];
	v14 =	vmul.f32 v55, v14  }
0x3b1: {  	v47 =	vpop (erf);
	(erf) = vpow2.f32 v10;
	v10 =	vld [tilespmem:s26+$0x40];
	(xrf2) =	vadd.scan.msk.f32 $0xffff, v11;
	v11 =	vbroadcast v60, $0xF  }
0x3b2: {  	v45 =	vpop (erf);
	(xrf2) =	vadd.scan.msk.f32 $0xffff, v14  }
0x3b3: {  	v52 =	vld [tilespmem:s19+$0xFFFFFF80];
	v62, _, _ =	vpop (xrf2)  }
0x3b4: {  	v12 =	vmul.f32 v47, v12;
	v14 =	vld [tilespmem:s17+$0xFFFFFF80];
	v46 =	vpop (erf);
	(erf) = vpow2.f32 v11  }
0x3b5: {  	v53 =	vld [tilespmem:s15+$0xFFFFFF90];
	v48 =	vmul.f32 v59, v57;
	v63 =	vmul.f32 $1.442695020e+00, v62;
	v11 =	vpop (erf)  }
0x3b6: {  	v57 =	vld [tilespmem:s15+$0x10];
	[tilespmem:s29+$0xFFFFFFA0] =	vst v12;
	v12 =	vmul.f32 v46, v61;
	v58, _, _ =	vpop (xrf2);
	v10 =	vmul.f32 v11, v10  }
0x3b7: {  	v59 =	vld [tilespmem:s13+$0xFFFFFFB0];
	(xrf2) =	vadd.scan.msk.f32 $0xffff, v48;
	v60 =	vmul.f32 $1.442695020e+00, v58  }
0x3b8: {  	v61 =	vld [tilespmem:s31+$0xFFFFFFB0];
	[tilespmem:s24+$0xFFFFFFD0] =	vst v12;
	v12 =	vbroadcast v63, $0xF  }
0x3b9: {  	v49 =	vld [tilespmem:s9+$0xFFFFFFE0];
	v14 =	vmul.f32 v52, v14;
	[tilespmem:s25+$0x40] =	vst v10;
	v48 =	vbroadcast v60, $0xF  }
0x3ba: {  	(erf) = vpow2.f32 v12;
	v62 =	vld [tilespmem:s3+$0x50];
	v10 =	vpop (erf)  }
0x3bb: {  	v12 =	vld [tilespmem:s2+$0x50];
	(xrf2) =	vadd.scan.msk.f32 $0xffff, v14;
	(erf) = vpow2.f32 v48;
	v58, _, _ =	vpop (xrf2)  }
0x3bc: {  	v63 =	vld [tilespmem:s28+$0xFFFFFFE0];
	v14 =	vmul.f32 v10, v57;
	v60, _, _ =	vpop (xrf2)  }
0x3bd: {  	v52 =	vld [tilespmem:s23+$0x60];
	v51 =	vmul.f32 v61, v59;
	v59 =	vmul.f32 $1.442695020e+00, v58;
	v48 =	vpop (erf)  }
0x3be: {  	v61 =	vld [tilespmem:s26+$0xFFFFFFC0];
	[tilespmem:s14+$0x10] =	vst v14;
	v14 =	vmul.f32 $1.442695020e+00, v60;
	v53 =	vmul.f32 v48, v53  }
0x3bf: {  	(xrf2) =	vadd.scan.msk.f32 $0xffff, v51;
	v55 =	vld [tilespmem:s0+$0x20];
	v54 =	vbroadcast v59, $0xF  }
0x3c0: {  	v51 =	vld [tilespmem:s1+$0x20];
	v12 =	vmul.f32 v12, v62;
	v14 =	vbroadcast v14, $0xF;
	[tilespmem:s14+$0xFFFFFF90] =	vst v53  }
0x3c1: {  	v50 =	vmul.f32 v63, v49;
	v62, _, _ =	vpop (xrf2);
	(erf) = vpow2.f32 v54;
	v53 =	vld [tilespmem:s0+$0xFFFFFFA0]  }
0x3c2: {  	(xrf2) =	vadd.scan.msk.f32 $0xffff, v12;
	v12 =	vmul.f32 $1.442695020e+00, v62;
	v63 =	vld [tilespmem:s1+$0xFFFFFFA0];
	(erf) = vpow2.f32 v14  }
0x3c3: {  	v49 =	vpop (erf)  }
0x3c4: {  	(xrf2) =	vadd.scan.msk.f32 $0xffff, v50;
	v12 =	vbroadcast v12, $0xF;
	v14 =	vpop (erf)  }
0x3c5: {  	v60, _, _ =	vpop (xrf2);
	v51 =	vmul.f32 v51, v55;
	v52 =	vmul.f32 v14, v52  }
0x3c6: {  	v56 =	vmul.f32 v49, v61;
	v50 =	vmul.f32 $1.442695020e+00, v60  }
0x3c7: {  	v61 =	vld [tilespmem:s30+$0x30];
	(erf) = vpow2.f32 v12;
	(xrf2) =	vadd.scan.msk.f32 $0xffff, v51;
	v12 =	vmul.f32 v63, v53;
	[tilespmem:s24+$0x60] =	vst v52  }
0x3c8: {  	v52 =	vld [tilespmem:s9+$0x70]  }
0x3c9: {  	[tilespmem:s25+$0xFFFFFFC0] =	vst v56;
	v62, _, _ =	vpop (xrf2);
	v50 =	vbroadcast v50, $0xF;
	v54 =	vld [tilespmem:s28+$0x70]  }
0x3ca: {  	v56 =	vld [tilespmem:s3+$0xFFFFFFD0];
	v57 =	vpop (erf)  }
0x3cb: {  	s5 =	simm.s32 $0x5670;
	v53 =	vmul.f32 $1.442695020e+00, v62;
	(xrf2) =	vadd.scan.msk.f32 $0xffff, v12;
	(erf) = vpow2.f32 v50;
	v50 =	vld [tilespmem:s2+$0xFFFFFFD0];
	v12 =	vpop (erf)  }
0x3cc: {  	v16 =	vnsel vm0, $0x0, v16;
	v13 =	vnsel vm0, $0x0, v13;
	v60 =	vld [tilespmem:s5+$0x0];
	v51 =	vmul.f32 v12, v61  }
0x3cd: {  	v16 =	vsel vm1, v16, v17;
	v13 =	vsel vm1, v13, v20;
	v53 =	vbroadcast v53, $0xF;
	v59, _, _ =	vpop (xrf2)  }
0x3ce: {  	v21 =	vnsel vm0, $0x0, v21;
	v59 =	vmul.f32 $1.442695020e+00, v59;
	v63, _, _ =	vpop (xrf2);
	[tilespmem:s29+$0x30] =	vst v51;
	v51 =	vmul.f32 v54, v52  }
0x3cf: {  	v24 =	vsel vm2, v13, v24;
	(erf) = vpow2.f32 v53;
	v52 =	vmul.f32 $1.442695020e+00, v63;
	v61 =	vld [tilespmem:s13+$0x40]  }
0x3d0: {  	v21 =	vsel vm1, v21, v25;
	v59 =	vbroadcast v59, $0xF;
	v13 =	vpop (erf);
	v25 =	vmul.f32 v50, v56;
	v62 =	vld [tilespmem:s31+$0x40];
	(xrf2) =	vadd.scan.msk.f32 $0xffff, v51  }
0x3d1: {  	v20 =	vld [tilespmem:s5+$0xFFFFFF80];
	v29 =	vsel vm3, v24, v29;
	v24 =	vmul.f32 v13, v60;
	v63, _, _ =	vpop (xrf2);
	v52 =	vbroadcast v52, $0xF  }
0x3d2: {  	v16 =	vsel vm2, v16, v19;
	v58 =	vld [tilespmem:s30+$0xFFFFFFB0];
	(erf) = vpow2.f32 v59;
	v53 =	vmul.f32 $1.442695020e+00, v63  }
0x3d3: {  	s21 =	simm.s32 $0x80F0;
	v16 =	vsel vm3, v16, v23;
	v23 =	vld [tilespmem:s15+$0x20]  }
0x3d4: {  	v21 =	vsel vm2, v21, v30;
	v30 =	vld [tilespmem:s15+$0xFFFFFFA0];
	[tilespmem:s21+$0x0] =	vst v24;
	(xrf2) =	vadd.scan.msk.f32 $0xffff, v25;
	v25 =	vbroadcast v53, $0xF  }
0x3d5: {  	v29 =	vsel vm4, v29, v31;
	(erf) = vpow2.f32 v52;
	v59 =	vld [tilespmem:s17+$0x10];
	v52 =	vpop (erf);
	v31 =	vmul.f32 v62, v61  }
0x3d6: {  	v28 =	vnsel vm0, $0x0, v28;
	v20 =	vmul.f32 v52, v20;
	v53, _, _ =	vpop (xrf2);
	(erf) = vpow2.f32 v25;
	v25 =	vld [tilespmem:s19+$0x10]  }
0x3d7: {  	v28 =	vsel vm1, v28, v32;
	v32 =	vmul.f32 $1.442695020e+00, v53;
	(xrf2) =	vadd.scan.msk.f32 $0xffff, v31;
	v31 =	vld [tilespmem:s26+$0x50]  }
0x3d8: {  	v28 =	vsel vm2, v28, v37;
	v55 =	vld [tilespmem:s8+$0x70];
	v37 =	vpop (erf);
	[tilespmem:s21+$0xFFFFFF80] =	vst v20;
	v20 =	vnsel vm0, $0x0, v35  }
0x3d9: {  	v56 =	vld [tilespmem:s23+$0xFFFFFFE0];
	v17 =	vmul.f32 v37, v58;
	v32 =	vbroadcast v32, $0xF  }
0x3da: {  	v16 =	vsel vm4, v16, v27;
	v21 =	vsel vm3, v21, v36;
	v62 =	vld [tilespmem:s17+$0xFFFFFF90];
	v19, _, _ =	vpop (xrf2)  }
0x3db: {  	v61 =	vsel vm1, v20, v40;
	v63 =	vld [tilespmem:s19+$0xFFFFFF90];
	[tilespmem:s29+$0xFFFFFFB0] =	vst v17;
	(erf) = vpow2.f32 v32;
	v20 =	vpop (erf);
	v17 =	vmul.f32 v25, v59  }
0x3dc: {  	v16 =	vsel vm5, v16, v34;
	v51 =	vld [tilespmem:s8+$0xFFFFFFF0];
	v19 =	vmul.f32 $1.442695020e+00, v19;
	v31 =	vmul.f32 v20, v31  }
0x3dd: {  	v21 =	vsel vm4, v21, v41;
	v16 =	vsel vm6, v16, v39;
	v50 =	vmul.f32 v45, v55;
	v24 =	vld [tilespmem:s26+$0xFFFFFFD0]  }
0x3de: {  	v28 =	vsel vm3, v28, v43;
	v60 =	vsel vm5, v29, v38;
	v35 =	vld [tilespmem:s13+$0xFFFFFFC0];
	v54 =	vpop (erf);
	(xrf2) =	vadd.scan.msk.f32 $0xffff, v17;
	v17 =	vbroadcast v19, $0xF  }
0x3df: {  	v16 =	vsel vm7, v16, v45;
	[tilespmem:s11+$0x70] =	vst v50;
	v53 =	vld [tilespmem:s31+$0xFFFFFFC0];
	v25 =	vsel vm6, v60, v44;
	v55 =	vmul.f32 v54, v56  }
0x3e0: {  	s8 =	simm.s32 $0x8F80;
	v29 =	vld [tilespmem:s5+$0xFFFFFF90];
	[tilespmem:s25+$0x50] =	vst v31;
	v38 =	vmul.f32 v63, v62;
	v31, _, _ =	vpop (xrf2);
	(erf) = vpow2.f32 v17;
	v17 =	vnsel vm0, $0x0, v42  }
0x3e1: {  	[tilespmem:s8+$0x0] =	vst v16;
	v58 =	vld [tilespmem:s3+$0x60];
	v31 =	vmul.f32 $1.442695020e+00, v31;
	v60 =	vsel vm1, v17, v48;
	v17 =	vmul.f32 v57, v51  }
0x3e2: {  	v16 =	vsel vm4, v28, v49;
	[tilespmem:s24+$0xFFFFFFE0] =	vst v55;
	v59 =	vld [tilespmem:s2+$0x60];
	(xrf2) =	vadd.scan.msk.f32 $0xffff, v38  }
0x3e3: {  	v27 =	vld [tilespmem:s30+$0xFFFFFFC0];
	v25 =	vsel vm7, v25, v57;
	v56 =	vsel vm5, v21, v46;
	v21 =	vpop (erf);
	v31 =	vbroadcast v31, $0xF;
	[tilespmem:s11+$0xFFFFFFF0] =	vst v17  }
0x3e4: {  	v19 =	vsel vm2, v61, v47;
	v23 =	vmul.f32 v21, v23;
	v61 =	vld [tilespmem:s9+$0xFFFFFFF0];
	v28, _, _ =	vpop (xrf2);
	[tilespmem:s8+$0xFFFFFFF0] =	vst v25;
	v25 =	vmul.f32 v53, v35  }
0x3e5: {  	v15 =	vnsel vm0, $0x0, v15;
	v63 =	vld [tilespmem:s28+$0xFFFFFFF0];
	v28 =	vmul.f32 $1.442695020e+00, v28;
	v62 =	vpop (erf);
	(erf) = vpow2.f32 v31  }
0x3e6: {  	v15 =	vsel vm1, v15, v18;
	[tilespmem:s14+$0x20] =	vst v23;
	v23 =	vld [tilespmem:s23+$0x70];
	v30 =	vmul.f32 v62, v30;
	(xrf2) =	vadd.scan.msk.f32 $0xffff, v25  }
0x3e7: {  	v22 =	vsel vm2, v15, v22;
	v32 =	vld [tilespmem:s0+$0x30];
	v28 =	vbroadcast v28, $0xF;
	v31 =	vmul.f32 v59, v58  }
0x3e8: {  	v22 =	vsel vm3, v22, v26;
	v36 =	vld [tilespmem:s1+$0x30];
	[tilespmem:s14+$0xFFFFFFA0] =	vst v30  }
0x3e9: {  	v26 =	vsel vm4, v22, v33;
	(erf) = vpow2.f32 v28;
	v30 =	vld [tilespmem:s0+$0xFFFFFFB0];
	v25, _, _ =	vpop (xrf2);
	(xrf2) =	vadd.scan.msk.f32 $0xffff, v31  }
0x3ea: {  	v17 =	vsel vm3, v19, v37;
	v38 =	vmul.f32 v63, v61;
	v35 =	vld [tilespmem:s1+$0xFFFFFFB0];
	v37 =	vmul.f32 $1.442695020e+00, v25  }
0x3eb: {  	s6 =	simm.s32 $0x4270;
	s7 =	simm.s32 $0xA;
	v18 =	vnsel vm0, $0x0, v52;
	s9 =	simm.s32 $0x2F70;
	v19 =	vsel vm6, v56, v54;
	v15 =	vsel vm2, v60, v62;
	v34 =	vld [tilespmem:s15+$0xFFFFFFB0];
	v25 =	vpop (erf)  }
.LBB2_8:
0x3ec: {  	v28 =	vld [tilespmem:s9+$0x0];
	v37 =	vbroadcast v37, $0xF;
	s19 =	sadd.s32 $0x100, s19;
	v22, _, _ =	vpop (xrf2);
	v0 =	vsel vm5, v26, v9;
	v23 =	vmul.f32 v25, v23;
	(xrf2) =	vadd.scan.msk.f32 $0xffff, v38  }
0x3ed: {  	v9 =	vmovc v20;
	v26 =	vld [tilespmem:s19+$0x0];
	v33 =	vmul.f32 $1.442695020e+00, v22;
	v36 =	vmul.f32 v36, v32;
	v14 =	vsel vm6, v0, v14;
	v22 =	vmovc v8  }
0x3ee: {  	s8 =	sadd.s32 $0x20, s8;
	v8 =	vmov v21;
	(erf) = vpow2.f32 v37;
	v20 =	vld [tilespmem:s30+$0x40];
	v31 =	vpop (erf);
	[tilespmem:s24+$0x70] =	vst v23;
	v14 =	vsel vm7, v14, v25  }
0x3ef: {  	v23 =	vld [tilespmem:s19+$0xFFFFFF80];
	v25 =	vbroadcast v33, $0xF;
	v30 =	vmul.f32 v35, v30;
	(xrf2) =	vadd.scan.msk.f32 $0xffff, v36;
	[tilespmem:s8+$0x0] =	vst v14  }
0x3f0: {  	v24 =	vmul.f32 v31, v24;
	v21 =	vsel vm5, v16, v31;
	v14 =	vld [tilespmem:s9+$0xFFFFFF80];
	v32, _, _ =	vpop (xrf2)  }
0x3f1: {  	(erf) = vpow2.f32 v25;
	v16 =	vmul.f32 $1.442695020e+00, v32;
	v31 =	vld [tilespmem:s23+$0xFFFFFFF0];
	s23 =	smov.u32 s26;
	s26 =	smov.u32 s30;
	s30 =	smov.u32 s15  }
0x3f2: {  	s15 =	smov.u32 s5;
	v25 =	vmul.f32 v26, v28;
	v28 =	vpop (erf);
	[tilespmem:s25+$0xFFFFFFD0] =	vst v24  }
0x3f3: {  	v24 =	vld [tilespmem:s5+$0x10];
	v16 =	vbroadcast v16, $0xF;
	v20 =	vmul.f32 v28, v20;
	v26, _, _ =	vpop (xrf2)  }
0x3f4: {  	(xrf2) =	vadd.scan.msk.f32 $0xffff, v25;
	v32 =	vld [tilespmem:s3+$0xFFFFFFE0];
	v0 =	vmul.f32 $1.442695020e+00, v26  }
0x3f5: {  	v14 =	vmul.f32 v23, v14;
	[tilespmem:s29+$0x40] =	vst v20;
	v20 =	vld [tilespmem:s2+$0xFFFFFFE0]  }
0x3f6: {  	v33 =	vld [tilespmem:s13+$0x50];
	(erf) = vpow2.f32 v16;
	v0 =	vbroadcast v0, $0xF;
	v23, _, _ =	vpop (xrf2)  }
0x3f7: {  	v25 =	vpop (erf);
	v35 =	vld [tilespmem:s31+$0x50];
	v23 =	vmul.f32 $1.442695020e+00, v23  }
0x3f8: {  	(xrf2) =	vadd.scan.msk.f32 $0xffff, v14;
	v36 =	vmul.f32 v25, v24;
	v26 =	vld [tilespmem:s23+$0xFFFFFFE0];
	(erf) = vpow2.f32 v0  }
0x3f9: {  	v16, _, _ =	vpop (xrf2);
	v24 =	vbroadcast v23, $0xF  }
0x3fa: {  	s7 =	sadd.s32 $0x2, s7;
	[tilespmem:s21+$0x10] =	vst v36;
	v14 =	vpop (erf);
	v16 =	vmul.f32 $1.442695020e+00, v16;
	v20 =	vmul.f32 v20, v32  }
0x3fb: {  	p0 =	slt.u32 s7, $0x26;
	v29 =	vmul.f32 v14, v29;
	v23 =	vsel vm1, v18, v14;
	v18 =	vld [tilespmem:s17+$0x20];
	(xrf2) =	vadd.scan.msk.f32 $0xffff, v30;
	(erf) = vpow2.f32 v24  }
0x3fc: {  	v24 =	vld [tilespmem:s6+$0x20];
	v14 =	vbroadcast v16, $0xF;
	v0 =	vmul.f32 v35, v33  }
0x3fd: {  	[tilespmem:s21+$0xFFFFFF90] =	vst v29;
	v29 =	vld [tilespmem:s23+$0x60]  }
0x3fe: {  	v30, _, _ =	vpop (xrf2);
	v32 =	vld [tilespmem:s17+$0xFFFFFFA0];
	(erf) = vpow2.f32 v14;
	(xrf2) =	vadd.scan.msk.f32 $0xffff, v0  }
0x3ff: {  	v0 =	vmul.f32 $1.442695020e+00, v30;
	v33 =	vld [tilespmem:s6+$0xFFFFFFA0];
	v16 =	vpop (erf)  }
0x400: {  	v30 =	vld [tilespmem:s5+$0xFFFFFFA0];
	v27 =	vmul.f32 v16, v27;
	v16 =	vsel vm4, v17, v16  }
0x401: {  	v17 =	vbroadcast v0, $0xF;
	(xrf2) =	vadd.scan.msk.f32 $0xffff, v20;
	v14 =	vpop (erf)  }
0x402: {  	v18 =	vmul.f32 v24, v18;
	v20, _, _ =	vpop (xrf2);
	[tilespmem:s29+$0xFFFFFFC0] =	vst v27;
	v0 =	vmul.f32 v14, v29  }
0x403: {  	v20 =	vmul.f32 $1.442695020e+00, v20;
	v27 =	vld [tilespmem:s13+$0xFFFFFFD0]  }
0x404: {  	(erf) = vpow2.f32 v17;
	v17 =	vmul.f32 v33, v32;
	(xrf2) =	vadd.scan.msk.f32 $0xffff, v18;
	v18 =	vld [tilespmem:s30+$0x30];
	[tilespmem:s25+$0x60] =	vst v0;
	v24 =	vpop (erf)  }
0x405: {  	v20 =	vbroadcast v20, $0xF;
	v29, _, _ =	vpop (xrf2);
	v32 =	vld [tilespmem:s3+$0x70];
	v0 =	vmul.f32 v24, v31;
	v19 =	vsel vm7, v19, v24  }
0x406: {  	v24 =	vmul.f32 $1.442695020e+00, v29;
	v29 =	vld [tilespmem:s2+$0x70]  }
0x407: {  	(erf) = vpow2.f32 v20;
	(xrf2) =	vadd.scan.msk.f32 $0xffff, v17;
	v31 =	vpop (erf);
	v17 =	vld [tilespmem:s31+$0xFFFFFFD0];
	[tilespmem:s24+$0xFFFFFFF0] =	vst v0;
	s24 =	smov.u32 s25;
	s25 =	smov.u32 s29;
	s29 =	smov.u32 s14  }
0x408: {  	s5 =	sadd.s32 $0x100, s5;
	s14 =	smov.u32 s21;
	v20 =	vbroadcast v24, $0xF;
	v24 =	vld [tilespmem:s26+$0xFFFFFFD0];
	v33, _, _ =	vpop (xrf2);
	[tilespmem:s8+$0xFFFFFFF0] =	vst v19  }
0x409: {  	v19 =	vld [tilespmem:s5+$0x0];
	v18 =	vmul.f32 v31, v18;
	v33 =	vmul.f32 $1.442695020e+00, v33  }
0x40a: {  	v35 =	vld [tilespmem:s5+$0xFFFFFF80];
	(erf) = vpow2.f32 v20  }
0x40b: {  	[tilespmem:s29+$0x30] =	vst v18;
	v18 =	vbroadcast v33, $0xF;
	v20 =	vmul.f32 v29, v32;
	v29, _, _ =	vpop (xrf2)  }
0x40c: {  	v32 =	vld [tilespmem:s0+$0x40];
	v17 =	vmul.f32 v17, v27;
	v27 =	vmul.f32 $1.442695020e+00, v29  }
0x40d: {  	v33 =	vpop (erf);
	v29 =	vld [tilespmem:s1+$0x40];
	(erf) = vpow2.f32 v18;
	(xrf2) =	vadd.scan.msk.f32 $0xffff, v20  }
0x40e: {  	v0 =	vmul.f32 v33, v19;
	v19, _, _ =	vpop (xrf2);
	v36 =	vbroadcast v27, $0xF  }
0x40f: {  	s21 =	sadd.s32 $0x100, s21;
	v19 =	vmul.f32 $1.442695020e+00, v19  }
0x410: {  	[tilespmem:s21+$0x0] =	vst v0;
	v18 =	vpop (erf);
	(xrf2) =	vadd.scan.msk.f32 $0xffff, v17;
	(erf) = vpow2.f32 v36  }
0x411: {  	v0 =	vmul.f32 v18, v35;
	v18 =	vnsel vm0, $0x0, v18;
	v27 =	vld [tilespmem:s9+$0x10];
	v19 =	vbroadcast v19, $0xF;
	v20, _, _ =	vpop (xrf2)  }
0x412: {  	v35 =	vld [tilespmem:s19+$0x10];
	v20 =	vmul.f32 $1.442695020e+00, v20;
	v29 =	vmul.f32 v29, v32  }
0x413: {  	[tilespmem:s21+$0xFFFFFF80] =	vst v0;
	(erf) = vpow2.f32 v19;
	v17 =	vpop (erf);
	v19 =	vld [tilespmem:s26+$0x50]  }
0x414: {  	v32 =	vld [tilespmem:s9+$0xFFFFFF90];
	v0 =	vbroadcast v20, $0xF;
	v34 =	vmul.f32 v17, v34;
	v17 =	vsel vm3, v15, v17;
	(xrf2) =	vadd.scan.msk.f32 $0xffff, v29  }
0x415: {  	v15 =	vld [tilespmem:s19+$0xFFFFFF90]  }
0x416: {  	v29 =	vld [tilespmem:s5+$0xFFFFFF90];
	(erf) = vpow2.f32 v0;
	[tilespmem:s29+$0xFFFFFFB0] =	vst v34;
	v20 =	vpop (erf)  }
0x417: {  	v27 =	vmul.f32 v35, v27;
	v34 =	vld [tilespmem:s0+$0xFFFFFFC0];
	v35, _, _ =	vpop (xrf2)  }
0x418: {  	v36 =	vld [tilespmem:s15+$0x20];
	v19 =	vmul.f32 v20, v19;
	v35 =	vmul.f32 $1.442695020e+00, v35  }
0x419: {  	(xrf2) =	vadd.scan.msk.f32 $0xffff, v27;
	v37 =	vld [tilespmem:s1+$0xFFFFFFC0];
	v38 =	vpop (erf)  }
0x41a: {  	v15 =	vmul.f32 v15, v32;
	v27 =	vld [tilespmem:s30+$0xFFFFFFC0];
	[tilespmem:s25+$0x50] =	vst v19;
	v32, _, _ =	vpop (xrf2);
	v19 =	vsel vm6, v21, v38;
	v35 =	vbroadcast v35, $0xF  }
0x41b: {  	v26 =	vmul.f32 v38, v26;
	v32 =	vmul.f32 $1.442695020e+00, v32;
	v39 =	vld [tilespmem:s13+$0x60]  }
0x41c: {  	(xrf2) =	vadd.scan.msk.f32 $0xffff, v15;
	v21 =	vpop (erf);
	v38 =	vld [tilespmem:s31+$0x60];
	(erf) = vpow2.f32 v35  }
0x41d: {  	v0 =	vmul.f32 v21, v36;
	v32 =	vbroadcast v32, $0xF;
	[tilespmem:s24+$0xFFFFFFE0] =	vst v26  }
0x41e: {  	v26 =	vmul.f32 v37, v34;
	v34, _, _ =	vpop (xrf2);
	v40 =	vld [tilespmem:s3+$0xFFFFFFF0];
	s3 =	smov.u32 s13;
	s13 =	smov.u32 s0;
	s0 =	smov.u32 s17  }
0x41f: {  	[tilespmem:s14+$0x20] =	vst v0;
	v15 =	vpop (erf);
	v34 =	vmul.f32 $1.442695020e+00, v34;
	(erf) = vpow2.f32 v32;
	v41 =	vld [tilespmem:s2+$0xFFFFFFF0];
	s2 =	smov.u32 s31;
	s31 =	smov.u32 s1;
	s1 =	smov.u32 s6  }
0x420: {  	s17 =	smov.u32 s9;
	s6 =	smov.u32 s19;
	v30 =	vmul.f32 v15, v30;
	v15 =	vsel vm2, v23, v15;
	v32 =	vld [tilespmem:s0+$0x30];
	(xrf2) =	vadd.scan.msk.f32 $0xffff, v26  }
.Ltmp3:
0x421: {  	v35 =	vnsel vm0, $0x0, v1;
	v1 =	vmovc v3;
	v3 =	vmovc v6;
	v26 =	vbroadcast v34, $0xF;
	v34 =	vmul.f32 v38, v39;
	v23 =	vld [tilespmem:s23+$0x70];
	(pc) =	sbr.rel @p0 .LBB2_8-.Ltmp3, $4  }
0x422: {  	v6 =	vmovc v13;
	v35 =	vsel vm1, v35, v2;
	v2 =	vmovc v5;
	v5 =	vmov v10;
	v10 =	vmov v25;
	[tilespmem:s14+$0xFFFFFFA0] =	vst v30;
	v36 =	vld [tilespmem:s1+$0x30]  }
0x423: {  	v13 =	vmov v33;
	v39 =	vsel vm2, v35, v4;
	v25, _, _ =	vpop (xrf2);
	v30 =	vld [tilespmem:s0+$0xFFFFFFB0];
	(erf) = vpow2.f32 v26;
	(xrf2) =	vadd.scan.msk.f32 $0xffff, v34  }
0x424: {  	v0 =	vsel vm3, v39, v7;
	v7 =	vmovc v12;
	v12 =	vmovc v31;
	v37 =	vmul.f32 $1.442695020e+00, v25;
	v35 =	vld [tilespmem:s1+$0xFFFFFFB0];
	v38 =	vmul.f32 v41, v40  }
0x425: {  	s9 =	sadd.s32 $0x100, s9;
	v4 =	vmov v22;
	v26 =	vsel vm4, v0, v11;
	v11 =	vmov v28;
	v34 =	vld [tilespmem:s15+$0xFFFFFFB0];
	v25 =	vpop (erf)  }
0x426: {  	_ = 	snop  }
0x427: {  	v22 =	vmul.f32 v36, v32  }
0x428: {  	(xrf2) =	vadd.scan.msk.f32 $0xffff, v38  }
0x429: {  	(xrf2) =	vadd.scan.msk.f32 $0xffff, v22;
	_ =	sdelay $0x2  }
0x42a: {  	v60 =	vbroadcast v37, $0xF;
	v28, _, _ =	vpop (xrf2)  }
0x42b: {  	v31 =	vld [tilespmem:s30+$0x40];
	v61 =	vmul.f32 $1.442695020e+00, v28  }
0x42c: {  	(erf) = vpow2.f32 v60;
	v33, _, _ =	vpop (xrf2)  }
0x42d: {  	v28 =	vpop (erf);
	v32 =	vbroadcast v61, $0xF;
	v33 =	vmul.f32 $1.442695020e+00, v33  }
0x42e: {  	v24 =	vmul.f32 v28, v24;
	v0 =	vpop (erf)  }
0x42f: {  	(erf) = vpow2.f32 v32;
	v62, _, _ =	vpop (xrf2);
	v22 =	vbroadcast v33, $0xF  }
0x430: {  	v31 =	vmul.f32 v0, v31;
	v36 =	vmul.f32 $1.442695020e+00, v62;
	v43, _, _ =	vpop (xrf2)  }
0x431: {  	v63 =	vld [tilespmem:s5+$0x10];
	(erf) = vpow2.f32 v22;
	v37 =	vmul.f32 $1.442695020e+00, v43;
	v39, _, _ =	vpop (xrf2)  }
0x432: {  	v36 =	vbroadcast v36, $0xF;
	v45 =	vmul.f32 $1.442695020e+00, v39  }
0x433: {  	v30 =	vmul.f32 v35, v30;
	[tilespmem:s29+$0x40] =	vst v31;
	v47 =	vbroadcast v37, $0xF  }
0x434: {  	v42 =	vld [tilespmem:s13+$0x50];
	(erf) = vpow2.f32 v36;
	v31 =	vbroadcast v45, $0xF  }
0x435: {  	[tilespmem:s25+$0xFFFFFFD0] =	vst v24;
	v44 =	vld [tilespmem:s31+$0x50];
	v24 =	vpop (erf);
	(erf) = vpow2.f32 v47  }
0x436: {  	v32 =	vmul.f32 v24, v63;
	(erf) = vpow2.f32 v31  }
0x437: {  	v49 =	vld [tilespmem:s26+$0x60]  }
0x438: {  	v53 =	vld [tilespmem:s15+$0x30];
	(xrf2) =	vadd.scan.msk.f32 $0xffff, v30;
	v30 =	vpop (erf)  }
0x439: {  	v46 =	vld [tilespmem:s3+$0xFFFFFFE0];
	v29 =	vmul.f32 v30, v29  }
0x43a: {  	v48 =	vld [tilespmem:s2+$0xFFFFFFE0];
	[tilespmem:s21+$0x10] =	vst v32;
	v33 =	vmul.f32 v44, v42;
	v32 =	vpop (erf)  }
0x43b: {  	v51 =	vld [tilespmem:s17+$0x20];
	v27 =	vmul.f32 v32, v27  }
0x43c: {  	v52 =	vld [tilespmem:s6+$0x20];
	[tilespmem:s21+$0xFFFFFF90] =	vst v29  }
0x43d: {  	v54 =	vld [tilespmem:s17+$0xFFFFFFA0];
	v29 =	vpop (erf)  }
0x43e: {  	(xrf2) =	vadd.scan.msk.f32 $0xffff, v33;
	v55 =	vld [tilespmem:s6+$0xFFFFFFA0];
	[tilespmem:s29+$0xFFFFFFC0] =	vst v27;
	v31 =	vmul.f32 v29, v49;
	v33 =	vpop (erf)  }
0x43f: {  	v50 =	vmul.f32 v48, v46;
	v40 =	vld [tilespmem:s13+$0xFFFFFFD0];
	v27 =	vpop (erf)  }
0x440: {  	v57 =	vld [tilespmem:s31+$0xFFFFFFD0];
	[tilespmem:s25+$0x60] =	vst v31;
	v37 =	vmul.f32 v27, v53  }
0x441: {  	(xrf2) =	vadd.scan.msk.f32 $0xffff, v50;
	v31 =	vld [tilespmem:s3+$0x70]  }
0x442: {  	v42 =	vld [tilespmem:s2+$0x70];
	[tilespmem:s14+$0x30] =	vst v37  }
0x443: {  	v35 =	vmul.f32 v52, v51;
	v60 =	vld [tilespmem:s0+$0x40]  }
0x444: {  	v61 =	vld [tilespmem:s1+$0x40]  }
0x445: {  	(xrf2) =	vadd.scan.msk.f32 $0xffff, v35  }
0x446: {  	v56 =	vmul.f32 v55, v54  }
0x447: {  	v31 =	vmul.f32 v42, v31  }
0x448: {  	(xrf2) =	vadd.scan.msk.f32 $0xffff, v56;
	v40 =	vmul.f32 v57, v40  }
0x449: {  	v41, _, _ =	vpop (xrf2);
	(xrf2) =	vadd.scan.msk.f32 $0xffff, v31;
	v35 =	vmul.f32 v61, v60  }
0x44a: {  	v59 =	vmul.f32 $1.442695020e+00, v41;
	v58, _, _ =	vpop (xrf2);
	(xrf2) =	vadd.scan.msk.f32 $0xffff, v40  }
0x44b: {  	v39 =	vmul.f32 $1.442695020e+00, v58;
	v22, _, _ =	vpop (xrf2);
	(xrf2) =	vadd.scan.msk.f32 $0xffff, v35  }
0x44c: {  	v62 =	vbroadcast v59, $0xF  }
0x44d: {  	v63 =	vbroadcast v39, $0xF;
	v39 =	vmul.f32 $1.442695020e+00, v22;
	_ =	sdelay $0x1  }
0x44e: {  	(erf) = vpow2.f32 v62;
	v42 =	vbroadcast v39, $0xF;
	v43, _, _ =	vpop (xrf2)  }
0x44f: {  	(erf) = vpow2.f32 v63;
	v45 =	vmul.f32 $1.442695020e+00, v43  }
0x450: {  	(erf) = vpow2.f32 v42  }
0x451: {  	v44, _, _ =	vpop (xrf2);
	v47 =	vbroadcast v45, $0xF  }
0x452: {  	v35 =	vmul.f32 $1.442695020e+00, v44;
	v48, _, _ =	vpop (xrf2)  }
0x453: {  	(erf) = vpow2.f32 v47;
	v49 =	vmul.f32 $1.442695020e+00, v48;
	v50, _, _ =	vpop (xrf2)  }
0x454: {  	v35 =	vbroadcast v35, $0xF;
	v39 =	vmul.f32 $1.442695020e+00, v50;
	v51, _, _ =	vpop (xrf2)  }
0x455: {  	v46 =	vld [tilespmem:s26+$0xFFFFFFE0];
	v40 =	vbroadcast v49, $0xF;
	v41 =	vmul.f32 $1.442695020e+00, v51  }
0x456: {  	v53 =	vld [tilespmem:s30+$0x50];
	(erf) = vpow2.f32 v35;
	v52 =	vbroadcast v39, $0xF  }
0x457: {  	v36 =	vpop (erf);
	(erf) = vpow2.f32 v40;
	v54 =	vbroadcast v41, $0xF  }
0x458: {  	v56 =	vld [tilespmem:s5+$0x20];
	v34 =	vmul.f32 v36, v34;
	v31 =	vpop (erf);
	(erf) = vpow2.f32 v52  }
0x459: {  	v58 =	vld [tilespmem:s5+$0xFFFFFFA0];
	v37 =	vpop (erf);
	(erf) = vpow2.f32 v54  }
0x45a: {  	v45 =	vld [tilespmem:s15+$0x40];
	[tilespmem:s14+$0xFFFFFFB0] =	vst v34;
	v38 =	vmul.f32 v37, v46  }
0x45b: {  	v43 =	vld [tilespmem:s0+$0xFFFFFFC0];
	v39 =	vmul.f32 v31, v53  }
0x45c: {  	v44 =	vld [tilespmem:s1+$0xFFFFFFC0];
	[tilespmem:s25+$0xFFFFFFE0] =	vst v38  }
0x45d: {  	v34 =	vpop (erf);
	v55 =	vld [tilespmem:s3+$0xFFFFFFF0];
	[tilespmem:s29+$0x50] =	vst v39  }
0x45e: {  	v35 =	vmul.f32 v34, v56;
	v46 =	vld [tilespmem:s13+$0x60]  }
0x45f: {  	v47 =	vld [tilespmem:s31+$0x60];
	v39 =	vpop (erf)  }
0x460: {  	v57 =	vld [tilespmem:s2+$0xFFFFFFF0];
	[tilespmem:s21+$0x20] =	vst v35;
	v40 =	vpop (erf)  }
0x461: {  	v49 =	vld [tilespmem:s17+$0x30];
	v48 =	vmul.f32 v39, v58;
	v38 =	vpop (erf)  }
0x462: {  	v43 =	vmul.f32 v44, v43;
	v59 =	vld [tilespmem:s6+$0x30];
	v35 =	vpop (erf)  }
0x463: {  	[tilespmem:s21+$0xFFFFFFA0] =	vst v48;
	v45 =	vmul.f32 v35, v45  }
0x464: {  	(xrf2) =	vadd.scan.msk.f32 $0xffff, v43;
	v46 =	vmul.f32 v47, v46;
	v60 =	vld [tilespmem:s17+$0xFFFFFFB0]  }
0x465: {  	v61 =	vld [tilespmem:s6+$0xFFFFFFB0];
	[tilespmem:s14+$0x40] =	vst v45  }
0x466: {  	v41 =	vmul.f32 v57, v55;
	(xrf2) =	vadd.scan.msk.f32 $0xffff, v46;
	v62 =	vld [tilespmem:s0+$0x50]  }
0x467: {  	v44 =	vmul.f32 v59, v49;
	v45 =	vld [tilespmem:s1+$0x50]  }
0x468: {  	(xrf2) =	vadd.scan.msk.f32 $0xffff, v41  }
0x469: {  	(xrf2) =	vadd.scan.msk.f32 $0xffff, v44  }
0x46a: {  	v63 =	vmul.f32 v61, v60;
	_ =	sdelay $0x1  }
0x46b: {  	(xrf2) =	vadd.scan.msk.f32 $0xffff, v63;
	v22 =	vmul.f32 v45, v62;
	_ =	sdelay $0x1  }
0x46c: {  	v45, _, _ =	vpop (xrf2);
	(xrf2) =	vadd.scan.msk.f32 $0xffff, v22;
	_ =	sdelay $0x1  }
0x46d: {  	v46 =	vmul.f32 $1.442695020e+00, v45;
	v47, _, _ =	vpop (xrf2)  }
0x46e: {  	v42 =	vmul.f32 $1.442695020e+00, v47  }
0x46f: {  	v48, _, _ =	vpop (xrf2);
	v41 =	vbroadcast v46, $0xF  }
0x470: {  	v49 =	vmul.f32 $1.442695020e+00, v48;
	v50, _, _ =	vpop (xrf2);
	v42 =	vbroadcast v42, $0xF  }
0x471: {  	v43 =	vmul.f32 $1.442695020e+00, v50;
	(erf) = vpow2.f32 v41  }
0x472: {  	v53 =	vld [tilespmem:s30+$0xFFFFFFD0];
	v41 =	vbroadcast v49, $0xF  }
0x473: {  	v52, _, _ =	vpop (xrf2);
	(erf) = vpow2.f32 v42;
	v51 =	vbroadcast v43, $0xF  }
0x474: {  	v54 =	vmul.f32 $1.442695020e+00, v52;
	(erf) = vpow2.f32 v41  }
0x475: {  	(erf) = vpow2.f32 v51;
	v55, _, _ =	vpop (xrf2)  }
0x476: {  	v56 =	vld [tilespmem:s15+$0xFFFFFFC0];
	v41 =	vbroadcast v54, $0xF;
	v42 =	vmul.f32 $1.442695020e+00, v55  }
0x477: {  	v59 =	vmul.f32 v38, v53  }
0x478: {  	v57 =	vld [tilespmem:s30+$0x60];
	(erf) = vpow2.f32 v41;
	v58 =	vbroadcast v42, $0xF  }
0x479: {  	v60 =	vld [tilespmem:s5+$0xFFFFFFB0]  }
0x47a: {  	[tilespmem:s29+$0xFFFFFFD0] =	vst v59;
	v62 =	vld [tilespmem:s5+$0x30];
	v44 =	vpop (erf);
	(erf) = vpow2.f32 v58  }
0x47b: {  	v63 =	vld [tilespmem:s13+$0xFFFFFFE0];
	v61 =	vmul.f32 v44, v56  }
0x47c: {  	v22 =	vld [tilespmem:s31+$0xFFFFFFE0];
	v42 =	vpop (erf)  }
0x47d: {  	v51 =	vld [tilespmem:s15+$0x50];
	[tilespmem:s14+$0xFFFFFFC0] =	vst v61;
	v59 =	vmul.f32 v42, v57;
	v45 =	vpop (erf)  }
0x47e: {  	v50 =	vld [tilespmem:s0+$0xFFFFFFD0];
	v41 =	vpop (erf)  }
0x47f: {  	v54 =	vld [tilespmem:s1+$0xFFFFFFD0];
	[tilespmem:s29+$0x60] =	vst v59;
	v43 =	vmul.f32 v41, v62  }
0x480: {  	v52 =	vld [tilespmem:s13+$0x70]  }
0x481: {  	v46 =	vpop (erf);
	v53 =	vld [tilespmem:s31+$0x70];
	[tilespmem:s21+$0x30] =	vst v43  }
0x482: {  	v47 =	vmul.f32 v46, v60;
	v55 =	vld [tilespmem:s17+$0x40]  }
0x483: {  	v56 =	vld [tilespmem:s6+$0x40];
	v43 =	vpop (erf)  }
0x484: {  	[tilespmem:s21+$0xFFFFFFB0] =	vst v47;
	v60 =	vmul.f32 v43, v51  }
0x485: {  	v48 =	vmul.f32 v22, v63;
	v61 =	vld [tilespmem:s17+$0xFFFFFFC0]  }
0x486: {  	v62 =	vld [tilespmem:s6+$0xFFFFFFC0];
	v63 =	vmul.f32 v53, v52;
	[tilespmem:s14+$0x50] =	vst v60  }
0x487: {  	(xrf2) =	vadd.scan.msk.f32 $0xffff, v48;
	v53 =	vmul.f32 v54, v50;
	v22 =	vld [tilespmem:s0+$0x60]  }
0x488: {  	(xrf2) =	vadd.scan.msk.f32 $0xffff, v63;
	v57 =	vmul.f32 v56, v55;
	v54 =	vld [tilespmem:s1+$0x60]  }
0x489: {  	(xrf2) =	vadd.scan.msk.f32 $0xffff, v53  }
0x48a: {  	(xrf2) =	vadd.scan.msk.f32 $0xffff, v57;
	_ =	sdelay $0x1  }
0x48b: {  	v58 =	vmul.f32 v62, v61  }
0x48c: {  	v59 =	vmul.f32 v54, v22  }
0x48d: {  	(xrf2) =	vadd.scan.msk.f32 $0xffff, v58  }
0x48e: {  	(xrf2) =	vadd.scan.msk.f32 $0xffff, v59;
	_ =	sdelay $0x1  }
0x48f: {  	v60, _, _ =	vpop (xrf2)  }
0x490: {  	v47 =	vmul.f32 $1.442695020e+00, v60;
	v61, _, _ =	vpop (xrf2)  }
0x491: {  	v48 =	vmul.f32 $1.442695020e+00, v61;
	v62, _, _ =	vpop (xrf2)  }
0x492: {  	v47 =	vbroadcast v47, $0xF;
	v49 =	vmul.f32 $1.442695020e+00, v62;
	v63, _, _ =	vpop (xrf2)  }
0x493: {  	v48 =	vbroadcast v48, $0xF;
	v50 =	vmul.f32 $1.442695020e+00, v63  }
0x494: {  	(erf) = vpow2.f32 v47;
	v22 =	vbroadcast v49, $0xF  }
0x495: {  	(erf) = vpow2.f32 v48;
	v52 =	vbroadcast v50, $0xF  }
0x496: {  	v53, _, _ =	vpop (xrf2);
	(erf) = vpow2.f32 v22  }
0x497: {  	v54 =	vmul.f32 $1.442695020e+00, v53;
	(erf) = vpow2.f32 v52;
	v55, _, _ =	vpop (xrf2)  }
0x498: {  	v56 =	vmul.f32 $1.442695020e+00, v55  }
0x499: {  	v57 =	vld [tilespmem:s30+$0xFFFFFFE0];
	v47 =	vbroadcast v54, $0xF  }
0x49a: {  	v48 =	vbroadcast v56, $0xF  }
0x49b: {  	v58 =	vld [tilespmem:s15+$0xFFFFFFD0];
	(erf) = vpow2.f32 v47  }
0x49c: {  	v59 =	vld [tilespmem:s5+$0x40];
	(erf) = vpow2.f32 v48  }
0x49d: {  	v52 =	vpop (erf)  }
0x49e: {  	v60 =	vmul.f32 v52, v57;
	v49 =	vpop (erf)  }
0x49f: {  	v61 =	vld [tilespmem:s5+$0xFFFFFFC0];
	v48 =	vpop (erf)  }
0x4a0: {  	v63 =	vld [tilespmem:s15+$0x60];
	[tilespmem:s29+$0xFFFFFFE0] =	vst v60;
	v62 =	vmul.f32 v48, v58;
	v47 =	vpop (erf)  }
0x4a1: {  	v55 =	vld [tilespmem:s13+$0xFFFFFFF0];
	v50 =	vmul.f32 v47, v59  }
0x4a2: {  	v22 =	vld [tilespmem:s31+$0xFFFFFFF0];
	[tilespmem:s14+$0xFFFFFFD0] =	vst v62  }
0x4a3: {  	v57 =	vld [tilespmem:s0+$0xFFFFFFE0];
	[tilespmem:s21+$0x40] =	vst v50  }
0x4a4: {  	v51 =	vpop (erf);
	v58 =	vld [tilespmem:s17+$0x50]  }
0x4a5: {  	v53 =	vmul.f32 v51, v61;
	v59 =	vld [tilespmem:s6+$0x50];
	v50 =	vpop (erf)  }
0x4a6: {  	v60 =	vld [tilespmem:s1+$0xFFFFFFE0];
	v54 =	vmul.f32 v50, v63  }
0x4a7: {  	[tilespmem:s21+$0xFFFFFFC0] =	vst v53  }
0x4a8: {  	v53 =	vld [tilespmem:s17+$0xFFFFFFD0];
	[tilespmem:s14+$0x60] =	vst v54  }
0x4a9: {  	v55 =	vmul.f32 v22, v55;
	v54 =	vld [tilespmem:s0+$0x70]  }
0x4aa: {  	v58 =	vmul.f32 v59, v58;
	v22 =	vld [tilespmem:s1+$0x70]  }
0x4ab: {  	(xrf2) =	vadd.scan.msk.f32 $0xffff, v55;
	v61 =	vld [tilespmem:s6+$0xFFFFFFD0];
	v62 =	vmul.f32 v60, v57  }
0x4ac: {  	(xrf2) =	vadd.scan.msk.f32 $0xffff, v58  }
0x4ad: {  	(xrf2) =	vadd.scan.msk.f32 $0xffff, v62;
	_ =	sdelay $0x1  }
0x4ae: {  	v54 =	vmul.f32 v22, v54  }
0x4af: {  	v53 =	vmul.f32 v61, v53  }
0x4b0: {  	(xrf2) =	vadd.scan.msk.f32 $0xffff, v54  }
0x4b1: {  	(xrf2) =	vadd.scan.msk.f32 $0xffff, v53;
	_ =	sdelay $0x2  }
0x4b2: {  	v63, _, _ =	vpop (xrf2)  }
0x4b3: {  	v53 =	vmul.f32 $1.442695020e+00, v63;
	v22, _, _ =	vpop (xrf2)  }
0x4b4: {  	v54 =	vmul.f32 $1.442695020e+00, v22;
	v55, _, _ =	vpop (xrf2)  }
0x4b5: {  	v53 =	vbroadcast v53, $0xF;
	v55 =	vmul.f32 $1.442695020e+00, v55  }
0x4b6: {  	v54 =	vbroadcast v54, $0xF  }
0x4b7: {  	(erf) = vpow2.f32 v53;
	v57 =	vbroadcast v55, $0xF  }
0x4b8: {  	(erf) = vpow2.f32 v54;
	v58, _, _ =	vpop (xrf2)  }
0x4b9: {  	(erf) = vpow2.f32 v57;
	v59 =	vmul.f32 $1.442695020e+00, v58;
	v60, _, _ =	vpop (xrf2)  }
0x4ba: {  	v61 =	vmul.f32 $1.442695020e+00, v60  }
0x4bb: {  	v54 =	vbroadcast v59, $0xF  }
0x4bc: {  	v53 =	vbroadcast v61, $0xF  }
0x4bd: {  	v63 =	vld [tilespmem:s5+$0x50];
	(erf) = vpow2.f32 v54  }
0x4be: {  	v62 =	vld [tilespmem:s15+$0xFFFFFFE0];
	(erf) = vpow2.f32 v53;
	_ =	sdelay $0x1  }
0x4bf: {  	v54 =	vpop (erf)  }
0x4c0: {  	v53 =	vpop (erf)  }
0x4c1: {  	v55 =	vpop (erf);
	v59 =	vmul.f32 v53, v63  }
0x4c2: {  	v58 =	vld [tilespmem:s5+$0xFFFFFFD0];
	v56 =	vmul.f32 v55, v62  }
0x4c3: {  	[tilespmem:s21+$0x50] =	vst v59  }
0x4c4: {  	v59 =	vld [tilespmem:s17+$0x60]  }
0x4c5: {  	v62 =	vld [tilespmem:s6+$0x60];
	v57 =	vpop (erf)  }
0x4c6: {  	[tilespmem:s14+$0xFFFFFFE0] =	vst v56;
	v56 =	vpop (erf)  }
0x4c7: {  	v58 =	vmul.f32 v56, v58  }
0x4c8: {  	v22 =	vld [tilespmem:s0+$0xFFFFFFF0]  }
0x4c9: {  	v61 =	vld [tilespmem:s1+$0xFFFFFFF0];
	[tilespmem:s21+$0xFFFFFFD0] =	vst v58  }
0x4ca: {  	v59 =	vmul.f32 v62, v59;
	v58 =	vld [tilespmem:s17+$0xFFFFFFE0]  }
0x4cb: {  	v63 =	vld [tilespmem:s6+$0xFFFFFFE0]  }
0x4cc: {  	(xrf2) =	vadd.scan.msk.f32 $0xffff, v59;
	_ =	sdelay $0x2  }
0x4cd: {  	v60 =	vmul.f32 v61, v22  }
0x4ce: {  	v58 =	vmul.f32 v63, v58  }
0x4cf: {  	(xrf2) =	vadd.scan.msk.f32 $0xffff, v60  }
0x4d0: {  	(xrf2) =	vadd.scan.msk.f32 $0xffff, v58;
	_ =	sdelay $0x3  }
0x4d1: {  	v62, _, _ =	vpop (xrf2)  }
0x4d2: {  	v58 =	vmul.f32 $1.442695020e+00, v62;
	_ =	sdelay $0x1  }
0x4d3: {  	v58 =	vbroadcast v58, $0xF;
	_ =	sdelay $0x1  }
0x4d4: {  	v63, _, _ =	vpop (xrf2);
	(erf) = vpow2.f32 v58  }
0x4d5: {  	v59 =	vmul.f32 $1.442695020e+00, v63;
	v22, _, _ =	vpop (xrf2)  }
0x4d6: {  	v60 =	vmul.f32 $1.442695020e+00, v22  }
0x4d7: {  	v59 =	vbroadcast v59, $0xF  }
0x4d8: {  	v63 =	vbroadcast v60, $0xF  }
0x4d9: {  	v58 =	vld [tilespmem:s5+$0x60];
	(erf) = vpow2.f32 v59  }
0x4da: {  	(erf) = vpow2.f32 v63;
	_ =	sdelay $0x2  }
0x4db: {  	v60 =	vpop (erf)  }
0x4dc: {  	v58 =	vmul.f32 v60, v58  }
0x4dd: {  	v22 =	vld [tilespmem:s5+$0xFFFFFFE0]  }
0x4de: {  	[tilespmem:s21+$0x60] =	vst v58  }
0x4df: {  	v58 =	vld [tilespmem:s17+$0x70]  }
0x4e0: {  	v61 =	vpop (erf);
	v63 =	vld [tilespmem:s6+$0x70]  }
0x4e1: {  	v62 =	vpop (erf)  }
0x4e2: {  	v59 =	vmul.f32 v62, v22;
	_ =	sdelay $0x1  }
0x4e3: {  	[tilespmem:s21+$0xFFFFFFE0] =	vst v59  }
0x4e4: {  	v58 =	vmul.f32 v63, v58;
	v59 =	vld [tilespmem:s17+$0xFFFFFFF0]  }
0x4e5: {  	v22 =	vld [tilespmem:s6+$0xFFFFFFF0]  }
0x4e6: {  	(xrf2) =	vadd.scan.msk.f32 $0xffff, v58;
	_ =	sdelay $0x3  }
0x4e7: {  	v22 =	vmul.f32 v22, v59;
	_ =	sdelay $0x1  }
0x4e8: {  	(xrf2) =	vadd.scan.msk.f32 $0xffff, v22;
	_ =	sdelay $0x1  }
0x4e9: {  	v1 =	vnsel vm0, $0x0, v1  }
0x4ea: {  	v9 =	vsel vm5, v26, v9;
	v3 =	vnsel vm0, $0x0, v3;
	v1 =	vsel vm1, v1, v2  }
0x4eb: {  	v9 =	vsel vm6, v9, v14;
	v14 =	vmul.f32 v25, v23;
	v1 =	vsel vm2, v1, v4;
	v4 =	vld [tilespmem:s15+$0x70];
	v59, _, _ =	vpop (xrf2)  }
0x4ec: {  	v3 =	vsel vm1, v3, v5;
	v9 =	vsel vm7, v9, v25;
	v25 =	vld [tilespmem:s15+$0xFFFFFFF0];
	v22 =	vmul.f32 $1.442695020e+00, v59  }
0x4ed: {  	v3 =	vsel vm2, v3, v8;
	v16 =	vsel vm5, v16, v28;
	v1 =	vsel vm3, v1, v7;
	v59 =	vld [tilespmem:s23+$0xFFFFFFF0]  }
0x4ee: {  	v3 =	vsel vm3, v3, v12;
	v1 =	vsel vm4, v1, v11;
	v26 =	vld [tilespmem:s26+$0x70];
	v22 =	vbroadcast v22, $0xF  }
0x4ef: {  	v1 =	vsel vm5, v1, v20;
	v3 =	vsel vm4, v3, v0;
	v18 =	vsel vm1, v18, v30  }
0x4f0: {  	s11 =	sadd.s32 $0x20, s8;
	[tilespmem:s24+$0x70] =	vst v14;
	v2 =	vsel vm4, v17, v32;
	v4 =	vmul.f32 v57, v4;
	(erf) = vpow2.f32 v22;
	v22 =	vld [tilespmem:s30+$0x70]  }
0x4f1: {  	[tilespmem:s11+$0x0] =	vst v9;
	v1 =	vsel vm6, v1, v29;
	v15 =	vsel vm3, v15, v36;
	v36 =	vmul.f32 v61, v25;
	v63, _, _ =	vpop (xrf2)  }
0x4f2: {  	v3 =	vsel vm5, v3, v31;
	v23 =	vld [tilespmem:s30+$0xFFFFFFF0];
	[tilespmem:s14+$0x70] =	vst v4;
	v32 =	vmul.f32 v33, v59;
	v58 =	vmul.f32 $1.442695020e+00, v63  }
0x4f3: {  	v16 =	vsel vm6, v16, v37;
	v1 =	vsel vm7, v1, v40;
	[tilespmem:s14+$0xFFFFFFF0] =	vst v36;
	v59 =	vmul.f32 v40, v26;
	v63 =	vld [tilespmem:s26+$0xFFFFFFF0]  }
0x4f4: {  	v2 =	vsel vm5, v2, v38;
	v15 =	vsel vm4, v15, v44;
	[tilespmem:s24+$0xFFFFFFF0] =	vst v32;
	v58 =	vbroadcast v58, $0xF  }
0x4f5: {  	v3 =	vsel vm6, v3, v42;
	v2 =	vsel vm6, v2, v52;
	s0 =	sadd.s32 $0x20, s11;
	v26 =	vld [tilespmem:s5+$0x70];
	[tilespmem:s25+$0x70] =	vst v59;
	v30 =	vmul.f32 v49, v22  }
0x4f6: {  	v3 =	vsel vm7, v3, v49;
	v2 =	vsel vm7, v2, v54;
	[tilespmem:s0+$0x0] =	vst v1;
	(erf) = vpow2.f32 v58  }
0x4f7: {  	v40 =	vsel vm7, v16, v45;
	v58 =	vsel vm7, v19, v33;
	v33 =	vmul.f32 v54, v23;
	[tilespmem:s29+$0x70] =	vst v30  }
0x4f8: {  	v32 =	vsel vm2, v18, v39;
	v63 =	vmul.f32 v45, v63;
	v45 =	vnsel vm0, $0x0, v6;
	[tilespmem:s11+$0xFFFFFFF0] =	vst v58  }
0x4f9: {  	v11 =	vsel vm3, v32, v46;
	v46 =	vnsel vm0, $0x0, v13;
	[tilespmem:s29+$0xFFFFFFF0] =	vst v33;
	v37 =	vpop (erf);
	v4 =	vsel vm1, v45, v10  }
0x4fa: {  	v6 =	vsel vm1, v46, v24;
	[tilespmem:s25+$0xFFFFFFF0] =	vst v63;
	v38 =	vmul.f32 v37, v26;
	v4 =	vsel vm2, v4, v21  }
0x4fb: {  	v28 =	vld [tilespmem:s5+$0xFFFFFFF0];
	v49 =	vsel vm5, v15, v48;
	v6 =	vsel vm2, v6, v34;
	v4 =	vsel vm3, v4, v27;
	[tilespmem:s0+$0xFFFFFFF0] =	vst v40  }
0x4fc: {  	v51 =	vsel vm4, v11, v51;
	v6 =	vsel vm3, v6, v41;
	s0 =	sadd.s32 $0x20, s0;
	[tilespmem:s21+$0x70] =	vst v38;
	v4 =	vsel vm4, v4, v35  }
0x4fd: {  	v1 =	vsel vm6, v49, v55;
	v54 =	vsel vm4, v6, v47;
	[tilespmem:s0+$0x0] =	vst v3;
	v4 =	vsel vm5, v4, v43  }
0x4fe: {  	v1 =	vsel vm7, v1, v61;
	[tilespmem:s0+$0xFFFFFFF0] =	vst v2;
	s0 =	sadd.s32 $0x20, s0;
	v58 =	vsel vm5, v54, v53;
	v52 =	vsel vm6, v4, v50  }
0x4ff: {  	v59 =	vsel vm5, v51, v56;
	v3 =	vsel vm6, v58, v60;
	[tilespmem:s0+$0xFFFFFFF0] =	vst v1;
	v57 =	vsel vm7, v52, v57;
	v39 =	vpop (erf)  }
0x500: {  	v61 =	vsel vm6, v59, v62;
	v62 =	vsel vm7, v3, v37;
	[tilespmem:s0+$0x0] =	vst v57;
	s0 =	sadd.s32 $0x20, s0;
	v44 =	vmul.f32 v39, v28  }
0x501: {  	[tilespmem:s0+$0x0] =	vst v62  }
0x502: {  	v1 =	vsel vm7, v61, v39;
	[tilespmem:s21+$0xFFFFFFF0] =	vst v44  }
0x503: {  	[tilespmem:s0+$0xFFFFFFF0] =	vst v1  }
0x504: {  	v1 =	vld [tilespmem:$0x78]  }
0x505: {  	v2 =	vld [tilespmem:$0x88]  }
0x506: {  	v63 =	vld [tilespmem:$0x90];
	_ =	sdelay $0x2  }
0x507: {  	[tilespmem:$0xC8] =	vst v1  }
0x508: {  	s12 =	rddreg [dreg:$0x2];
	[tilespmem:$0xD8] =	vst v2  }
0x509: {  	s13 =	simm.s32 $0x28;
	s15 =	simm.s32 $0x7B70;
	s14 =	simm.s32 $0xC8;
	[tilespmem:$0xE0] =	vst v63  }
0x50a: {  	[spmem:s12] =	stream.indirect.scatter.add.f32 [tilespmem:s15], [sflag:$0x4], $0x80, s14, s13, $0xb8;
	[tilespmem:$0x1F9F0] =	vst v63  }
0x50b: {  	s19 =	simm.s32 $0x8F70;
	s17 =	rddreg [dreg:$0x3]  }
0x50c: {  	[spmem:s17] =	stream.indirect.scatter.add.f32 [tilespmem:s19], [sflag:$0x4], $0x10, s14, s13, $0xb8;
	[tilespmem:$0x1F9F0] =	vst v63  }
0x50d: {  	s24 =	simm.s32 $0x0  }
0x50e: {  	[tilespmem:s20], [sflag:$0x5] =	stream.indirect.gather [hbm4b:s16+s13], $0x80, s24, s13, $0xb8;
	[tilespmem:$0x1F9F0] =	vst v63  }
0x50f: {  	s23 =	simm.s32 $0x4E200;
	s25 =	simm.s32 $0x50;
	s21 =	rddreg [dreg:$0xa]  }
0x510: {  	[tilespmem:s25], [sflag:$0x6] =	stream.strided.gather [hbm4b:s21+s13], $0x50, s23, s13, $0x38;
	[tilespmem:$0x1F9F0] =	vst v63  }
0x511: {  	_ =	swait.ge [sflag:s22], $0x50  }
0x512: {  	[sflag:s22] =	ssyncset.done $0x0  }
0x513: {  	[sflag:s22] =	ssyncadd.s32 $0xFFFFFFB0  }
0x514: {  	s28 =	simm.s32 $0x78;
	s29 =	simm.s32 $0x28F0;
	s26 =	rddreg [dreg:$0x0]  }
0x515: {  	[tilespmem:s29], [sflag:$0x2] =	stream.indirect.gather [hbm4b:s26+s13], $0x80, s28, s13, $0xb8;
	[tilespmem:$0x1F9F0] =	vst v63  }
0x516: {  	s31 =	simm.s32 $0x3CF0;
	s20 =	simm.s32 $0x50;
	s30 =	rddreg [dreg:$0x5]  }
0x517: {  	[tilespmem:s31], [sflag:$0x2] =	stream.indirect.gather [hbm4b:s30+s13], $0x80, s25, s13, $0xb8;
	[tilespmem:$0x1F9F0] =	vst v63  }
.LBB2_10:
0x518: {  	s0 =	simm.s32 $0x1  }
0x519: {  	_ =	swait.ge [sflag:s0], $0x1400  }
0x51a: {  	[sflag:s0] =	ssyncset.done $0x0  }
0x51b: {  	[sflag:s0] =	ssyncadd.s32 $0xFFFFEC00  }
0x51c: {  	_ =	swait.ge [sflag:s0], $0x1400  }
0x51d: {  	[sflag:s0] =	ssyncset.done $0x0  }
0x51e: {  	s25 =	simm.s32 $0x3;
	[sflag:s0] =	ssyncadd.s32 $0xFFFFEC00  }
0x51f: {  	_ =	swait.ge [sflag:s25], $0x1400  }
0x520: {  	[sflag:s25] =	ssyncset.done $0x0  }
0x521: {  	[sflag:s25] =	ssyncadd.s32 $0xFFFFEC00  }
0x522: {  	_ =	swait.ge [sflag:s25], $0x280  }
0x523: {  	[sflag:s25] =	ssyncset.done $0x0  }
0x524: {  	s26 =	simm.s32 $0x5;
	[sflag:s25] =	ssyncadd.s32 $0xFFFFFD80  }
0x525: {  	_ =	swait.ge [sflag:s26], $0x1400  }
0x526: {  	[sflag:s26] =	ssyncset.done $0x0  }
0x527: {  	s12 =	simm.s32 $0x170;
	[sflag:s26] =	ssyncadd.s32 $0xFFFFEC00  }
0x528: {  	s5 =	simm.s32 $0x1570;
	v1 =	vld [tilespmem:s12+$0x0]  }
0x529: {  	v2 =	vld [tilespmem:s5+$0x0];
	_ =	sdelay $0x4  }
0x52a: {  	v1 =	vmul.f32 v2, v1;
	_ =	sdelay $0x1  }
0x52b: {  	(xrf2) =	vadd.scan.msk.f32 $0xffff, v1;
	_ =	sdelay $0x7  }
0x52c: {  	v2 =	vld [tilespmem:s12+$0xFFFFFF80]  }
0x52d: {  	v1 =	vld [tilespmem:s5+$0xFFFFFF80]  }
0x52e: {  	v3, _, _ =	vpop (xrf2)  }
0x52f: {  	v3 =	vmul.f32 $1.442695020e+00, v3;
	_ =	sdelay $0x1  }
0x530: {  	v3 =	vbroadcast v3, $0xF  }
0x531: {  	v1 =	vmul.f32 v1, v2  }
0x532: {  	(erf) = vpow2.f32 v3  }
0x533: {  	(xrf2) =	vadd.scan.msk.f32 $0xffff, v1;
	_ =	sdelay $0x2  }
0x534: {  	s7 =	simm.s32 $0x5170  }
0x535: {  	v1 =	vld [tilespmem:s7+$0x0];
	_ =	sdelay $0x3  }
0x536: {  	v16 =	vpop (erf)  }
0x537: {  	v1 =	vmul.f32 v16, v1  }
0x538: {  	s8 =	simm.s32 $0x6570;
	v2, _, _ =	vpop (xrf2)  }
0x539: {  	[tilespmem:s8+$0x0] =	vst v1;
	v1 =	vmul.f32 $1.442695020e+00, v2  }
0x53a: {  	v2 =	vld [tilespmem:s12+$0x10]  }
0x53b: {  	v3 =	vld [tilespmem:s5+$0x10];
	v1 =	vbroadcast v1, $0xF;
	_ =	sdelay $0x1  }
0x53c: {  	(erf) = vpow2.f32 v1;
	_ =	sdelay $0x2  }
0x53d: {  	v1 =	vmul.f32 v3, v2;
	_ =	sdelay $0x1  }
0x53e: {  	(xrf2) =	vadd.scan.msk.f32 $0xffff, v1;
	v1 =	vld [tilespmem:s7+$0xFFFFFF80];
	_ =	sdelay $0x3  }
0x53f: {  	v12 =	vpop (erf)  }
0x540: {  	v1 =	vmul.f32 v12, v1;
	_ =	sdelay $0x1  }
0x541: {  	[tilespmem:s8+$0xFFFFFF80] =	vst v1  }
0x542: {  	v1 =	vld [tilespmem:s12+$0xFFFFFF90]  }
0x543: {  	v2 =	vld [tilespmem:s5+$0xFFFFFF90]  }
0x544: {  	v3, _, _ =	vpop (xrf2)  }
0x545: {  	v3 =	vmul.f32 $1.442695020e+00, v3  }
0x546: {  	s9 =	simm.s32 $0x270  }
0x547: {  	s6 =	simm.s32 $0x1670;
	v4 =	vld [tilespmem:s9+$0x0];
	v3 =	vbroadcast v3, $0xF  }
0x548: {  	v5 =	vld [tilespmem:s6+$0x0];
	v1 =	vmul.f32 v2, v1  }
0x549: {  	(erf) = vpow2.f32 v3  }
0x54a: {  	(xrf2) =	vadd.scan.msk.f32 $0xffff, v1;
	_ =	sdelay $0x2  }
0x54b: {  	v2 =	vld [tilespmem:s7+$0x10];
	v1 =	vmul.f32 v5, v4  }
0x54c: {  	v3 =	vld [tilespmem:s6+$0xFFFFFF80]  }
0x54d: {  	(xrf2) =	vadd.scan.msk.f32 $0xffff, v1;
	v1 =	vld [tilespmem:s9+$0xFFFFFF80];
	_ =	sdelay $0x2  }
0x54e: {  	v17 =	vpop (erf)  }
0x54f: {  	v2 =	vmul.f32 v17, v2  }
0x550: {  	v1 =	vmul.f32 v3, v1;
	v4, _, _ =	vpop (xrf2)  }
0x551: {  	[tilespmem:s8+$0x10] =	vst v2;
	v2 =	vmul.f32 $1.442695020e+00, v4  }
0x552: {  	(xrf2) =	vadd.scan.msk.f32 $0xffff, v1;
	v3 =	vld [tilespmem:s12+$0x20]  }
0x553: {  	v1 =	vld [tilespmem:s5+$0x20];
	v2 =	vbroadcast v2, $0xF;
	_ =	sdelay $0x1  }
0x554: {  	v4, _, _ =	vpop (xrf2);
	(erf) = vpow2.f32 v2  }
0x555: {  	v2 =	vmul.f32 $1.442695020e+00, v4;
	_ =	sdelay $0x1  }
0x556: {  	v2 =	vbroadcast v2, $0xF;
	v1 =	vmul.f32 v1, v3;
	_ =	sdelay $0x1  }
0x557: {  	(erf) = vpow2.f32 v2;
	(xrf2) =	vadd.scan.msk.f32 $0xffff, v1;
	v1 =	vld [tilespmem:s7+$0xFFFFFF90];
	_ =	sdelay $0x1  }
0x558: {  	v2, _, _ =	vpop (xrf2)  }
0x559: {  	v2 =	vmul.f32 $1.442695020e+00, v2  }
0x55a: {  	s23 =	simm.s32 $0x5270;
	v20 =	vpop (erf)  }
0x55b: {  	v3 =	vld [tilespmem:s23+$0x0];
	v2 =	vbroadcast v2, $0xF;
	v1 =	vmul.f32 v20, v1;
	_ =	sdelay $0x1  }
0x55c: {  	(erf) = vpow2.f32 v2;
	[tilespmem:s8+$0xFFFFFF90] =	vst v1  }
0x55d: {  	v1 =	vld [tilespmem:s12+$0xFFFFFFA0]  }
0x55e: {  	v15 =	vpop (erf);
	v2 =	vld [tilespmem:s5+$0xFFFFFFA0]  }
0x55f: {  	v3 =	vmul.f32 v15, v3;
	v4, _, _ =	vpop (xrf2)  }
0x560: {  	s25 =	simm.s32 $0x6670;
	v4 =	vmul.f32 $1.442695020e+00, v4  }
0x561: {  	v5 =	vld [tilespmem:s23+$0xFFFFFF80];
	[tilespmem:s25+$0x0] =	vst v3  }
0x562: {  	v3 =	vld [tilespmem:s9+$0x10];
	v4 =	vbroadcast v4, $0xF  }
0x563: {  	v6 =	vld [tilespmem:s6+$0x10];
	v1 =	vmul.f32 v2, v1  }
0x564: {  	(erf) = vpow2.f32 v4  }
0x565: {  	(xrf2) =	vadd.scan.msk.f32 $0xffff, v1;
	v22 =	vpop (erf)  }
0x566: {  	v1 =	vmul.f32 v22, v5;
	_ =	sdelay $0x1  }
0x567: {  	v2 =	vmul.f32 v6, v3;
	[tilespmem:s25+$0xFFFFFF80] =	vst v1;
	v1 =	vld [tilespmem:s7+$0x20]  }
0x568: {  	v3 =	vld [tilespmem:s9+$0xFFFFFF90]  }
0x569: {  	(xrf2) =	vadd.scan.msk.f32 $0xffff, v2;
	v2 =	vld [tilespmem:s6+$0xFFFFFF90];
	_ =	sdelay $0x2  }
0x56a: {  	v19 =	vpop (erf)  }
0x56b: {  	v1 =	vmul.f32 v19, v1  }
0x56c: {  	v2 =	vmul.f32 v2, v3;
	v4, _, _ =	vpop (xrf2)  }
0x56d: {  	[tilespmem:s8+$0x20] =	vst v1;
	v1 =	vmul.f32 $1.442695020e+00, v4  }
0x56e: {  	(xrf2) =	vadd.scan.msk.f32 $0xffff, v2;
	v3 =	vld [tilespmem:s12+$0x30]  }
0x56f: {  	v2 =	vld [tilespmem:s5+$0x30];
	v1 =	vbroadcast v1, $0xF;
	_ =	sdelay $0x1  }
0x570: {  	v4, _, _ =	vpop (xrf2);
	(erf) = vpow2.f32 v1  }
0x571: {  	s2 =	simm.s32 $0x370;
	v1 =	vmul.f32 $1.442695020e+00, v4  }
0x572: {  	s3 =	simm.s32 $0x1770;
	v4 =	vld [tilespmem:s2+$0x0]  }
0x573: {  	v1 =	vbroadcast v1, $0xF;
	v2 =	vmul.f32 v2, v3;
	v3 =	vld [tilespmem:s3+$0x0];
	_ =	sdelay $0x1  }
0x574: {  	(erf) = vpow2.f32 v1;
	(xrf2) =	vadd.scan.msk.f32 $0xffff, v2;
	v1 =	vld [tilespmem:s7+$0xFFFFFFA0];
	_ =	sdelay $0x1  }
0x575: {  	v2, _, _ =	vpop (xrf2)  }
0x576: {  	v5 =	vld [tilespmem:s3+$0xFFFFFF80];
	v2 =	vmul.f32 $1.442695020e+00, v2;
	v3 =	vmul.f32 v3, v4  }
0x577: {  	v6 =	vld [tilespmem:s2+$0xFFFFFF80];
	v24 =	vpop (erf)  }
0x578: {  	v4 =	vld [tilespmem:s23+$0x10];
	v2 =	vbroadcast v2, $0xF;
	(xrf2) =	vadd.scan.msk.f32 $0xffff, v3;
	v1 =	vmul.f32 v24, v1;
	_ =	sdelay $0x1  }
0x579: {  	(erf) = vpow2.f32 v2;
	[tilespmem:s8+$0xFFFFFFA0] =	vst v1  }
0x57a: {  	v1 =	vld [tilespmem:s12+$0xFFFFFFB0]  }
0x57b: {  	v3 =	vmul.f32 v5, v6;
	v18 =	vpop (erf);
	v2 =	vld [tilespmem:s5+$0xFFFFFFB0]  }
0x57c: {  	v4 =	vmul.f32 v18, v4;
	v5, _, _ =	vpop (xrf2)  }
0x57d: {  	(xrf2) =	vadd.scan.msk.f32 $0xffff, v3;
	v5 =	vmul.f32 $1.442695020e+00, v5  }
0x57e: {  	v6 =	vld [tilespmem:s23+$0xFFFFFF90];
	[tilespmem:s25+$0x10] =	vst v4  }
0x57f: {  	v3 =	vld [tilespmem:s9+$0x20];
	v4 =	vbroadcast v5, $0xF  }
0x580: {  	v5 =	vld [tilespmem:s6+$0x20];
	v1 =	vmul.f32 v2, v1  }
0x581: {  	(erf) = vpow2.f32 v4;
	v2, _, _ =	vpop (xrf2)  }
0x582: {  	v25 =	vpop (erf);
	(xrf2) =	vadd.scan.msk.f32 $0xffff, v1;
	v1 =	vmul.f32 $1.442695020e+00, v2  }
0x583: {  	v2 =	vmul.f32 v25, v6  }
0x584: {  	v1 =	vbroadcast v1, $0xF  }
0x585: {  	v4 =	vld [tilespmem:s7+$0x30];
	v3 =	vmul.f32 v5, v3;
	[tilespmem:s25+$0xFFFFFF90] =	vst v2  }
0x586: {  	(erf) = vpow2.f32 v1;
	v1 =	vld [tilespmem:s9+$0xFFFFFFA0]  }
0x587: {  	(xrf2) =	vadd.scan.msk.f32 $0xffff, v3;
	v3 =	vld [tilespmem:s6+$0xFFFFFFA0];
	v2, _, _ =	vpop (xrf2)  }
0x588: {  	v2 =	vmul.f32 $1.442695020e+00, v2;
	_ =	sdelay $0x1  }
0x589: {  	v23 =	vpop (erf);
	v2 =	vbroadcast v2, $0xF  }
0x58a: {  	s29 =	simm.s32 $0x5370;
	v4 =	vmul.f32 v23, v4  }
0x58b: {  	v5 =	vld [tilespmem:s29+$0x0];
	v1 =	vmul.f32 v3, v1;
	(erf) = vpow2.f32 v2  }
0x58c: {  	v6, _, _ =	vpop (xrf2);
	[tilespmem:s8+$0x30] =	vst v4  }
0x58d: {  	v2 =	vmul.f32 $1.442695020e+00, v6;
	v3 =	vld [tilespmem:s12+$0x40]  }
0x58e: {  	v4 =	vld [tilespmem:s5+$0x40]  }
0x58f: {  	(xrf2) =	vadd.scan.msk.f32 $0xffff, v1;
	v2 =	vbroadcast v2, $0xF;
	v1 =	vpop (erf)  }
0x590: {  	v7 =	vld [tilespmem:s29+$0xFFFFFF80];
	v5 =	vmul.f32 v1, v5;
	v6, _, _ =	vpop (xrf2)  }
0x591: {  	(erf) = vpow2.f32 v2;
	v2 =	vmul.f32 $1.442695020e+00, v6  }
0x592: {  	s26 =	simm.s32 $0x6770  }
0x593: {  	[tilespmem:s26+$0x0] =	vst v5;
	v2 =	vbroadcast v2, $0xF;
	v3 =	vmul.f32 v4, v3  }
0x594: {  	v5 =	vld [tilespmem:s2+$0x10];
	v28 =	vpop (erf)  }
0x595: {  	v4 =	vld [tilespmem:s3+$0x10];
	(erf) = vpow2.f32 v2;
	(xrf2) =	vadd.scan.msk.f32 $0xffff, v3;
	v3 =	vmul.f32 v28, v7  }
0x596: {  	v2 =	vld [tilespmem:s7+$0xFFFFFFB0];
	_ =	sdelay $0x2  }
0x597: {  	[tilespmem:s26+$0xFFFFFF80] =	vst v3;
	v3, _, _ =	vpop (xrf2)  }
0x598: {  	v4 =	vmul.f32 v4, v5;
	v5 =	vld [tilespmem:s23+$0x20];
	v29 =	vpop (erf)  }
0x599: {  	v6 =	vld [tilespmem:s2+$0xFFFFFF90];
	v3 =	vmul.f32 $1.442695020e+00, v3;
	v2 =	vmul.f32 v29, v2  }
0x59a: {  	v7 =	vld [tilespmem:s3+$0xFFFFFF90];
	(xrf2) =	vadd.scan.msk.f32 $0xffff, v4  }
0x59b: {  	v3 =	vbroadcast v3, $0xF;
	[tilespmem:s8+$0xFFFFFFB0] =	vst v2  }
0x59c: {  	v2 =	vld [tilespmem:s12+$0xFFFFFFC0];
	v21 =	vpop (erf)  }
0x59d: {  	(erf) = vpow2.f32 v3;
	v3 =	vld [tilespmem:s5+$0xFFFFFFC0];
	v4 =	vmul.f32 v21, v5;
	v5, _, _ =	vpop (xrf2)  }
0x59e: {  	v5 =	vmul.f32 $1.442695020e+00, v5  }
0x59f: {  	v6 =	vmul.f32 v7, v6;
	[tilespmem:s25+$0x20] =	vst v4  }
0x5a0: {  	v4 =	vld [tilespmem:s9+$0x30];
	v5 =	vbroadcast v5, $0xF  }
0x5a1: {  	(xrf2) =	vadd.scan.msk.f32 $0xffff, v6;
	v6 =	vld [tilespmem:s6+$0x30]  }
0x5a2: {  	v2 =	vmul.f32 v3, v2;
	v3 =	vld [tilespmem:s23+$0xFFFFFFA0]  }
0x5a3: {  	s14 =	simm.s32 $0x1870;
	(erf) = vpow2.f32 v5  }
0x5a4: {  	s13 =	simm.s32 $0x470;
	v7 =	vld [tilespmem:s14+$0x0];
	v5, _, _ =	vpop (xrf2);
	(xrf2) =	vadd.scan.msk.f32 $0xffff, v2  }
0x5a5: {  	v2 =	vmul.f32 $1.442695020e+00, v5;
	v5 =	vld [tilespmem:s13+$0x0]  }
0x5a6: {  	v4 =	vmul.f32 v6, v4;
	v30 =	vpop (erf)  }
0x5a7: {  	v2 =	vbroadcast v2, $0xF;
	v3 =	vmul.f32 v30, v3  }
0x5a8: {  	v6 =	vld [tilespmem:s7+$0x40]  }
0x5a9: {  	(xrf2) =	vadd.scan.msk.f32 $0xffff, v4;
	v4 =	vld [tilespmem:s13+$0xFFFFFF80];
	(erf) = vpow2.f32 v2  }
0x5aa: {  	v2 =	vld [tilespmem:s14+$0xFFFFFF80];
	v5 =	vmul.f32 v7, v5  }
0x5ab: {  	[tilespmem:s25+$0xFFFFFFA0] =	vst v3;
	v3, _, _ =	vpop (xrf2)  }
0x5ac: {  	v8 =	vld [tilespmem:s9+$0xFFFFFFB0];
	v27 =	vpop (erf);
	v3 =	vmul.f32 $1.442695020e+00, v3  }
0x5ad: {  	v7 =	vld [tilespmem:s6+$0xFFFFFFB0];
	v6 =	vmul.f32 v27, v6  }
0x5ae: {  	v9 =	vld [tilespmem:s29+$0x10];
	(xrf2) =	vadd.scan.msk.f32 $0xffff, v5;
	v3 =	vbroadcast v3, $0xF;
	v5, _, _ =	vpop (xrf2)  }
0x5af: {  	[tilespmem:s8+$0x40] =	vst v6;
	v4 =	vmul.f32 v2, v4;
	v5 =	vmul.f32 $1.442695020e+00, v5  }
0x5b0: {  	v6 =	vld [tilespmem:s12+$0x50];
	(erf) = vpow2.f32 v3  }
0x5b1: {  	v10 =	vld [tilespmem:s5+$0x50];
	(xrf2) =	vadd.scan.msk.f32 $0xffff, v4;
	v3 =	vbroadcast v5, $0xF  }
0x5b2: {  	v4 =	vmul.f32 v7, v8;
	v2 =	vpop (erf)  }
0x5b3: {  	v7, _, _ =	vpop (xrf2);
	v5 =	vmul.f32 v2, v9;
	(erf) = vpow2.f32 v3  }
0x5b4: {  	(xrf2) =	vadd.scan.msk.f32 $0xffff, v4;
	v3 =	vmul.f32 $1.442695020e+00, v7  }
0x5b5: {  	v7 =	vld [tilespmem:s29+$0xFFFFFF90];
	[tilespmem:s26+$0x10] =	vst v5  }
0x5b6: {  	v3 =	vbroadcast v3, $0xF;
	v5 =	vmul.f32 v10, v6;
	v4 =	vld [tilespmem:s2+$0x20]  }
0x5b7: {  	v6 =	vld [tilespmem:s3+$0x20]  }
0x5b8: {  	v8, _, _ =	vpop (xrf2);
	(erf) = vpow2.f32 v3;
	(xrf2) =	vadd.scan.msk.f32 $0xffff, v5;
	v3 =	vld [tilespmem:s7+$0xFFFFFFC0]  }
0x5b9: {  	v5 =	vmul.f32 $1.442695020e+00, v8;
	v32 =	vpop (erf)  }
0x5ba: {  	v7 =	vmul.f32 v32, v7  }
0x5bb: {  	v5 =	vbroadcast v5, $0xF;
	v8, _, _ =	vpop (xrf2)  }
0x5bc: {  	v4 =	vmul.f32 v6, v4;
	v6 =	vmul.f32 $1.442695020e+00, v8;
	v31 =	vpop (erf)  }
0x5bd: {  	(erf) = vpow2.f32 v5;
	v5 =	vld [tilespmem:s23+$0x30];
	[tilespmem:s26+$0xFFFFFF90] =	vst v7;
	v3 =	vmul.f32 v31, v3  }
0x5be: {  	(xrf2) =	vadd.scan.msk.f32 $0xffff, v4;
	v4 =	vld [tilespmem:s2+$0xFFFFFFA0];
	v6 =	vbroadcast v6, $0xF;
	v7, _, _ =	vpop (xrf2)  }
0x5bf: {  	v8 =	vld [tilespmem:s3+$0xFFFFFFA0];
	[tilespmem:s8+$0xFFFFFFC0] =	vst v3;
	v3 =	vmul.f32 $1.442695020e+00, v7;
	_ =	sdelay $0x1  }
0x5c0: {  	(erf) = vpow2.f32 v6;
	v26 =	vpop (erf);
	v3 =	vbroadcast v3, $0xF  }
0x5c1: {  	v7 =	vld [tilespmem:s12+$0xFFFFFFD0];
	v6, _, _ =	vpop (xrf2);
	v5 =	vmul.f32 v26, v5  }
0x5c2: {  	s31 =	simm.s32 $0x5470;
	v10 =	vld [tilespmem:s5+$0xFFFFFFD0];
	v6 =	vmul.f32 $1.442695020e+00, v6;
	(erf) = vpow2.f32 v3  }
0x5c3: {  	v9 =	vld [tilespmem:s31+$0x0];
	v4 =	vmul.f32 v8, v4;
	[tilespmem:s25+$0x30] =	vst v5  }
0x5c4: {  	v5 =	vbroadcast v6, $0xF;
	v6 =	vld [tilespmem:s9+$0x40]  }
0x5c5: {  	(xrf2) =	vadd.scan.msk.f32 $0xffff, v4;
	v4 =	vld [tilespmem:s31+$0xFFFFFF80]  }
0x5c6: {  	v8 =	vld [tilespmem:s6+$0x40]  }
0x5c7: {  	v3 =	vpop (erf);
	v7 =	vmul.f32 v10, v7;
	v10 =	vld [tilespmem:s23+$0xFFFFFFB0]  }
0x5c8: {  	(erf) = vpow2.f32 v5;
	v5 =	vmul.f32 v3, v9;
	v9, _, _ =	vpop (xrf2)  }
0x5c9: {  	s30 =	simm.s32 $0x6870;
	v35 =	vpop (erf)  }
0x5ca: {  	v9 =	vmul.f32 $1.442695020e+00, v9;
	[tilespmem:s30+$0x0] =	vst v5;
	v4 =	vmul.f32 v35, v4  }
0x5cb: {  	v5 =	vld [tilespmem:s13+$0x10];
	v6 =	vmul.f32 v8, v6;
	v36 =	vpop (erf)  }
0x5cc: {  	(xrf2) =	vadd.scan.msk.f32 $0xffff, v7;
	v8 =	vld [tilespmem:s7+$0x50];
	v7 =	vbroadcast v9, $0xF;
	[tilespmem:s30+$0xFFFFFF80] =	vst v4;
	v4 =	vmul.f32 v36, v10  }
0x5cd: {  	v9 =	vld [tilespmem:s14+$0x10]  }
0x5ce: {  	(xrf2) =	vadd.scan.msk.f32 $0xffff, v6;
	(erf) = vpow2.f32 v7;
	_ =	sdelay $0x1  }
0x5cf: {  	v6 =	vld [tilespmem:s13+$0xFFFFFF90];
	[tilespmem:s25+$0xFFFFFFB0] =	vst v4;
	v4, _, _ =	vpop (xrf2)  }
0x5d0: {  	v7 =	vld [tilespmem:s14+$0xFFFFFF90];
	v34 =	vpop (erf);
	v4 =	vmul.f32 $1.442695020e+00, v4  }
0x5d1: {  	v10 =	vld [tilespmem:s29+$0x20];
	v5 =	vmul.f32 v9, v5;
	v8 =	vmul.f32 v34, v8  }
0x5d2: {  	v9 =	vld [tilespmem:s9+$0xFFFFFFC0];
	v4 =	vbroadcast v4, $0xF  }
0x5d3: {  	(xrf2) =	vadd.scan.msk.f32 $0xffff, v5;
	v5 =	vld [tilespmem:s6+$0xFFFFFFC0];
	_ =	sdelay $0x1  }
0x5d4: {  	[tilespmem:s8+$0x50] =	vst v8;
	v8, _, _ =	vpop (xrf2)  }
0x5d5: {  	v6 =	vmul.f32 v7, v6;
	v11 =	vld [tilespmem:s12+$0x60];
	(erf) = vpow2.f32 v4;
	v4 =	vpop (erf)  }
0x5d6: {  	v13 =	vld [tilespmem:s5+$0x60];
	v8 =	vmul.f32 $1.442695020e+00, v8;
	v7 =	vmul.f32 v4, v10;
	v10, _, _ =	vpop (xrf2)  }
0x5d7: {  	(xrf2) =	vadd.scan.msk.f32 $0xffff, v6;
	v5 =	vmul.f32 v5, v9;
	v6 =	vmul.f32 $1.442695020e+00, v10;
	_ =	sdelay $0x1  }
0x5d8: {  	v8 =	vbroadcast v8, $0xF;
	(xrf2) =	vadd.scan.msk.f32 $0xffff, v5;
	v5 =	vbroadcast v6, $0xF  }
0x5d9: {  	[tilespmem:s26+$0x20] =	vst v7  }
0x5da: {  	(erf) = vpow2.f32 v8;
	v6 =	vmul.f32 v13, v11;
	v7 =	vld [tilespmem:s2+$0x30]  }
0x5db: {  	v8 =	vld [tilespmem:s3+$0x30]  }
0x5dc: {  	s0 =	simm.s32 $0x570;
	(erf) = vpow2.f32 v5;
	(xrf2) =	vadd.scan.msk.f32 $0xffff, v6;
	v5, _, _ =	vpop (xrf2)  }
0x5dd: {  	s1 =	simm.s32 $0x1970;
	v9 =	vld [tilespmem:s0+$0x0];
	v5 =	vmul.f32 $1.442695020e+00, v5  }
0x5de: {  	v10 =	vld [tilespmem:s1+$0x0]  }
0x5df: {  	v6 =	vld [tilespmem:s29+$0xFFFFFFA0];
	v5 =	vbroadcast v5, $0xF  }
0x5e0: {  	v7 =	vmul.f32 v8, v7  }
0x5e1: {  	v37 =	vpop (erf);
	(erf) = vpow2.f32 v5;
	v5 =	vld [tilespmem:s23+$0x40]  }
0x5e2: {  	v8, _, _ =	vpop (xrf2);
	(xrf2) =	vadd.scan.msk.f32 $0xffff, v7  }
0x5e3: {  	v11 =	vld [tilespmem:s1+$0xFFFFFF80];
	v9 =	vmul.f32 v10, v9;
	v38 =	vpop (erf)  }
0x5e4: {  	v8 =	vmul.f32 $1.442695020e+00, v8;
	v6 =	vmul.f32 v37, v6;
	v7 =	vld [tilespmem:s0+$0xFFFFFF80];
	v13, _, _ =	vpop (xrf2)  }
0x5e5: {  	v14 =	vld [tilespmem:s7+$0xFFFFFFD0];
	v13 =	vmul.f32 $1.442695020e+00, v13;
	v33 =	vpop (erf)  }
0x5e6: {  	v39 =	vld [tilespmem:s31+$0x10];
	(xrf2) =	vadd.scan.msk.f32 $0xffff, v9;
	[tilespmem:s26+$0xFFFFFFA0] =	vst v6;
	v6 =	vbroadcast v8, $0xF;
	v10, _, _ =	vpop (xrf2);
	v5 =	vmul.f32 v33, v5  }
0x5e7: {  	v8 =	vld [tilespmem:s2+$0xFFFFFFB0];
	v10 =	vmul.f32 $1.442695020e+00, v10  }
0x5e8: {  	v40 =	vld [tilespmem:s3+$0xFFFFFFB0];
	(erf) = vpow2.f32 v6;
	v6 =	vbroadcast v13, $0xF  }
0x5e9: {  	v7 =	vmul.f32 v11, v7;
	v9 =	vbroadcast v10, $0xF;
	[tilespmem:s25+$0x40] =	vst v5  }
0x5ea: {  	(erf) = vpow2.f32 v6;
	v10 =	vmul.f32 v38, v14;
	v11 =	vld [tilespmem:s9+$0x50];
	v5 =	vpop (erf)  }
0x5eb: {  	(xrf2) =	vadd.scan.msk.f32 $0xffff, v7;
	v6 =	vld [tilespmem:s6+$0x50];
	(erf) = vpow2.f32 v9;
	v9 =	vmul.f32 v5, v39  }
0x5ec: {  	v7 =	vld [tilespmem:s31+$0xFFFFFF90];
	[tilespmem:s8+$0xFFFFFFD0] =	vst v10;
	v13, _, _ =	vpop (xrf2)  }
0x5ed: {  	v8 =	vmul.f32 v40, v8;
	v10 =	vld [tilespmem:s12+$0xFFFFFFE0];
	[tilespmem:s30+$0x10] =	vst v9;
	v9 =	vmul.f32 $1.442695020e+00, v13  }
0x5ee: {  	v14 =	vld [tilespmem:s5+$0xFFFFFFE0]  }
0x5ef: {  	(xrf2) =	vadd.scan.msk.f32 $0xffff, v8;
	v13 =	vld [tilespmem:s13+$0x20];
	v9 =	vbroadcast v9, $0xF  }
0x5f0: {  	v53, _, _ =	vpop (xrf2);
	v8 =	vld [tilespmem:s14+$0x20];
	v6 =	vmul.f32 v6, v11  }
0x5f1: {  	v40 =	vpop (erf);
	v11 =	vld [tilespmem:s7+$0x60];
	(erf) = vpow2.f32 v9;
	v9 =	vmul.f32 $1.442695020e+00, v53;
	_ =	sdelay $0x1  }
0x5f2: {  	v7 =	vmul.f32 v40, v7;
	v41 =	vpop (erf);
	(xrf2) =	vadd.scan.msk.f32 $0xffff, v6;
	v6 =	vld [tilespmem:s23+$0xFFFFFFC0]  }
0x5f3: {  	v10 =	vmul.f32 v14, v10;
	v39 =	vpop (erf)  }
0x5f4: {  	[tilespmem:s30+$0xFFFFFF90] =	vst v7;
	v7 =	vbroadcast v9, $0xF;
	v8 =	vmul.f32 v8, v13;
	v9, _, _ =	vpop (xrf2)  }
0x5f5: {  	v14 =	vld [tilespmem:s14+$0xFFFFFFA0];
	(xrf2) =	vadd.scan.msk.f32 $0xffff, v10;
	v11 =	vmul.f32 v39, v11;
	v9 =	vmul.f32 $1.442695020e+00, v9  }
0x5f6: {  	v10 =	vld [tilespmem:s29+$0x30];
	(erf) = vpow2.f32 v7  }
0x5f7: {  	v13 =	vld [tilespmem:s13+$0xFFFFFFA0];
	v6 =	vmul.f32 v41, v6;
	[tilespmem:s8+$0x60] =	vst v11;
	v7 =	vbroadcast v9, $0xF  }
0x5f8: {  	(xrf2) =	vadd.scan.msk.f32 $0xffff, v8;
	v8, _, _ =	vpop (xrf2);
	v9 =	vld [tilespmem:s12+$0x70]  }
0x5f9: {  	[tilespmem:s25+$0xFFFFFFC0] =	vst v6;
	v6 =	vmul.f32 $1.442695020e+00, v8;
	v8 =	vld [tilespmem:s5+$0x70]  }
0x5fa: {  	s17 =	simm.s32 $0x5570;
	(erf) = vpow2.f32 v7  }
0x5fb: {  	v43 =	vld [tilespmem:s17+$0x0];
	v6 =	vbroadcast v6, $0xF;
	v7 =	vpop (erf)  }
0x5fc: {  	v11 =	vld [tilespmem:s9+$0xFFFFFFD0];
	v13 =	vmul.f32 v14, v13;
	v42, _, _ =	vpop (xrf2);
	v10 =	vmul.f32 v7, v10  }
0x5fd: {  	v14 =	vld [tilespmem:s6+$0xFFFFFFD0];
	v42 =	vmul.f32 $1.442695020e+00, v42;
	(erf) = vpow2.f32 v6  }
0x5fe: {  	v44 =	vld [tilespmem:s17+$0xFFFFFF80];
	v8 =	vmul.f32 v8, v9;
	[tilespmem:s26+$0x30] =	vst v10  }
0x5ff: {  	(xrf2) =	vadd.scan.msk.f32 $0xffff, v13;
	v54, _, _ =	vpop (xrf2);
	v10 =	vbroadcast v42, $0xF;
	v9 =	vld [tilespmem:s2+$0x40]  }
0x600: {  	v6 =	vpop (erf);
	(xrf2) =	vadd.scan.msk.f32 $0xffff, v8;
	v13 =	vld [tilespmem:s3+$0x40]  }
0x601: {  	v8 =	vmul.f32 v6, v43;
	(erf) = vpow2.f32 v10  }
0x602: {  	s15 =	simm.s32 $0x6970;
	v45 =	vld [tilespmem:s29+$0xFFFFFFB0];
	v10 =	vmul.f32 v14, v11;
	v11 =	vmul.f32 $1.442695020e+00, v54;
	v14, _, _ =	vpop (xrf2)  }
0x603: {  	[tilespmem:s15+$0x0] =	vst v8;
	v14 =	vmul.f32 $1.442695020e+00, v14;
	v42 =	vpop (erf)  }
0x604: {  	v55 =	vld [tilespmem:s1+$0x10];
	v8 =	vbroadcast v11, $0xF;
	(xrf2) =	vadd.scan.msk.f32 $0xffff, v10;
	v10 =	vmul.f32 v42, v44  }
0x605: {  	v11 =	vld [tilespmem:s0+$0x10];
	v14 =	vbroadcast v14, $0xF;
	v9 =	vmul.f32 v13, v9  }
0x606: {  	(erf) = vpow2.f32 v8;
	v43 =	vpop (erf)  }
0x607: {  	v8 =	vld [tilespmem:s23+$0x50];
	[tilespmem:s15+$0xFFFFFF80] =	vst v10;
	(xrf2) =	vadd.scan.msk.f32 $0xffff, v9;
	v9 =	vmul.f32 v43, v45  }
0x608: {  	v10 =	vld [tilespmem:s0+$0xFFFFFF90]  }
0x609: {  	(erf) = vpow2.f32 v14;
	v13 =	vld [tilespmem:s1+$0xFFFFFF90];
	v14, _, _ =	vpop (xrf2)  }
0x60a: {  	v11 =	vmul.f32 v55, v11;
	v57, _, _ =	vpop (xrf2)  }
0x60b: {  	v56 =	vld [tilespmem:s7+$0xFFFFFFE0];
	[tilespmem:s26+$0xFFFFFFB0] =	vst v9;
	v14 =	vmul.f32 $1.442695020e+00, v14;
	v44 =	vmul.f32 $1.442695020e+00, v57;
	v9 =	vpop (erf)  }
0x60c: {  	v46 =	vld [tilespmem:s2+$0xFFFFFFC0];
	v8 =	vmul.f32 v9, v8  }
0x60d: {  	(xrf2) =	vadd.scan.msk.f32 $0xffff, v11;
	v11 =	vbroadcast v14, $0xF;
	v14 =	vld [tilespmem:s3+$0xFFFFFFC0]  }
0x60e: {  	v47 =	vld [tilespmem:s31+$0x20];
	v10 =	vmul.f32 v13, v10  }
0x60f: {  	v13 =	vbroadcast v44, $0xF;
	[tilespmem:s25+$0x50] =	vst v8;
	v44 =	vpop (erf)  }
0x610: {  	(erf) = vpow2.f32 v11;
	(xrf2) =	vadd.scan.msk.f32 $0xffff, v10;
	v48 =	vld [tilespmem:s9+$0x60];
	v8, _, _ =	vpop (xrf2)  }
0x611: {  	v10 =	vld [tilespmem:s6+$0x60];
	v45 =	vmul.f32 v44, v56;
	v11 =	vmul.f32 $1.442695020e+00, v8  }
0x612: {  	(erf) = vpow2.f32 v13;
	v14 =	vmul.f32 v14, v46;
	v8 =	vpop (erf)  }
0x613: {  	v58, _, _ =	vpop (xrf2);
	[tilespmem:s8+$0xFFFFFFE0] =	vst v45;
	v13 =	vmul.f32 v8, v47;
	v11 =	vbroadcast v11, $0xF  }
0x614: {  	v59 =	vmul.f32 $1.442695020e+00, v58;
	v60 =	vld [tilespmem:s12+$0xFFFFFFF0]  }
0x615: {  	(xrf2) =	vadd.scan.msk.f32 $0xffff, v14;
	[tilespmem:s30+$0x20] =	vst v13;
	(erf) = vpow2.f32 v11;
	v11 =	vld [tilespmem:s5+$0xFFFFFFF0]  }
0x616: {  	v13 =	vbroadcast v59, $0xF;
	v10 =	vmul.f32 v10, v48;
	v14 =	vld [tilespmem:s13+$0x30]  }
0x617: {  	v62, _, _ =	vpop (xrf2);
	v61 =	vld [tilespmem:s14+$0x30]  }
0x618: {  	s21 =	simm.s32 $0x670;
	(erf) = vpow2.f32 v13;
	(xrf2) =	vadd.scan.msk.f32 $0xffff, v10;
	v10 =	vmul.f32 $1.442695020e+00, v62  }
0x619: {  	v63 =	vld [tilespmem:s21+$0x0]  }
0x61a: {  	s19 =	simm.s32 $0x1A70;
	v13 =	vld [tilespmem:s31+$0xFFFFFFA0];
	v10 =	vbroadcast v10, $0xF;
	v55, _, _ =	vpop (xrf2)  }
0x61b: {  	v49 =	vld [tilespmem:s19+$0x0];
	v50 =	vmul.f32 $1.442695020e+00, v55;
	v11 =	vmul.f32 v11, v60  }
0x61c: {  	v51 =	vld [tilespmem:s23+$0xFFFFFFD0];
	v14 =	vmul.f32 v61, v14  }
0x61d: {  	v47 =	vpop (erf);
	(erf) = vpow2.f32 v10;
	v10 =	vld [tilespmem:s29+$0x40];
	(xrf2) =	vadd.scan.msk.f32 $0xffff, v11;
	v11 =	vbroadcast v50, $0xF  }
0x61e: {  	v45 =	vpop (erf);
	(xrf2) =	vadd.scan.msk.f32 $0xffff, v14  }
0x61f: {  	v52 =	vld [tilespmem:s19+$0xFFFFFF80];
	v13 =	vmul.f32 v47, v13;
	v56, _, _ =	vpop (xrf2)  }
0x620: {  	v14 =	vld [tilespmem:s21+$0xFFFFFF80];
	v46 =	vpop (erf);
	(erf) = vpow2.f32 v11  }
0x621: {  	v58 =	vld [tilespmem:s17+$0x10];
	v48 =	vmul.f32 v49, v63;
	[tilespmem:s30+$0xFFFFFFA0] =	vst v13;
	v57 =	vmul.f32 $1.442695020e+00, v56;
	v11 =	vpop (erf)  }
0x622: {  	v54 =	vld [tilespmem:s13+$0xFFFFFFB0];
	v13 =	vmul.f32 v46, v51;
	v59, _, _ =	vpop (xrf2);
	v10 =	vmul.f32 v11, v10  }
0x623: {  	v61 =	vld [tilespmem:s14+$0xFFFFFFB0];
	v60 =	vmul.f32 $1.442695020e+00, v59  }
0x624: {  	(xrf2) =	vadd.scan.msk.f32 $0xffff, v48;
	[tilespmem:s25+$0xFFFFFFD0] =	vst v13;
	v13 =	vbroadcast v57, $0xF  }
0x625: {  	v53 =	vld [tilespmem:s17+$0xFFFFFF90];
	v14 =	vmul.f32 v52, v14;
	v48 =	vbroadcast v60, $0xF  }
0x626: {  	v49 =	vld [tilespmem:s9+$0xFFFFFFE0];
	[tilespmem:s26+$0x40] =	vst v10;
	(erf) = vpow2.f32 v13;
	v10 =	vpop (erf)  }
0x627: {  	v62 =	vld [tilespmem:s2+$0x50];
	(xrf2) =	vadd.scan.msk.f32 $0xffff, v14;
	(erf) = vpow2.f32 v48;
	v14 =	vmul.f32 v10, v58;
	v58, _, _ =	vpop (xrf2)  }
0x628: {  	v51 =	vmul.f32 v61, v54;
	v13 =	vld [tilespmem:s3+$0x50];
	v55, _, _ =	vpop (xrf2)  }
0x629: {  	v63 =	vld [tilespmem:s6+$0xFFFFFFE0];
	v59 =	vmul.f32 $1.442695020e+00, v58;
	v48 =	vpop (erf)  }
0x62a: {  	v61 =	vld [tilespmem:s23+$0x60];
	(xrf2) =	vadd.scan.msk.f32 $0xffff, v51;
	[tilespmem:s15+$0x10] =	vst v14;
	v14 =	vmul.f32 $1.442695020e+00, v55;
	v53 =	vmul.f32 v48, v53  }
0x62b: {  	v55 =	vld [tilespmem:s0+$0x20];
	v54 =	vbroadcast v59, $0xF  }
0x62c: {  	v60 =	vld [tilespmem:s1+$0x20];
	v14 =	vbroadcast v14, $0xF;
	[tilespmem:s15+$0xFFFFFF90] =	vst v53  }
0x62d: {  	v13 =	vmul.f32 v13, v62;
	(erf) = vpow2.f32 v54;
	v53 =	vld [tilespmem:s0+$0xFFFFFFA0]  }
0x62e: {  	v50 =	vmul.f32 v63, v49;
	v62, _, _ =	vpop (xrf2);
	v63 =	vld [tilespmem:s1+$0xFFFFFFA0];
	(erf) = vpow2.f32 v14  }
0x62f: {  	(xrf2) =	vadd.scan.msk.f32 $0xffff, v13;
	v13 =	vmul.f32 $1.442695020e+00, v62;
	v49 =	vpop (erf)  }
0x630: {  	v56 =	vld [tilespmem:s29+$0xFFFFFFC0];
	(xrf2) =	vadd.scan.msk.f32 $0xffff, v50;
	v14 =	vpop (erf)  }
0x631: {  	v13 =	vbroadcast v13, $0xF;
	v52 =	vmul.f32 v14, v61  }
0x632: {  	v51 =	vmul.f32 v60, v55  }
0x633: {  	v59, _, _ =	vpop (xrf2);
	v60 =	vld [tilespmem:s31+$0x30];
	(erf) = vpow2.f32 v13;
	v13 =	vmul.f32 v63, v53;
	[tilespmem:s25+$0x60] =	vst v52  }
0x634: {  	v50 =	vmul.f32 $1.442695020e+00, v59;
	v61, _, _ =	vpop (xrf2);
	v52 =	vld [tilespmem:s9+$0x70]  }
0x635: {  	v56 =	vmul.f32 v49, v56;
	v53 =	vmul.f32 $1.442695020e+00, v61;
	v54 =	vld [tilespmem:s6+$0x70]  }
0x636: {  	(xrf2) =	vadd.scan.msk.f32 $0xffff, v51;
	v50 =	vbroadcast v50, $0xF;
	v57 =	vpop (erf)  }
0x637: {  	[tilespmem:s26+$0xFFFFFFC0] =	vst v56;
	(xrf2) =	vadd.scan.msk.f32 $0xffff, v13;
	v53 =	vbroadcast v53, $0xF;
	v13 =	vpop (erf)  }
0x638: {  	s5 =	simm.s32 $0x5670;
	v56 =	vld [tilespmem:s2+$0xFFFFFFD0];
	(erf) = vpow2.f32 v50;
	v51 =	vmul.f32 v13, v60  }
0x639: {  	v12 =	vnsel vm0, $0x0, v12;
	v59, _, _ =	vpop (xrf2);
	(erf) = vpow2.f32 v53;
	v60 =	vld [tilespmem:s5+$0x0]  }
0x63a: {  	v12 =	vsel vm1, v12, v20;
	v50 =	vld [tilespmem:s3+$0xFFFFFFD0];
	v59 =	vmul.f32 $1.442695020e+00, v59;
	v62, _, _ =	vpop (xrf2);
	[tilespmem:s30+$0x30] =	vst v51;
	v51 =	vmul.f32 v54, v52  }
0x63b: {  	v16 =	vnsel vm0, $0x0, v16;
	v52 =	vmul.f32 $1.442695020e+00, v62;
	v61 =	vld [tilespmem:s13+$0x40]  }
0x63c: {  	v22 =	vnsel vm0, $0x0, v22;
	v24 =	vsel vm2, v12, v24;
	v63 =	vbroadcast v59, $0xF;
	v62 =	vld [tilespmem:s14+$0x40];
	(xrf2) =	vadd.scan.msk.f32 $0xffff, v51  }
0x63d: {  	v22 =	vsel vm1, v22, v25;
	v25 =	vnsel vm0, $0x0, v28;
	v20 =	vld [tilespmem:s5+$0xFFFFFF80];
	v12 =	vpop (erf);
	v52 =	vbroadcast v52, $0xF  }
0x63e: {  	v24 =	vsel vm3, v24, v29;
	v28 =	vld [tilespmem:s7+$0xFFFFFFF0];
	(erf) = vpow2.f32 v63;
	v29 =	vmul.f32 v12, v60  }
0x63f: {  	s28 =	simm.s32 $0x6A70;
	v16 =	vsel vm1, v16, v17;
	v58 =	vld [tilespmem:s31+$0xFFFFFFB0]  }
0x640: {  	v16 =	vsel vm2, v16, v19;
	v55 =	vld [tilespmem:s7+$0x70];
	v50 =	vmul.f32 v50, v56;
	v63, _, _ =	vpop (xrf2);
	(erf) = vpow2.f32 v52;
	[tilespmem:s28+$0x0] =	vst v29  }
0x641: {  	v24 =	vsel vm4, v24, v31;
	v51 =	vmul.f32 $1.442695020e+00, v63;
	v52 =	vpop (erf);
	v31 =	vmul.f32 v62, v61;
	v60 =	vld [tilespmem:s21+$0x10]  }
0x642: {  	v22 =	vsel vm2, v22, v30;
	v30 =	vsel vm1, v25, v32;
	(xrf2) =	vadd.scan.msk.f32 $0xffff, v50;
	v59, _, _ =	vpop (xrf2);
	v61 =	vld [tilespmem:s19+$0x10];
	v20 =	vmul.f32 v52, v20  }
0x643: {  	v30 =	vsel vm2, v30, v37;
	v50 =	vmul.f32 $1.442695020e+00, v59;
	v29 =	vbroadcast v51, $0xF;
	v37 =	vpop (erf);
	(xrf2) =	vadd.scan.msk.f32 $0xffff, v31;
	v31 =	vld [tilespmem:s29+$0x50]  }
0x644: {  	v16 =	vsel vm3, v16, v23;
	v23 =	vld [tilespmem:s17+$0x20];
	v17 =	vmul.f32 v37, v58;
	[tilespmem:s28+$0xFFFFFF80] =	vst v20;
	v20 =	vnsel vm0, $0x0, v35  }
0x645: {  	v53 =	vld [tilespmem:s23+$0xFFFFFFE0];
	(erf) = vpow2.f32 v29;
	v29 =	vbroadcast v50, $0xF  }
0x646: {  	v16 =	vsel vm4, v16, v27;
	v22 =	vsel vm3, v22, v36;
	v50 =	vmul.f32 v45, v55;
	v62 =	vld [tilespmem:s21+$0xFFFFFF90];
	v19, _, _ =	vpop (xrf2)  }
0x647: {  	v35 =	vsel vm1, v20, v40;
	v63 =	vld [tilespmem:s19+$0xFFFFFF90];
	[tilespmem:s30+$0xFFFFFFB0] =	vst v17;
	(erf) = vpow2.f32 v29;
	v17 =	vmul.f32 v61, v60;
	v20 =	vpop (erf)  }
0x648: {  	v16 =	vsel vm5, v16, v34;
	v32 =	vld [tilespmem:s17+$0xFFFFFFA0];
	v19 =	vmul.f32 $1.442695020e+00, v19;
	v31 =	vmul.f32 v20, v31  }
0x649: {  	v24 =	vsel vm5, v24, v38;
	v16 =	vsel vm6, v16, v39;
	v30 =	vsel vm3, v30, v43;
	v25 =	vld [tilespmem:s29+$0xFFFFFFD0]  }
0x64a: {  	v16 =	vsel vm7, v16, v45;
	s7 =	simm.s32 $0x7900;
	v36 =	vld [tilespmem:s13+$0xFFFFFFC0];
	[tilespmem:s8+$0x70] =	vst v50;
	(xrf2) =	vadd.scan.msk.f32 $0xffff, v17;
	v54 =	vpop (erf);
	v17 =	vbroadcast v19, $0xF  }
0x64b: {  	v22 =	vsel vm4, v22, v41;
	v51 =	vld [tilespmem:s14+$0xFFFFFFC0];
	[tilespmem:s7+$0x0] =	vst v16;
	v16 =	vsel vm4, v30, v49;
	v55 =	vmul.f32 v54, v53  }
0x64c: {  	v29 =	vld [tilespmem:s5+$0xFFFFFF90];
	[tilespmem:s26+$0x50] =	vst v31;
	v30 =	vmul.f32 v63, v62;
	v31, _, _ =	vpop (xrf2);
	(erf) = vpow2.f32 v17;
	v17 =	vnsel vm0, $0x0, v42  }
0x64d: {  	v58 =	vld [tilespmem:s2+$0x60];
	v31 =	vmul.f32 $1.442695020e+00, v31;
	v60 =	vsel vm1, v17, v48;
	v17 =	vmul.f32 v57, v28  }
0x64e: {  	v24 =	vsel vm6, v24, v44;
	[tilespmem:s25+$0xFFFFFFE0] =	vst v55;
	v59 =	vld [tilespmem:s3+$0x60];
	(xrf2) =	vadd.scan.msk.f32 $0xffff, v30  }
0x64f: {  	v24 =	vsel vm7, v24, v57;
	v56 =	vsel vm5, v22, v46;
	v27 =	vld [tilespmem:s31+$0xFFFFFFC0];
	v22 =	vpop (erf);
	v31 =	vbroadcast v31, $0xF;
	[tilespmem:s8+$0xFFFFFFF0] =	vst v17  }
0x650: {  	v15 =	vnsel vm0, $0x0, v15;
	v61 =	vld [tilespmem:s9+$0xFFFFFFF0];
	v28, _, _ =	vpop (xrf2);
	v23 =	vmul.f32 v22, v23;
	[tilespmem:s7+$0xFFFFFFF0] =	vst v24;
	v24 =	vmul.f32 v51, v36  }
0x651: {  	v15 =	vsel vm1, v15, v18;
	v63 =	vld [tilespmem:s6+$0xFFFFFFF0];
	v28 =	vmul.f32 $1.442695020e+00, v28;
	v62 =	vpop (erf);
	(erf) = vpow2.f32 v31  }
0x652: {  	v21 =	vsel vm2, v15, v21;
	[tilespmem:s15+$0x20] =	vst v23;
	v32 =	vmul.f32 v62, v32;
	v23 =	vld [tilespmem:s23+$0x70];
	(xrf2) =	vadd.scan.msk.f32 $0xffff, v24  }
0x653: {  	v19 =	vsel vm2, v35, v47;
	v28 =	vbroadcast v28, $0xF;
	v35 =	vld [tilespmem:s0+$0x30];
	v31 =	vmul.f32 v59, v58  }
0x654: {  	v21 =	vsel vm3, v21, v26;
	v36 =	vld [tilespmem:s1+$0x30];
	[tilespmem:s15+$0xFFFFFFA0] =	vst v32  }
0x655: {  	v26 =	vsel vm4, v21, v33;
	(erf) = vpow2.f32 v28;
	v30 =	vld [tilespmem:s0+$0xFFFFFFB0];
	v24, _, _ =	vpop (xrf2);
	(xrf2) =	vadd.scan.msk.f32 $0xffff, v31  }
0x656: {  	v17 =	vsel vm3, v19, v37;
	v38 =	vmul.f32 v63, v61;
	v32 =	vld [tilespmem:s1+$0xFFFFFFB0];
	v37 =	vmul.f32 $1.442695020e+00, v24  }
0x657: {  	v18 =	vnsel vm0, $0x0, v52;
	s9 =	simm.s32 $0x770;
	s6 =	simm.s32 $0x1A70;
	v19 =	vsel vm6, v56, v54;
	s8 =	simm.s32 $0xA;
	v15 =	vsel vm2, v60, v62;
	v34 =	vld [tilespmem:s17+$0xFFFFFFB0];
	v24 =	vpop (erf)  }
.LBB2_11:
0x658: {  	v28 =	vld [tilespmem:s9+$0x0];
	v37 =	vbroadcast v37, $0xF;
	s19 =	sadd.s32 $0x100, s19;
	v21, _, _ =	vpop (xrf2);
	v0 =	vsel vm5, v26, v9;
	v23 =	vmul.f32 v24, v23;
	(xrf2) =	vadd.scan.msk.f32 $0xffff, v38  }
0x659: {  	v9 =	vmovc v20;
	v26 =	vld [tilespmem:s19+$0x0];
	v33 =	vmul.f32 $1.442695020e+00, v21;
	v35 =	vmul.f32 v36, v35;
	v14 =	vsel vm6, v0, v14;
	v21 =	vmovc v8  }
0x65a: {  	s7 =	sadd.s32 $0x20, s7;
	v8 =	vmov v22;
	(erf) = vpow2.f32 v37;
	v20 =	vld [tilespmem:s31+$0x40];
	v31 =	vpop (erf);
	[tilespmem:s25+$0x70] =	vst v23;
	v14 =	vsel vm7, v14, v24  }
0x65b: {  	v23 =	vld [tilespmem:s19+$0xFFFFFF80];
	v24 =	vbroadcast v33, $0xF;
	v30 =	vmul.f32 v32, v30;
	(xrf2) =	vadd.scan.msk.f32 $0xffff, v35;
	[tilespmem:s7+$0x0] =	vst v14  }
0x65c: {  	v25 =	vmul.f32 v31, v25;
	v22 =	vsel vm5, v16, v31;
	v14 =	vld [tilespmem:s9+$0xFFFFFF80];
	v32, _, _ =	vpop (xrf2)  }
0x65d: {  	(erf) = vpow2.f32 v24;
	v16 =	vmul.f32 $1.442695020e+00, v32;
	v31 =	vld [tilespmem:s23+$0xFFFFFFF0];
	s23 =	smov.u32 s29;
	s29 =	smov.u32 s31;
	s31 =	smov.u32 s17  }
0x65e: {  	s17 =	smov.u32 s5;
	v24 =	vmul.f32 v26, v28;
	v28 =	vpop (erf);
	[tilespmem:s26+$0xFFFFFFD0] =	vst v25  }
0x65f: {  	v25 =	vld [tilespmem:s5+$0x10];
	v16 =	vbroadcast v16, $0xF;
	v20 =	vmul.f32 v28, v20;
	v26, _, _ =	vpop (xrf2)  }
0x660: {  	(xrf2) =	vadd.scan.msk.f32 $0xffff, v24;
	v32 =	vld [tilespmem:s2+$0xFFFFFFE0];
	v0 =	vmul.f32 $1.442695020e+00, v26  }
0x661: {  	v14 =	vmul.f32 v23, v14;
	[tilespmem:s30+$0x40] =	vst v20;
	v20 =	vld [tilespmem:s3+$0xFFFFFFE0]  }
0x662: {  	v33 =	vld [tilespmem:s13+$0x50];
	(erf) = vpow2.f32 v16;
	v0 =	vbroadcast v0, $0xF;
	v23, _, _ =	vpop (xrf2)  }
0x663: {  	v24 =	vpop (erf);
	v35 =	vld [tilespmem:s14+$0x50];
	v23 =	vmul.f32 $1.442695020e+00, v23  }
0x664: {  	(xrf2) =	vadd.scan.msk.f32 $0xffff, v14;
	v36 =	vmul.f32 v24, v25;
	v26 =	vld [tilespmem:s23+$0xFFFFFFE0];
	(erf) = vpow2.f32 v0  }
0x665: {  	v16, _, _ =	vpop (xrf2);
	v25 =	vbroadcast v23, $0xF  }
0x666: {  	s8 =	sadd.s32 $0x2, s8;
	[tilespmem:s28+$0x10] =	vst v36;
	v14 =	vpop (erf);
	v16 =	vmul.f32 $1.442695020e+00, v16;
	v20 =	vmul.f32 v20, v32  }
0x667: {  	p0 =	slt.u32 s8, $0x26;
	v29 =	vmul.f32 v14, v29;
	v23 =	vsel vm1, v18, v14;
	v18 =	vld [tilespmem:s21+$0x20];
	(xrf2) =	vadd.scan.msk.f32 $0xffff, v30;
	(erf) = vpow2.f32 v25  }
0x668: {  	v25 =	vld [tilespmem:s6+$0x20];
	v14 =	vbroadcast v16, $0xF;
	v0 =	vmul.f32 v35, v33  }
0x669: {  	[tilespmem:s28+$0xFFFFFF90] =	vst v29;
	v29 =	vld [tilespmem:s23+$0x60]  }
0x66a: {  	v30, _, _ =	vpop (xrf2);
	v32 =	vld [tilespmem:s21+$0xFFFFFFA0];
	(erf) = vpow2.f32 v14;
	(xrf2) =	vadd.scan.msk.f32 $0xffff, v0  }
0x66b: {  	v0 =	vmul.f32 $1.442695020e+00, v30;
	v33 =	vld [tilespmem:s6+$0xFFFFFFA0];
	v16 =	vpop (erf)  }
0x66c: {  	v30 =	vld [tilespmem:s5+$0xFFFFFFA0];
	v27 =	vmul.f32 v16, v27;
	v16 =	vsel vm4, v17, v16  }
0x66d: {  	v17 =	vbroadcast v0, $0xF;
	(xrf2) =	vadd.scan.msk.f32 $0xffff, v20;
	v14 =	vpop (erf)  }
0x66e: {  	v18 =	vmul.f32 v25, v18;
	v20, _, _ =	vpop (xrf2);
	[tilespmem:s30+$0xFFFFFFC0] =	vst v27;
	v0 =	vmul.f32 v14, v29  }
0x66f: {  	v20 =	vmul.f32 $1.442695020e+00, v20;
	v27 =	vld [tilespmem:s13+$0xFFFFFFD0]  }
0x670: {  	(erf) = vpow2.f32 v17;
	v17 =	vmul.f32 v33, v32;
	(xrf2) =	vadd.scan.msk.f32 $0xffff, v18;
	v18 =	vld [tilespmem:s31+$0x30];
	[tilespmem:s26+$0x60] =	vst v0;
	v25 =	vpop (erf)  }
0x671: {  	v20 =	vbroadcast v20, $0xF;
	v29, _, _ =	vpop (xrf2);
	v32 =	vld [tilespmem:s2+$0x70];
	v0 =	vmul.f32 v25, v31;
	v19 =	vsel vm7, v19, v25  }
0x672: {  	v25 =	vmul.f32 $1.442695020e+00, v29;
	v29 =	vld [tilespmem:s3+$0x70]  }
0x673: {  	(erf) = vpow2.f32 v20;
	(xrf2) =	vadd.scan.msk.f32 $0xffff, v17;
	v31 =	vpop (erf);
	v17 =	vld [tilespmem:s14+$0xFFFFFFD0];
	[tilespmem:s25+$0xFFFFFFF0] =	vst v0;
	s25 =	smov.u32 s26;
	s26 =	smov.u32 s30;
	s30 =	smov.u32 s15  }
0x674: {  	s5 =	sadd.s32 $0x100, s5;
	s15 =	smov.u32 s28;
	v20 =	vbroadcast v25, $0xF;
	v25 =	vld [tilespmem:s29+$0xFFFFFFD0];
	v33, _, _ =	vpop (xrf2);
	[tilespmem:s7+$0xFFFFFFF0] =	vst v19  }
0x675: {  	v19 =	vld [tilespmem:s5+$0x0];
	v18 =	vmul.f32 v31, v18;
	v33 =	vmul.f32 $1.442695020e+00, v33  }
0x676: {  	v35 =	vld [tilespmem:s5+$0xFFFFFF80];
	(erf) = vpow2.f32 v20  }
0x677: {  	[tilespmem:s30+$0x30] =	vst v18;
	v18 =	vbroadcast v33, $0xF;
	v20 =	vmul.f32 v29, v32;
	v29, _, _ =	vpop (xrf2)  }
0x678: {  	v32 =	vld [tilespmem:s0+$0x40];
	v17 =	vmul.f32 v17, v27;
	v27 =	vmul.f32 $1.442695020e+00, v29  }
0x679: {  	v33 =	vpop (erf);
	v29 =	vld [tilespmem:s1+$0x40];
	(erf) = vpow2.f32 v18;
	(xrf2) =	vadd.scan.msk.f32 $0xffff, v20  }
0x67a: {  	v0 =	vmul.f32 v33, v19;
	v19, _, _ =	vpop (xrf2);
	v36 =	vbroadcast v27, $0xF  }
0x67b: {  	s28 =	sadd.s32 $0x100, s28;
	v19 =	vmul.f32 $1.442695020e+00, v19  }
0x67c: {  	[tilespmem:s28+$0x0] =	vst v0;
	v18 =	vpop (erf);
	(xrf2) =	vadd.scan.msk.f32 $0xffff, v17;
	(erf) = vpow2.f32 v36  }
0x67d: {  	v0 =	vmul.f32 v18, v35;
	v18 =	vnsel vm0, $0x0, v18;
	v27 =	vld [tilespmem:s9+$0x10];
	v19 =	vbroadcast v19, $0xF;
	v20, _, _ =	vpop (xrf2)  }
0x67e: {  	v35 =	vld [tilespmem:s19+$0x10];
	v20 =	vmul.f32 $1.442695020e+00, v20;
	v29 =	vmul.f32 v29, v32  }
0x67f: {  	[tilespmem:s28+$0xFFFFFF80] =	vst v0;
	(erf) = vpow2.f32 v19;
	v17 =	vpop (erf);
	v19 =	vld [tilespmem:s29+$0x50]  }
0x680: {  	v32 =	vld [tilespmem:s9+$0xFFFFFF90];
	v0 =	vbroadcast v20, $0xF;
	v34 =	vmul.f32 v17, v34;
	v17 =	vsel vm3, v15, v17;
	(xrf2) =	vadd.scan.msk.f32 $0xffff, v29  }
0x681: {  	v15 =	vld [tilespmem:s19+$0xFFFFFF90]  }
0x682: {  	v29 =	vld [tilespmem:s5+$0xFFFFFF90];
	(erf) = vpow2.f32 v0;
	[tilespmem:s30+$0xFFFFFFB0] =	vst v34;
	v20 =	vpop (erf)  }
0x683: {  	v27 =	vmul.f32 v35, v27;
	v34 =	vld [tilespmem:s0+$0xFFFFFFC0];
	v35, _, _ =	vpop (xrf2)  }
0x684: {  	v36 =	vld [tilespmem:s17+$0x20];
	v19 =	vmul.f32 v20, v19;
	v35 =	vmul.f32 $1.442695020e+00, v35  }
0x685: {  	(xrf2) =	vadd.scan.msk.f32 $0xffff, v27;
	v37 =	vld [tilespmem:s1+$0xFFFFFFC0];
	v38 =	vpop (erf)  }
0x686: {  	v15 =	vmul.f32 v15, v32;
	v27 =	vld [tilespmem:s31+$0xFFFFFFC0];
	[tilespmem:s26+$0x50] =	vst v19;
	v32, _, _ =	vpop (xrf2);
	v19 =	vsel vm6, v22, v38;
	v35 =	vbroadcast v35, $0xF  }
0x687: {  	v26 =	vmul.f32 v38, v26;
	v32 =	vmul.f32 $1.442695020e+00, v32;
	v39 =	vld [tilespmem:s13+$0x60]  }
0x688: {  	(xrf2) =	vadd.scan.msk.f32 $0xffff, v15;
	v22 =	vpop (erf);
	v38 =	vld [tilespmem:s14+$0x60];
	(erf) = vpow2.f32 v35  }
0x689: {  	v0 =	vmul.f32 v22, v36;
	v32 =	vbroadcast v32, $0xF;
	[tilespmem:s25+$0xFFFFFFE0] =	vst v26  }
0x68a: {  	v26 =	vmul.f32 v37, v34;
	v34, _, _ =	vpop (xrf2);
	v40 =	vld [tilespmem:s2+$0xFFFFFFF0];
	s2 =	smov.u32 s13;
	s13 =	smov.u32 s0;
	s0 =	smov.u32 s21  }
0x68b: {  	[tilespmem:s15+$0x20] =	vst v0;
	v15 =	vpop (erf);
	v34 =	vmul.f32 $1.442695020e+00, v34;
	(erf) = vpow2.f32 v32;
	v41 =	vld [tilespmem:s3+$0xFFFFFFF0];
	s3 =	smov.u32 s14;
	s14 =	smov.u32 s1;
	s1 =	smov.u32 s6  }
0x68c: {  	s21 =	smov.u32 s9;
	s6 =	smov.u32 s19;
	v30 =	vmul.f32 v15, v30;
	v15 =	vsel vm2, v23, v15;
	v35 =	vld [tilespmem:s0+$0x30];
	(xrf2) =	vadd.scan.msk.f32 $0xffff, v26  }
.Ltmp4:
0x68d: {  	v26 =	vbroadcast v34, $0xF;
	v32 =	vmul.f32 v38, v39;
	v34 =	vnsel vm0, $0x0, v1;
	v23 =	vld [tilespmem:s23+$0x70];
	v1 =	vmovc v3;
	v3 =	vmovc v6;
	(pc) =	sbr.rel @p0 .LBB2_11-.Ltmp4, $4  }
0x68e: {  	v6 =	vmovc v12;
	[tilespmem:s15+$0xFFFFFFA0] =	vst v30;
	v36 =	vld [tilespmem:s1+$0x30];
	v34 =	vsel vm1, v34, v2;
	v2 =	vmovc v5;
	v5 =	vmov v10;
	v10 =	vmov v24  }
0x68f: {  	v12 =	vmov v33;
	v24, _, _ =	vpop (xrf2);
	v30 =	vld [tilespmem:s0+$0xFFFFFFB0];
	(erf) = vpow2.f32 v26;
	(xrf2) =	vadd.scan.msk.f32 $0xffff, v32;
	v39 =	vsel vm2, v34, v4  }
0x690: {  	v37 =	vmul.f32 $1.442695020e+00, v24;
	v32 =	vld [tilespmem:s1+$0xFFFFFFB0];
	v38 =	vmul.f32 v41, v40;
	v0 =	vsel vm3, v39, v7;
	v7 =	vmovc v13;
	v13 =	vmovc v31  }
0x691: {  	s9 =	sadd.s32 $0x100, s9;
	v4 =	vmov v21;
	v34 =	vld [tilespmem:s17+$0xFFFFFFB0];
	v26 =	vsel vm4, v0, v11;
	v24 =	vpop (erf);
	v11 =	vmov v28  }
0x692: {  	_ = 	snop  }
0x693: {  	v21 =	vmul.f32 v36, v35  }
0x694: {  	(xrf2) =	vadd.scan.msk.f32 $0xffff, v38  }
0x695: {  	(xrf2) =	vadd.scan.msk.f32 $0xffff, v21;
	v21 =	vbroadcast v37, $0xF;
	_ =	sdelay $0x1  }
0x696: {  	v28, _, _ =	vpop (xrf2)  }
0x697: {  	v31 =	vmul.f32 $1.442695020e+00, v28;
	v28 =	vpop (erf)  }
0x698: {  	(erf) = vpow2.f32 v21;
	v21, _, _ =	vpop (xrf2)  }
0x699: {  	v31 =	vbroadcast v31, $0xF;
	v33, _, _ =	vpop (xrf2)  }
0x69a: {  	v49 =	vmul.f32 v28, v25;
	v25 =	vmul.f32 $1.442695020e+00, v33  }
0x69b: {  	v21 =	vmul.f32 $1.442695020e+00, v21;
	_ =	sdelay $0x1  }
0x69c: {  	(erf) = vpow2.f32 v31;
	v21 =	vbroadcast v21, $0xF;
	v31, _, _ =	vpop (xrf2)  }
0x69d: {  	v48 =	vld [tilespmem:s31+$0x40];
	v33 =	vbroadcast v25, $0xF;
	v31 =	vmul.f32 $1.442695020e+00, v31;
	v25, _, _ =	vpop (xrf2)  }
0x69e: {  	v50 =	vld [tilespmem:s5+$0x10];
	(erf) = vpow2.f32 v21;
	v21 =	vmul.f32 $1.442695020e+00, v25;
	_ =	sdelay $0x1  }
0x69f: {  	v31 =	vbroadcast v31, $0xF  }
0x6a0: {  	v25 =	vpop (erf);
	(erf) = vpow2.f32 v33;
	v52 =	vbroadcast v21, $0xF  }
0x6a1: {  	v55 =	vld [tilespmem:s29+$0x60];
	v51 =	vmul.f32 v25, v48;
	(erf) = vpow2.f32 v31;
	v21 =	vpop (erf)  }
0x6a2: {  	v40 =	vld [tilespmem:s17+$0x30];
	[tilespmem:s26+$0xFFFFFFD0] =	vst v49;
	(erf) = vpow2.f32 v52;
	v31 =	vmul.f32 v21, v50  }
0x6a3: {  	v36 =	vld [tilespmem:s2+$0xFFFFFFE0]  }
0x6a4: {  	v32 =	vmul.f32 v32, v30;
	v53 =	vld [tilespmem:s3+$0xFFFFFFE0];
	[tilespmem:s30+$0x40] =	vst v51;
	v30 =	vpop (erf)  }
0x6a5: {  	v54 =	vld [tilespmem:s13+$0x50];
	v29 =	vmul.f32 v30, v29  }
0x6a6: {  	(xrf2) =	vadd.scan.msk.f32 $0xffff, v32;
	v56 =	vld [tilespmem:s14+$0x50];
	[tilespmem:s28+$0x10] =	vst v31;
	v31 =	vpop (erf)  }
0x6a7: {  	v39 =	vld [tilespmem:s21+$0x20];
	v27 =	vmul.f32 v31, v27  }
0x6a8: {  	v41 =	vld [tilespmem:s6+$0x20];
	[tilespmem:s28+$0xFFFFFF90] =	vst v29  }
0x6a9: {  	v42 =	vld [tilespmem:s21+$0xFFFFFFA0];
	v29 =	vpop (erf)  }
0x6aa: {  	v43 =	vld [tilespmem:s6+$0xFFFFFFA0];
	v37 =	vmul.f32 v29, v55;
	v32 =	vpop (erf);
	[tilespmem:s30+$0xFFFFFFC0] =	vst v27  }
0x6ab: {  	v35 =	vmul.f32 v56, v54;
	v57 =	vld [tilespmem:s13+$0xFFFFFFD0];
	v27 =	vpop (erf)  }
0x6ac: {  	v33 =	vmul.f32 v53, v36;
	[tilespmem:s26+$0x60] =	vst v37;
	v60 =	vld [tilespmem:s14+$0xFFFFFFD0];
	v40 =	vmul.f32 v27, v40  }
0x6ad: {  	(xrf2) =	vadd.scan.msk.f32 $0xffff, v35;
	v59 =	vmul.f32 v41, v39;
	v37 =	vld [tilespmem:s2+$0x70]  }
0x6ae: {  	(xrf2) =	vadd.scan.msk.f32 $0xffff, v33;
	v58 =	vld [tilespmem:s3+$0x70];
	[tilespmem:s15+$0x30] =	vst v40  }
0x6af: {  	(xrf2) =	vadd.scan.msk.f32 $0xffff, v59;
	v61 =	vld [tilespmem:s0+$0x40]  }
0x6b0: {  	v62, _, _ =	vpop (xrf2);
	v63 =	vmul.f32 v43, v42;
	v40 =	vld [tilespmem:s1+$0x40]  }
0x6b1: {  	v36 =	vmul.f32 $1.442695020e+00, v62  }
0x6b2: {  	(xrf2) =	vadd.scan.msk.f32 $0xffff, v63  }
0x6b3: {  	v36 =	vbroadcast v36, $0xF;
	v35 =	vmul.f32 v58, v37  }
0x6b4: {  	v42 =	vmul.f32 v60, v57  }
0x6b5: {  	(erf) = vpow2.f32 v36;
	(xrf2) =	vadd.scan.msk.f32 $0xffff, v35;
	v33 =	vmul.f32 v40, v61  }
0x6b6: {  	(xrf2) =	vadd.scan.msk.f32 $0xffff, v42  }
0x6b7: {  	v43, _, _ =	vpop (xrf2);
	(xrf2) =	vadd.scan.msk.f32 $0xffff, v33  }
0x6b8: {  	v44 =	vmul.f32 $1.442695020e+00, v43;
	v45, _, _ =	vpop (xrf2)  }
0x6b9: {  	v35 =	vmul.f32 $1.442695020e+00, v45;
	v46, _, _ =	vpop (xrf2)  }
0x6ba: {  	v33 =	vbroadcast v44, $0xF;
	v36 =	vmul.f32 $1.442695020e+00, v46;
	_ =	sdelay $0x1  }
0x6bb: {  	v47 =	vbroadcast v35, $0xF;
	v49, _, _ =	vpop (xrf2);
	(erf) = vpow2.f32 v33  }
0x6bc: {  	v50 =	vmul.f32 $1.442695020e+00, v49  }
0x6bd: {  	v48 =	vbroadcast v36, $0xF;
	(erf) = vpow2.f32 v47;
	v36 =	vpop (erf)  }
0x6be: {  	v33 =	vbroadcast v50, $0xF;
	v51, _, _ =	vpop (xrf2)  }
0x6bf: {  	(erf) = vpow2.f32 v48;
	v35 =	vmul.f32 $1.442695020e+00, v51;
	v37, _, _ =	vpop (xrf2)  }
0x6c0: {  	v52 =	vld [tilespmem:s31+$0x50];
	v53 =	vmul.f32 v36, v34;
	v54 =	vmul.f32 $1.442695020e+00, v37;
	v55, _, _ =	vpop (xrf2)  }
0x6c1: {  	v35 =	vbroadcast v35, $0xF;
	v37 =	vmul.f32 $1.442695020e+00, v55  }
0x6c2: {  	v57 =	vld [tilespmem:s29+$0xFFFFFFE0];
	(erf) = vpow2.f32 v33;
	v56 =	vbroadcast v54, $0xF  }
0x6c3: {  	v59 =	vld [tilespmem:s5+$0xFFFFFFA0];
	(erf) = vpow2.f32 v35;
	v58 =	vbroadcast v37, $0xF  }
0x6c4: {  	v60 =	vld [tilespmem:s5+$0x20];
	v34 =	vpop (erf);
	(erf) = vpow2.f32 v56  }
0x6c5: {  	v45 =	vld [tilespmem:s17+$0x40];
	[tilespmem:s15+$0xFFFFFFB0] =	vst v53;
	v61 =	vmul.f32 v34, v52;
	(erf) = vpow2.f32 v58  }
0x6c6: {  	v62 =	vld [tilespmem:s0+$0xFFFFFFC0];
	v37 =	vpop (erf)  }
0x6c7: {  	v63 =	vld [tilespmem:s1+$0xFFFFFFC0];
	[tilespmem:s30+$0x50] =	vst v61;
	v53 =	vmul.f32 v37, v57  }
0x6c8: {  	v52 =	vld [tilespmem:s13+$0x60];
	v33 =	vpop (erf)  }
0x6c9: {  	v44 =	vld [tilespmem:s14+$0x60];
	v39 =	vmul.f32 v33, v60;
	[tilespmem:s26+$0xFFFFFFE0] =	vst v53  }
0x6ca: {  	v46 =	vld [tilespmem:s2+$0xFFFFFFF0]  }
0x6cb: {  	v40 =	vpop (erf);
	[tilespmem:s28+$0x20] =	vst v39;
	v47 =	vld [tilespmem:s3+$0xFFFFFFF0]  }
0x6cc: {  	v38 =	vpop (erf);
	v48 =	vld [tilespmem:s21+$0x30]  }
0x6cd: {  	v42 =	vmul.f32 v63, v62;
	v41 =	vmul.f32 v40, v59;
	v49 =	vld [tilespmem:s6+$0x30];
	v39 =	vpop (erf)  }
0x6ce: {  	v35 =	vpop (erf)  }
0x6cf: {  	(xrf2) =	vadd.scan.msk.f32 $0xffff, v42;
	[tilespmem:s28+$0xFFFFFFA0] =	vst v41;
	v54 =	vmul.f32 v35, v45  }
0x6d0: {  	v43 =	vmul.f32 v44, v52;
	v55 =	vld [tilespmem:s21+$0xFFFFFFB0]  }
0x6d1: {  	v56 =	vld [tilespmem:s6+$0xFFFFFFB0];
	v57 =	vmul.f32 v47, v46;
	[tilespmem:s15+$0x40] =	vst v54  }
0x6d2: {  	(xrf2) =	vadd.scan.msk.f32 $0xffff, v43;
	v59 =	vmul.f32 v49, v48;
	v58 =	vld [tilespmem:s0+$0x50]  }
0x6d3: {  	(xrf2) =	vadd.scan.msk.f32 $0xffff, v57;
	v60 =	vld [tilespmem:s1+$0x50]  }
0x6d4: {  	(xrf2) =	vadd.scan.msk.f32 $0xffff, v59;
	_ =	sdelay $0x1  }
0x6d5: {  	v61 =	vmul.f32 v56, v55;
	_ =	sdelay $0x1  }
0x6d6: {  	(xrf2) =	vadd.scan.msk.f32 $0xffff, v61;
	v62 =	vmul.f32 v60, v58  }
0x6d7: {  	v63, _, _ =	vpop (xrf2)  }
0x6d8: {  	v44 =	vmul.f32 $1.442695020e+00, v63;
	(xrf2) =	vadd.scan.msk.f32 $0xffff, v62;
	_ =	sdelay $0x1  }
0x6d9: {  	v41 =	vbroadcast v44, $0xF;
	v45, _, _ =	vpop (xrf2)  }
0x6da: {  	v42 =	vmul.f32 $1.442695020e+00, v45;
	v46, _, _ =	vpop (xrf2)  }
0x6db: {  	(erf) = vpow2.f32 v41;
	v47 =	vmul.f32 $1.442695020e+00, v46;
	v48, _, _ =	vpop (xrf2)  }
0x6dc: {  	v51 =	vld [tilespmem:s31+$0xFFFFFFD0];
	v42 =	vbroadcast v42, $0xF;
	v43 =	vmul.f32 $1.442695020e+00, v48  }
0x6dd: {  	v41 =	vbroadcast v47, $0xF  }
0x6de: {  	(erf) = vpow2.f32 v42;
	v49 =	vbroadcast v43, $0xF  }
0x6df: {  	v50, _, _ =	vpop (xrf2);
	(erf) = vpow2.f32 v41  }
0x6e0: {  	v52 =	vmul.f32 $1.442695020e+00, v50;
	(erf) = vpow2.f32 v49  }
0x6e1: {  	v57 =	vmul.f32 v39, v51;
	v54 =	vld [tilespmem:s17+$0xFFFFFFC0];
	v53, _, _ =	vpop (xrf2)  }
0x6e2: {  	v41 =	vbroadcast v52, $0xF;
	v42 =	vmul.f32 $1.442695020e+00, v53  }
0x6e3: {  	v55 =	vld [tilespmem:s31+$0x60]  }
0x6e4: {  	[tilespmem:s30+$0xFFFFFFD0] =	vst v57;
	v61 =	vld [tilespmem:s5+$0x30];
	(erf) = vpow2.f32 v41;
	v56 =	vbroadcast v42, $0xF  }
0x6e5: {  	v63 =	vld [tilespmem:s14+$0xFFFFFFE0];
	v45 =	vpop (erf)  }
0x6e6: {  	v58 =	vld [tilespmem:s5+$0xFFFFFFB0];
	v60 =	vmul.f32 v45, v54;
	(erf) = vpow2.f32 v56  }
0x6e7: {  	v62 =	vld [tilespmem:s13+$0xFFFFFFE0];
	v43 =	vpop (erf)  }
0x6e8: {  	v50 =	vld [tilespmem:s17+$0x50];
	[tilespmem:s15+$0xFFFFFFC0] =	vst v60;
	v59 =	vmul.f32 v43, v55;
	v46 =	vpop (erf)  }
0x6e9: {  	v49 =	vld [tilespmem:s0+$0xFFFFFFD0];
	v41 =	vpop (erf)  }
0x6ea: {  	v54 =	vld [tilespmem:s1+$0xFFFFFFD0];
	[tilespmem:s30+$0x60] =	vst v59;
	v52 =	vmul.f32 v41, v61  }
0x6eb: {  	v51 =	vld [tilespmem:s13+$0x70]  }
0x6ec: {  	v53 =	vld [tilespmem:s14+$0x70];
	[tilespmem:s28+$0x30] =	vst v52  }
0x6ed: {  	v42 =	vpop (erf);
	v55 =	vld [tilespmem:s21+$0x40]  }
0x6ee: {  	v60 =	vmul.f32 v42, v58;
	v56 =	vld [tilespmem:s6+$0x40]  }
0x6ef: {  	v44 =	vpop (erf)  }
0x6f0: {  	v47 =	vmul.f32 v63, v62;
	[tilespmem:s28+$0xFFFFFFB0] =	vst v60;
	v50 =	vmul.f32 v44, v50  }
0x6f1: {  	v62 =	vmul.f32 v53, v51;
	v52 =	vld [tilespmem:s21+$0xFFFFFFC0]  }
0x6f2: {  	(xrf2) =	vadd.scan.msk.f32 $0xffff, v47;
	v53 =	vmul.f32 v54, v49;
	v61 =	vld [tilespmem:s6+$0xFFFFFFC0];
	[tilespmem:s15+$0x50] =	vst v50  }
0x6f3: {  	(xrf2) =	vadd.scan.msk.f32 $0xffff, v62;
	v57 =	vmul.f32 v56, v55;
	v63 =	vld [tilespmem:s0+$0x60]  }
0x6f4: {  	(xrf2) =	vadd.scan.msk.f32 $0xffff, v53;
	v54 =	vld [tilespmem:s1+$0x60]  }
0x6f5: {  	(xrf2) =	vadd.scan.msk.f32 $0xffff, v57;
	_ =	sdelay $0x2  }
0x6f6: {  	v58 =	vmul.f32 v61, v52  }
0x6f7: {  	v59 =	vmul.f32 v54, v63  }
0x6f8: {  	(xrf2) =	vadd.scan.msk.f32 $0xffff, v58  }
0x6f9: {  	(xrf2) =	vadd.scan.msk.f32 $0xffff, v59  }
0x6fa: {  	v60, _, _ =	vpop (xrf2)  }
0x6fb: {  	v47 =	vmul.f32 $1.442695020e+00, v60;
	v61, _, _ =	vpop (xrf2)  }
0x6fc: {  	v48 =	vmul.f32 $1.442695020e+00, v61;
	v62, _, _ =	vpop (xrf2)  }
0x6fd: {  	v47 =	vbroadcast v47, $0xF;
	v49 =	vmul.f32 $1.442695020e+00, v62;
	v50, _, _ =	vpop (xrf2)  }
0x6fe: {  	v48 =	vbroadcast v48, $0xF;
	v50 =	vmul.f32 $1.442695020e+00, v50  }
0x6ff: {  	(erf) = vpow2.f32 v47;
	v63 =	vbroadcast v49, $0xF  }
0x700: {  	(erf) = vpow2.f32 v48;
	v52 =	vbroadcast v50, $0xF  }
0x701: {  	(erf) = vpow2.f32 v63  }
0x702: {  	v53, _, _ =	vpop (xrf2);
	(erf) = vpow2.f32 v52  }
0x703: {  	v54 =	vmul.f32 $1.442695020e+00, v53;
	v55, _, _ =	vpop (xrf2)  }
0x704: {  	v56 =	vmul.f32 $1.442695020e+00, v55  }
0x705: {  	v47 =	vbroadcast v54, $0xF  }
0x706: {  	v57 =	vld [tilespmem:s31+$0xFFFFFFE0];
	v48 =	vbroadcast v56, $0xF  }
0x707: {  	v59 =	vld [tilespmem:s5+$0x40];
	(erf) = vpow2.f32 v47  }
0x708: {  	v58 =	vld [tilespmem:s17+$0xFFFFFFD0];
	v52 =	vpop (erf);
	(erf) = vpow2.f32 v48  }
0x709: {  	v50 =	vpop (erf)  }
0x70a: {  	v49 =	vpop (erf)  }
0x70b: {  	v62 =	vmul.f32 v52, v57;
	v47 =	vpop (erf)  }
0x70c: {  	v63 =	vld [tilespmem:s5+$0xFFFFFFC0];
	v48 =	vmul.f32 v47, v59  }
0x70d: {  	v61 =	vld [tilespmem:s17+$0x60];
	[tilespmem:s30+$0xFFFFFFE0] =	vst v62;
	v60 =	vmul.f32 v49, v58  }
0x70e: {  	v55 =	vld [tilespmem:s13+$0xFFFFFFF0]  }
0x70f: {  	v56 =	vld [tilespmem:s14+$0xFFFFFFF0];
	[tilespmem:s15+$0xFFFFFFD0] =	vst v60  }
0x710: {  	v57 =	vld [tilespmem:s0+$0xFFFFFFE0];
	[tilespmem:s28+$0x40] =	vst v48;
	v48 =	vpop (erf)  }
0x711: {  	v58 =	vld [tilespmem:s21+$0x50];
	v53 =	vmul.f32 v48, v63;
	v51 =	vpop (erf)  }
0x712: {  	v59 =	vld [tilespmem:s6+$0x50];
	v54 =	vmul.f32 v51, v61  }
0x713: {  	v60 =	vld [tilespmem:s1+$0xFFFFFFE0];
	[tilespmem:s28+$0xFFFFFFC0] =	vst v53  }
0x714: {  	v53 =	vld [tilespmem:s21+$0xFFFFFFD0];
	[tilespmem:s15+$0x60] =	vst v54  }
0x715: {  	v54 =	vld [tilespmem:s0+$0x70]  }
0x716: {  	v55 =	vmul.f32 v56, v55;
	v62 =	vld [tilespmem:s1+$0x70]  }
0x717: {  	v58 =	vmul.f32 v59, v58;
	v63 =	vld [tilespmem:s6+$0xFFFFFFD0]  }
0x718: {  	(xrf2) =	vadd.scan.msk.f32 $0xffff, v55  }
0x719: {  	(xrf2) =	vadd.scan.msk.f32 $0xffff, v58  }
0x71a: {  	v58 =	vmul.f32 v60, v57  }
0x71b: {  	v54 =	vmul.f32 v62, v54  }
0x71c: {  	(xrf2) =	vadd.scan.msk.f32 $0xffff, v58;
	v53 =	vmul.f32 v63, v53  }
0x71d: {  	(xrf2) =	vadd.scan.msk.f32 $0xffff, v54  }
0x71e: {  	(xrf2) =	vadd.scan.msk.f32 $0xffff, v53;
	_ =	sdelay $0x3  }
0x71f: {  	v60, _, _ =	vpop (xrf2)  }
0x720: {  	v53 =	vmul.f32 $1.442695020e+00, v60;
	v61, _, _ =	vpop (xrf2)  }
0x721: {  	v54 =	vmul.f32 $1.442695020e+00, v61  }
0x722: {  	v53 =	vbroadcast v53, $0xF  }
0x723: {  	v55, _, _ =	vpop (xrf2);
	v54 =	vbroadcast v54, $0xF  }
0x724: {  	(erf) = vpow2.f32 v53;
	v62 =	vmul.f32 $1.442695020e+00, v55;
	v63, _, _ =	vpop (xrf2)  }
0x725: {  	(erf) = vpow2.f32 v54;
	v57 =	vmul.f32 $1.442695020e+00, v63;
	v58, _, _ =	vpop (xrf2)  }
0x726: {  	v53 =	vbroadcast v62, $0xF;
	v55 =	vmul.f32 $1.442695020e+00, v58  }
0x727: {  	v54 =	vbroadcast v57, $0xF  }
0x728: {  	(erf) = vpow2.f32 v53;
	v59 =	vbroadcast v55, $0xF  }
0x729: {  	(erf) = vpow2.f32 v54  }
0x72a: {  	v60 =	vld [tilespmem:s5+$0x50];
	(erf) = vpow2.f32 v59;
	_ =	sdelay $0x2  }
0x72b: {  	v61 =	vld [tilespmem:s17+$0xFFFFFFE0];
	v57 =	vpop (erf)  }
0x72c: {  	v53 =	vpop (erf)  }
0x72d: {  	v58 =	vld [tilespmem:s5+$0xFFFFFFD0];
	v54 =	vmul.f32 v53, v60;
	_ =	sdelay $0x1  }
0x72e: {  	v55 =	vpop (erf)  }
0x72f: {  	[tilespmem:s28+$0x50] =	vst v54;
	v56 =	vmul.f32 v55, v61;
	v59 =	vpop (erf)  }
0x730: {  	v60 =	vld [tilespmem:s21+$0x60];
	v54 =	vpop (erf)  }
0x731: {  	v61 =	vld [tilespmem:s6+$0x60];
	[tilespmem:s15+$0xFFFFFFE0] =	vst v56;
	v56 =	vmul.f32 v54, v58  }
0x732: {  	v62 =	vld [tilespmem:s1+$0xFFFFFFF0]  }
0x733: {  	v58 =	vld [tilespmem:s0+$0xFFFFFFF0];
	[tilespmem:s28+$0xFFFFFFD0] =	vst v56  }
0x734: {  	v56 =	vld [tilespmem:s21+$0xFFFFFFE0]  }
0x735: {  	v63 =	vld [tilespmem:s6+$0xFFFFFFE0];
	_ =	sdelay $0x2  }
0x736: {  	v60 =	vmul.f32 v61, v60  }
0x737: {  	v58 =	vmul.f32 v62, v58  }
0x738: {  	(xrf2) =	vadd.scan.msk.f32 $0xffff, v60;
	v56 =	vmul.f32 v63, v56  }
0x739: {  	(xrf2) =	vadd.scan.msk.f32 $0xffff, v58  }
0x73a: {  	(xrf2) =	vadd.scan.msk.f32 $0xffff, v56;
	_ =	sdelay $0x7  }
0x73b: {  	v62, _, _ =	vpop (xrf2)  }
0x73c: {  	v56 =	vmul.f32 $1.442695020e+00, v62;
	v58, _, _ =	vpop (xrf2)  }
0x73d: {  	v58 =	vmul.f32 $1.442695020e+00, v58;
	v60, _, _ =	vpop (xrf2)  }
0x73e: {  	v56 =	vbroadcast v56, $0xF;
	v60 =	vmul.f32 $1.442695020e+00, v60  }
0x73f: {  	v58 =	vbroadcast v58, $0xF  }
0x740: {  	(erf) = vpow2.f32 v56;
	v63 =	vbroadcast v60, $0xF  }
0x741: {  	(erf) = vpow2.f32 v58  }
0x742: {  	(erf) = vpow2.f32 v63;
	_ =	sdelay $0x2  }
0x743: {  	v56 =	vld [tilespmem:s5+$0x60];
	_ =	sdelay $0x1  }
0x744: {  	v58 =	vld [tilespmem:s5+$0xFFFFFFE0];
	_ =	sdelay $0x1  }
0x745: {  	v60 =	vpop (erf)  }
0x746: {  	v56 =	vmul.f32 v60, v56;
	v61 =	vpop (erf)  }
0x747: {  	v62 =	vpop (erf)  }
0x748: {  	[tilespmem:s28+$0x60] =	vst v56;
	v56 =	vmul.f32 v62, v58  }
0x749: {  	v63 =	vld [tilespmem:s6+$0x70]  }
0x74a: {  	v58 =	vld [tilespmem:s21+$0x70];
	[tilespmem:s28+$0xFFFFFFE0] =	vst v56  }
0x74b: {  	v56 =	vld [tilespmem:s21+$0xFFFFFFF0]  }
0x74c: {  	v0 =	vld [tilespmem:s6+$0xFFFFFFF0];
	_ =	sdelay $0x2  }
0x74d: {  	v58 =	vmul.f32 v63, v58;
	_ =	sdelay $0x1  }
0x74e: {  	(xrf2) =	vadd.scan.msk.f32 $0xffff, v58;
	v0 =	vmul.f32 v0, v56;
	_ =	sdelay $0x1  }
0x74f: {  	v1 =	vnsel vm0, $0x0, v1;
	(xrf2) =	vadd.scan.msk.f32 $0xffff, v0  }
0x750: {  	v1 =	vsel vm1, v1, v2  }
0x751: {  	v9 =	vsel vm5, v26, v9;
	v1 =	vsel vm2, v1, v4;
	v0 =	vld [tilespmem:s23+$0xFFFFFFF0]  }
0x752: {  	v9 =	vsel vm6, v9, v14;
	v1 =	vsel vm3, v1, v7;
	v14 =	vld [tilespmem:s29+$0x70]  }
0x753: {  	v23 =	vmul.f32 v24, v23;
	v3 =	vnsel vm0, $0x0, v3;
	v1 =	vsel vm4, v1, v11  }
0x754: {  	v3 =	vsel vm1, v3, v5;
	v16 =	vsel vm5, v16, v28;
	v1 =	vsel vm5, v1, v20;
	v11 =	vld [tilespmem:s29+$0xFFFFFFF0]  }
0x755: {  	v9 =	vsel vm7, v9, v24;
	v17 =	vsel vm4, v17, v31;
	v1 =	vsel vm6, v1, v29  }
0x756: {  	s7 =	sadd.s32 $0x20, s7;
	[tilespmem:s25+$0x70] =	vst v23;
	v4 =	vsel vm7, v19, v32;
	v7 =	vsel vm3, v15, v36;
	v0 =	vmul.f32 v32, v0  }
0x757: {  	[tilespmem:s7+$0x0] =	vst v9;
	v15 =	vsel vm6, v16, v37;
	v14 =	vmul.f32 v38, v14;
	v1 =	vsel vm7, v1, v38;
	v16, _, _ =	vpop (xrf2)  }
0x758: {  	v9 =	vsel vm5, v17, v39;
	v17 =	vld [tilespmem:s31+$0x70];
	[tilespmem:s25+$0xFFFFFFF0] =	vst v0;
	v0 =	vsel vm2, v3, v8;
	v16 =	vmul.f32 $1.442695020e+00, v16  }
0x759: {  	[tilespmem:s7+$0xFFFFFFF0] =	vst v4;
	v4 =	vsel vm4, v7, v45;
	v7 =	vmul.f32 v46, v11;
	v0 =	vsel vm3, v0, v13;
	v5, _, _ =	vpop (xrf2)  }
0x75a: {  	[tilespmem:s26+$0x70] =	vst v14;
	s0 =	sadd.s32 $0x20, s7;
	v8 =	vld [tilespmem:s31+$0xFFFFFFF0];
	v0 =	vsel vm4, v0, v25;
	v3 =	vbroadcast v16, $0xF;
	v5 =	vmul.f32 $1.442695020e+00, v5  }
0x75b: {  	[tilespmem:s0+$0x0] =	vst v1;
	v1 =	vsel vm7, v15, v46;
	v0 =	vsel vm5, v0, v34  }
0x75c: {  	[tilespmem:s26+$0xFFFFFFF0] =	vst v7;
	(erf) = vpow2.f32 v3;
	v3 =	vbroadcast v5, $0xF;
	v5 =	vnsel vm0, $0x0, v6  }
0x75d: {  	v7 =	vmul.f32 v50, v17;
	[tilespmem:s0+$0xFFFFFFF0] =	vst v1;
	v1 =	vsel vm6, v9, v52;
	v5 =	vsel vm1, v5, v10  }
0x75e: {  	v0 =	vsel vm6, v0, v43;
	v6 =	vld [tilespmem:s17+$0x70];
	(erf) = vpow2.f32 v3;
	v3 =	vsel vm2, v5, v22  }
0x75f: {  	s0 =	sadd.s32 $0x20, s0;
	[tilespmem:s30+$0x70] =	vst v7;
	v0 =	vsel vm7, v0, v50;
	v7 =	vmul.f32 v57, v8;
	v3 =	vsel vm3, v3, v27  }
0x760: {  	[tilespmem:s0+$0x0] =	vst v0;
	v0 =	vsel vm7, v1, v57;
	v5 =	vld [tilespmem:s17+$0xFFFFFFF0];
	v1 =	vsel vm4, v3, v35;
	v3 =	vnsel vm0, $0x0, v12  }
0x761: {  	[tilespmem:s30+$0xFFFFFFF0] =	vst v7;
	v1 =	vsel vm5, v1, v44;
	v3 =	vsel vm1, v3, v21  }
0x762: {  	v8 =	vld [tilespmem:s5+$0x70];
	[tilespmem:s0+$0xFFFFFFF0] =	vst v0;
	v0 =	vsel vm6, v1, v51;
	v1 =	vsel vm2, v3, v33  }
0x763: {  	v4 =	vsel vm5, v4, v49;
	v6 =	vmul.f32 v59, v6;
	v1 =	vsel vm3, v1, v41  }
0x764: {  	v2 =	vsel vm1, v18, v30;
	v4 =	vsel vm6, v4, v55;
	v3 =	vld [tilespmem:s5+$0xFFFFFFF0]  }
0x765: {  	v4 =	vsel vm7, v4, v61;
	s0 =	sadd.s32 $0x20, s0;
	[tilespmem:s15+$0x70] =	vst v6;
	v0 =	vsel vm7, v0, v59;
	v5 =	vmul.f32 v61, v5  }
0x766: {  	v2 =	vsel vm2, v2, v40;
	[tilespmem:s0+$0x0] =	vst v0;
	v0 =	vsel vm4, v1, v47;
	v1 =	vpop (erf)  }
0x767: {  	v2 =	vsel vm3, v2, v42;
	[tilespmem:s15+$0xFFFFFFF0] =	vst v5;
	v0 =	vsel vm5, v0, v53;
	v5 =	vmul.f32 v1, v8  }
0x768: {  	v2 =	vsel vm4, v2, v48;
	[tilespmem:s0+$0xFFFFFFF0] =	vst v4;
	v0 =	vsel vm6, v0, v60;
	v4 =	vpop (erf)  }
0x769: {  	v2 =	vsel vm5, v2, v54;
	s0 =	sadd.s32 $0x20, s0;
	v0 =	vsel vm7, v0, v1;
	v1 =	vmul.f32 v4, v3;
	[tilespmem:s28+$0x70] =	vst v5  }
0x76a: {  	v2 =	vsel vm6, v2, v62;
	[tilespmem:s0+$0x0] =	vst v0  }
0x76b: {  	v0 =	vsel vm7, v2, v4;
	[tilespmem:s28+$0xFFFFFFF0] =	vst v1  }
0x76c: {  	[tilespmem:s0+$0xFFFFFFF0] =	vst v0  }
0x76d: {  	v0 =	vld [tilespmem:$0x28]  }
0x76e: {  	v1 =	vld [tilespmem:$0x38]  }
0x76f: {  	v2 =	vld [tilespmem:$0x40];
	_ =	sdelay $0x2  }
0x770: {  	[tilespmem:$0xA0] =	vst v0  }
0x771: {  	s8 =	rddreg [dreg:$0x2];
	[tilespmem:$0xB0] =	vst v1  }
0x772: {  	s9 =	simm.s32 $0x28;
	s12 =	simm.s32 $0xA0;
	s25 =	sshll.u32 s24, $0x1;
	[tilespmem:$0xB8] =	vst v2  }
0x773: {  	[spmem:s8] =	stream.indirect.scatter.add.f32 [tilespmem:s4], [sflag:$0x3], $0x80, s12, s9, $0xb8;
	[tilespmem:$0x1F9F0] =	vst v63  }
0x774: {  	s13 =	rddreg [dreg:$0x3];
	s14 =	smin.u32 s25, $0xF5  }
0x775: {  	[spmem:s13] =	stream.indirect.scatter.add.f32 [tilespmem:s10], [sflag:$0x3], $0x10, s12, s9, $0xb8;
	[tilespmem:$0x1F9F0] =	vst v63  }
0x776: {  	s15 =	simm.s32 $0x50F0;
	s0 =	smul.u32 $0x28, s14  }
0x777: {  	[tilespmem:s15], [sflag:$0x5] =	stream.indirect.gather [hbm4b:s16+s9], $0x80, s20, s9, $0xb8;
	[tilespmem:$0x1F9F0] =	vst v63  }
0x778: {  	s11 =	smov.u32 s16;
	s16 =	rddreg [dreg:$0xb]  }
0x779: {  	s0 =	sadd.s32 s0, s16  }
0x77a: {  	s17 =	rddreg [dreg:$0x6];
	s0 =	sshrl.u32 s0, $0x3  }
0x77b: {  	s19 =	simm.s32 $0x0;
	s21 =	simm.s32 $0x4E200;
	s0 =	sadd.s32 s17, s0  }
0x77c: {  	[tilespmem:s19], [sflag:$0x6] =	stream.strided.gather [hbm4b:s0+s9], $0x50, s21, s9, $0x38;
	[tilespmem:$0x1F9F0] =	vst v63  }
0x77d: {  	_ =	swait.ge [sflag:s22], $0x50  }
0x77e: {  	[sflag:s22] =	ssyncset.done $0x0  }
0x77f: {  	[sflag:s22] =	ssyncadd.s32 $0xFFFFFFB0  }
0x780: {  	s26 =	simm.s32 $0xF0;
	s23 =	rddreg [dreg:$0x0]  }
0x781: {  	[tilespmem:s26], [sflag:$0x1] =	stream.indirect.gather [hbm4b:s23+s9], $0x80, s9, s9, $0xb8;
	[tilespmem:$0x1F9F0] =	vst v63  }
0x782: {  	s6 =	simm.s32 $0x14F0;
	s7 =	simm.s32 $0x2;
	s5 =	rddreg [dreg:$0x5]  }
0x783: {  	[tilespmem:s6], [sflag:$0x1] =	stream.indirect.gather [hbm4b:s5+s9], $0x80, s19, s9, $0xb8;
	[tilespmem:$0x1F9F0] =	vst v63  }
0x784: {  	_ =	swait.ge [sflag:s7], $0x1400  }
0x785: {  	[sflag:s7] =	ssyncset.done $0x0  }
0x786: {  	[sflag:s7] =	ssyncadd.s32 $0xFFFFEC00  }
0x787: {  	_ =	swait.ge [sflag:s7], $0x1400  }
0x788: {  	[sflag:s7] =	ssyncset.done $0x0  }
0x789: {  	s8 =	simm.s32 $0x4;
	[sflag:s7] =	ssyncadd.s32 $0xFFFFEC00  }
0x78a: {  	_ =	swait.ge [sflag:s8], $0x1400  }
0x78b: {  	[sflag:s8] =	ssyncset.done $0x0  }
0x78c: {  	[sflag:s8] =	ssyncadd.s32 $0xFFFFEC00  }
0x78d: {  	_ =	swait.ge [sflag:s8], $0x280  }
0x78e: {  	[sflag:s8] =	ssyncset.done $0x0  }
0x78f: {  	s9 =	simm.s32 $0x5;
	[sflag:s8] =	ssyncadd.s32 $0xFFFFFD80  }
0x790: {  	_ =	swait.ge [sflag:s9], $0x1400  }
0x791: {  	[sflag:s9] =	ssyncset.done $0x0  }
0x792: {  	s8 =	simm.s32 $0x2970;
	[sflag:s9] =	ssyncadd.s32 $0xFFFFEC00  }
0x793: {  	s12 =	simm.s32 $0x3D70;
	v0 =	vld [tilespmem:s8+$0x0]  }
0x794: {  	v1 =	vld [tilespmem:s12+$0x0];
	_ =	sdelay $0x4  }
0x795: {  	v0 =	vmul.f32 v1, v0;
	_ =	sdelay $0x1  }
0x796: {  	(xrf2) =	vadd.scan.msk.f32 $0xffff, v0;
	_ =	sdelay $0x7  }
0x797: {  	v1 =	vld [tilespmem:s8+$0xFFFFFF80]  }
0x798: {  	v0 =	vld [tilespmem:s12+$0xFFFFFF80]  }
0x799: {  	v2, _, _ =	vpop (xrf2)  }
0x79a: {  	v2 =	vmul.f32 $1.442695020e+00, v2;
	_ =	sdelay $0x1  }
0x79b: {  	v2 =	vbroadcast v2, $0xF  }
0x79c: {  	v0 =	vmul.f32 v0, v1  }
0x79d: {  	(erf) = vpow2.f32 v2  }
0x79e: {  	(xrf2) =	vadd.scan.msk.f32 $0xffff, v0;
	_ =	sdelay $0x2  }
0x79f: {  	s7 =	simm.s32 $0x5170  }
0x7a0: {  	v0 =	vld [tilespmem:s7+$0x0];
	_ =	sdelay $0x3  }
0x7a1: {  	v16 =	vpop (erf)  }
0x7a2: {  	v0 =	vmul.f32 v16, v0  }
0x7a3: {  	s6 =	simm.s32 $0x7BF0;
	v1, _, _ =	vpop (xrf2)  }
0x7a4: {  	[tilespmem:s6+$0x0] =	vst v0;
	v0 =	vmul.f32 $1.442695020e+00, v1  }
0x7a5: {  	v1 =	vld [tilespmem:s8+$0x10]  }
0x7a6: {  	v2 =	vld [tilespmem:s12+$0x10];
	v0 =	vbroadcast v0, $0xF;
	_ =	sdelay $0x1  }
0x7a7: {  	(erf) = vpow2.f32 v0;
	_ =	sdelay $0x2  }
0x7a8: {  	v0 =	vmul.f32 v2, v1;
	_ =	sdelay $0x1  }
0x7a9: {  	(xrf2) =	vadd.scan.msk.f32 $0xffff, v0;
	v0 =	vld [tilespmem:s7+$0xFFFFFF80];
	_ =	sdelay $0x3  }
0x7aa: {  	v13 =	vpop (erf)  }
0x7ab: {  	v0 =	vmul.f32 v13, v0;
	_ =	sdelay $0x1  }
0x7ac: {  	[tilespmem:s6+$0xFFFFFF80] =	vst v0  }
0x7ad: {  	v0 =	vld [tilespmem:s8+$0xFFFFFF90]  }
0x7ae: {  	v1 =	vld [tilespmem:s12+$0xFFFFFF90]  }
0x7af: {  	v2, _, _ =	vpop (xrf2)  }
0x7b0: {  	s19 =	simm.s32 $0x2A70;
	v2 =	vmul.f32 $1.442695020e+00, v2  }
0x7b1: {  	s9 =	simm.s32 $0x3E70;
	v3 =	vld [tilespmem:s19+$0x0]  }
0x7b2: {  	v4 =	vld [tilespmem:s9+$0x0];
	v2 =	vbroadcast v2, $0xF  }
0x7b3: {  	v0 =	vmul.f32 v1, v0  }
0x7b4: {  	(erf) = vpow2.f32 v2  }
0x7b5: {  	(xrf2) =	vadd.scan.msk.f32 $0xffff, v0;
	_ =	sdelay $0x1  }
0x7b6: {  	v0 =	vmul.f32 v4, v3  }
0x7b7: {  	v1 =	vld [tilespmem:s7+$0x10]  }
0x7b8: {  	v2 =	vld [tilespmem:s9+$0xFFFFFF80];
	(xrf2) =	vadd.scan.msk.f32 $0xffff, v0  }
0x7b9: {  	v0 =	vld [tilespmem:s19+$0xFFFFFF80];
	_ =	sdelay $0x2  }
0x7ba: {  	v17 =	vpop (erf)  }
0x7bb: {  	v1 =	vmul.f32 v17, v1  }
0x7bc: {  	v0 =	vmul.f32 v2, v0;
	v3, _, _ =	vpop (xrf2)  }
0x7bd: {  	[tilespmem:s6+$0x10] =	vst v1;
	v1 =	vmul.f32 $1.442695020e+00, v3  }
0x7be: {  	(xrf2) =	vadd.scan.msk.f32 $0xffff, v0;
	v2 =	vld [tilespmem:s8+$0x20]  }
0x7bf: {  	v0 =	vld [tilespmem:s12+$0x20];
	v1 =	vbroadcast v1, $0xF  }
0x7c0: {  	v3, _, _ =	vpop (xrf2)  }
0x7c1: {  	(erf) = vpow2.f32 v1;
	v1 =	vmul.f32 $1.442695020e+00, v3;
	_ =	sdelay $0x1  }
0x7c2: {  	v1 =	vbroadcast v1, $0xF  }
0x7c3: {  	v0 =	vmul.f32 v0, v2  }
0x7c4: {  	(erf) = vpow2.f32 v1  }
0x7c5: {  	(xrf2) =	vadd.scan.msk.f32 $0xffff, v0;
	v0 =	vld [tilespmem:s7+$0xFFFFFF90];
	_ =	sdelay $0x1  }
0x7c6: {  	v1, _, _ =	vpop (xrf2)  }
0x7c7: {  	s26 =	simm.s32 $0x5270;
	v1 =	vmul.f32 $1.442695020e+00, v1  }
0x7c8: {  	v2 =	vld [tilespmem:s26+$0x0];
	v20 =	vpop (erf)  }
0x7c9: {  	v1 =	vbroadcast v1, $0xF;
	v0 =	vmul.f32 v20, v0;
	_ =	sdelay $0x1  }
0x7ca: {  	(erf) = vpow2.f32 v1;
	[tilespmem:s6+$0xFFFFFF90] =	vst v0  }
0x7cb: {  	v0 =	vld [tilespmem:s8+$0xFFFFFFA0];
	v15 =	vpop (erf)  }
0x7cc: {  	v1 =	vld [tilespmem:s12+$0xFFFFFFA0];
	v2 =	vmul.f32 v15, v2  }
0x7cd: {  	s23 =	simm.s32 $0x7CF0;
	v3, _, _ =	vpop (xrf2)  }
0x7ce: {  	v4 =	vld [tilespmem:s26+$0xFFFFFF80];
	v3 =	vmul.f32 $1.442695020e+00, v3;
	[tilespmem:s23+$0x0] =	vst v2  }
0x7cf: {  	v2 =	vld [tilespmem:s19+$0x10]  }
0x7d0: {  	v3 =	vbroadcast v3, $0xF;
	v5 =	vld [tilespmem:s9+$0x10]  }
0x7d1: {  	v0 =	vmul.f32 v1, v0  }
0x7d2: {  	(erf) = vpow2.f32 v3  }
0x7d3: {  	(xrf2) =	vadd.scan.msk.f32 $0xffff, v0;
	v21 =	vpop (erf)  }
0x7d4: {  	v0 =	vmul.f32 v21, v4  }
0x7d5: {  	v1 =	vmul.f32 v5, v2  }
0x7d6: {  	[tilespmem:s23+$0xFFFFFF80] =	vst v0;
	v0 =	vld [tilespmem:s7+$0x20]  }
0x7d7: {  	v2 =	vld [tilespmem:s19+$0xFFFFFF90];
	(xrf2) =	vadd.scan.msk.f32 $0xffff, v1  }
0x7d8: {  	v1 =	vld [tilespmem:s9+$0xFFFFFF90];
	_ =	sdelay $0x2  }
0x7d9: {  	v19 =	vpop (erf)  }
0x7da: {  	v0 =	vmul.f32 v19, v0  }
0x7db: {  	v1 =	vmul.f32 v1, v2;
	v3, _, _ =	vpop (xrf2)  }
0x7dc: {  	[tilespmem:s6+$0x20] =	vst v0;
	v0 =	vmul.f32 $1.442695020e+00, v3  }
0x7dd: {  	(xrf2) =	vadd.scan.msk.f32 $0xffff, v1;
	v2 =	vld [tilespmem:s8+$0x30]  }
0x7de: {  	v1 =	vld [tilespmem:s12+$0x30];
	v0 =	vbroadcast v0, $0xF  }
0x7df: {  	v3, _, _ =	vpop (xrf2)  }
0x7e0: {  	(erf) = vpow2.f32 v0;
	v0 =	vmul.f32 $1.442695020e+00, v3  }
0x7e1: {  	s15 =	simm.s32 $0x2B70  }
0x7e2: {  	s3 =	simm.s32 $0x3F70;
	v3 =	vld [tilespmem:s15+$0x0];
	v0 =	vbroadcast v0, $0xF  }
0x7e3: {  	v1 =	vmul.f32 v1, v2;
	v2 =	vld [tilespmem:s3+$0x0]  }
0x7e4: {  	(erf) = vpow2.f32 v0  }
0x7e5: {  	(xrf2) =	vadd.scan.msk.f32 $0xffff, v1;
	v0 =	vld [tilespmem:s7+$0xFFFFFFA0];
	_ =	sdelay $0x1  }
0x7e6: {  	v4 =	vld [tilespmem:s3+$0xFFFFFF80];
	v1, _, _ =	vpop (xrf2)  }
0x7e7: {  	v5 =	vld [tilespmem:s15+$0xFFFFFF80];
	v1 =	vmul.f32 $1.442695020e+00, v1;
	v2 =	vmul.f32 v2, v3  }
0x7e8: {  	v3 =	vld [tilespmem:s26+$0x10];
	v24 =	vpop (erf)  }
0x7e9: {  	v1 =	vbroadcast v1, $0xF;
	(xrf2) =	vadd.scan.msk.f32 $0xffff, v2;
	v0 =	vmul.f32 v24, v0;
	_ =	sdelay $0x1  }
0x7ea: {  	(erf) = vpow2.f32 v1;
	[tilespmem:s6+$0xFFFFFFA0] =	vst v0  }
0x7eb: {  	v0 =	vld [tilespmem:s8+$0xFFFFFFB0];
	v18 =	vpop (erf)  }
0x7ec: {  	v2 =	vmul.f32 v4, v5;
	v1 =	vld [tilespmem:s12+$0xFFFFFFB0];
	v3 =	vmul.f32 v18, v3  }
0x7ed: {  	v4, _, _ =	vpop (xrf2)  }
0x7ee: {  	v5 =	vld [tilespmem:s26+$0xFFFFFF90];
	(xrf2) =	vadd.scan.msk.f32 $0xffff, v2;
	v4 =	vmul.f32 $1.442695020e+00, v4;
	[tilespmem:s23+$0x10] =	vst v3  }
0x7ef: {  	v2 =	vld [tilespmem:s19+$0x20]  }
0x7f0: {  	v3 =	vbroadcast v4, $0xF;
	v4 =	vld [tilespmem:s9+$0x20]  }
0x7f1: {  	v0 =	vmul.f32 v1, v0  }
0x7f2: {  	(erf) = vpow2.f32 v3;
	v1, _, _ =	vpop (xrf2)  }
0x7f3: {  	v25 =	vpop (erf);
	(xrf2) =	vadd.scan.msk.f32 $0xffff, v0  }
0x7f4: {  	v0 =	vmul.f32 $1.442695020e+00, v1;
	v1 =	vmul.f32 v25, v5  }
0x7f5: {  	v2 =	vmul.f32 v4, v2  }
0x7f6: {  	v0 =	vbroadcast v0, $0xF  }
0x7f7: {  	v3 =	vld [tilespmem:s7+$0x30];
	[tilespmem:s23+$0xFFFFFF90] =	vst v1;
	(xrf2) =	vadd.scan.msk.f32 $0xffff, v2  }
0x7f8: {  	(erf) = vpow2.f32 v0;
	v0 =	vld [tilespmem:s19+$0xFFFFFFA0];
	v1, _, _ =	vpop (xrf2)  }
0x7f9: {  	v2 =	vld [tilespmem:s9+$0xFFFFFFA0];
	v1 =	vmul.f32 $1.442695020e+00, v1;
	_ =	sdelay $0x1  }
0x7fa: {  	v23 =	vpop (erf);
	v1 =	vbroadcast v1, $0xF  }
0x7fb: {  	v3 =	vmul.f32 v23, v3  }
0x7fc: {  	s30 =	simm.s32 $0x5370;
	v5, _, _ =	vpop (xrf2);
	(erf) = vpow2.f32 v1  }
0x7fd: {  	v4 =	vld [tilespmem:s30+$0x0];
	v0 =	vmul.f32 v2, v0;
	[tilespmem:s6+$0x30] =	vst v3;
	v1 =	vmul.f32 $1.442695020e+00, v5  }
0x7fe: {  	v2 =	vld [tilespmem:s8+$0x40]  }
0x7ff: {  	(xrf2) =	vadd.scan.msk.f32 $0xffff, v0;
	v3 =	vld [tilespmem:s12+$0x40];
	v0 =	vbroadcast v1, $0xF  }
0x800: {  	v5, _, _ =	vpop (xrf2)  }
0x801: {  	v6 =	vld [tilespmem:s30+$0xFFFFFF80];
	v1 =	vpop (erf);
	(erf) = vpow2.f32 v0  }
0x802: {  	v0 =	vmul.f32 $1.442695020e+00, v5;
	v4 =	vmul.f32 v1, v4  }
0x803: {  	s29 =	simm.s32 $0x7DF0  }
0x804: {  	v0 =	vbroadcast v0, $0xF;
	v2 =	vmul.f32 v3, v2;
	[tilespmem:s29+$0x0] =	vst v4  }
0x805: {  	v4 =	vld [tilespmem:s15+$0x10];
	v28 =	vpop (erf)  }
0x806: {  	v3 =	vld [tilespmem:s3+$0x10];
	(erf) = vpow2.f32 v0;
	(xrf2) =	vadd.scan.msk.f32 $0xffff, v2;
	v2 =	vmul.f32 v28, v6  }
0x807: {  	v0 =	vld [tilespmem:s7+$0xFFFFFFB0];
	_ =	sdelay $0x2  }
0x808: {  	[tilespmem:s29+$0xFFFFFF80] =	vst v2;
	v2, _, _ =	vpop (xrf2)  }
0x809: {  	v3 =	vmul.f32 v3, v4;
	v29 =	vpop (erf);
	v4 =	vld [tilespmem:s26+$0x20]  }
0x80a: {  	v5 =	vld [tilespmem:s15+$0xFFFFFF90];
	v2 =	vmul.f32 $1.442695020e+00, v2;
	v0 =	vmul.f32 v29, v0  }
0x80b: {  	v6 =	vld [tilespmem:s3+$0xFFFFFF90];
	(xrf2) =	vadd.scan.msk.f32 $0xffff, v3  }
0x80c: {  	v2 =	vbroadcast v2, $0xF;
	[tilespmem:s6+$0xFFFFFFB0] =	vst v0  }
0x80d: {  	v0 =	vld [tilespmem:s8+$0xFFFFFFC0];
	v22 =	vpop (erf)  }
0x80e: {  	(erf) = vpow2.f32 v2;
	v2 =	vld [tilespmem:s12+$0xFFFFFFC0];
	v3 =	vmul.f32 v22, v4;
	v4, _, _ =	vpop (xrf2)  }
0x80f: {  	v4 =	vmul.f32 $1.442695020e+00, v4  }
0x810: {  	v5 =	vmul.f32 v6, v5;
	[tilespmem:s23+$0x20] =	vst v3  }
0x811: {  	v3 =	vld [tilespmem:s19+$0x30];
	v4 =	vbroadcast v4, $0xF  }
0x812: {  	(xrf2) =	vadd.scan.msk.f32 $0xffff, v5;
	v5 =	vld [tilespmem:s9+$0x30]  }
0x813: {  	v0 =	vmul.f32 v2, v0;
	v2 =	vld [tilespmem:s26+$0xFFFFFFA0]  }
0x814: {  	(erf) = vpow2.f32 v4  }
0x815: {  	s2 =	simm.s32 $0x4070;
	v4, _, _ =	vpop (xrf2)  }
0x816: {  	s14 =	simm.s32 $0x2C70;
	v6 =	vld [tilespmem:s2+$0x0];
	(xrf2) =	vadd.scan.msk.f32 $0xffff, v0;
	v0 =	vmul.f32 $1.442695020e+00, v4  }
0x817: {  	v4 =	vld [tilespmem:s14+$0x0];
	v3 =	vmul.f32 v5, v3;
	v30 =	vpop (erf)  }
0x818: {  	v0 =	vbroadcast v0, $0xF;
	v2 =	vmul.f32 v30, v2  }
0x819: {  	v5 =	vld [tilespmem:s7+$0x40]  }
0x81a: {  	(xrf2) =	vadd.scan.msk.f32 $0xffff, v3;
	v3 =	vld [tilespmem:s14+$0xFFFFFF80];
	(erf) = vpow2.f32 v0  }
0x81b: {  	v0 =	vld [tilespmem:s2+$0xFFFFFF80]  }
0x81c: {  	[tilespmem:s23+$0xFFFFFFA0] =	vst v2;
	v4 =	vmul.f32 v6, v4;
	v2, _, _ =	vpop (xrf2)  }
0x81d: {  	v8 =	vld [tilespmem:s30+$0x10];
	v27 =	vpop (erf);
	v2 =	vmul.f32 $1.442695020e+00, v2  }
0x81e: {  	v7 =	vld [tilespmem:s19+$0xFFFFFFB0];
	v5 =	vmul.f32 v27, v5  }
0x81f: {  	v6 =	vld [tilespmem:s9+$0xFFFFFFB0];
	(xrf2) =	vadd.scan.msk.f32 $0xffff, v4;
	v2 =	vbroadcast v2, $0xF  }
0x820: {  	v4, _, _ =	vpop (xrf2);
	[tilespmem:s6+$0x40] =	vst v5;
	v0 =	vmul.f32 v0, v3  }
0x821: {  	v4 =	vmul.f32 $1.442695020e+00, v4;
	v3 =	vld [tilespmem:s8+$0x50]  }
0x822: {  	v5 =	vld [tilespmem:s12+$0x50];
	(erf) = vpow2.f32 v2;
	(xrf2) =	vadd.scan.msk.f32 $0xffff, v0  }
0x823: {  	v4 =	vbroadcast v4, $0xF;
	v2 =	vpop (erf)  }
0x824: {  	v0 =	vmul.f32 v6, v7;
	v7, _, _ =	vpop (xrf2);
	v6 =	vmul.f32 v2, v8  }
0x825: {  	(erf) = vpow2.f32 v4;
	v4 =	vmul.f32 $1.442695020e+00, v7  }
0x826: {  	(xrf2) =	vadd.scan.msk.f32 $0xffff, v0;
	v7 =	vld [tilespmem:s30+$0xFFFFFF90];
	[tilespmem:s29+$0x10] =	vst v6  }
0x827: {  	v3 =	vmul.f32 v5, v3;
	v4 =	vbroadcast v4, $0xF;
	v0 =	vld [tilespmem:s15+$0x20]  }
0x828: {  	v5 =	vld [tilespmem:s3+$0x20]  }
0x829: {  	v6, _, _ =	vpop (xrf2);
	(erf) = vpow2.f32 v4;
	(xrf2) =	vadd.scan.msk.f32 $0xffff, v3  }
0x82a: {  	v3 =	vld [tilespmem:s7+$0xFFFFFFC0];
	v4 =	vmul.f32 $1.442695020e+00, v6  }
0x82b: {  	v32 =	vpop (erf)  }
0x82c: {  	v4 =	vbroadcast v4, $0xF;
	v6 =	vmul.f32 v32, v7;
	v7, _, _ =	vpop (xrf2)  }
0x82d: {  	v0 =	vmul.f32 v5, v0;
	v5 =	vmul.f32 $1.442695020e+00, v7  }
0x82e: {  	v31 =	vpop (erf);
	(erf) = vpow2.f32 v4;
	v4 =	vld [tilespmem:s26+$0x30]  }
0x82f: {  	[tilespmem:s29+$0xFFFFFF90] =	vst v6;
	v3 =	vmul.f32 v31, v3;
	v5 =	vbroadcast v5, $0xF  }
0x830: {  	(xrf2) =	vadd.scan.msk.f32 $0xffff, v0;
	v0 =	vld [tilespmem:s15+$0xFFFFFFA0];
	v6, _, _ =	vpop (xrf2)  }
0x831: {  	v7 =	vld [tilespmem:s3+$0xFFFFFFA0];
	[tilespmem:s6+$0xFFFFFFC0] =	vst v3;
	v3 =	vmul.f32 $1.442695020e+00, v6  }
0x832: {  	s13 =	simm.s32 $0x5470;
	(erf) = vpow2.f32 v5;
	v26 =	vpop (erf)  }
0x833: {  	v8 =	vld [tilespmem:s13+$0x0];
	v3 =	vbroadcast v3, $0xF;
	v5, _, _ =	vpop (xrf2);
	v4 =	vmul.f32 v26, v4  }
0x834: {  	v6 =	vld [tilespmem:s8+$0xFFFFFFD0];
	v5 =	vmul.f32 $1.442695020e+00, v5  }
0x835: {  	v9 =	vld [tilespmem:s12+$0xFFFFFFD0];
	(erf) = vpow2.f32 v3;
	[tilespmem:s23+$0x30] =	vst v4  }
0x836: {  	v0 =	vmul.f32 v7, v0;
	v4 =	vbroadcast v5, $0xF;
	v5 =	vld [tilespmem:s19+$0x40]  }
0x837: {  	v7 =	vld [tilespmem:s9+$0x40]  }
0x838: {  	(xrf2) =	vadd.scan.msk.f32 $0xffff, v0;
	v0 =	vld [tilespmem:s13+$0xFFFFFF80];
	v3 =	vpop (erf)  }
0x839: {  	(erf) = vpow2.f32 v4;
	v4 =	vmul.f32 v3, v8  }
0x83a: {  	s31 =	simm.s32 $0x7EF0;
	v6 =	vmul.f32 v9, v6;
	v9 =	vld [tilespmem:s26+$0xFFFFFFB0];
	v8, _, _ =	vpop (xrf2)  }
0x83b: {  	v8 =	vmul.f32 $1.442695020e+00, v8;
	[tilespmem:s31+$0x0] =	vst v4  }
0x83c: {  	(xrf2) =	vadd.scan.msk.f32 $0xffff, v6;
	v35 =	vpop (erf);
	v4 =	vld [tilespmem:s14+$0x10];
	v5 =	vmul.f32 v7, v5  }
0x83d: {  	v0 =	vmul.f32 v35, v0;
	v6 =	vbroadcast v8, $0xF;
	v8 =	vld [tilespmem:s2+$0x10]  }
0x83e: {  	v36 =	vpop (erf)  }
0x83f: {  	(xrf2) =	vadd.scan.msk.f32 $0xffff, v5;
	[tilespmem:s31+$0xFFFFFF80] =	vst v0;
	(erf) = vpow2.f32 v6;
	v0 =	vmul.f32 v36, v9  }
0x840: {  	v7 =	vld [tilespmem:s7+$0x50]  }
0x841: {  	v5 =	vld [tilespmem:s14+$0xFFFFFF90]  }
0x842: {  	v6 =	vld [tilespmem:s2+$0xFFFFFF90];
	v4 =	vmul.f32 v8, v4  }
0x843: {  	v9 =	vld [tilespmem:s30+$0x20];
	[tilespmem:s23+$0xFFFFFFB0] =	vst v0;
	v0, _, _ =	vpop (xrf2)  }
0x844: {  	v34 =	vpop (erf);
	v8 =	vld [tilespmem:s19+$0xFFFFFFC0];
	v0 =	vmul.f32 $1.442695020e+00, v0  }
0x845: {  	v7 =	vmul.f32 v34, v7;
	v10 =	vld [tilespmem:s9+$0xFFFFFFC0]  }
0x846: {  	(xrf2) =	vadd.scan.msk.f32 $0xffff, v4;
	v4, _, _ =	vpop (xrf2);
	v0 =	vbroadcast v0, $0xF  }
0x847: {  	[tilespmem:s6+$0x50] =	vst v7;
	v11 =	vmul.f32 $1.442695020e+00, v4  }
0x848: {  	v7 =	vld [tilespmem:s8+$0x60];
	v4 =	vpop (erf);
	(erf) = vpow2.f32 v0;
	v0 =	vmul.f32 v6, v5  }
0x849: {  	v12 =	vld [tilespmem:s12+$0x60];
	v5 =	vmul.f32 v4, v9;
	v9, _, _ =	vpop (xrf2)  }
0x84a: {  	(xrf2) =	vadd.scan.msk.f32 $0xffff, v0;
	v0 =	vmul.f32 v10, v8;
	v8 =	vmul.f32 $1.442695020e+00, v9;
	_ =	sdelay $0x1  }
0x84b: {  	v6 =	vbroadcast v11, $0xF;
	(xrf2) =	vadd.scan.msk.f32 $0xffff, v0;
	v0 =	vbroadcast v8, $0xF;
	_ =	sdelay $0x1  }
0x84c: {  	s1 =	simm.s32 $0x4170;
	(erf) = vpow2.f32 v6;
	[tilespmem:s29+$0x20] =	vst v5;
	v5 =	vmul.f32 v12, v7  }
0x84d: {  	v9 =	vld [tilespmem:s1+$0x0]  }
0x84e: {  	v6 =	vld [tilespmem:s15+$0x30];
	(xrf2) =	vadd.scan.msk.f32 $0xffff, v5;
	(erf) = vpow2.f32 v0;
	v0, _, _ =	vpop (xrf2)  }
0x84f: {  	v7 =	vld [tilespmem:s3+$0x30];
	v0 =	vmul.f32 $1.442695020e+00, v0  }
0x850: {  	s0 =	simm.s32 $0x2D70;
	v5 =	vld [tilespmem:s30+$0xFFFFFFA0]  }
0x851: {  	v8 =	vld [tilespmem:s0+$0x0];
	v0 =	vbroadcast v0, $0xF;
	_ =	sdelay $0x1  }
0x852: {  	v37 =	vpop (erf);
	(erf) = vpow2.f32 v0;
	v0 =	vld [tilespmem:s26+$0x40]  }
0x853: {  	v6 =	vmul.f32 v7, v6;
	v7, _, _ =	vpop (xrf2)  }
0x854: {  	v10 =	vld [tilespmem:s1+$0xFFFFFF80];
	v5 =	vmul.f32 v37, v5;
	v38 =	vpop (erf);
	v7 =	vmul.f32 $1.442695020e+00, v7  }
0x855: {  	v8 =	vmul.f32 v9, v8;
	(xrf2) =	vadd.scan.msk.f32 $0xffff, v6;
	v6 =	vld [tilespmem:s0+$0xFFFFFF80];
	v11, _, _ =	vpop (xrf2)  }
0x856: {  	v12 =	vld [tilespmem:s7+$0xFFFFFFD0];
	[tilespmem:s29+$0xFFFFFFA0] =	vst v5;
	v5 =	vbroadcast v7, $0xF;
	v33 =	vpop (erf)  }
0x857: {  	v14 =	vld [tilespmem:s13+$0x10];
	(xrf2) =	vadd.scan.msk.f32 $0xffff, v8;
	v11 =	vmul.f32 $1.442695020e+00, v11;
	v9, _, _ =	vpop (xrf2);
	v0 =	vmul.f32 v33, v0  }
0x858: {  	v50 =	vld [tilespmem:s3+$0xFFFFFFB0];
	v9 =	vmul.f32 $1.442695020e+00, v9  }
0x859: {  	v7 =	vld [tilespmem:s15+$0xFFFFFFB0];
	(erf) = vpow2.f32 v5;
	v5 =	vbroadcast v11, $0xF;
	[tilespmem:s23+$0x40] =	vst v0  }
0x85a: {  	v6 =	vmul.f32 v10, v6;
	v0 =	vbroadcast v9, $0xF;
	v9 =	vld [tilespmem:s19+$0x50]  }
0x85b: {  	v8 =	vmul.f32 v38, v12;
	v10 =	vld [tilespmem:s9+$0x50]  }
0x85c: {  	(xrf2) =	vadd.scan.msk.f32 $0xffff, v6;
	(erf) = vpow2.f32 v5  }
0x85d: {  	[tilespmem:s6+$0xFFFFFFD0] =	vst v8;
	v5 =	vpop (erf)  }
0x85e: {  	v8 =	vld [tilespmem:s8+$0xFFFFFFE0];
	(erf) = vpow2.f32 v0;
	v6 =	vmul.f32 v5, v14  }
0x85f: {  	v7 =	vmul.f32 v50, v7;
	v0 =	vld [tilespmem:s13+$0xFFFFFF90]  }
0x860: {  	v12 =	vld [tilespmem:s12+$0xFFFFFFE0];
	v11, _, _ =	vpop (xrf2);
	[tilespmem:s31+$0x10] =	vst v6;
	v9 =	vmul.f32 v10, v9  }
0x861: {  	(xrf2) =	vadd.scan.msk.f32 $0xffff, v7;
	v14, _, _ =	vpop (xrf2);
	v6 =	vmul.f32 $1.442695020e+00, v11;
	v11 =	vld [tilespmem:s14+$0x20]  }
0x862: {  	v7 =	vld [tilespmem:s2+$0x20];
	(xrf2) =	vadd.scan.msk.f32 $0xffff, v9;
	v9 =	vmul.f32 $1.442695020e+00, v14  }
0x863: {  	v40 =	vpop (erf);
	v10 =	vld [tilespmem:s7+$0x60];
	v6 =	vbroadcast v6, $0xF  }
0x864: {  	v0 =	vmul.f32 v40, v0  }
0x865: {  	v41 =	vpop (erf);
	(erf) = vpow2.f32 v6;
	v6 =	vld [tilespmem:s26+$0xFFFFFFC0]  }
0x866: {  	v8 =	vmul.f32 v12, v8;
	[tilespmem:s31+$0xFFFFFF90] =	vst v0;
	v0 =	vbroadcast v9, $0xF;
	v9, _, _ =	vpop (xrf2)  }
0x867: {  	v39 =	vpop (erf);
	v9 =	vmul.f32 $1.442695020e+00, v9  }
0x868: {  	(xrf2) =	vadd.scan.msk.f32 $0xffff, v8;
	v8 =	vld [tilespmem:s2+$0xFFFFFFA0];
	v7 =	vmul.f32 v7, v11;
	v10 =	vmul.f32 v39, v10  }
0x869: {  	v11 =	vld [tilespmem:s14+$0xFFFFFFA0];
	(erf) = vpow2.f32 v0  }
0x86a: {  	v0 =	vld [tilespmem:s30+$0x30];
	(xrf2) =	vadd.scan.msk.f32 $0xffff, v7;
	v6 =	vmul.f32 v41, v6;
	[tilespmem:s6+$0x60] =	vst v10;
	v7 =	vbroadcast v9, $0xF  }
0x86b: {  	v10 =	vld [tilespmem:s8+$0x70];
	v9, _, _ =	vpop (xrf2)  }
0x86c: {  	s21 =	simm.s32 $0x5570;
	[tilespmem:s23+$0xFFFFFFC0] =	vst v6;
	(erf) = vpow2.f32 v7;
	v6 =	vmul.f32 $1.442695020e+00, v9;
	v9 =	vld [tilespmem:s12+$0x70]  }
0x86d: {  	v51 =	vld [tilespmem:s21+$0x0];
	v14, _, _ =	vpop (xrf2)  }
0x86e: {  	v8 =	vmul.f32 v8, v11;
	v12 =	vld [tilespmem:s19+$0xFFFFFFD0];
	v7 =	vpop (erf);
	v6 =	vbroadcast v6, $0xF  }
0x86f: {  	v11 =	vld [tilespmem:s9+$0xFFFFFFD0];
	v14 =	vmul.f32 $1.442695020e+00, v14;
	v0 =	vmul.f32 v7, v0  }
0x870: {  	(erf) = vpow2.f32 v6  }
0x871: {  	v52 =	vld [tilespmem:s21+$0xFFFFFF80];
	(xrf2) =	vadd.scan.msk.f32 $0xffff, v8;
	[tilespmem:s29+$0x30] =	vst v0;
	v0 =	vbroadcast v14, $0xF;
	v8 =	vmul.f32 v9, v10  }
0x872: {  	v9 =	vld [tilespmem:s15+$0x40];
	v6 =	vpop (erf)  }
0x873: {  	v10 =	vld [tilespmem:s3+$0x40];
	v14, _, _ =	vpop (xrf2);
	(erf) = vpow2.f32 v0;
	(xrf2) =	vadd.scan.msk.f32 $0xffff, v8;
	v0 =	vmul.f32 v6, v51  }
0x874: {  	s17 =	simm.s32 $0x7FF0;
	v8 =	vmul.f32 v11, v12;
	v11 =	vmul.f32 $1.442695020e+00, v14;
	v12, _, _ =	vpop (xrf2)  }
0x875: {  	v14 =	vld [tilespmem:s30+$0xFFFFFFB0];
	v12 =	vmul.f32 $1.442695020e+00, v12;
	v42 =	vpop (erf);
	[tilespmem:s17+$0x0] =	vst v0  }
0x876: {  	v0 =	vbroadcast v11, $0xF;
	(xrf2) =	vadd.scan.msk.f32 $0xffff, v8;
	v8 =	vmul.f32 v42, v52;
	v11 =	vld [tilespmem:s0+$0x10]  }
0x877: {  	v12 =	vbroadcast v12, $0xF;
	v53 =	vld [tilespmem:s1+$0x10]  }
0x878: {  	v9 =	vmul.f32 v10, v9;
	(erf) = vpow2.f32 v0;
	[tilespmem:s17+$0xFFFFFF80] =	vst v8;
	v0 =	vld [tilespmem:s26+$0x50]  }
0x879: {  	v8 =	vld [tilespmem:s0+$0xFFFFFF90];
	v43 =	vpop (erf)  }
0x87a: {  	(erf) = vpow2.f32 v12;
	(xrf2) =	vadd.scan.msk.f32 $0xffff, v9;
	v10 =	vld [tilespmem:s1+$0xFFFFFF90];
	v9 =	vmul.f32 v43, v14;
	_ =	sdelay $0x1  }
0x87b: {  	v12, _, _ =	vpop (xrf2)  }
0x87c: {  	v56 =	vld [tilespmem:s13+$0x20];
	v11 =	vmul.f32 v53, v11;
	v55, _, _ =	vpop (xrf2)  }
0x87d: {  	v14 =	vld [tilespmem:s7+$0xFFFFFFE0];
	v12 =	vmul.f32 $1.442695020e+00, v12;
	[tilespmem:s29+$0xFFFFFFB0] =	vst v9;
	v9 =	vpop (erf);
	v44 =	vmul.f32 $1.442695020e+00, v55  }
0x87e: {  	v54 =	vld [tilespmem:s15+$0xFFFFFFC0];
	v8 =	vmul.f32 v10, v8;
	v0 =	vmul.f32 v9, v0  }
0x87f: {  	(xrf2) =	vadd.scan.msk.f32 $0xffff, v11;
	v11 =	vbroadcast v12, $0xF;
	v12 =	vld [tilespmem:s3+$0xFFFFFFC0]  }
0x880: {  	(xrf2) =	vadd.scan.msk.f32 $0xffff, v8;
	[tilespmem:s23+$0x50] =	vst v0  }
0x881: {  	v10 =	vbroadcast v44, $0xF;
	v57 =	vld [tilespmem:s19+$0x60];
	v44 =	vpop (erf)  }
0x882: {  	(erf) = vpow2.f32 v11;
	v11 =	vld [tilespmem:s9+$0x60];
	v14 =	vmul.f32 v44, v14;
	v8 =	vpop (erf)  }
0x883: {  	(erf) = vpow2.f32 v10;
	v0, _, _ =	vpop (xrf2);
	v10 =	vmul.f32 v8, v56  }
0x884: {  	v12 =	vmul.f32 v12, v54;
	v0 =	vmul.f32 $1.442695020e+00, v0;
	v58, _, _ =	vpop (xrf2);
	[tilespmem:s6+$0xFFFFFFE0] =	vst v14  }
0x885: {  	v14 =	vmul.f32 $1.442695020e+00, v58;
	v59 =	vld [tilespmem:s8+$0xFFFFFFF0];
	[tilespmem:s31+$0x20] =	vst v10  }
0x886: {  	(xrf2) =	vadd.scan.msk.f32 $0xffff, v12;
	v0 =	vbroadcast v0, $0xF;
	v12 =	vld [tilespmem:s14+$0x30]  }
0x887: {  	v10 =	vbroadcast v14, $0xF;
	v11 =	vmul.f32 v11, v57;
	v14 =	vld [tilespmem:s2+$0x30]  }
0x888: {  	(erf) = vpow2.f32 v0;
	v0 =	vld [tilespmem:s12+$0xFFFFFFF0]  }
0x889: {  	v60, _, _ =	vpop (xrf2);
	(erf) = vpow2.f32 v10;
	(xrf2) =	vadd.scan.msk.f32 $0xffff, v11  }
0x88a: {  	s5 =	simm.s32 $0x2E70;
	v10 =	vmul.f32 $1.442695020e+00, v60;
	v62, _, _ =	vpop (xrf2)  }
0x88b: {  	v61 =	vld [tilespmem:s5+$0x0];
	v55 =	vmul.f32 $1.442695020e+00, v62  }
0x88c: {  	s12 =	simm.s32 $0x4270;
	v11 =	vld [tilespmem:s13+$0xFFFFFFA0];
	v10 =	vbroadcast v10, $0xF;
	v12 =	vmul.f32 v14, v12  }
0x88d: {  	v63 =	vld [tilespmem:s12+$0x0];
	v14 =	vbroadcast v55, $0xF;
	v0 =	vmul.f32 v0, v59  }
0x88e: {  	v56 =	vld [tilespmem:s26+$0xFFFFFFD0];
	v47 =	vpop (erf);
	(erf) = vpow2.f32 v10  }
0x88f: {  	v45 =	vpop (erf);
	(erf) = vpow2.f32 v14;
	(xrf2) =	vadd.scan.msk.f32 $0xffff, v0;
	v0 =	vld [tilespmem:s30+$0x40]  }
0x890: {  	v57 =	vld [tilespmem:s5+$0xFFFFFF80];
	v58, _, _ =	vpop (xrf2);
	(xrf2) =	vadd.scan.msk.f32 $0xffff, v12  }
0x891: {  	v10 =	vld [tilespmem:s12+$0xFFFFFF80];
	v12 =	vmul.f32 v47, v11;
	v46 =	vpop (erf)  }
0x892: {  	v53 =	vld [tilespmem:s21+$0xFFFFFF90];
	v14 =	vmul.f32 v63, v61;
	v11 =	vpop (erf)  }
0x893: {  	v60 =	vld [tilespmem:s21+$0x10];
	v59 =	vmul.f32 $1.442695020e+00, v58;
	[tilespmem:s31+$0xFFFFFFA0] =	vst v12;
	v12 =	vmul.f32 v46, v56;
	v61, _, _ =	vpop (xrf2)  }
0x894: {  	(xrf2) =	vadd.scan.msk.f32 $0xffff, v14;
	v62 =	vld [tilespmem:s14+$0xFFFFFFB0];
	v0 =	vmul.f32 v11, v0;
	v14 =	vmul.f32 $1.442695020e+00, v61  }
0x895: {  	v63 =	vld [tilespmem:s2+$0xFFFFFFB0];
	[tilespmem:s23+$0xFFFFFFD0] =	vst v12;
	v12 =	vbroadcast v59, $0xF  }
0x896: {  	v56 =	vmul.f32 v10, v57;
	v54 =	vld [tilespmem:s19+$0xFFFFFFE0];
	[tilespmem:s29+$0x40] =	vst v0;
	v0 =	vbroadcast v14, $0xF  }
0x897: {  	(erf) = vpow2.f32 v12;
	v10 =	vpop (erf);
	v14 =	vld [tilespmem:s15+$0x50]  }
0x898: {  	(xrf2) =	vadd.scan.msk.f32 $0xffff, v56;
	v12 =	vld [tilespmem:s3+$0x50];
	v57 =	vmul.f32 v10, v60;
	v48 =	vpop (erf);
	(erf) = vpow2.f32 v0  }
0x899: {  	v0 =	vld [tilespmem:s9+$0xFFFFFFE0];
	v58, _, _ =	vpop (xrf2)  }
0x89a: {  	v59 =	vmul.f32 v63, v62;
	[tilespmem:s17+$0x10] =	vst v57;
	v49 =	vmul.f32 $1.442695020e+00, v58;
	v60, _, _ =	vpop (xrf2)  }
0x89b: {  	v53 =	vmul.f32 v48, v53;
	v52 =	vld [tilespmem:s0+$0x20];
	v51 =	vmul.f32 $1.442695020e+00, v60  }
0x89c: {  	(xrf2) =	vadd.scan.msk.f32 $0xffff, v59;
	v61 =	vld [tilespmem:s1+$0x20];
	v49 =	vbroadcast v49, $0xF  }
0x89d: {  	v62 =	vld [tilespmem:s26+$0x60];
	[tilespmem:s17+$0xFFFFFF90] =	vst v53;
	v12 =	vmul.f32 v12, v14;
	v51 =	vbroadcast v51, $0xF  }
0x89e: {  	v53 =	vld [tilespmem:s0+$0xFFFFFFA0];
	v0 =	vmul.f32 v0, v54;
	(erf) = vpow2.f32 v49  }
0x89f: {  	v60 =	vld [tilespmem:s1+$0xFFFFFFA0];
	v14, _, _ =	vpop (xrf2);
	(xrf2) =	vadd.scan.msk.f32 $0xffff, v12;
	(erf) = vpow2.f32 v51  }
0x8a0: {  	v63 =	vld [tilespmem:s30+$0xFFFFFFC0];
	v12 =	vmul.f32 $1.442695020e+00, v14;
	(xrf2) =	vadd.scan.msk.f32 $0xffff, v0;
	v49 =	vpop (erf)  }
0x8a1: {  	v50 =	vmul.f32 v61, v52;
	v14 =	vpop (erf)  }
0x8a2: {  	v12 =	vbroadcast v12, $0xF;
	v0, _, _ =	vpop (xrf2);
	v61 =	vmul.f32 v14, v62  }
0x8a3: {  	v0 =	vmul.f32 $1.442695020e+00, v0  }
0x8a4: {  	(xrf2) =	vadd.scan.msk.f32 $0xffff, v50;
	v50 =	vld [tilespmem:s13+$0x30];
	(erf) = vpow2.f32 v12;
	v12 =	vmul.f32 v60, v53;
	[tilespmem:s23+$0x60] =	vst v61  }
0x8a5: {  	v62 =	vmul.f32 v49, v63;
	v63 =	vld [tilespmem:s19+$0x70]  }
0x8a6: {  	v0 =	vbroadcast v0, $0xF;
	v60, _, _ =	vpop (xrf2);
	v61 =	vld [tilespmem:s9+$0x70]  }
0x8a7: {  	s28 =	simm.s32 $0x5670;
	v13 =	vnsel vm0, $0x0, v13;
	v56 =	vpop (erf)  }
0x8a8: {  	v13 =	vsel vm1, v13, v20;
	v20 =	vld [tilespmem:s28+$0xFFFFFF80];
	(xrf2) =	vadd.scan.msk.f32 $0xffff, v12;
	v52 =	vmul.f32 $1.442695020e+00, v60;
	(erf) = vpow2.f32 v0;
	v12 =	vpop (erf)  }
0x8a9: {  	v59 =	vld [tilespmem:s28+$0x0];
	[tilespmem:s29+$0xFFFFFFC0] =	vst v62;
	v62, _, _ =	vpop (xrf2);
	v50 =	vmul.f32 v12, v50  }
0x8aa: {  	v16 =	vnsel vm0, $0x0, v16;
	v55 =	vld [tilespmem:s15+$0xFFFFFFD0];
	v52 =	vbroadcast v52, $0xF;
	v60, _, _ =	vpop (xrf2)  }
0x8ab: {  	v16 =	vsel vm1, v16, v17;
	v0 =	vld [tilespmem:s3+$0xFFFFFFD0];
	v63 =	vmul.f32 v61, v63;
	v51 =	vmul.f32 $1.442695020e+00, v60;
	[tilespmem:s31+$0x30] =	vst v50  }
0x8ac: {  	v21 =	vnsel vm0, $0x0, v21;
	v58 =	vmul.f32 $1.442695020e+00, v62;
	(erf) = vpow2.f32 v52;
	v62 =	vld [tilespmem:s14+$0x40]  }
0x8ad: {  	v16 =	vsel vm2, v16, v19;
	v21 =	vsel vm1, v21, v25;
	v25 =	vld [tilespmem:s2+$0x40];
	(xrf2) =	vadd.scan.msk.f32 $0xffff, v63;
	v51 =	vbroadcast v51, $0xF  }
0x8ae: {  	v24 =	vsel vm2, v13, v24;
	v16 =	vsel vm3, v16, v23;
	v57 =	vld [tilespmem:s13+$0xFFFFFFB0];
	v61 =	vbroadcast v58, $0xF;
	v13 =	vpop (erf)  }
0x8af: {  	v28 =	vnsel vm0, $0x0, v28;
	v29 =	vsel vm3, v24, v29;
	v54 =	vld [tilespmem:s7+$0x70];
	v24 =	vmul.f32 v13, v59  }
0x8b0: {  	v21 =	vsel vm2, v21, v30;
	s8 =	simm.s32 $0x80F0;
	v23 =	vld [tilespmem:s21+$0x20];
	v0 =	vmul.f32 v0, v55;
	(erf) = vpow2.f32 v61;
	v63, _, _ =	vpop (xrf2)  }
0x8b1: {  	v16 =	vsel vm4, v16, v27;
	v30 =	vld [tilespmem:s21+$0xFFFFFFA0];
	(erf) = vpow2.f32 v51;
	[tilespmem:s8+$0x0] =	vst v24;
	v52 =	vmul.f32 $1.442695020e+00, v63;
	v51 =	vpop (erf)  }
0x8b2: {  	v29 =	vsel vm4, v29, v31;
	(xrf2) =	vadd.scan.msk.f32 $0xffff, v0;
	v59, _, _ =	vpop (xrf2);
	v31 =	vld [tilespmem:s5+$0x10];
	v0 =	vmul.f32 v51, v20;
	v25 =	vmul.f32 v25, v62  }
0x8b3: {  	v28 =	vsel vm1, v28, v32;
	v60 =	vld [tilespmem:s12+$0x10];
	v32 =	vmul.f32 $1.442695020e+00, v59;
	v20 =	vbroadcast v52, $0xF  }
0x8b4: {  	v21 =	vsel vm3, v21, v36;
	v53 =	vmul.f32 v45, v54;
	[tilespmem:s8+$0xFFFFFF80] =	vst v0;
	(xrf2) =	vadd.scan.msk.f32 $0xffff, v25;
	v25 =	vld [tilespmem:s30+$0x50]  }
0x8b5: {  	(erf) = vpow2.f32 v20;
	v0 =	vnsel vm0, $0x0, v35;
	v20 =	vbroadcast v32, $0xF;
	v35 =	vpop (erf);
	v62 =	vld [tilespmem:s5+$0xFFFFFF90]  }
0x8b6: {  	v16 =	vsel vm5, v16, v34;
	v28 =	vsel vm2, v28, v37;
	v17 =	vmul.f32 v35, v57;
	v63 =	vld [tilespmem:s12+$0xFFFFFF90]  }
0x8b7: {  	v16 =	vsel vm6, v16, v39;
	v28 =	vsel vm3, v28, v43;
	[tilespmem:s6+$0x70] =	vst v53;
	v58 =	vld [tilespmem:s26+$0xFFFFFFE0];
	(erf) = vpow2.f32 v20;
	v19, _, _ =	vpop (xrf2)  }
0x8b8: {  	v16 =	vsel vm7, v16, v45;
	v50 =	vld [tilespmem:s7+$0xFFFFFFF0];
	s7 =	simm.s32 $0x8F80;
	[tilespmem:s31+$0xFFFFFFB0] =	vst v17;
	v17 =	vmul.f32 v60, v31;
	v19 =	vmul.f32 $1.442695020e+00, v19  }
0x8b9: {  	v21 =	vsel vm4, v21, v41;
	[tilespmem:s7+$0x0] =	vst v16;
	v16 =	vsel vm4, v28, v49;
	v24 =	vld [tilespmem:s30+$0xFFFFFFD0];
	v20 =	vpop (erf)  }
0x8ba: {  	v0 =	vsel vm1, v0, v40;
	v52 =	vld [tilespmem:s14+$0xFFFFFFC0];
	v25 =	vmul.f32 v20, v25;
	(xrf2) =	vadd.scan.msk.f32 $0xffff, v17;
	v17 =	vbroadcast v19, $0xF  }
0x8bb: {  	v61 =	vsel vm5, v29, v38;
	v0 =	vsel vm2, v0, v47;
	v54 =	vld [tilespmem:s2+$0xFFFFFFC0];
	v57 =	vpop (erf);
	v37 =	vmul.f32 v63, v62  }
0x8bc: {  	v29 =	vld [tilespmem:s28+$0xFFFFFF90];
	[tilespmem:s29+$0x50] =	vst v25;
	v25 =	vmul.f32 v57, v58;
	v19, _, _ =	vpop (xrf2);
	(erf) = vpow2.f32 v17;
	v17 =	vnsel vm0, $0x0, v42  }
0x8bd: {  	v59 =	vld [tilespmem:s15+$0x60];
	v19 =	vmul.f32 $1.442695020e+00, v19;
	v42 =	vsel vm1, v17, v48;
	v17 =	vmul.f32 v56, v50  }
0x8be: {  	v31 =	vsel vm6, v61, v44;
	v58 =	vsel vm5, v21, v46;
	(xrf2) =	vadd.scan.msk.f32 $0xffff, v37;
	v21 =	vpop (erf);
	[tilespmem:s23+$0xFFFFFFE0] =	vst v25;
	v25 =	vld [tilespmem:s3+$0x60]  }
0x8bf: {  	v27 =	vld [tilespmem:s13+$0xFFFFFFC0];
	v31 =	vsel vm7, v31, v56;
	v23 =	vmul.f32 v21, v23;
	v28, _, _ =	vpop (xrf2);
	v61 =	vbroadcast v19, $0xF;
	[tilespmem:s6+$0xFFFFFFF0] =	vst v17  }
0x8c0: {  	v60 =	vld [tilespmem:s19+$0xFFFFFFF0];
	v62 =	vpop (erf);
	v17 =	vsel vm3, v0, v35;
	v0 =	vmul.f32 $1.442695020e+00, v28;
	[tilespmem:s7+$0xFFFFFFF0] =	vst v31;
	v31 =	vmul.f32 v54, v52  }
0x8c1: {  	v63 =	vld [tilespmem:s9+$0xFFFFFFF0];
	v28 =	vmul.f32 v62, v30;
	(erf) = vpow2.f32 v61  }
0x8c2: {  	[tilespmem:s17+$0x20] =	vst v23;
	v23 =	vld [tilespmem:s26+$0x70];
	(xrf2) =	vadd.scan.msk.f32 $0xffff, v31  }
0x8c3: {  	v15 =	vnsel vm0, $0x0, v15;
	v32 =	vld [tilespmem:s0+$0x30];
	v0 =	vbroadcast v0, $0xF;
	v25 =	vmul.f32 v25, v59  }
0x8c4: {  	v15 =	vsel vm1, v15, v18;
	v36 =	vld [tilespmem:s1+$0x30];
	[tilespmem:s17+$0xFFFFFFA0] =	vst v28  }
0x8c5: {  	v22 =	vsel vm2, v15, v22;
	v18 =	vnsel vm0, $0x0, v51;
	v30 =	vld [tilespmem:s0+$0xFFFFFFB0];
	(erf) = vpow2.f32 v0;
	v28, _, _ =	vpop (xrf2);
	(xrf2) =	vadd.scan.msk.f32 $0xffff, v25  }
0x8c6: {  	s20 =	simm.s32 $0x50F0;
	s16 =	simm.s32 $0x0;
	v35 =	vld [tilespmem:s1+$0xFFFFFFB0];
	v0 =	vsel vm3, v22, v26;
	v38 =	vmul.f32 v63, v60;
	v37 =	vmul.f32 $1.442695020e+00, v28  }
0x8c7: {  	s9 =	simm.s32 $0xA;
	s19 =	simm.s32 $0x2F70;
	v19 =	vsel vm6, v58, v57;
	s6 =	simm.s32 $0x4270;
	v15 =	vsel vm2, v42, v62;
	v34 =	vld [tilespmem:s21+$0xFFFFFFB0];
	v26 =	vsel vm4, v0, v33;
	v25 =	vpop (erf)  }
.LBB2_13:
0x8c8: {  	v0 =	vld [tilespmem:s19+$0x0];
	v37 =	vbroadcast v37, $0xF;
	s12 =	sadd.s32 $0x100, s12;
	v22, _, _ =	vpop (xrf2);
	v33 =	vsel vm5, v26, v9;
	v23 =	vmul.f32 v25, v23;
	(xrf2) =	vadd.scan.msk.f32 $0xffff, v38  }
0x8c9: {  	v9 =	vmovc v20;
	v26 =	vld [tilespmem:s12+$0x0];
	v38 =	vmul.f32 $1.442695020e+00, v22;
	v32 =	vmul.f32 v36, v32;
	v14 =	vsel vm6, v33, v14;
	v22 =	vmovc v8  }
0x8ca: {  	s7 =	sadd.s32 $0x20, s7;
	v8 =	vmov v21;
	(erf) = vpow2.f32 v37;
	v20 =	vld [tilespmem:s13+$0x40];
	v28 =	vpop (erf);
	[tilespmem:s23+$0x70] =	vst v23;
	v14 =	vsel vm7, v14, v25  }
0x8cb: {  	v23 =	vld [tilespmem:s12+$0xFFFFFF80];
	v25 =	vbroadcast v38, $0xF;
	v30 =	vmul.f32 v35, v30;
	(xrf2) =	vadd.scan.msk.f32 $0xffff, v32;
	[tilespmem:s7+$0x0] =	vst v14  }
0x8cc: {  	v24 =	vmul.f32 v28, v24;
	v21 =	vsel vm5, v16, v28;
	v14 =	vld [tilespmem:s19+$0xFFFFFF80];
	v31, _, _ =	vpop (xrf2)  }
0x8cd: {  	(erf) = vpow2.f32 v25;
	v16 =	vmul.f32 $1.442695020e+00, v31;
	v31 =	vld [tilespmem:s26+$0xFFFFFFF0];
	s26 =	smov.u32 s30;
	s30 =	smov.u32 s13;
	s13 =	smov.u32 s21  }
0x8ce: {  	s21 =	smov.u32 s28;
	v0 =	vmul.f32 v26, v0;
	v28 =	vpop (erf);
	[tilespmem:s29+$0xFFFFFFD0] =	vst v24  }
0x8cf: {  	v24 =	vld [tilespmem:s28+$0x10];
	v16 =	vbroadcast v16, $0xF;
	v20 =	vmul.f32 v28, v20;
	v25, _, _ =	vpop (xrf2)  }
0x8d0: {  	(xrf2) =	vadd.scan.msk.f32 $0xffff, v0;
	v0 =	vld [tilespmem:s15+$0xFFFFFFE0];
	v26 =	vmul.f32 $1.442695020e+00, v25  }
0x8d1: {  	v14 =	vmul.f32 v23, v14;
	[tilespmem:s31+$0x40] =	vst v20;
	v20 =	vld [tilespmem:s3+$0xFFFFFFE0]  }
0x8d2: {  	v32 =	vld [tilespmem:s14+$0x50];
	(erf) = vpow2.f32 v16;
	v35 =	vbroadcast v26, $0xF;
	v23, _, _ =	vpop (xrf2)  }
0x8d3: {  	v25 =	vpop (erf);
	v33 =	vld [tilespmem:s2+$0x50];
	v23 =	vmul.f32 $1.442695020e+00, v23  }
0x8d4: {  	(xrf2) =	vadd.scan.msk.f32 $0xffff, v14;
	v36 =	vmul.f32 v25, v24;
	v26 =	vld [tilespmem:s26+$0xFFFFFFE0];
	(erf) = vpow2.f32 v35  }
0x8d5: {  	v16, _, _ =	vpop (xrf2);
	v24 =	vbroadcast v23, $0xF  }
0x8d6: {  	s9 =	sadd.s32 $0x2, s9;
	[tilespmem:s8+$0x10] =	vst v36;
	v14 =	vpop (erf);
	v16 =	vmul.f32 $1.442695020e+00, v16;
	v0 =	vmul.f32 v20, v0  }
0x8d7: {  	p0 =	slt.u32 s9, $0x26;
	v20 =	vmul.f32 v14, v29;
	v23 =	vsel vm1, v18, v14;
	v18 =	vld [tilespmem:s5+$0x20];
	(xrf2) =	vadd.scan.msk.f32 $0xffff, v30;
	(erf) = vpow2.f32 v24  }
0x8d8: {  	v24 =	vld [tilespmem:s6+$0x20];
	v14 =	vbroadcast v16, $0xF;
	v30 =	vmul.f32 v33, v32  }
0x8d9: {  	[tilespmem:s8+$0xFFFFFF90] =	vst v20;
	v20 =	vld [tilespmem:s26+$0x60]  }
0x8da: {  	v29, _, _ =	vpop (xrf2);
	v32 =	vld [tilespmem:s5+$0xFFFFFFA0];
	(erf) = vpow2.f32 v14;
	(xrf2) =	vadd.scan.msk.f32 $0xffff, v30  }
0x8db: {  	v33 =	vmul.f32 $1.442695020e+00, v29;
	v29 =	vld [tilespmem:s6+$0xFFFFFFA0];
	v16 =	vpop (erf)  }
0x8dc: {  	v30 =	vld [tilespmem:s28+$0xFFFFFFA0];
	v27 =	vmul.f32 v16, v27;
	v16 =	vsel vm4, v17, v16  }
0x8dd: {  	v17 =	vbroadcast v33, $0xF;
	(xrf2) =	vadd.scan.msk.f32 $0xffff, v0;
	v14 =	vpop (erf)  }
0x8de: {  	v18 =	vmul.f32 v24, v18;
	v0, _, _ =	vpop (xrf2);
	[tilespmem:s31+$0xFFFFFFC0] =	vst v27;
	v33 =	vmul.f32 v14, v20  }
0x8df: {  	v0 =	vmul.f32 $1.442695020e+00, v0;
	v27 =	vld [tilespmem:s14+$0xFFFFFFD0]  }
0x8e0: {  	(erf) = vpow2.f32 v17;
	v17 =	vmul.f32 v29, v32;
	(xrf2) =	vadd.scan.msk.f32 $0xffff, v18;
	v18 =	vld [tilespmem:s13+$0x30];
	[tilespmem:s29+$0x60] =	vst v33;
	v20 =	vpop (erf)  }
0x8e1: {  	v0 =	vbroadcast v0, $0xF;
	v24, _, _ =	vpop (xrf2);
	v29 =	vld [tilespmem:s15+$0x70];
	v32 =	vmul.f32 v20, v31;
	v19 =	vsel vm7, v19, v20  }
0x8e2: {  	v35 =	vmul.f32 $1.442695020e+00, v24;
	v33 =	vld [tilespmem:s3+$0x70]  }
0x8e3: {  	(erf) = vpow2.f32 v0;
	(xrf2) =	vadd.scan.msk.f32 $0xffff, v17;
	v31 =	vpop (erf);
	v0 =	vld [tilespmem:s2+$0xFFFFFFD0];
	[tilespmem:s23+$0xFFFFFFF0] =	vst v32;
	s23 =	smov.u32 s29;
	s29 =	smov.u32 s31;
	s31 =	smov.u32 s17  }
0x8e4: {  	s28 =	sadd.s32 $0x100, s28;
	s17 =	smov.u32 s8;
	v17 =	vbroadcast v35, $0xF;
	v24 =	vld [tilespmem:s30+$0xFFFFFFD0];
	v20, _, _ =	vpop (xrf2);
	[tilespmem:s7+$0xFFFFFFF0] =	vst v19  }
0x8e5: {  	v19 =	vld [tilespmem:s28+$0x0];
	v18 =	vmul.f32 v31, v18;
	v35 =	vmul.f32 $1.442695020e+00, v20  }
0x8e6: {  	v32 =	vld [tilespmem:s28+$0xFFFFFF80];
	(erf) = vpow2.f32 v17  }
0x8e7: {  	[tilespmem:s31+$0x30] =	vst v18;
	v17 =	vbroadcast v35, $0xF;
	v35 =	vmul.f32 v33, v29;
	v20, _, _ =	vpop (xrf2)  }
0x8e8: {  	v29 =	vld [tilespmem:s0+$0x40];
	v0 =	vmul.f32 v0, v27;
	v20 =	vmul.f32 $1.442695020e+00, v20  }
0x8e9: {  	v33 =	vpop (erf);
	v27 =	vld [tilespmem:s1+$0x40];
	(erf) = vpow2.f32 v17;
	(xrf2) =	vadd.scan.msk.f32 $0xffff, v35  }
0x8ea: {  	v35 =	vmul.f32 v33, v19;
	v18, _, _ =	vpop (xrf2);
	v19 =	vbroadcast v20, $0xF  }
0x8eb: {  	s8 =	sadd.s32 $0x100, s8;
	v36 =	vmul.f32 $1.442695020e+00, v18  }
0x8ec: {  	[tilespmem:s8+$0x0] =	vst v35;
	v17 =	vpop (erf);
	(xrf2) =	vadd.scan.msk.f32 $0xffff, v0;
	(erf) = vpow2.f32 v19  }
0x8ed: {  	v35 =	vmul.f32 v17, v32;
	v18 =	vnsel vm0, $0x0, v17;
	v19 =	vld [tilespmem:s19+$0x10];
	v17 =	vbroadcast v36, $0xF;
	v20, _, _ =	vpop (xrf2)  }
0x8ee: {  	v32 =	vld [tilespmem:s12+$0x10];
	v20 =	vmul.f32 $1.442695020e+00, v20;
	v27 =	vmul.f32 v27, v29  }
0x8ef: {  	[tilespmem:s8+$0xFFFFFF80] =	vst v35;
	(erf) = vpow2.f32 v17;
	v0 =	vpop (erf);
	v35 =	vld [tilespmem:s30+$0x50]  }
0x8f0: {  	v36 =	vld [tilespmem:s19+$0xFFFFFF90];
	v37 =	vbroadcast v20, $0xF;
	v34 =	vmul.f32 v0, v34;
	v17 =	vsel vm3, v15, v0;
	(xrf2) =	vadd.scan.msk.f32 $0xffff, v27  }
0x8f1: {  	v0 =	vld [tilespmem:s12+$0xFFFFFF90]  }
0x8f2: {  	v29 =	vld [tilespmem:s28+$0xFFFFFF90];
	(erf) = vpow2.f32 v37;
	[tilespmem:s31+$0xFFFFFFB0] =	vst v34;
	v20 =	vpop (erf)  }
0x8f3: {  	v15 =	vmul.f32 v32, v19;
	v32 =	vld [tilespmem:s0+$0xFFFFFFC0];
	v19, _, _ =	vpop (xrf2)  }
0x8f4: {  	v34 =	vld [tilespmem:s21+$0x20];
	v39 =	vmul.f32 v20, v35;
	v37 =	vmul.f32 $1.442695020e+00, v19  }
0x8f5: {  	(xrf2) =	vadd.scan.msk.f32 $0xffff, v15;
	v15 =	vld [tilespmem:s1+$0xFFFFFFC0];
	v38 =	vpop (erf)  }
0x8f6: {  	v0 =	vmul.f32 v0, v36;
	v27 =	vld [tilespmem:s13+$0xFFFFFFC0];
	[tilespmem:s29+$0x50] =	vst v39;
	v35, _, _ =	vpop (xrf2);
	v19 =	vsel vm6, v21, v38;
	v36 =	vbroadcast v37, $0xF  }
0x8f7: {  	v26 =	vmul.f32 v38, v26;
	v35 =	vmul.f32 $1.442695020e+00, v35;
	v37 =	vld [tilespmem:s14+$0x60]  }
0x8f8: {  	(xrf2) =	vadd.scan.msk.f32 $0xffff, v0;
	v21 =	vpop (erf);
	v0 =	vld [tilespmem:s2+$0x60];
	(erf) = vpow2.f32 v36  }
0x8f9: {  	v34 =	vmul.f32 v21, v34;
	v35 =	vbroadcast v35, $0xF;
	[tilespmem:s23+$0xFFFFFFE0] =	vst v26  }
0x8fa: {  	v26 =	vmul.f32 v15, v32;
	v15, _, _ =	vpop (xrf2);
	v38 =	vld [tilespmem:s15+$0xFFFFFFF0];
	s15 =	smov.u32 s14;
	s14 =	smov.u32 s0;
	s0 =	smov.u32 s5  }
0x8fb: {  	[tilespmem:s17+$0x20] =	vst v34;
	v32 =	vpop (erf);
	v34 =	vmul.f32 $1.442695020e+00, v15;
	(erf) = vpow2.f32 v35;
	v39 =	vld [tilespmem:s3+$0xFFFFFFF0];
	s3 =	smov.u32 s2;
	s2 =	smov.u32 s1;
	s1 =	smov.u32 s6  }
0x8fc: {  	s5 =	smov.u32 s19;
	s6 =	smov.u32 s12;
	v30 =	vmul.f32 v32, v30;
	v15 =	vsel vm2, v23, v32;
	v32 =	vld [tilespmem:s0+$0x30];
	(xrf2) =	vadd.scan.msk.f32 $0xffff, v26  }
.Ltmp5:
0x8fd: {  	v26 =	vbroadcast v34, $0xF;
	v0 =	vmul.f32 v0, v37;
	v34 =	vnsel vm0, $0x0, v1;
	v23 =	vld [tilespmem:s26+$0x70];
	v1 =	vmovc v3;
	v3 =	vmovc v6;
	(pc) =	sbr.rel @p0 .LBB2_13-.Ltmp5, $4  }
0x8fe: {  	v6 =	vmovc v13;
	[tilespmem:s17+$0xFFFFFFA0] =	vst v30;
	v36 =	vld [tilespmem:s1+$0x30];
	v34 =	vsel vm1, v34, v2;
	v2 =	vmovc v5;
	v5 =	vmov v10;
	v10 =	vmov v25  }
0x8ff: {  	v13 =	vmov v33;
	v25, _, _ =	vpop (xrf2);
	v30 =	vld [tilespmem:s0+$0xFFFFFFB0];
	(erf) = vpow2.f32 v26;
	(xrf2) =	vadd.scan.msk.f32 $0xffff, v0;
	v0 =	vsel vm2, v34, v4  }
0x900: {  	v37 =	vmul.f32 $1.442695020e+00, v25;
	v35 =	vld [tilespmem:s1+$0xFFFFFFB0];
	v38 =	vmul.f32 v39, v38;
	v0 =	vsel vm3, v0, v7;
	v7 =	vmovc v12;
	v12 =	vmovc v31  }
0x901: {  	s19 =	sadd.s32 $0x100, s19;
	v4 =	vmov v22;
	v34 =	vld [tilespmem:s21+$0xFFFFFFB0];
	v26 =	vsel vm4, v0, v11;
	v25 =	vpop (erf);
	v11 =	vmov v28  }
0x902: {  	_ = 	snop  }
0x903: {  	v0 =	vmul.f32 v36, v32  }
0x904: {  	(xrf2) =	vadd.scan.msk.f32 $0xffff, v38  }
0x905: {  	(xrf2) =	vadd.scan.msk.f32 $0xffff, v0  }
0x906: {  	v60 =	vld [tilespmem:s13+$0x40];
	v22 =	vbroadcast v37, $0xF  }
0x907: {  	v28, _, _ =	vpop (xrf2)  }
0x908: {  	v31 =	vmul.f32 $1.442695020e+00, v28;
	v28 =	vpop (erf)  }
0x909: {  	v61, _, _ =	vpop (xrf2)  }
0x90a: {  	(erf) = vpow2.f32 v22;
	v31 =	vbroadcast v31, $0xF;
	v22 =	vpop (erf)  }
0x90b: {  	v32 =	vmul.f32 $1.442695020e+00, v61;
	v0 =	vmul.f32 v22, v60;
	_ =	sdelay $0x1  }
0x90c: {  	(erf) = vpow2.f32 v31;
	v33, _, _ =	vpop (xrf2);
	v40 =	vbroadcast v32, $0xF;
	[tilespmem:s31+$0x40] =	vst v0  }
0x90d: {  	v33 =	vmul.f32 $1.442695020e+00, v33;
	v41 =	vld [tilespmem:s14+$0x50];
	v42, _, _ =	vpop (xrf2)  }
0x90e: {  	(erf) = vpow2.f32 v40;
	v43 =	vld [tilespmem:s2+$0x50];
	v36 =	vmul.f32 $1.442695020e+00, v42;
	v44, _, _ =	vpop (xrf2)  }
0x90f: {  	v33 =	vbroadcast v33, $0xF;
	v45 =	vmul.f32 $1.442695020e+00, v44  }
0x910: {  	v62 =	vld [tilespmem:s28+$0x10];
	v30 =	vmul.f32 v35, v30;
	v47 =	vbroadcast v36, $0xF  }
0x911: {  	(erf) = vpow2.f32 v33;
	v0 =	vbroadcast v45, $0xF  }
0x912: {  	v63 =	vmul.f32 v28, v24;
	(erf) = vpow2.f32 v47  }
0x913: {  	v32 =	vmul.f32 v43, v41;
	(erf) = vpow2.f32 v0  }
0x914: {  	v49 =	vld [tilespmem:s30+$0x60];
	v24 =	vpop (erf)  }
0x915: {  	v53 =	vld [tilespmem:s21+$0x30];
	[tilespmem:s29+$0xFFFFFFD0] =	vst v63;
	(xrf2) =	vadd.scan.msk.f32 $0xffff, v30;
	v31 =	vmul.f32 v24, v62;
	v30 =	vpop (erf)  }
0x916: {  	v46 =	vld [tilespmem:s15+$0xFFFFFFE0];
	v29 =	vmul.f32 v30, v29  }
0x917: {  	v48 =	vld [tilespmem:s3+$0xFFFFFFE0];
	[tilespmem:s8+$0x10] =	vst v31;
	(xrf2) =	vadd.scan.msk.f32 $0xffff, v32;
	v32 =	vpop (erf)  }
0x918: {  	v51 =	vld [tilespmem:s5+$0x20];
	v27 =	vmul.f32 v32, v27  }
0x919: {  	v52 =	vld [tilespmem:s6+$0x20];
	[tilespmem:s8+$0xFFFFFF90] =	vst v29  }
0x91a: {  	v54 =	vld [tilespmem:s5+$0xFFFFFFA0];
	v29 =	vpop (erf)  }
0x91b: {  	v55 =	vld [tilespmem:s6+$0xFFFFFFA0];
	v0 =	vmul.f32 v29, v49;
	[tilespmem:s31+$0xFFFFFFC0] =	vst v27;
	v33 =	vpop (erf)  }
0x91c: {  	v50 =	vmul.f32 v48, v46;
	v39 =	vld [tilespmem:s14+$0xFFFFFFD0];
	v27 =	vpop (erf)  }
0x91d: {  	v57 =	vld [tilespmem:s2+$0xFFFFFFD0];
	[tilespmem:s29+$0x60] =	vst v0;
	v31 =	vmul.f32 v27, v53  }
0x91e: {  	(xrf2) =	vadd.scan.msk.f32 $0xffff, v50;
	v0 =	vld [tilespmem:s15+$0x70]  }
0x91f: {  	v41 =	vld [tilespmem:s3+$0x70];
	[tilespmem:s17+$0x30] =	vst v31  }
0x920: {  	v35 =	vmul.f32 v52, v51;
	v60 =	vld [tilespmem:s0+$0x40]  }
0x921: {  	v61 =	vld [tilespmem:s1+$0x40]  }
0x922: {  	(xrf2) =	vadd.scan.msk.f32 $0xffff, v35  }
0x923: {  	v56 =	vmul.f32 v55, v54  }
0x924: {  	v0 =	vmul.f32 v41, v0  }
0x925: {  	(xrf2) =	vadd.scan.msk.f32 $0xffff, v56;
	v41 =	vmul.f32 v57, v39  }
0x926: {  	v40, _, _ =	vpop (xrf2);
	(xrf2) =	vadd.scan.msk.f32 $0xffff, v0;
	v35 =	vmul.f32 v61, v60  }
0x927: {  	v59 =	vmul.f32 $1.442695020e+00, v40;
	v58, _, _ =	vpop (xrf2);
	(xrf2) =	vadd.scan.msk.f32 $0xffff, v41  }
0x928: {  	v38 =	vmul.f32 $1.442695020e+00, v58;
	v63, _, _ =	vpop (xrf2);
	(xrf2) =	vadd.scan.msk.f32 $0xffff, v35  }
0x929: {  	v31 =	vbroadcast v59, $0xF  }
0x92a: {  	v62 =	vbroadcast v38, $0xF;
	v38 =	vmul.f32 $1.442695020e+00, v63;
	_ =	sdelay $0x1  }
0x92b: {  	(erf) = vpow2.f32 v31;
	v42 =	vbroadcast v38, $0xF;
	v43, _, _ =	vpop (xrf2)  }
0x92c: {  	(erf) = vpow2.f32 v62;
	v0 =	vmul.f32 $1.442695020e+00, v43  }
0x92d: {  	(erf) = vpow2.f32 v42  }
0x92e: {  	v44, _, _ =	vpop (xrf2);
	v0 =	vbroadcast v0, $0xF  }
0x92f: {  	v35 =	vmul.f32 $1.442695020e+00, v44;
	v46, _, _ =	vpop (xrf2)  }
0x930: {  	(erf) = vpow2.f32 v0;
	v47 =	vmul.f32 $1.442695020e+00, v46;
	v49, _, _ =	vpop (xrf2)  }
0x931: {  	v48 =	vbroadcast v35, $0xF;
	v35 =	vmul.f32 $1.442695020e+00, v49;
	v50, _, _ =	vpop (xrf2)  }
0x932: {  	v45 =	vld [tilespmem:s30+$0xFFFFFFE0];
	v39 =	vbroadcast v47, $0xF;
	v40 =	vmul.f32 $1.442695020e+00, v50  }
0x933: {  	v52 =	vld [tilespmem:s13+$0x50];
	(erf) = vpow2.f32 v48;
	v51 =	vbroadcast v35, $0xF  }
0x934: {  	v36 =	vpop (erf);
	(erf) = vpow2.f32 v39;
	v53 =	vbroadcast v40, $0xF  }
0x935: {  	v56 =	vld [tilespmem:s28+$0x20];
	v31 =	vpop (erf);
	v55 =	vmul.f32 v36, v34;
	(erf) = vpow2.f32 v51  }
0x936: {  	v57 =	vld [tilespmem:s28+$0xFFFFFFA0];
	v37 =	vpop (erf);
	(erf) = vpow2.f32 v53  }
0x937: {  	v44 =	vld [tilespmem:s21+$0x40];
	v38 =	vmul.f32 v37, v45;
	[tilespmem:s17+$0xFFFFFFB0] =	vst v55  }
0x938: {  	v0 =	vld [tilespmem:s0+$0xFFFFFFC0];
	v35 =	vmul.f32 v31, v52  }
0x939: {  	v43 =	vld [tilespmem:s1+$0xFFFFFFC0];
	[tilespmem:s29+$0xFFFFFFE0] =	vst v38  }
0x93a: {  	v34 =	vpop (erf);
	v54 =	vld [tilespmem:s15+$0xFFFFFFF0];
	[tilespmem:s31+$0x50] =	vst v35  }
0x93b: {  	v58 =	vmul.f32 v34, v56;
	v45 =	vld [tilespmem:s14+$0x60]  }
0x93c: {  	v46 =	vld [tilespmem:s2+$0x60];
	v39 =	vpop (erf)  }
0x93d: {  	v42 =	vld [tilespmem:s3+$0xFFFFFFF0];
	[tilespmem:s8+$0x20] =	vst v58;
	v40 =	vpop (erf)  }
0x93e: {  	v48 =	vld [tilespmem:s5+$0x30];
	v47 =	vmul.f32 v39, v57;
	v38 =	vpop (erf)  }
0x93f: {  	v0 =	vmul.f32 v43, v0;
	v59 =	vld [tilespmem:s6+$0x30];
	v35 =	vpop (erf)  }
0x940: {  	[tilespmem:s8+$0xFFFFFFA0] =	vst v47;
	v44 =	vmul.f32 v35, v44  }
0x941: {  	(xrf2) =	vadd.scan.msk.f32 $0xffff, v0;
	v45 =	vmul.f32 v46, v45;
	v60 =	vld [tilespmem:s5+$0xFFFFFFB0]  }
0x942: {  	v61 =	vld [tilespmem:s6+$0xFFFFFFB0];
	[tilespmem:s17+$0x40] =	vst v44  }
0x943: {  	v41 =	vmul.f32 v42, v54;
	(xrf2) =	vadd.scan.msk.f32 $0xffff, v45;
	v62 =	vld [tilespmem:s0+$0x50]  }
0x944: {  	v43 =	vmul.f32 v59, v48;
	v44 =	vld [tilespmem:s1+$0x50]  }
0x945: {  	(xrf2) =	vadd.scan.msk.f32 $0xffff, v41  }
0x946: {  	(xrf2) =	vadd.scan.msk.f32 $0xffff, v43  }
0x947: {  	v0 =	vmul.f32 v61, v60;
	_ =	sdelay $0x1  }
0x948: {  	(xrf2) =	vadd.scan.msk.f32 $0xffff, v0;
	v63 =	vmul.f32 v44, v62;
	_ =	sdelay $0x1  }
0x949: {  	v44, _, _ =	vpop (xrf2);
	(xrf2) =	vadd.scan.msk.f32 $0xffff, v63;
	_ =	sdelay $0x1  }
0x94a: {  	v45 =	vmul.f32 $1.442695020e+00, v44;
	v46, _, _ =	vpop (xrf2)  }
0x94b: {  	v41 =	vmul.f32 $1.442695020e+00, v46  }
0x94c: {  	v47, _, _ =	vpop (xrf2);
	v0 =	vbroadcast v45, $0xF  }
0x94d: {  	v48 =	vmul.f32 $1.442695020e+00, v47;
	v49, _, _ =	vpop (xrf2);
	v41 =	vbroadcast v41, $0xF  }
0x94e: {  	v42 =	vmul.f32 $1.442695020e+00, v49;
	(erf) = vpow2.f32 v0  }
0x94f: {  	v52 =	vld [tilespmem:s13+$0xFFFFFFD0];
	v0 =	vbroadcast v48, $0xF  }
0x950: {  	v51, _, _ =	vpop (xrf2);
	(erf) = vpow2.f32 v41;
	v50 =	vbroadcast v42, $0xF  }
0x951: {  	v53 =	vmul.f32 $1.442695020e+00, v51;
	(erf) = vpow2.f32 v0  }
0x952: {  	(erf) = vpow2.f32 v50;
	v54, _, _ =	vpop (xrf2)  }
0x953: {  	v55 =	vld [tilespmem:s21+$0xFFFFFFC0];
	v0 =	vbroadcast v53, $0xF;
	v41 =	vmul.f32 $1.442695020e+00, v54  }
0x954: {  	v59 =	vmul.f32 v38, v52  }
0x955: {  	v56 =	vld [tilespmem:s13+$0x60];
	(erf) = vpow2.f32 v0;
	v58 =	vbroadcast v41, $0xF  }
0x956: {  	v60 =	vld [tilespmem:s28+$0xFFFFFFB0]  }
0x957: {  	[tilespmem:s31+$0xFFFFFFD0] =	vst v59;
	v62 =	vld [tilespmem:s28+$0x30];
	v44 =	vpop (erf);
	(erf) = vpow2.f32 v58  }
0x958: {  	v57 =	vld [tilespmem:s2+$0xFFFFFFE0];
	v61 =	vmul.f32 v44, v55  }
0x959: {  	v59 =	vld [tilespmem:s21+$0x50];
	v42 =	vpop (erf)  }
0x95a: {  	v63 =	vld [tilespmem:s14+$0xFFFFFFE0];
	v45 =	vpop (erf);
	[tilespmem:s17+$0xFFFFFFC0] =	vst v61;
	v58 =	vmul.f32 v42, v56  }
0x95b: {  	v41 =	vpop (erf);
	v49 =	vld [tilespmem:s0+$0xFFFFFFD0]  }
0x95c: {  	v51 =	vmul.f32 v41, v62;
	v53 =	vld [tilespmem:s1+$0xFFFFFFD0];
	[tilespmem:s31+$0x60] =	vst v58  }
0x95d: {  	v50 =	vld [tilespmem:s14+$0x70]  }
0x95e: {  	v46 =	vpop (erf);
	v52 =	vld [tilespmem:s2+$0x70];
	[tilespmem:s8+$0x30] =	vst v51  }
0x95f: {  	v60 =	vmul.f32 v46, v60;
	v54 =	vld [tilespmem:s5+$0x40]  }
0x960: {  	v55 =	vld [tilespmem:s6+$0x40];
	v43 =	vpop (erf)  }
0x961: {  	[tilespmem:s8+$0xFFFFFFB0] =	vst v60;
	v0 =	vmul.f32 v43, v59  }
0x962: {  	v47 =	vmul.f32 v57, v63;
	v51 =	vld [tilespmem:s5+$0xFFFFFFC0]  }
0x963: {  	v61 =	vld [tilespmem:s6+$0xFFFFFFC0];
	v62 =	vmul.f32 v52, v50;
	[tilespmem:s17+$0x50] =	vst v0  }
0x964: {  	(xrf2) =	vadd.scan.msk.f32 $0xffff, v47;
	v52 =	vmul.f32 v53, v49;
	v63 =	vld [tilespmem:s0+$0x60]  }
0x965: {  	v56 =	vmul.f32 v55, v54;
	(xrf2) =	vadd.scan.msk.f32 $0xffff, v62;
	v53 =	vld [tilespmem:s1+$0x60]  }
0x966: {  	(xrf2) =	vadd.scan.msk.f32 $0xffff, v52  }
0x967: {  	(xrf2) =	vadd.scan.msk.f32 $0xffff, v56;
	_ =	sdelay $0x1  }
0x968: {  	v57 =	vmul.f32 v61, v51  }
0x969: {  	v58 =	vmul.f32 v53, v63  }
0x96a: {  	(xrf2) =	vadd.scan.msk.f32 $0xffff, v57  }
0x96b: {  	(xrf2) =	vadd.scan.msk.f32 $0xffff, v58;
	_ =	sdelay $0x1  }
0x96c: {  	v59, _, _ =	vpop (xrf2)  }
0x96d: {  	v0 =	vmul.f32 $1.442695020e+00, v59;
	v60, _, _ =	vpop (xrf2)  }
0x96e: {  	v47 =	vmul.f32 $1.442695020e+00, v60;
	v61, _, _ =	vpop (xrf2)  }
0x96f: {  	v0 =	vbroadcast v0, $0xF;
	v48 =	vmul.f32 $1.442695020e+00, v61;
	v62, _, _ =	vpop (xrf2)  }
0x970: {  	v47 =	vbroadcast v47, $0xF;
	v49 =	vmul.f32 $1.442695020e+00, v62  }
0x971: {  	(erf) = vpow2.f32 v0;
	v63 =	vbroadcast v48, $0xF  }
0x972: {  	(erf) = vpow2.f32 v47;
	v52 =	vbroadcast v49, $0xF  }
0x973: {  	v53, _, _ =	vpop (xrf2);
	(erf) = vpow2.f32 v63  }
0x974: {  	v54 =	vmul.f32 $1.442695020e+00, v53;
	(erf) = vpow2.f32 v52;
	v55, _, _ =	vpop (xrf2)  }
0x975: {  	v56 =	vmul.f32 $1.442695020e+00, v55  }
0x976: {  	v0 =	vbroadcast v54, $0xF  }
0x977: {  	v57 =	vld [tilespmem:s13+$0xFFFFFFE0];
	v47 =	vbroadcast v56, $0xF  }
0x978: {  	v59 =	vld [tilespmem:s28+$0x40];
	(erf) = vpow2.f32 v0  }
0x979: {  	v58 =	vld [tilespmem:s21+$0xFFFFFFD0];
	(erf) = vpow2.f32 v47  }
0x97a: {  	v52 =	vpop (erf)  }
0x97b: {  	v49 =	vpop (erf)  }
0x97c: {  	v62 =	vmul.f32 v52, v57;
	v48 =	vpop (erf)  }
0x97d: {  	v63 =	vld [tilespmem:s28+$0xFFFFFFC0];
	v47 =	vpop (erf)  }
0x97e: {  	v60 =	vld [tilespmem:s21+$0x60];
	[tilespmem:s31+$0xFFFFFFE0] =	vst v62;
	v0 =	vmul.f32 v48, v58;
	v50 =	vmul.f32 v47, v59  }
0x97f: {  	v61 =	vld [tilespmem:s14+$0xFFFFFFF0]  }
0x980: {  	v56 =	vld [tilespmem:s2+$0xFFFFFFF0];
	[tilespmem:s17+$0xFFFFFFD0] =	vst v0  }
0x981: {  	v51 =	vpop (erf);
	v0 =	vld [tilespmem:s0+$0xFFFFFFE0]  }
0x982: {  	v53 =	vmul.f32 v51, v63;
	v59 =	vld [tilespmem:s1+$0xFFFFFFE0];
	[tilespmem:s8+$0x40] =	vst v50;
	v50 =	vpop (erf)  }
0x983: {  	v57 =	vld [tilespmem:s5+$0x50];
	v54 =	vmul.f32 v50, v60  }
0x984: {  	v58 =	vld [tilespmem:s6+$0x50];
	[tilespmem:s8+$0xFFFFFFC0] =	vst v53  }
0x985: {  	v53 =	vld [tilespmem:s5+$0xFFFFFFD0];
	[tilespmem:s17+$0x60] =	vst v54  }
0x986: {  	v54 =	vld [tilespmem:s0+$0x70]  }
0x987: {  	v55 =	vmul.f32 v56, v61;
	v62 =	vld [tilespmem:s1+$0x70]  }
0x988: {  	v63 =	vld [tilespmem:s6+$0xFFFFFFD0]  }
0x989: {  	(xrf2) =	vadd.scan.msk.f32 $0xffff, v55;
	v57 =	vmul.f32 v58, v57  }
0x98a: {  	v0 =	vmul.f32 v59, v0  }
0x98b: {  	(xrf2) =	vadd.scan.msk.f32 $0xffff, v57  }
0x98c: {  	(xrf2) =	vadd.scan.msk.f32 $0xffff, v0;
	v60 =	vmul.f32 v62, v54  }
0x98d: {  	v53 =	vmul.f32 v63, v53  }
0x98e: {  	(xrf2) =	vadd.scan.msk.f32 $0xffff, v60  }
0x98f: {  	(xrf2) =	vadd.scan.msk.f32 $0xffff, v53;
	_ =	sdelay $0x3  }
0x990: {  	v61, _, _ =	vpop (xrf2)  }
0x991: {  	v0 =	vmul.f32 $1.442695020e+00, v61  }
0x992: {  	v62, _, _ =	vpop (xrf2)  }
0x993: {  	v0 =	vbroadcast v0, $0xF;
	v53 =	vmul.f32 $1.442695020e+00, v62;
	v63, _, _ =	vpop (xrf2)  }
0x994: {  	v54 =	vmul.f32 $1.442695020e+00, v63  }
0x995: {  	(erf) = vpow2.f32 v0;
	v53 =	vbroadcast v53, $0xF;
	v58, _, _ =	vpop (xrf2)  }
0x996: {  	v57 =	vbroadcast v54, $0xF;
	v59 =	vmul.f32 $1.442695020e+00, v58;
	v60, _, _ =	vpop (xrf2)  }
0x997: {  	(erf) = vpow2.f32 v53;
	v61 =	vmul.f32 $1.442695020e+00, v60  }
0x998: {  	v53 =	vbroadcast v59, $0xF  }
0x999: {  	(erf) = vpow2.f32 v57;
	v0 =	vbroadcast v61, $0xF  }
0x99a: {  	(erf) = vpow2.f32 v53  }
0x99b: {  	(erf) = vpow2.f32 v0  }
0x99c: {  	v63 =	vld [tilespmem:s28+$0x50];
	_ =	sdelay $0x1  }
0x99d: {  	v62 =	vld [tilespmem:s21+$0xFFFFFFE0]  }
0x99e: {  	v54 =	vpop (erf)  }
0x99f: {  	v58 =	vld [tilespmem:s28+$0xFFFFFFD0];
	v53 =	vpop (erf)  }
0x9a0: {  	v59 =	vmul.f32 v53, v63  }
0x9a1: {  	v55 =	vpop (erf)  }
0x9a2: {  	v0 =	vmul.f32 v55, v62;
	[tilespmem:s8+$0x50] =	vst v59;
	v57 =	vpop (erf)  }
0x9a3: {  	v59 =	vld [tilespmem:s5+$0x60];
	v56 =	vpop (erf)  }
0x9a4: {  	[tilespmem:s17+$0xFFFFFFE0] =	vst v0;
	v61 =	vld [tilespmem:s6+$0x60];
	v58 =	vmul.f32 v56, v58  }
0x9a5: {  	v0 =	vld [tilespmem:s0+$0xFFFFFFF0]  }
0x9a6: {  	v60 =	vld [tilespmem:s1+$0xFFFFFFF0];
	[tilespmem:s8+$0xFFFFFFD0] =	vst v58  }
0x9a7: {  	v58 =	vld [tilespmem:s5+$0xFFFFFFE0]  }
0x9a8: {  	v62 =	vld [tilespmem:s6+$0xFFFFFFE0];
	_ =	sdelay $0x2  }
0x9a9: {  	v59 =	vmul.f32 v61, v59  }
0x9aa: {  	v0 =	vmul.f32 v60, v0  }
0x9ab: {  	(xrf2) =	vadd.scan.msk.f32 $0xffff, v59;
	v58 =	vmul.f32 v62, v58  }
0x9ac: {  	(xrf2) =	vadd.scan.msk.f32 $0xffff, v0  }
0x9ad: {  	(xrf2) =	vadd.scan.msk.f32 $0xffff, v58;
	_ =	sdelay $0x7  }
0x9ae: {  	v60, _, _ =	vpop (xrf2)  }
0x9af: {  	v0 =	vmul.f32 $1.442695020e+00, v60;
	v61, _, _ =	vpop (xrf2)  }
0x9b0: {  	v58 =	vmul.f32 $1.442695020e+00, v61;
	v62, _, _ =	vpop (xrf2)  }
0x9b1: {  	v0 =	vbroadcast v0, $0xF;
	v59 =	vmul.f32 $1.442695020e+00, v62  }
0x9b2: {  	v58 =	vbroadcast v58, $0xF  }
0x9b3: {  	(erf) = vpow2.f32 v0;
	v63 =	vbroadcast v59, $0xF  }
0x9b4: {  	(erf) = vpow2.f32 v58  }
0x9b5: {  	(erf) = vpow2.f32 v63;
	_ =	sdelay $0x2  }
0x9b6: {  	v0 =	vld [tilespmem:s28+$0x60];
	_ =	sdelay $0x1  }
0x9b7: {  	v58 =	vld [tilespmem:s28+$0xFFFFFFE0];
	_ =	sdelay $0x1  }
0x9b8: {  	v59 =	vpop (erf)  }
0x9b9: {  	v60 =	vpop (erf);
	v0 =	vmul.f32 v59, v0  }
0x9ba: {  	v61 =	vpop (erf)  }
0x9bb: {  	[tilespmem:s8+$0x60] =	vst v0;
	v58 =	vmul.f32 v61, v58  }
0x9bc: {  	v0 =	vld [tilespmem:s5+$0x70]  }
0x9bd: {  	v62 =	vld [tilespmem:s6+$0x70];
	[tilespmem:s8+$0xFFFFFFE0] =	vst v58  }
0x9be: {  	v58 =	vld [tilespmem:s5+$0xFFFFFFF0]  }
0x9bf: {  	v63 =	vld [tilespmem:s6+$0xFFFFFFF0];
	_ =	sdelay $0x3  }
0x9c0: {  	v0 =	vmul.f32 v62, v0  }
0x9c1: {  	v58 =	vmul.f32 v63, v58  }
0x9c2: {  	(xrf2) =	vadd.scan.msk.f32 $0xffff, v0  }
0x9c3: {  	(xrf2) =	vadd.scan.msk.f32 $0xffff, v58;
	_ =	sdelay $0x8  }
0x9c4: {  	v0, _, _ =	vpop (xrf2)  }
0x9c5: {  	v9 =	vsel vm5, v26, v9;
	v0 =	vmul.f32 $1.442695020e+00, v0;
	v58, _, _ =	vpop (xrf2)  }
0x9c6: {  	v1 =	vnsel vm0, $0x0, v1;
	v9 =	vsel vm6, v9, v14;
	v14 =	vld [tilespmem:s13+$0x70];
	v58 =	vmul.f32 $1.442695020e+00, v58  }
0x9c7: {  	v1 =	vsel vm1, v1, v2;
	v18 =	vsel vm1, v18, v30;
	v30 =	vld [tilespmem:s21+$0x70];
	v0 =	vbroadcast v0, $0xF  }
0x9c8: {  	v1 =	vsel vm2, v1, v4;
	v2 =	vsel vm4, v17, v32;
	v32 =	vld [tilespmem:s21+$0xFFFFFFF0];
	v58 =	vbroadcast v58, $0xF  }
0x9c9: {  	v1 =	vsel vm3, v1, v7;
	v62 =	vld [tilespmem:s26+$0xFFFFFFF0];
	(erf) = vpow2.f32 v0  }
0x9ca: {  	v1 =	vsel vm4, v1, v11;
	v63 =	vld [tilespmem:s30+$0xFFFFFFF0];
	(erf) = vpow2.f32 v58  }
0x9cb: {  	v1 =	vsel vm5, v1, v20;
	v26 =	vld [tilespmem:s30+$0x70];
	v20 =	vmul.f32 v49, v14  }
0x9cc: {  	v4 =	vmul.f32 v57, v30;
	v0 =	vmul.f32 v25, v23;
	v23 =	vld [tilespmem:s13+$0xFFFFFFF0]  }
0x9cd: {  	v3 =	vnsel vm0, $0x0, v3;
	v1 =	vsel vm6, v1, v29;
	[tilespmem:s31+$0x70] =	vst v20;
	v29 =	vmul.f32 v60, v32  }
0x9ce: {  	v3 =	vsel vm1, v3, v5;
	v16 =	vsel vm5, v16, v28;
	[tilespmem:s17+$0x70] =	vst v4;
	v28 =	vmul.f32 v33, v62;
	v62 =	vld [tilespmem:s28+$0x70]  }
0x9cf: {  	v3 =	vsel vm2, v3, v8;
	[tilespmem:s17+$0xFFFFFFF0] =	vst v29;
	v58 =	vmul.f32 v45, v63;
	v63 =	vld [tilespmem:s28+$0xFFFFFFF0]  }
0x9d0: {  	v3 =	vsel vm3, v3, v12;
	[tilespmem:s23+$0x70] =	vst v0;
	v0 =	vsel vm7, v19, v33;
	v33 =	vmul.f32 v40, v26  }
0x9d1: {  	v3 =	vsel vm4, v3, v22;
	[tilespmem:s23+$0xFFFFFFF0] =	vst v28;
	v28 =	vmul.f32 v54, v23  }
0x9d2: {  	v9 =	vsel vm7, v9, v25;
	v15 =	vsel vm3, v15, v36;
	v3 =	vsel vm5, v3, v31;
	[tilespmem:s29+$0x70] =	vst v33;
	v30 =	vpop (erf)  }
0x9d3: {  	v16 =	vsel vm6, v16, v37;
	v1 =	vsel vm7, v1, v40;
	[tilespmem:s31+$0xFFFFFFF0] =	vst v28;
	v33 =	vmul.f32 v30, v62;
	v36 =	vpop (erf)  }
0x9d4: {  	v2 =	vsel vm5, v2, v38;
	v3 =	vsel vm6, v3, v42;
	[tilespmem:s29+$0xFFFFFFF0] =	vst v58;
	v38 =	vmul.f32 v36, v63  }
0x9d5: {  	v37 =	vsel vm7, v16, v45;
	v26 =	vsel vm2, v18, v39;
	v39 =	vnsel vm0, $0x0, v6;
	[tilespmem:s8+$0x70] =	vst v33  }
0x9d6: {  	v2 =	vsel vm6, v2, v52;
	v42 =	vsel vm7, v3, v49;
	v4 =	vsel vm1, v39, v10;
	[tilespmem:s8+$0xFFFFFFF0] =	vst v38;
	s8 =	sadd.s32 $0x20, s7  }
0x9d7: {  	v49 =	vsel vm7, v2, v54;
	v40 =	vnsel vm0, $0x0, v13;
	v4 =	vsel vm2, v4, v21;
	[tilespmem:s8+$0x0] =	vst v9  }
0x9d8: {  	v32 =	vsel vm4, v15, v44;
	v44 =	vsel vm3, v4, v27;
	v45 =	vsel vm1, v40, v24;
	[tilespmem:s8+$0xFFFFFFF0] =	vst v0;
	s0 =	sadd.s32 $0x20, s8  }
0x9d9: {  	v11 =	vsel vm3, v26, v46;
	v3 =	vsel vm4, v44, v35;
	v4 =	vsel vm2, v45, v34;
	[tilespmem:s0+$0x0] =	vst v1  }
0x9da: {  	v46 =	vsel vm5, v32, v48;
	v3 =	vsel vm5, v3, v43;
	v4 =	vsel vm3, v4, v41;
	[tilespmem:s0+$0xFFFFFFF0] =	vst v37;
	s0 =	sadd.s32 $0x20, s0  }
0x9db: {  	v48 =	vsel vm4, v11, v51;
	v51 =	vsel vm6, v3, v50;
	v52 =	vsel vm4, v4, v47;
	[tilespmem:s0+$0x0] =	vst v42  }
0x9dc: {  	v54 =	vsel vm6, v46, v55;
	v55 =	vsel vm7, v51, v57;
	v57 =	vsel vm5, v52, v53;
	[tilespmem:s0+$0xFFFFFFF0] =	vst v49;
	s0 =	sadd.s32 $0x20, s0  }
0x9dd: {  	v58 =	vsel vm5, v48, v56;
	v2 =	vsel vm6, v57, v59;
	v0 =	vsel vm7, v54, v60;
	[tilespmem:s0+$0x0] =	vst v55  }
0x9de: {  	v61 =	vsel vm6, v58, v61;
	v62 =	vsel vm7, v2, v30;
	[tilespmem:s0+$0xFFFFFFF0] =	vst v0;
	s0 =	sadd.s32 $0x20, s0  }
0x9df: {  	v0 =	vsel vm7, v61, v36;
	[tilespmem:s0+$0x0] =	vst v62  }
0x9e0: {  	[tilespmem:s0+$0xFFFFFFF0] =	vst v0  }
0x9e1: {  	v0 =	vld [tilespmem:$0x78]  }
0x9e2: {  	v1 =	vld [tilespmem:$0x88]  }
0x9e3: {  	v63 =	vld [tilespmem:$0x90];
	_ =	sdelay $0x2  }
0x9e4: {  	[tilespmem:$0xC8] =	vst v0  }
0x9e5: {  	s9 =	rddreg [dreg:$0x2];
	[tilespmem:$0xD8] =	vst v1  }
0x9e6: {  	s12 =	simm.s32 $0x28;
	s14 =	simm.s32 $0x7B70;
	s13 =	simm.s32 $0xC8;
	[tilespmem:$0xE0] =	vst v63  }
0x9e7: {  	[spmem:s9] =	stream.indirect.scatter.add.f32 [tilespmem:s14], [sflag:$0x4], $0x80, s13, s12, $0xb8;
	[tilespmem:$0x1F9F0] =	vst v63  }
0x9e8: {  	s19 =	smin.u32 s25, $0xF4;
	s15 =	rddreg [dreg:$0x3];
	s17 =	simm.s32 $0x8F70  }
0x9e9: {  	[spmem:s15] =	stream.indirect.scatter.add.f32 [tilespmem:s17], [sflag:$0x4], $0x10, s13, s12, $0xb8;
	[tilespmem:$0x1F9F0] =	vst v63  }
0x9ea: {  	s0 =	smul.u32 $0x28, s19  }
0x9eb: {  	[tilespmem:s20], [sflag:$0x5] =	stream.indirect.gather [hbm4b:s11+s12], $0x80, s16, s12, $0xb8;
	[tilespmem:$0x1F9F0] =	vst v63  }
0x9ec: {  	s20 =	rddreg [dreg:$0xc]  }
0x9ed: {  	s0 =	sadd.s32 s0, s20  }
0x9ee: {  	s21 =	rddreg [dreg:$0x6];
	s0 =	sshrl.u32 s0, $0x3  }
0x9ef: {  	s25 =	simm.s32 $0x50;
	s23 =	simm.s32 $0x4E200;
	s0 =	sadd.s32 s21, s0  }
0x9f0: {  	[tilespmem:s25], [sflag:$0x6] =	stream.strided.gather [hbm4b:s0+s12], $0x50, s23, s12, $0x38;
	[tilespmem:$0x1F9F0] =	vst v63  }
0x9f1: {  	s24 =	sadd.s32 $0x1, s24;
	_ =	swait.ge [sflag:s22], $0x50  }
0x9f2: {  	p0 =	sne.s32 s24, $0x7C;
	[sflag:s22] =	ssyncset.done $0x0  }
.Ltmp6:
0x9f3: {  	s31 =	simm.s32 $0x3CF0;
	[sflag:s22] =	ssyncadd.s32 $0xFFFFFFB0;
	(pc) =	sbr.rel @p0 .LBB2_10-.Ltmp6, $4  }
0x9f4: {  	s28 =	simm.s32 $0x78;
	s29 =	simm.s32 $0x28F0;
	s26 =	rddreg [dreg:$0x0]  }
0x9f5: {  	[tilespmem:s29], [sflag:$0x2] =	stream.indirect.gather [hbm4b:s26+s12], $0x80, s28, s12, $0xb8;
	[tilespmem:$0x1F9F0] =	vst v63  }
0x9f6: {  	s16 =	smov.u32 s11;
	s20 =	simm.s32 $0x50;
	s30 =	rddreg [dreg:$0x5]  }
0x9f7: {  	[tilespmem:s31], [sflag:$0x2] =	stream.indirect.gather [hbm4b:s30+s12], $0x80, s25, s12, $0xb8;
	[tilespmem:$0x1F9F0] =	vst v63  }
0x9f8: {  	s0 =	simm.s32 $0x1  }
0x9f9: {  	_ =	swait.ge [sflag:s0], $0x1400  }
0x9fa: {  	[sflag:s0] =	ssyncset.done $0x0  }
0x9fb: {  	[sflag:s0] =	ssyncadd.s32 $0xFFFFEC00  }
0x9fc: {  	_ =	swait.ge [sflag:s0], $0x1400  }
0x9fd: {  	[sflag:s0] =	ssyncset.done $0x0  }
0x9fe: {  	s21 =	simm.s32 $0x2;
	[sflag:s0] =	ssyncadd.s32 $0xFFFFEC00  }
0x9ff: {  	_ =	swait.ge [sflag:s21], $0x1400  }
0xa00: {  	[sflag:s21] =	ssyncset.done $0x0  }
0xa01: {  	[sflag:s21] =	ssyncadd.s32 $0xFFFFEC00  }
0xa02: {  	_ =	swait.ge [sflag:s21], $0x1400  }
0xa03: {  	[sflag:s21] =	ssyncset.done $0x0  }
0xa04: {  	s23 =	simm.s32 $0x5;
	[sflag:s21] =	ssyncadd.s32 $0xFFFFEC00  }
0xa05: {  	_ =	swait.ge [sflag:s23], $0x1400  }
0xa06: {  	[sflag:s23] =	ssyncset.done $0x0  }
0xa07: {  	s24 =	simm.s32 $0x3;
	[sflag:s23] =	ssyncadd.s32 $0xFFFFEC00  }
0xa08: {  	_ =	swait.ge [sflag:s24], $0x1400  }
0xa09: {  	[sflag:s24] =	ssyncset.done $0x0  }
0xa0a: {  	[sflag:s24] =	ssyncadd.s32 $0xFFFFEC00  }
0xa0b: {  	_ =	swait.ge [sflag:s24], $0x280  }
0xa0c: {  	[sflag:s24] =	ssyncset.done $0x0  }
0xa0d: {  	s25 =	simm.s32 $0x4;
	[sflag:s24] =	ssyncadd.s32 $0xFFFFFD80  }
0xa0e: {  	_ =	swait.ge [sflag:s25], $0x1400  }
0xa0f: {  	[sflag:s25] =	ssyncset.done $0x0  }
0xa10: {  	[sflag:s25] =	ssyncadd.s32 $0xFFFFEC00  }
0xa11: {  	_ =	swait.ge [sflag:s25], $0x280  }
0xa12: {  	[sflag:s25] =	ssyncset.done $0x0  }
0xa13: {  	[sflag:s25] =	ssyncadd.s32 $0xFFFFFD80  }
0xa14: {  	s26 =	stileid.u32;
	[bflag:$0x0] =	sbarrier.arrive $0xFFFF  }
0xa15: {  	s0 =	sshll.u32 s26, $0x6;
	s1 =	rddreg [dreg:$0xd]  }
0xa16: {  	s0 =	sor.u32 $0x1C06, s0;
	s2 =	rddreg [dreg:$0x11]  }
0xa17: {  	[hbm:s1], [sflag:s0] =	dma.local [spmem:s2], $0x2800  }
0xa18: {  	_ =	swait.ge [sflag:s22], $0x2800  }
0xa19: {  	[sflag:s22] =	ssyncset.done $0x0;
	s28 =	rddreg [dreg:$0xe]  }
0xa1a: {  	s29 =	rddreg [dreg:$0x12];
	[sflag:s22] =	ssyncadd.s32 $0xFFFFD800  }
0xa1b: {  	[hbm:s28], [sflag:s0] =	dma.local [spmem:s29], $0x500  }
0xa1c: {  	_ =	swait.ge [sflag:s22], $0x500  }
0xa1d: {  	s30 =	rddreg [dreg:$0x13]  }
0xa1e: {  	s31 =	rddreg [dreg:$0xf];
	s1 =	sadd.s32 $0x1, s30  }
0xa1f: {  	p0 =	sne.s32 s1, s31  }
.Ltmp7:
0xa20: {  	_ = 	snop;
	(pc) =	sbr.rel @p0 .LBB2_1-.Ltmp7, $3  }
0xa21: {  	_ =	sdelay $0x1  }
0xa22: {  	[sflag:s22] =	ssyncset.done $0x0  }
0xa23: {  	s20 =	simm.s32 $0x50F0;
	v0 =	vimm.f32 $0.0e+00;
	[sflag:s22] =	ssyncadd.s32 $0xFFFFFB00  }
0xa24: {  	_ =	sfence.sel $0x180000  }
0xa25: {  	[bflag:$0x0] =	sbarrier.arrive $0xFFFF  }
0xa26: {  	_ =	strace $0x90000047  }
0xa27: {  	s0 =	stileid.u32;
	[bflag:$0x2] =	sbarrier.arrive $0xFFFF  }
0xa28: {  	p0 =	sne.s32 s0, $0x0;
	s0 =	rddreg [dreg:$0x4]  }
0xa29: {  	s0 =	sadd.s32 @!p0 $0x100000, s0  }
0xa2a: {  	[sflag:s0] =	ssyncadd.tile.s32 @!p0 $0x1;
	_ =	shalt  }
.Lfunc_end2:
_tile_overlayer_lowered:
.L_overlay_start_2:
0xa2b: {  	(tag) =	ssettag $0x2  }
0xa2c: {  	s0 =	rddreg [dreg:$0x0];
	s2 =	stileid.u32  }
0xa2d: {  	s1 =	rddreg [dreg:$0x1];
	p0 =	sne.s32 s2, $0x0  }
0xa2e: {  	s3 =	rddreg [dreg:$0x2];
	[bflag:$0x3] =	sbarrier.arrive $0xFFFF;
	s2 =	simm.s32 @!p0 $0x1C06  }
0xa2f: {  	[timem:s3], [sflag:s2] =	dma.local @!p0 [hbm:s0], s1  }
0xa30: {  	s0 =	simm.s32 @!p0 $0x6  }
0xa31: {  	_ =	swait.ge @!p0 [sflag:s0], s1  }
0xa32: {  	s1 =	ssub.s32 @!p0 $0x0, s1;
	[sflag:s0] =	ssyncset.done @!p0 $0x0  }
0xa33: {  	[sflag:s0] =	ssyncadd.s32 @!p0 s1  }
0xa34: {  	[bflag:$0x3] =	sbarrier.arrive $0xFFFF  }
0xa35: {  	_ =	shalt  }

</sc_bundles>
